<compile_context>
chip_gen: v7x
topology: tpu7x:2x2x1
jax: 0.10.2.dev20260603
libtpu: 0.0.44.dev20260713+nightly
codegen_flags: <defaults>
</compile_context>

<pallas_src>
import numpy as np

import jax
import jax.numpy as jnp
from jax import lax
from jax.experimental import pallas as pl
from jax.experimental.pallas import tpu as pltpu
from jax.experimental.pallas import tpu_sc as plsc

D_MODEL = 128
B, S, F = 4096, 200, 10
NC, NS, L = 2, 16, 16
NW = NC * NS
BPW = B // NW
NCH = D_MODEL // L
SP = 208


def _make_pe(d_model, max_len):
    position = np.arange(max_len, dtype=np.float32)[:, None]
    div_term = np.exp(np.arange(0, d_model, 2, dtype=np.float32)
                      * -(np.log(10000.0) / d_model))
    pe = np.zeros((max_len, d_model), dtype=np.float32)
    pe[:, 0::2] = np.sin(position * div_term)
    pe[:, 1::2] = np.cos(position * div_term)
    return pe


_PE_NP = _make_pe(D_MODEL, S)


def _sc_body(x_hbm, hour_hbm, quarter_hbm, wsin_hbm, wcos_hbm,
             bsin_hbm, bcos_hbm, pe_hbm, out_hbm,
             hour_v, quarter_v, wsin_v, wcos_v, bsin_v, bcos_v,
             t96_v, pe_v, x_v0, x_v1, out_v0, out_v1, ids_v, a_v, c_v,
             x_sems, out_sems):
    x_bufs = (x_v0, x_v1)
    out_bufs = (out_v0, out_v1)
    wid = lax.axis_index("s") * NC + lax.axis_index("c")
    b0 = wid * BPW

    pltpu.sync_copy(hour_hbm, hour_v)
    pltpu.sync_copy(quarter_hbm, quarter_v)
    pltpu.sync_copy(wsin_hbm, wsin_v)
    pltpu.sync_copy(wcos_hbm, wcos_v)
    pltpu.sync_copy(bsin_hbm, bsin_v)
    pltpu.sync_copy(bcos_hbm, bcos_v)
    pltpu.sync_copy(pe_hbm, pe_v)

    def build_row(i, carry):
        h = i // 4
        q = i - h * 4
        for k in range(NCH):
            sl = pl.ds(k * L, L)
            t96_v[pl.ds(i * 128 + k * L, L)] = (
                hour_v[h, sl] + quarter_v[q, sl]
                + 2.0 * (bsin_v[sl] + bcos_v[sl]))
        return carry

    lax.fori_loop(0, 24 * 4, build_row, 0)

    iota = lax.iota(jnp.int32, L)
    ws = [wsin_v[pl.ds(k * L, L)] for k in range(NCH)]
    wc = [wcos_v[pl.ds(k * L, L)] for k in range(NCH)]
    colv = [iota + k * L for k in range(NCH)]

    def compute_b(slot, gb):
        xs = x_bufs[slot]
        for s0 in range(SP // L):
            fbase = iota * L + s0 * L * L
            h = plsc.load_gather(xs, [fbase])
            q = plsc.load_gather(xs, [fbase + 1])
            x4 = plsc.load_gather(xs, [fbase + 4])
            x5 = plsc.load_gather(xs, [fbase + 5])
            x6 = plsc.load_gather(xs, [fbase + 6])
            sl = pl.ds(s0 * L, L)
            ids_v[sl] = h.astype(jnp.int32) * 512 + q.astype(jnp.int32) * 128
            a_v[sl] = x4 + x5
            c_v[sl] = x5 + x6

        ob = out_bufs[slot]

        @plsc.parallel_loop(0, S, unroll=4)
        def per_s(s):
            sv = jnp.full((L,), s, jnp.int32)
            base = plsc.load_gather(ids_v, [sv])
            av = plsc.load_gather(a_v, [sv])
            cv = plsc.load_gather(c_v, [sv])
            for k in range(NCH):
                sl = pl.ds(k * L, L)
                g = plsc.load_gather(t96_v, [base + colv[k]])
                ob[s, sl] = g + pe_v[s, sl] + av * ws[k] + cv * wc[k]

    for slot in range(2):
        pltpu.make_async_copy(x_hbm.at[b0 + slot],
                              x_bufs[slot].at[pl.ds(0, S * L)],
                              x_sems.at[slot]).start()

    def per_pair(i, carry):
        for slot in range(2):
            b = 2 * i + slot
            gb = b0 + b
            pltpu.make_async_copy(x_hbm.at[gb],
                                  x_bufs[slot].at[pl.ds(0, S * L)],
                                  x_sems.at[slot]).wait()

            @pl.when(b >= 2)
            def _():
                pltpu.make_async_copy(out_bufs[slot], out_hbm.at[gb - 2],
                                      out_sems.at[slot]).wait()

            compute_b(slot, gb)
            pltpu.make_async_copy(out_bufs[slot], out_hbm.at[gb],
                                  out_sems.at[slot]).start()

            @pl.when(b + 2 < BPW)
            def _():
                pltpu.make_async_copy(x_hbm.at[gb + 2],
                                      x_bufs[slot].at[pl.ds(0, S * L)],
                                      x_sems.at[slot]).start()
        return carry

    lax.fori_loop(0, BPW // 2, per_pair, 0)

    for slot in range(2):
        pltpu.make_async_copy(out_bufs[slot], out_hbm.at[b0 + BPW - 2 + slot],
                              out_sems.at[slot]).wait()


def kernel(x, hour_table, quarter_table, W_sin, b_sin, W_cos, b_cos):
    pe = jnp.asarray(_PE_NP)
    wsin = W_sin.reshape(D_MODEL)
    wcos = W_cos.reshape(D_MODEL)
    xp = jnp.pad(x, ((0, 0), (0, 0), (0, L - F))).reshape(B, S * L)

    f32 = jnp.float32
    run = pl.kernel(
        _sc_body,
        out_type=jax.ShapeDtypeStruct((B, S, D_MODEL), f32),
        mesh=plsc.VectorSubcoreMesh(core_axis_name="c", subcore_axis_name="s"),
        compiler_params=pltpu.CompilerParams(needs_layout_passes=False),
        scratch_types=[
            pltpu.VMEM((24, D_MODEL), f32),
            pltpu.VMEM((4, D_MODEL), f32),
            pltpu.VMEM((D_MODEL,), f32),
            pltpu.VMEM((D_MODEL,), f32),
            pltpu.VMEM((D_MODEL,), f32),
            pltpu.VMEM((D_MODEL,), f32),
            pltpu.VMEM((24 * 4 * D_MODEL,), f32),
            pltpu.VMEM((S, D_MODEL), f32),
            pltpu.VMEM((SP * L,), f32),
            pltpu.VMEM((SP * L,), f32),
            pltpu.VMEM((S, D_MODEL), f32),
            pltpu.VMEM((S, D_MODEL), f32),
            pltpu.VMEM((256,), jnp.int32),
            pltpu.VMEM((256,), f32),
            pltpu.VMEM((256,), f32),
            pltpu.SemaphoreType.DMA((2,)),
            pltpu.SemaphoreType.DMA((2,)),
        ],
    )
    return run(xp, hour_table, quarter_table, wsin, wcos, b_sin, b_cos, pe)

# --- scband reference (transcript-rebuilt; emitter-appended) ---
"""Pipeline reference for scband-temporal-feature-embedding-27264452395552 (READ-ONLY COPY).

The authoritative reference and input builder live on the scoring server;
editing this copy changes nothing except your own understanding.
"""

import jax, jax.numpy as jnp
import numpy as np

D_MODEL = 128
MAX_LEN = 5000
B, S, F = 4096, 200, 10


def make_pe(d_model, max_len):
    position = np.arange(max_len, dtype=np.float32)[:, None]
    div_term = np.exp(np.arange(0, d_model, 2, dtype=np.float32) * -(np.log(10000.0) / d_model))
    pe = np.zeros((max_len, d_model), dtype=np.float32)
    pe[:, 0::2] = np.sin(position * div_term)
    pe[:, 1::2] = np.cos(position * div_term)
    return jnp.asarray(pe)


def setup_inputs(seed: int = 0):
    key = jax.random.key(seed)
    ks = jax.random.split(key, 10)
    # discrete channels: hour [0,24), quarter_hour [0,4), day [0,32), day_in_week [0,7)
    hour = jax.random.randint(ks[0], (B, S), 0, 24).astype(jnp.float32)
    qh = jax.random.randint(ks[1], (B, S), 0, 4).astype(jnp.float32)
    day = jax.random.randint(ks[2], (B, S), 0, 32).astype(jnp.float32)
    dow = jax.random.randint(ks[3], (B, S), 0, 7).astype(jnp.float32)
    cont = jax.random.uniform(ks[4], (B, S, 6), dtype=jnp.float32)  # sin/cos channels 4..9
    x = jnp.concatenate([hour[..., None], qh[..., None], day[..., None], dow[..., None], cont], axis=-1)
    hour_table = jax.random.normal(ks[5], (24, D_MODEL), dtype=jnp.float32) * 0.02
    quarter_table = jax.random.normal(ks[6], (4, D_MODEL), dtype=jnp.float32) * 0.02
    W_sin = jax.random.normal(ks[7], (D_MODEL, 1), dtype=jnp.float32) * 0.02
    b_sin = jnp.zeros((D_MODEL,), dtype=jnp.float32)
    W_cos = jax.random.normal(ks[8], (D_MODEL, 1), dtype=jnp.float32) * 0.02
    b_cos = jnp.zeros((D_MODEL,), dtype=jnp.float32)
    return {"x": x, "hour_table": hour_table, "quarter_table": quarter_table,
            "W_sin": W_sin, "b_sin": b_sin, "W_cos": W_cos, "b_cos": b_cos}


def reference(x, hour_table, quarter_table, W_sin, b_sin, W_cos, b_cos):
    # combine_type='add', time_features=['hour','quarter_hour'], use_pos_enc=True, dropout in eval (identity)
    pe = make_pe(D_MODEL, MAX_LEN)

    def linear(v, W, b):  # v: [B,S,1], W: [d,1], b: [d]
        return v @ W.T + b

    idx_hour = jax.lax.stop_gradient(x[:, :, 0]).astype(jnp.int32)
    idx_qh = jax.lax.stop_gradient(x[:, :, 1]).astype(jnp.int32)

    out = jnp.take(hour_table, idx_hour, axis=0)
    out = out + linear(x[:, :, 4:5], W_sin, b_sin)   # hour sin (idx 0 -> 0+4)
    out = out + linear(x[:, :, 5:6], W_cos, b_cos)   # hour cos (idx 0 -> 0+5)
    out = out + jnp.take(quarter_table, idx_qh, axis=0)
    out = out + linear(x[:, :, 5:6], W_sin, b_sin)   # quarter_hour sin (idx 1 -> 1+4)
    out = out + linear(x[:, :, 6:7], W_cos, b_cos)   # quarter_hour cos (idx 1 -> 1+5)

    seq_len = x.shape[1]
    out = out + pe[:seq_len][None, :, :]
    return out

if __name__ == "__main__":
    import jax
    _d = setup_inputs()
    print(jax.jit(kernel)(*tuple(_d.values())))

</pallas_src>

<mosaic_0001>
#map = affine_map<(d0, d1) -> (0, 0)>
#map1 = affine_map<(d0, d1) -> (0)>
#map2 = affine_map<(d0, d1) -> (0, 0, 0)>
module attributes {stable_mosaic.version = 14 : i64} {
  func.func @_sc_body(%arg0: i32, %arg1: i32, %arg2: memref<4096x3200xf32, #tpu.memory_space<hbm>>, %arg3: memref<24x128xf32, #tpu.memory_space<hbm>>, %arg4: memref<4x128xf32, #tpu.memory_space<hbm>>, %arg5: memref<128xf32, #tpu.memory_space<hbm>>, %arg6: memref<128xf32, #tpu.memory_space<hbm>>, %arg7: memref<128xf32, #tpu.memory_space<hbm>>, %arg8: memref<128xf32, #tpu.memory_space<hbm>>, %arg9: memref<200x128xf32, #tpu.memory_space<hbm>>, %arg10: memref<4096x200x128xf32, #tpu.memory_space<hbm>>, %arg11: memref<24x128xf32, #tpu.memory_space<vmem>>, %arg12: memref<4x128xf32, #tpu.memory_space<vmem>>, %arg13: memref<128xf32, #tpu.memory_space<vmem>>, %arg14: memref<128xf32, #tpu.memory_space<vmem>>, %arg15: memref<128xf32, #tpu.memory_space<vmem>>, %arg16: memref<128xf32, #tpu.memory_space<vmem>>, %arg17: memref<12288xf32, #tpu.memory_space<vmem>>, %arg18: memref<200x128xf32, #tpu.memory_space<vmem>>, %arg19: memref<3328xf32, #tpu.memory_space<vmem>>, %arg20: memref<3328xf32, #tpu.memory_space<vmem>>, %arg21: memref<200x128xf32, #tpu.memory_space<vmem>>, %arg22: memref<200x128xf32, #tpu.memory_space<vmem>>, %arg23: memref<256xi32, #tpu.memory_space<vmem>>, %arg24: memref<256xf32, #tpu.memory_space<vmem>>, %arg25: memref<256xf32, #tpu.memory_space<vmem>>, %arg26: memref<2x!tpu.dma_semaphore, #tpu.memory_space<semaphore_mem>>, %arg27: memref<2x!tpu.dma_semaphore, #tpu.memory_space<semaphore_mem>>) attributes {dimension_semantics = [#tpu.dimension_semantics<core_parallel>, #tpu.dimension_semantics<subcore_parallel>], iteration_bounds = array<i64: 2, 16>, scalar_prefetch = 0 : i64, scratch_operands = 17 : i64, tpu.core_type = #tpu.core_type<sc_vector_subcore>, window_params = [{transform_indices = #map}, {transform_indices = #map}, {transform_indices = #map}, {transform_indices = #map1}, {transform_indices = #map1}, {transform_indices = #map1}, {transform_indices = #map1}, {transform_indices = #map}, {transform_indices = #map2}]} {
    %mul3A = arith.constant 2 : i32
    %mul3A_0 = arith.muli %arg1, %mul3A : i32
    %add3A = arith.addi %mul3A_0, %arg0 : i32
    %mul3A_1 = arith.constant 128 : i32
    %mul3A_2 = arith.muli %add3A, %mul3A_1 : i32
    "tpu.region"() ({
      %run_scoped3A = tpu.sem_alloc : memref<!tpu.dma_semaphore, #tpu.memory_space<semaphore_mem>>
      tpu.enqueue_dma source(%arg3 : memref<24x128xf32, #tpu.memory_space<hbm>>) target(%arg11 : memref<24x128xf32, #tpu.memory_space<vmem>>) target_semaphore(%run_scoped3A : memref<!tpu.dma_semaphore, #tpu.memory_space<semaphore_mem>>)
      tpu.wait_dma2 semaphore(%run_scoped3A : memref<!tpu.dma_semaphore, #tpu.memory_space<semaphore_mem>>) src(%arg3 : memref<24x128xf32, #tpu.memory_space<hbm>>) dst(%arg11 : memref<24x128xf32, #tpu.memory_space<vmem>>)
      tpu.yield
    }) : () -> ()
    "tpu.region"() ({
      %run_scoped3A = tpu.sem_alloc : memref<!tpu.dma_semaphore, #tpu.memory_space<semaphore_mem>>
      tpu.enqueue_dma source(%arg4 : memref<4x128xf32, #tpu.memory_space<hbm>>) target(%arg12 : memref<4x128xf32, #tpu.memory_space<vmem>>) target_semaphore(%run_scoped3A : memref<!tpu.dma_semaphore, #tpu.memory_space<semaphore_mem>>)
      tpu.wait_dma2 semaphore(%run_scoped3A : memref<!tpu.dma_semaphore, #tpu.memory_space<semaphore_mem>>) src(%arg4 : memref<4x128xf32, #tpu.memory_space<hbm>>) dst(%arg12 : memref<4x128xf32, #tpu.memory_space<vmem>>)
      tpu.yield
    }) : () -> ()
    "tpu.region"() ({
      %run_scoped3A = tpu.sem_alloc : memref<!tpu.dma_semaphore, #tpu.memory_space<semaphore_mem>>
      tpu.enqueue_dma source(%arg5 : memref<128xf32, #tpu.memory_space<hbm>>) target(%arg13 : memref<128xf32, #tpu.memory_space<vmem>>) target_semaphore(%run_scoped3A : memref<!tpu.dma_semaphore, #tpu.memory_space<semaphore_mem>>)
      tpu.wait_dma2 semaphore(%run_scoped3A : memref<!tpu.dma_semaphore, #tpu.memory_space<semaphore_mem>>) src(%arg5 : memref<128xf32, #tpu.memory_space<hbm>>) dst(%arg13 : memref<128xf32, #tpu.memory_space<vmem>>)
      tpu.yield
    }) : () -> ()
    "tpu.region"() ({
      %run_scoped3A = tpu.sem_alloc : memref<!tpu.dma_semaphore, #tpu.memory_space<semaphore_mem>>
      tpu.enqueue_dma source(%arg6 : memref<128xf32, #tpu.memory_space<hbm>>) target(%arg14 : memref<128xf32, #tpu.memory_space<vmem>>) target_semaphore(%run_scoped3A : memref<!tpu.dma_semaphore, #tpu.memory_space<semaphore_mem>>)
      tpu.wait_dma2 semaphore(%run_scoped3A : memref<!tpu.dma_semaphore, #tpu.memory_space<semaphore_mem>>) src(%arg6 : memref<128xf32, #tpu.memory_space<hbm>>) dst(%arg14 : memref<128xf32, #tpu.memory_space<vmem>>)
      tpu.yield
    }) : () -> ()
    "tpu.region"() ({
      %run_scoped3A = tpu.sem_alloc : memref<!tpu.dma_semaphore, #tpu.memory_space<semaphore_mem>>
      tpu.enqueue_dma source(%arg7 : memref<128xf32, #tpu.memory_space<hbm>>) target(%arg15 : memref<128xf32, #tpu.memory_space<vmem>>) target_semaphore(%run_scoped3A : memref<!tpu.dma_semaphore, #tpu.memory_space<semaphore_mem>>)
      tpu.wait_dma2 semaphore(%run_scoped3A : memref<!tpu.dma_semaphore, #tpu.memory_space<semaphore_mem>>) src(%arg7 : memref<128xf32, #tpu.memory_space<hbm>>) dst(%arg15 : memref<128xf32, #tpu.memory_space<vmem>>)
      tpu.yield
    }) : () -> ()
    "tpu.region"() ({
      %run_scoped3A = tpu.sem_alloc : memref<!tpu.dma_semaphore, #tpu.memory_space<semaphore_mem>>
      tpu.enqueue_dma source(%arg8 : memref<128xf32, #tpu.memory_space<hbm>>) target(%arg16 : memref<128xf32, #tpu.memory_space<vmem>>) target_semaphore(%run_scoped3A : memref<!tpu.dma_semaphore, #tpu.memory_space<semaphore_mem>>)
      tpu.wait_dma2 semaphore(%run_scoped3A : memref<!tpu.dma_semaphore, #tpu.memory_space<semaphore_mem>>) src(%arg8 : memref<128xf32, #tpu.memory_space<hbm>>) dst(%arg16 : memref<128xf32, #tpu.memory_space<vmem>>)
      tpu.yield
    }) : () -> ()
    "tpu.region"() ({
      %run_scoped3A = tpu.sem_alloc : memref<!tpu.dma_semaphore, #tpu.memory_space<semaphore_mem>>
      tpu.enqueue_dma source(%arg9 : memref<200x128xf32, #tpu.memory_space<hbm>>) target(%arg18 : memref<200x128xf32, #tpu.memory_space<vmem>>) target_semaphore(%run_scoped3A : memref<!tpu.dma_semaphore, #tpu.memory_space<semaphore_mem>>)
      tpu.wait_dma2 semaphore(%run_scoped3A : memref<!tpu.dma_semaphore, #tpu.memory_space<semaphore_mem>>) src(%arg9 : memref<200x128xf32, #tpu.memory_space<hbm>>) dst(%arg18 : memref<200x128xf32, #tpu.memory_space<vmem>>)
      tpu.yield
    }) : () -> ()
    %scan3A = arith.constant 0 : i32
    %scan3A_3 = arith.constant 0 : i32
    %scan3A_4 = arith.constant 96 : i32
    %scan3A_5 = arith.addi %scan3A_3, %scan3A_4 : i32
    %scan3A_6 = arith.constant 1 : i32
    scf.for %scan3A_130 = %scan3A_3 to %scan3A_5 step %scan3A_6  : i32 {
      %jit3A = arith.constant 4 : i32
      %div3A = arith.divsi %scan3A_130, %jit3A : i32
      %sign3A = arith.constant 0 : i32
      %sign3A_131 = arith.cmpi sgt, %scan3A_130, %sign3A : i32
      %sign3A_132 = arith.extui %sign3A_131 : i1 to i32
      %sign3A_133 = arith.constant 0 : i32
      %sign3A_134 = arith.cmpi slt, %scan3A_130, %sign3A_133 : i32
      %sign3A_135 = arith.extui %sign3A_134 : i1 to i32
      %sign3A_136 = arith.subi %sign3A_132, %sign3A_135 : i32
      %sign3A_137 = arith.constant 0 : i32
      %sign3A_138 = arith.cmpi sgt, %jit3A, %sign3A_137 : i32
      %sign3A_139 = arith.extui %sign3A_138 : i1 to i32
      %sign3A_140 = arith.constant 0 : i32
      %sign3A_141 = arith.cmpi slt, %jit3A, %sign3A_140 : i32
      %sign3A_142 = arith.extui %sign3A_141 : i1 to i32
      %sign3A_143 = arith.subi %sign3A_139, %sign3A_142 : i32
      %ne3A = arith.cmpi ne, %sign3A_136, %sign3A_143 : i32
      %rem3A = arith.remsi %scan3A_130, %jit3A : i32
      %ne3A_144 = arith.constant 0 : i32
      %ne3A_145 = arith.cmpi ne, %rem3A, %ne3A_144 : i32
      %and3A = arith.andi %ne3A, %ne3A_145 : i1
      %sub3A_146 = arith.constant 1 : i32
      %sub3A_147 = arith.subi %div3A, %sub3A_146 : i32
      %select_n3A = arith.select %and3A, %sub3A_147, %div3A : i32
      %mul3A_148 = arith.constant 4 : i32
      %mul3A_149 = arith.muli %select_n3A, %mul3A_148 : i32
      %sub3A_150 = arith.subi %scan3A_130, %mul3A_149 : i32
      %get3A_151 = arith.index_cast %select_n3A : i32 to index
      %get3A_152 = arith.constant 0 : index
      %get3A_153 = tpu.vector_load %arg11[%get3A_151, %get3A_152] {strides = array<i32>} : memref<24x128xf32, #tpu.memory_space<vmem>>, vector<16xf32>,
      %get3A_154 = arith.index_cast %sub3A_150 : i32 to index
      %get3A_155 = arith.constant 0 : index
      %get3A_156 = tpu.vector_load %arg12[%get3A_154, %get3A_155] {strides = array<i32>} : memref<4x128xf32, #tpu.memory_space<vmem>>, vector<16xf32>,
      %add3A_157 = arith.addf %get3A_153, %get3A_156 : vector<16xf32>
      %get3A_158 = arith.constant 0 : index
      %get3A_159 = tpu.vector_load %arg15[%get3A_158] {strides = array<i32>} : memref<128xf32, #tpu.memory_space<vmem>>, vector<16xf32>,
      %get3A_160 = arith.constant 0 : index
      %get3A_161 = tpu.vector_load %arg16[%get3A_160] {strides = array<i32>} : memref<128xf32, #tpu.memory_space<vmem>>, vector<16xf32>,
      %add3A_162 = arith.addf %get3A_159, %get3A_161 : vector<16xf32>
      %mul3A_163 = arith.constant 2.000000e+00 : f32
      %mul3A_164 = vector.broadcast %mul3A_163 : f32 to vector<16xf32>
      %mul3A_165 = arith.mulf %mul3A_164, %add3A_162 : vector<16xf32>
      %add3A_166 = arith.addf %add3A_157, %mul3A_165 : vector<16xf32>
      %mul3A_167 = arith.constant 128 : i32
      %mul3A_168 = arith.muli %scan3A_130, %mul3A_167 : i32
      %add3A_169 = arith.constant 0 : i32
      %add3A_170 = arith.addi %mul3A_168, %add3A_169 : i32
      %swap3A = arith.index_cast %add3A_170 : i32 to index
      %swap3A_171 = tpu.vector_load %arg17[%swap3A] {strides = array<i32>} : memref<12288xf32, #tpu.memory_space<vmem>>, vector<16xf32>,
      tpu.vector_store %arg17[%swap3A], %add3A_166 {strides = array<i32>} : memref<12288xf32, #tpu.memory_space<vmem>>, vector<16xf32>,
      %get3A_172 = arith.index_cast %select_n3A : i32 to index
      %get3A_173 = arith.constant 16 : index
      %get3A_174 = tpu.vector_load %arg11[%get3A_172, %get3A_173] {strides = array<i32>} : memref<24x128xf32, #tpu.memory_space<vmem>>, vector<16xf32>,
      %get3A_175 = arith.index_cast %sub3A_150 : i32 to index
      %get3A_176 = arith.constant 16 : index
      %get3A_177 = tpu.vector_load %arg12[%get3A_175, %get3A_176] {strides = array<i32>} : memref<4x128xf32, #tpu.memory_space<vmem>>, vector<16xf32>,
      %add3A_178 = arith.addf %get3A_174, %get3A_177 : vector<16xf32>
      %get3A_179 = arith.constant 16 : index
      %get3A_180 = tpu.vector_load %arg15[%get3A_179] {strides = array<i32>} : memref<128xf32, #tpu.memory_space<vmem>>, vector<16xf32>,
      %get3A_181 = arith.constant 16 : index
      %get3A_182 = tpu.vector_load %arg16[%get3A_181] {strides = array<i32>} : memref<128xf32, #tpu.memory_space<vmem>>, vector<16xf32>,
      %add3A_183 = arith.addf %get3A_180, %get3A_182 : vector<16xf32>
      %mul3A_184 = arith.constant 2.000000e+00 : f32
      %mul3A_185 = vector.broadcast %mul3A_184 : f32 to vector<16xf32>
      %mul3A_186 = arith.mulf %mul3A_185, %add3A_183 : vector<16xf32>
      %add3A_187 = arith.addf %add3A_178, %mul3A_186 : vector<16xf32>
      %mul3A_188 = arith.constant 128 : i32
      %mul3A_189 = arith.muli %scan3A_130, %mul3A_188 : i32
      %add3A_190 = arith.constant 16 : i32
      %add3A_191 = arith.addi %mul3A_189, %add3A_190 : i32
      %swap3A_192 = arith.index_cast %add3A_191 : i32 to index
      %swap3A_193 = tpu.vector_load %arg17[%swap3A_192] {strides = array<i32>} : memref<12288xf32, #tpu.memory_space<vmem>>, vector<16xf32>,
      tpu.vector_store %arg17[%swap3A_192], %add3A_187 {strides = array<i32>} : memref<12288xf32, #tpu.memory_space<vmem>>, vector<16xf32>,
      %get3A_194 = arith.index_cast %select_n3A : i32 to index
      %get3A_195 = arith.constant 32 : index
      %get3A_196 = tpu.vector_load %arg11[%get3A_194, %get3A_195] {strides = array<i32>} : memref<24x128xf32, #tpu.memory_space<vmem>>, vector<16xf32>,
      %get3A_197 = arith.index_cast %sub3A_150 : i32 to index
      %get3A_198 = arith.constant 32 : index
      %get3A_199 = tpu.vector_load %arg12[%get3A_197, %get3A_198] {strides = array<i32>} : memref<4x128xf32, #tpu.memory_space<vmem>>, vector<16xf32>,
      %add3A_200 = arith.addf %get3A_196, %get3A_199 : vector<16xf32>
      %get3A_201 = arith.constant 32 : index
      %get3A_202 = tpu.vector_load %arg15[%get3A_201] {strides = array<i32>} : memref<128xf32, #tpu.memory_space<vmem>>, vector<16xf32>,
      %get3A_203 = arith.constant 32 : index
      %get3A_204 = tpu.vector_load %arg16[%get3A_203] {strides = array<i32>} : memref<128xf32, #tpu.memory_space<vmem>>, vector<16xf32>,
      %add3A_205 = arith.addf %get3A_202, %get3A_204 : vector<16xf32>
      %mul3A_206 = arith.constant 2.000000e+00 : f32
      %mul3A_207 = vector.broadcast %mul3A_206 : f32 to vector<16xf32>
      %mul3A_208 = arith.mulf %mul3A_207, %add3A_205 : vector<16xf32>
      %add3A_209 = arith.addf %add3A_200, %mul3A_208 : vector<16xf32>
      %mul3A_210 = arith.constant 128 : i32
      %mul3A_211 = arith.muli %scan3A_130, %mul3A_210 : i32
      %add3A_212 = arith.constant 32 : i32
      %add3A_213 = arith.addi %mul3A_211, %add3A_212 : i32
      %swap3A_214 = arith.index_cast %add3A_213 : i32 to index
      %swap3A_215 = tpu.vector_load %arg17[%swap3A_214] {strides = array<i32>} : memref<12288xf32, #tpu.memory_space<vmem>>, vector<16xf32>,
      tpu.vector_store %arg17[%swap3A_214], %add3A_209 {strides = array<i32>} : memref<12288xf32, #tpu.memory_space<vmem>>, vector<16xf32>,
      %get3A_216 = arith.index_cast %select_n3A : i32 to index
      %get3A_217 = arith.constant 48 : index
      %get3A_218 = tpu.vector_load %arg11[%get3A_216, %get3A_217] {strides = array<i32>} : memref<24x128xf32, #tpu.memory_space<vmem>>, vector<16xf32>,
      %get3A_219 = arith.index_cast %sub3A_150 : i32 to index
      %get3A_220 = arith.constant 48 : index
      %get3A_221 = tpu.vector_load %arg12[%get3A_219, %get3A_220] {strides = array<i32>} : memref<4x128xf32, #tpu.memory_space<vmem>>, vector<16xf32>,
      %add3A_222 = arith.addf %get3A_218, %get3A_221 : vector<16xf32>
      %get3A_223 = arith.constant 48 : index
      %get3A_224 = tpu.vector_load %arg15[%get3A_223] {strides = array<i32>} : memref<128xf32, #tpu.memory_space<vmem>>, vector<16xf32>,
      %get3A_225 = arith.constant 48 : index
      %get3A_226 = tpu.vector_load %arg16[%get3A_225] {strides = array<i32>} : memref<128xf32, #tpu.memory_space<vmem>>, vector<16xf32>,
      %add3A_227 = arith.addf %get3A_224, %get3A_226 : vector<16xf32>
      %mul3A_228 = arith.constant 2.000000e+00 : f32
      %mul3A_229 = vector.broadcast %mul3A_228 : f32 to vector<16xf32>
      %mul3A_230 = arith.mulf %mul3A_229, %add3A_227 : vector<16xf32>
      %add3A_231 = arith.addf %add3A_222, %mul3A_230 : vector<16xf32>
      %mul3A_232 = arith.constant 128 : i32
      %mul3A_233 = arith.muli %scan3A_130, %mul3A_232 : i32
      %add3A_234 = arith.constant 48 : i32
      %add3A_235 = arith.addi %mul3A_233, %add3A_234 : i32
      %swap3A_236 = arith.index_cast %add3A_235 : i32 to index
      %swap3A_237 = tpu.vector_load %arg17[%swap3A_236] {strides = array<i32>} : memref<12288xf32, #tpu.memory_space<vmem>>, vector<16xf32>,
      tpu.vector_store %arg17[%swap3A_236], %add3A_231 {strides = array<i32>} : memref<12288xf32, #tpu.memory_space<vmem>>, vector<16xf32>,
      %get3A_238 = arith.index_cast %select_n3A : i32 to index
      %get3A_239 = arith.constant 64 : index
      %get3A_240 = tpu.vector_load %arg11[%get3A_238, %get3A_239] {strides = array<i32>} : memref<24x128xf32, #tpu.memory_space<vmem>>, vector<16xf32>,
      %get3A_241 = arith.index_cast %sub3A_150 : i32 to index
      %get3A_242 = arith.constant 64 : index
      %get3A_243 = tpu.vector_load %arg12[%get3A_241, %get3A_242] {strides = array<i32>} : memref<4x128xf32, #tpu.memory_space<vmem>>, vector<16xf32>,
      %add3A_244 = arith.addf %get3A_240, %get3A_243 : vector<16xf32>
      %get3A_245 = arith.constant 64 : index
      %get3A_246 = tpu.vector_load %arg15[%get3A_245] {strides = array<i32>} : memref<128xf32, #tpu.memory_space<vmem>>, vector<16xf32>,
      %get3A_247 = arith.constant 64 : index
      %get3A_248 = tpu.vector_load %arg16[%get3A_247] {strides = array<i32>} : memref<128xf32, #tpu.memory_space<vmem>>, vector<16xf32>,
      %add3A_249 = arith.addf %get3A_246, %get3A_248 : vector<16xf32>
      %mul3A_250 = arith.constant 2.000000e+00 : f32
      %mul3A_251 = vector.broadcast %mul3A_250 : f32 to vector<16xf32>
      %mul3A_252 = arith.mulf %mul3A_251, %add3A_249 : vector<16xf32>
      %add3A_253 = arith.addf %add3A_244, %mul3A_252 : vector<16xf32>
      %mul3A_254 = arith.constant 128 : i32
      %mul3A_255 = arith.muli %scan3A_130, %mul3A_254 : i32
      %add3A_256 = arith.constant 64 : i32
      %add3A_257 = arith.addi %mul3A_255, %add3A_256 : i32
      %swap3A_258 = arith.index_cast %add3A_257 : i32 to index
      %swap3A_259 = tpu.vector_load %arg17[%swap3A_258] {strides = array<i32>} : memref<12288xf32, #tpu.memory_space<vmem>>, vector<16xf32>,
      tpu.vector_store %arg17[%swap3A_258], %add3A_253 {strides = array<i32>} : memref<12288xf32, #tpu.memory_space<vmem>>, vector<16xf32>,
      %get3A_260 = arith.index_cast %select_n3A : i32 to index
      %get3A_261 = arith.constant 80 : index
      %get3A_262 = tpu.vector_load %arg11[%get3A_260, %get3A_261] {strides = array<i32>} : memref<24x128xf32, #tpu.memory_space<vmem>>, vector<16xf32>,
      %get3A_263 = arith.index_cast %sub3A_150 : i32 to index
      %get3A_264 = arith.constant 80 : index
      %get3A_265 = tpu.vector_load %arg12[%get3A_263, %get3A_264] {strides = array<i32>} : memref<4x128xf32, #tpu.memory_space<vmem>>, vector<16xf32>,
      %add3A_266 = arith.addf %get3A_262, %get3A_265 : vector<16xf32>
      %get3A_267 = arith.constant 80 : index
      %get3A_268 = tpu.vector_load %arg15[%get3A_267] {strides = array<i32>} : memref<128xf32, #tpu.memory_space<vmem>>, vector<16xf32>,
      %get3A_269 = arith.constant 80 : index
      %get3A_270 = tpu.vector_load %arg16[%get3A_269] {strides = array<i32>} : memref<128xf32, #tpu.memory_space<vmem>>, vector<16xf32>,
      %add3A_271 = arith.addf %get3A_268, %get3A_270 : vector<16xf32>
      %mul3A_272 = arith.constant 2.000000e+00 : f32
      %mul3A_273 = vector.broadcast %mul3A_272 : f32 to vector<16xf32>
      %mul3A_274 = arith.mulf %mul3A_273, %add3A_271 : vector<16xf32>
      %add3A_275 = arith.addf %add3A_266, %mul3A_274 : vector<16xf32>
      %mul3A_276 = arith.constant 128 : i32
      %mul3A_277 = arith.muli %scan3A_130, %mul3A_276 : i32
      %add3A_278 = arith.constant 80 : i32
      %add3A_279 = arith.addi %mul3A_277, %add3A_278 : i32
      %swap3A_280 = arith.index_cast %add3A_279 : i32 to index
      %swap3A_281 = tpu.vector_load %arg17[%swap3A_280] {strides = array<i32>} : memref<12288xf32, #tpu.memory_space<vmem>>, vector<16xf32>,
      tpu.vector_store %arg17[%swap3A_280], %add3A_275 {strides = array<i32>} : memref<12288xf32, #tpu.memory_space<vmem>>, vector<16xf32>,
      %get3A_282 = arith.index_cast %select_n3A : i32 to index
      %get3A_283 = arith.constant 96 : index
      %get3A_284 = tpu.vector_load %arg11[%get3A_282, %get3A_283] {strides = array<i32>} : memref<24x128xf32, #tpu.memory_space<vmem>>, vector<16xf32>,
      %get3A_285 = arith.index_cast %sub3A_150 : i32 to index
      %get3A_286 = arith.constant 96 : index
      %get3A_287 = tpu.vector_load %arg12[%get3A_285, %get3A_286] {strides = array<i32>} : memref<4x128xf32, #tpu.memory_space<vmem>>, vector<16xf32>,
      %add3A_288 = arith.addf %get3A_284, %get3A_287 : vector<16xf32>
      %get3A_289 = arith.constant 96 : index
      %get3A_290 = tpu.vector_load %arg15[%get3A_289] {strides = array<i32>} : memref<128xf32, #tpu.memory_space<vmem>>, vector<16xf32>,
      %get3A_291 = arith.constant 96 : index
      %get3A_292 = tpu.vector_load %arg16[%get3A_291] {strides = array<i32>} : memref<128xf32, #tpu.memory_space<vmem>>, vector<16xf32>,
      %add3A_293 = arith.addf %get3A_290, %get3A_292 : vector<16xf32>
      %mul3A_294 = arith.constant 2.000000e+00 : f32
      %mul3A_295 = vector.broadcast %mul3A_294 : f32 to vector<16xf32>
      %mul3A_296 = arith.mulf %mul3A_295, %add3A_293 : vector<16xf32>
      %add3A_297 = arith.addf %add3A_288, %mul3A_296 : vector<16xf32>
      %mul3A_298 = arith.constant 128 : i32
      %mul3A_299 = arith.muli %scan3A_130, %mul3A_298 : i32
      %add3A_300 = arith.constant 96 : i32
      %add3A_301 = arith.addi %mul3A_299, %add3A_300 : i32
      %swap3A_302 = arith.index_cast %add3A_301 : i32 to index
      %swap3A_303 = tpu.vector_load %arg17[%swap3A_302] {strides = array<i32>} : memref<12288xf32, #tpu.memory_space<vmem>>, vector<16xf32>,
      tpu.vector_store %arg17[%swap3A_302], %add3A_297 {strides = array<i32>} : memref<12288xf32, #tpu.memory_space<vmem>>, vector<16xf32>,
      %get3A_304 = arith.index_cast %select_n3A : i32 to index
      %get3A_305 = arith.constant 112 : index
      %get3A_306 = tpu.vector_load %arg11[%get3A_304, %get3A_305] {strides = array<i32>} : memref<24x128xf32, #tpu.memory_space<vmem>>, vector<16xf32>,
      %get3A_307 = arith.index_cast %sub3A_150 : i32 to index
      %get3A_308 = arith.constant 112 : index
      %get3A_309 = tpu.vector_load %arg12[%get3A_307, %get3A_308] {strides = array<i32>} : memref<4x128xf32, #tpu.memory_space<vmem>>, vector<16xf32>,
      %add3A_310 = arith.addf %get3A_306, %get3A_309 : vector<16xf32>
      %get3A_311 = arith.constant 112 : index
      %get3A_312 = tpu.vector_load %arg15[%get3A_311] {strides = array<i32>} : memref<128xf32, #tpu.memory_space<vmem>>, vector<16xf32>,
      %get3A_313 = arith.constant 112 : index
      %get3A_314 = tpu.vector_load %arg16[%get3A_313] {strides = array<i32>} : memref<128xf32, #tpu.memory_space<vmem>>, vector<16xf32>,
      %add3A_315 = arith.addf %get3A_312, %get3A_314 : vector<16xf32>
      %mul3A_316 = arith.constant 2.000000e+00 : f32
      %mul3A_317 = vector.broadcast %mul3A_316 : f32 to vector<16xf32>
      %mul3A_318 = arith.mulf %mul3A_317, %add3A_315 : vector<16xf32>
      %add3A_319 = arith.addf %add3A_310, %mul3A_318 : vector<16xf32>
      %mul3A_320 = arith.constant 128 : i32
      %mul3A_321 = arith.muli %scan3A_130, %mul3A_320 : i32
      %add3A_322 = arith.constant 112 : i32
      %add3A_323 = arith.addi %mul3A_321, %add3A_322 : i32
      %swap3A_324 = arith.index_cast %add3A_323 : i32 to index
      %swap3A_325 = tpu.vector_load %arg17[%swap3A_324] {strides = array<i32>} : memref<12288xf32, #tpu.memory_space<vmem>>, vector<16xf32>,
      tpu.vector_store %arg17[%swap3A_324], %add3A_319 {strides = array<i32>} : memref<12288xf32, #tpu.memory_space<vmem>>, vector<16xf32>,
    }
    %scan3A_7 = arith.constant 96 : i32
    %iota3A = tpu.iota {dimensions = array<i32: 0>} : vector<16xi32>
    %get3A = arith.constant 0 : index
    %get3A_8 = tpu.vector_load %arg13[%get3A] {strides = array<i32>} : memref<128xf32, #tpu.memory_space<vmem>>, vector<16xf32>,
    %get3A_9 = arith.constant 16 : index
    %get3A_10 = tpu.vector_load %arg13[%get3A_9] {strides = array<i32>} : memref<128xf32, #tpu.memory_space<vmem>>, vector<16xf32>,
    %get3A_11 = arith.constant 32 : index
    %get3A_12 = tpu.vector_load %arg13[%get3A_11] {strides = array<i32>} : memref<128xf32, #tpu.memory_space<vmem>>, vector<16xf32>,
    %get3A_13 = arith.constant 48 : index
    %get3A_14 = tpu.vector_load %arg13[%get3A_13] {strides = array<i32>} : memref<128xf32, #tpu.memory_space<vmem>>, vector<16xf32>,
    %get3A_15 = arith.constant 64 : index
    %get3A_16 = tpu.vector_load %arg13[%get3A_15] {strides = array<i32>} : memref<128xf32, #tpu.memory_space<vmem>>, vector<16xf32>,
    %get3A_17 = arith.constant 80 : index
    %get3A_18 = tpu.vector_load %arg13[%get3A_17] {strides = array<i32>} : memref<128xf32, #tpu.memory_space<vmem>>, vector<16xf32>,
    %get3A_19 = arith.constant 96 : index
    %get3A_20 = tpu.vector_load %arg13[%get3A_19] {strides = array<i32>} : memref<128xf32, #tpu.memory_space<vmem>>, vector<16xf32>,
    %get3A_21 = arith.constant 112 : index
    %get3A_22 = tpu.vector_load %arg13[%get3A_21] {strides = array<i32>} : memref<128xf32, #tpu.memory_space<vmem>>, vector<16xf32>,
    %get3A_23 = arith.constant 0 : index
    %get3A_24 = tpu.vector_load %arg14[%get3A_23] {strides = array<i32>} : memref<128xf32, #tpu.memory_space<vmem>>, vector<16xf32>,
    %get3A_25 = arith.constant 16 : index
    %get3A_26 = tpu.vector_load %arg14[%get3A_25] {strides = array<i32>} : memref<128xf32, #tpu.memory_space<vmem>>, vector<16xf32>,
    %get3A_27 = arith.constant 32 : index
    %get3A_28 = tpu.vector_load %arg14[%get3A_27] {strides = array<i32>} : memref<128xf32, #tpu.memory_space<vmem>>, vector<16xf32>,
    %get3A_29 = arith.constant 48 : index
    %get3A_30 = tpu.vector_load %arg14[%get3A_29] {strides = array<i32>} : memref<128xf32, #tpu.memory_space<vmem>>, vector<16xf32>,
    %get3A_31 = arith.constant 64 : index
    %get3A_32 = tpu.vector_load %arg14[%get3A_31] {strides = array<i32>} : memref<128xf32, #tpu.memory_space<vmem>>, vector<16xf32>,
    %get3A_33 = arith.constant 80 : index
    %get3A_34 = tpu.vector_load %arg14[%get3A_33] {strides = array<i32>} : memref<128xf32, #tpu.memory_space<vmem>>, vector<16xf32>,
    %get3A_35 = arith.constant 96 : index
    %get3A_36 = tpu.vector_load %arg14[%get3A_35] {strides = array<i32>} : memref<128xf32, #tpu.memory_space<vmem>>, vector<16xf32>,
    %get3A_37 = arith.constant 112 : index
    %get3A_38 = tpu.vector_load %arg14[%get3A_37] {strides = array<i32>} : memref<128xf32, #tpu.memory_space<vmem>>, vector<16xf32>,
    %add3A_39 = arith.constant 0 : i32
    %add3A_40 = vector.broadcast %add3A_39 : i32 to vector<16xi32>
    %add3A_41 = arith.addi %iota3A, %add3A_40 : vector<16xi32>
    %add3A_42 = arith.constant 16 : i32
    %add3A_43 = vector.broadcast %add3A_42 : i32 to vector<16xi32>
    %add3A_44 = arith.addi %iota3A, %add3A_43 : vector<16xi32>
    %add3A_45 = arith.constant 32 : i32
    %add3A_46 = vector.broadcast %add3A_45 : i32 to vector<16xi32>
    %add3A_47 = arith.addi %iota3A, %add3A_46 : vector<16xi32>
    %add3A_48 = arith.constant 48 : i32
    %add3A_49 = vector.broadcast %add3A_48 : i32 to vector<16xi32>
    %add3A_50 = arith.addi %iota3A, %add3A_49 : vector<16xi32>
    %add3A_51 = arith.constant 64 : i32
    %add3A_52 = vector.broadcast %add3A_51 : i32 to vector<16xi32>
    %add3A_53 = arith.addi %iota3A, %add3A_52 : vector<16xi32>
    %add3A_54 = arith.constant 80 : i32
    %add3A_55 = vector.broadcast %add3A_54 : i32 to vector<16xi32>
    %add3A_56 = arith.addi %iota3A, %add3A_55 : vector<16xi32>
    %add3A_57 = arith.constant 96 : i32
    %add3A_58 = vector.broadcast %add3A_57 : i32 to vector<16xi32>
    %add3A_59 = arith.addi %iota3A, %add3A_58 : vector<16xi32>
    %add3A_60 = arith.constant 112 : i32
    %add3A_61 = vector.broadcast %add3A_60 : i32 to vector<16xi32>
    %add3A_62 = arith.addi %iota3A, %add3A_61 : vector<16xi32>
    %add3A_63 = arith.constant 0 : i32
    %add3A_64 = arith.addi %mul3A_2, %add3A_63 : i32
    %dma_start3A = arith.constant 0 : i32
    %dma_start3A_65 = arith.constant 0 : i32
    %dma_start3A_66 = tpu.memref_slice %arg19[%dma_start3A_65] : memref<3328xf32, #tpu.memory_space<vmem>> -> memref<3200xf32, #tpu.memory_space<vmem>>
    %dma_start3A_67 = arith.constant 0 : i32
    %dma_start3A_68 = tpu.memref_slice %arg2[%add3A_64, %dma_start3A_67] : memref<4096x3200xf32, #tpu.memory_space<hbm>> -> memref<1x3200xf32, #tpu.memory_space<hbm>>
    %dma_start3A_69 = tpu.memref_squeeze %dma_start3A_68 : memref<1x3200xf32, #tpu.memory_space<hbm>> -> memref<3200xf32, #tpu.memory_space<hbm>>
    %dma_start3A_70 = tpu.memref_slice %arg26[%dma_start3A] : memref<2x!tpu.dma_semaphore, #tpu.memory_space<semaphore_mem>> -> memref<1x!tpu.dma_semaphore, #tpu.memory_space<semaphore_mem>>
    %dma_start3A_71 = tpu.memref_squeeze %dma_start3A_70 : memref<1x!tpu.dma_semaphore, #tpu.memory_space<semaphore_mem>> -> memref<!tpu.dma_semaphore, #tpu.memory_space<semaphore_mem>>
    %dma_start3A_72 = arith.constant 0 : i32
    %dma_start3A_73 = tpu.memref_slice %arg19[%dma_start3A_72] : memref<3328xf32, #tpu.memory_space<vmem>> -> memref<3200xf32, #tpu.memory_space<vmem>>
    %dma_start3A_74 = arith.constant 0 : i32
    %dma_start3A_75 = tpu.memref_slice %arg2[%add3A_64, %dma_start3A_74] : memref<4096x3200xf32, #tpu.memory_space<hbm>> -> memref<1x3200xf32, #tpu.memory_space<hbm>>
    %dma_start3A_76 = tpu.memref_squeeze %dma_start3A_75 : memref<1x3200xf32, #tpu.memory_space<hbm>> -> memref<3200xf32, #tpu.memory_space<hbm>>
    tpu.enqueue_dma source(%dma_start3A_76 : memref<3200xf32, #tpu.memory_space<hbm>>) target(%dma_start3A_73 : memref<3200xf32, #tpu.memory_space<vmem>>) target_semaphore(%dma_start3A_71 : memref<!tpu.dma_semaphore, #tpu.memory_space<semaphore_mem>>)
    %add3A_77 = arith.constant 1 : i32
    %add3A_78 = arith.addi %mul3A_2, %add3A_77 : i32
    %dma_start3A_79 = arith.constant 1 : i32
    %dma_start3A_80 = arith.constant 0 : i32
    %dma_start3A_81 = tpu.memref_slice %arg20[%dma_start3A_80] : memref<3328xf32, #tpu.memory_space<vmem>> -> memref<3200xf32, #tpu.memory_space<vmem>>
    %dma_start3A_82 = arith.constant 0 : i32
    %dma_start3A_83 = tpu.memref_slice %arg2[%add3A_78, %dma_start3A_82] : memref<4096x3200xf32, #tpu.memory_space<hbm>> -> memref<1x3200xf32, #tpu.memory_space<hbm>>
    %dma_start3A_84 = tpu.memref_squeeze %dma_start3A_83 : memref<1x3200xf32, #tpu.memory_space<hbm>> -> memref<3200xf32, #tpu.memory_space<hbm>>
    %dma_start3A_85 = tpu.memref_slice %arg26[%dma_start3A_79] : memref<2x!tpu.dma_semaphore, #tpu.memory_space<semaphore_mem>> -> memref<1x!tpu.dma_semaphore, #tpu.memory_space<semaphore_mem>>
    %dma_start3A_86 = tpu.memref_squeeze %dma_start3A_85 : memref<1x!tpu.dma_semaphore, #tpu.memory_space<semaphore_mem>> -> memref<!tpu.dma_semaphore, #tpu.memory_space<semaphore_mem>>
    %dma_start3A_87 = arith.constant 0 : i32
    %dma_start3A_88 = tpu.memref_slice %arg20[%dma_start3A_87] : memref<3328xf32, #tpu.memory_space<vmem>> -> memref<3200xf32, #tpu.memory_space<vmem>>
    %dma_start3A_89 = arith.constant 0 : i32
    %dma_start3A_90 = tpu.memref_slice %arg2[%add3A_78, %dma_start3A_89] : memref<4096x3200xf32, #tpu.memory_space<hbm>> -> memref<1x3200xf32, #tpu.memory_space<hbm>>
    %dma_start3A_91 = tpu.memref_squeeze %dma_start3A_90 : memref<1x3200xf32, #tpu.memory_space<hbm>> -> memref<3200xf32, #tpu.memory_space<hbm>>
    tpu.enqueue_dma source(%dma_start3A_91 : memref<3200xf32, #tpu.memory_space<hbm>>) target(%dma_start3A_88 : memref<3200xf32, #tpu.memory_space<vmem>>) target_semaphore(%dma_start3A_86 : memref<!tpu.dma_semaphore, #tpu.memory_space<semaphore_mem>>)
    %scan3A_92 = arith.constant 0 : i32
    %scan3A_93 = arith.constant 0 : i32
    %scan3A_94 = arith.constant 64 : i32
    %scan3A_95 = arith.addi %scan3A_93, %scan3A_94 : i32
    %scan3A_96 = arith.constant 1 : i32
    scf.for %scan3A_130 = %scan3A_93 to %scan3A_95 step %scan3A_96  : i32 {
      %mul3A_131 = arith.constant 2 : i32
      %mul3A_132 = arith.muli %mul3A_131, %scan3A_130 : i32
      %add3A_133 = arith.constant 0 : i32
      %add3A_134 = arith.addi %mul3A_132, %add3A_133 : i32
      %add3A_135 = arith.addi %mul3A_2, %add3A_134 : i32
      %dma_wait3A_136 = arith.constant 0 : i32
      %dma_wait3A_137 = arith.constant 0 : i32
      %dma_wait3A_138 = tpu.memref_slice %arg19[%dma_wait3A_137] : memref<3328xf32, #tpu.memory_space<vmem>> -> memref<3200xf32, #tpu.memory_space<vmem>>
      %dma_wait3A_139 = arith.constant 0 : i32
      %dma_wait3A_140 = tpu.memref_slice %arg2[%add3A_135, %dma_wait3A_139] : memref<4096x3200xf32, #tpu.memory_space<hbm>> -> memref<1x3200xf32, #tpu.memory_space<hbm>>
      %dma_wait3A_141 = tpu.memref_squeeze %dma_wait3A_140 : memref<1x3200xf32, #tpu.memory_space<hbm>> -> memref<3200xf32, #tpu.memory_space<hbm>>
      %dma_wait3A_142 = tpu.memref_slice %arg26[%dma_wait3A_136] : memref<2x!tpu.dma_semaphore, #tpu.memory_space<semaphore_mem>> -> memref<1x!tpu.dma_semaphore, #tpu.memory_space<semaphore_mem>>
      %dma_wait3A_143 = tpu.memref_squeeze %dma_wait3A_142 : memref<1x!tpu.dma_semaphore, #tpu.memory_space<semaphore_mem>> -> memref<!tpu.dma_semaphore, #tpu.memory_space<semaphore_mem>>
      %dma_wait3A_144 = arith.constant 0 : i32
      %dma_wait3A_145 = tpu.memref_slice %arg19[%dma_wait3A_144] : memref<3328xf32, #tpu.memory_space<vmem>> -> memref<3200xf32, #tpu.memory_space<vmem>>
      %dma_wait3A_146 = arith.constant 0 : i32
      %dma_wait3A_147 = tpu.memref_slice %arg2[%add3A_135, %dma_wait3A_146] : memref<4096x3200xf32, #tpu.memory_space<hbm>> -> memref<1x3200xf32, #tpu.memory_space<hbm>>
      %dma_wait3A_148 = tpu.memref_squeeze %dma_wait3A_147 : memref<1x3200xf32, #tpu.memory_space<hbm>> -> memref<3200xf32, #tpu.memory_space<hbm>>
      tpu.wait_dma2 semaphore(%dma_wait3A_143 : memref<!tpu.dma_semaphore, #tpu.memory_space<semaphore_mem>>) src(%dma_wait3A_148 : memref<3200xf32, #tpu.memory_space<hbm>>) dst(%dma_wait3A_145 : memref<3200xf32, #tpu.memory_space<vmem>>)
      %ge3A = arith.constant 2 : i32
      %ge3A_149 = arith.cmpi sge, %add3A_134, %ge3A : i32
      %convert_element_type3A = arith.extui %ge3A_149 : i1 to i32
      %cond3A = arith.constant 0 : i32
      %cond3A_150 = arith.cmpi ne, %convert_element_type3A, %cond3A : i32
      scf.if %cond3A_150 {
        %sub3A_1252 = arith.constant 2 : i32
        %sub3A_1253 = arith.subi %add3A_135, %sub3A_1252 : i32
        %dma_wait3A_1254 = arith.constant 0 : i32
        %dma_wait3A_1255 = arith.constant 0 : i32
        %dma_wait3A_1256 = arith.constant 0 : i32
        %dma_wait3A_1257 = tpu.memref_slice %arg10[%sub3A_1253, %dma_wait3A_1255, %dma_wait3A_1256] : memref<4096x200x128xf32, #tpu.memory_space<hbm>> -> memref<1x200x128xf32, #tpu.memory_space<hbm>>
        %dma_wait3A_1258 = tpu.memref_squeeze %dma_wait3A_1257 : memref<1x200x128xf32, #tpu.memory_space<hbm>> -> memref<200x128xf32, #tpu.memory_space<hbm>>
        %dma_wait3A_1259 = tpu.memref_slice %arg27[%dma_wait3A_1254] : memref<2x!tpu.dma_semaphore, #tpu.memory_space<semaphore_mem>> -> memref<1x!tpu.dma_semaphore, #tpu.memory_space<semaphore_mem>>
        %dma_wait3A_1260 = tpu.memref_squeeze %dma_wait3A_1259 : memref<1x!tpu.dma_semaphore, #tpu.memory_space<semaphore_mem>> -> memref<!tpu.dma_semaphore, #tpu.memory_space<semaphore_mem>>
        %dma_wait3A_1261 = arith.constant 0 : i32
        %dma_wait3A_1262 = arith.constant 0 : i32
        %dma_wait3A_1263 = tpu.memref_slice %arg10[%sub3A_1253, %dma_wait3A_1261, %dma_wait3A_1262] : memref<4096x200x128xf32, #tpu.memory_space<hbm>> -> memref<1x200x128xf32, #tpu.memory_space<hbm>>
        %dma_wait3A_1264 = tpu.memref_squeeze %dma_wait3A_1263 : memref<1x200x128xf32, #tpu.memory_space<hbm>> -> memref<200x128xf32, #tpu.memory_space<hbm>>
        tpu.wait_dma2 semaphore(%dma_wait3A_1260 : memref<!tpu.dma_semaphore, #tpu.memory_space<semaphore_mem>>) src(%arg21 : memref<200x128xf32, #tpu.memory_space<vmem>>) dst(%dma_wait3A_1264 : memref<200x128xf32, #tpu.memory_space<hbm>>)
      } else {
      }
      %mul3A_151 = arith.constant 16 : i32
      %mul3A_152 = vector.broadcast %mul3A_151 : i32 to vector<16xi32>
      %mul3A_153 = arith.muli %iota3A, %mul3A_152 : vector<16xi32>
      %add3A_154 = arith.constant 0 : i32
      %add3A_155 = vector.broadcast %add3A_154 : i32 to vector<16xi32>
      %add3A_156 = arith.addi %mul3A_153, %add3A_155 : vector<16xi32>
      %gather3A = tpu.vector_load_idx %arg19[%add3A_156] : memref<3328xf32, #tpu.memory_space<vmem>>[vector<16xi32>], vector<16xf32>,
      %add3A_157 = arith.constant 1 : i32
      %add3A_158 = vector.broadcast %add3A_157 : i32 to vector<16xi32>
      %add3A_159 = arith.addi %add3A_156, %add3A_158 : vector<16xi32>
      %gather3A_160 = tpu.vector_load_idx %arg19[%add3A_159] : memref<3328xf32, #tpu.memory_space<vmem>>[vector<16xi32>], vector<16xf32>,
      %add3A_161 = arith.constant 4 : i32
      %add3A_162 = vector.broadcast %add3A_161 : i32 to vector<16xi32>
      %add3A_163 = arith.addi %add3A_156, %add3A_162 : vector<16xi32>
      %gather3A_164 = tpu.vector_load_idx %arg19[%add3A_163] : memref<3328xf32, #tpu.memory_space<vmem>>[vector<16xi32>], vector<16xf32>,
      %add3A_165 = arith.constant 5 : i32
      %add3A_166 = vector.broadcast %add3A_165 : i32 to vector<16xi32>
      %add3A_167 = arith.addi %add3A_156, %add3A_166 : vector<16xi32>
      %gather3A_168 = tpu.vector_load_idx %arg19[%add3A_167] : memref<3328xf32, #tpu.memory_space<vmem>>[vector<16xi32>], vector<16xf32>,
      %add3A_169 = arith.constant 6 : i32
      %add3A_170 = vector.broadcast %add3A_169 : i32 to vector<16xi32>
      %add3A_171 = arith.addi %add3A_156, %add3A_170 : vector<16xi32>
      %gather3A_172 = tpu.vector_load_idx %arg19[%add3A_171] : memref<3328xf32, #tpu.memory_space<vmem>>[vector<16xi32>], vector<16xf32>,
      %convert_element_type3A_173 = arith.fptosi %gather3A : vector<16xf32> to vector<16xi32>
      %mul3A_174 = arith.constant 512 : i32
      %mul3A_175 = vector.broadcast %mul3A_174 : i32 to vector<16xi32>
      %mul3A_176 = arith.muli %convert_element_type3A_173, %mul3A_175 : vector<16xi32>
      %convert_element_type3A_177 = arith.fptosi %gather3A_160 : vector<16xf32> to vector<16xi32>
      %mul3A_178 = arith.constant 128 : i32
      %mul3A_179 = vector.broadcast %mul3A_178 : i32 to vector<16xi32>
      %mul3A_180 = arith.muli %convert_element_type3A_177, %mul3A_179 : vector<16xi32>
      %add3A_181 = arith.addi %mul3A_176, %mul3A_180 : vector<16xi32>
      %swap3A = arith.constant 0 : index
      %swap3A_182 = tpu.vector_load %arg23[%swap3A] {strides = array<i32>} : memref<256xi32, #tpu.memory_space<vmem>>, vector<16xi32>,
      tpu.vector_store %arg23[%swap3A], %add3A_181 {strides = array<i32>} : memref<256xi32, #tpu.memory_space<vmem>>, vector<16xi32>,
      %add3A_183 = arith.addf %gather3A_164, %gather3A_168 : vector<16xf32>
      %swap3A_184 = arith.constant 0 : index
      %swap3A_185 = tpu.vector_load %arg24[%swap3A_184] {strides = array<i32>} : memref<256xf32, #tpu.memory_space<vmem>>, vector<16xf32>,
      tpu.vector_store %arg24[%swap3A_184], %add3A_183 {strides = array<i32>} : memref<256xf32, #tpu.memory_space<vmem>>, vector<16xf32>,
      %add3A_186 = arith.addf %gather3A_168, %gather3A_172 : vector<16xf32>
      %swap3A_187 = arith.constant 0 : index
      %swap3A_188 = tpu.vector_load %arg25[%swap3A_187] {strides = array<i32>} : memref<256xf32, #tpu.memory_space<vmem>>, vector<16xf32>,
      tpu.vector_store %arg25[%swap3A_187], %add3A_186 {strides = array<i32>} : memref<256xf32, #tpu.memory_space<vmem>>, vector<16xf32>,
      %mul3A_189 = arith.constant 16 : i32
      %mul3A_190 = vector.broadcast %mul3A_189 : i32 to vector<16xi32>
      %mul3A_191 = arith.muli %iota3A, %mul3A_190 : vector<16xi32>
      %add3A_192 = arith.constant 256 : i32
      %add3A_193 = vector.broadcast %add3A_192 : i32 to vector<16xi32>
      %add3A_194 = arith.addi %mul3A_191, %add3A_193 : vector<16xi32>
      %gather3A_195 = tpu.vector_load_idx %arg19[%add3A_194] : memref<3328xf32, #tpu.memory_space<vmem>>[vector<16xi32>], vector<16xf32>,
      %add3A_196 = arith.constant 1 : i32
      %add3A_197 = vector.broadcast %add3A_196 : i32 to vector<16xi32>
      %add3A_198 = arith.addi %add3A_194, %add3A_197 : vector<16xi32>
      %gather3A_199 = tpu.vector_load_idx %arg19[%add3A_198] : memref<3328xf32, #tpu.memory_space<vmem>>[vector<16xi32>], vector<16xf32>,
      %add3A_200 = arith.constant 4 : i32
      %add3A_201 = vector.broadcast %add3A_200 : i32 to vector<16xi32>
      %add3A_202 = arith.addi %add3A_194, %add3A_201 : vector<16xi32>
      %gather3A_203 = tpu.vector_load_idx %arg19[%add3A_202] : memref<3328xf32, #tpu.memory_space<vmem>>[vector<16xi32>], vector<16xf32>,
      %add3A_204 = arith.constant 5 : i32
      %add3A_205 = vector.broadcast %add3A_204 : i32 to vector<16xi32>
      %add3A_206 = arith.addi %add3A_194, %add3A_205 : vector<16xi32>
      %gather3A_207 = tpu.vector_load_idx %arg19[%add3A_206] : memref<3328xf32, #tpu.memory_space<vmem>>[vector<16xi32>], vector<16xf32>,
      %add3A_208 = arith.constant 6 : i32
      %add3A_209 = vector.broadcast %add3A_208 : i32 to vector<16xi32>
      %add3A_210 = arith.addi %add3A_194, %add3A_209 : vector<16xi32>
      %gather3A_211 = tpu.vector_load_idx %arg19[%add3A_210] : memref<3328xf32, #tpu.memory_space<vmem>>[vector<16xi32>], vector<16xf32>,
      %convert_element_type3A_212 = arith.fptosi %gather3A_195 : vector<16xf32> to vector<16xi32>
      %mul3A_213 = arith.constant 512 : i32
      %mul3A_214 = vector.broadcast %mul3A_213 : i32 to vector<16xi32>
      %mul3A_215 = arith.muli %convert_element_type3A_212, %mul3A_214 : vector<16xi32>
      %convert_element_type3A_216 = arith.fptosi %gather3A_199 : vector<16xf32> to vector<16xi32>
      %mul3A_217 = arith.constant 128 : i32
      %mul3A_218 = vector.broadcast %mul3A_217 : i32 to vector<16xi32>
      %mul3A_219 = arith.muli %convert_element_type3A_216, %mul3A_218 : vector<16xi32>
      %add3A_220 = arith.addi %mul3A_215, %mul3A_219 : vector<16xi32>
      %swap3A_221 = arith.constant 16 : index
      %swap3A_222 = tpu.vector_load %arg23[%swap3A_221] {strides = array<i32>} : memref<256xi32, #tpu.memory_space<vmem>>, vector<16xi32>,
      tpu.vector_store %arg23[%swap3A_221], %add3A_220 {strides = array<i32>} : memref<256xi32, #tpu.memory_space<vmem>>, vector<16xi32>,
      %add3A_223 = arith.addf %gather3A_203, %gather3A_207 : vector<16xf32>
      %swap3A_224 = arith.constant 16 : index
      %swap3A_225 = tpu.vector_load %arg24[%swap3A_224] {strides = array<i32>} : memref<256xf32, #tpu.memory_space<vmem>>, vector<16xf32>,
      tpu.vector_store %arg24[%swap3A_224], %add3A_223 {strides = array<i32>} : memref<256xf32, #tpu.memory_space<vmem>>, vector<16xf32>,
      %add3A_226 = arith.addf %gather3A_207, %gather3A_211 : vector<16xf32>
      %swap3A_227 = arith.constant 16 : index
      %swap3A_228 = tpu.vector_load %arg25[%swap3A_227] {strides = array<i32>} : memref<256xf32, #tpu.memory_space<vmem>>, vector<16xf32>,
      tpu.vector_store %arg25[%swap3A_227], %add3A_226 {strides = array<i32>} : memref<256xf32, #tpu.memory_space<vmem>>, vector<16xf32>,
      %mul3A_229 = arith.constant 16 : i32
      %mul3A_230 = vector.broadcast %mul3A_229 : i32 to vector<16xi32>
      %mul3A_231 = arith.muli %iota3A, %mul3A_230 : vector<16xi32>
      %add3A_232 = arith.constant 512 : i32
      %add3A_233 = vector.broadcast %add3A_232 : i32 to vector<16xi32>
      %add3A_234 = arith.addi %mul3A_231, %add3A_233 : vector<16xi32>
      %gather3A_235 = tpu.vector_load_idx %arg19[%add3A_234] : memref<3328xf32, #tpu.memory_space<vmem>>[vector<16xi32>], vector<16xf32>,
      %add3A_236 = arith.constant 1 : i32
      %add3A_237 = vector.broadcast %add3A_236 : i32 to vector<16xi32>
      %add3A_238 = arith.addi %add3A_234, %add3A_237 : vector<16xi32>
      %gather3A_239 = tpu.vector_load_idx %arg19[%add3A_238] : memref<3328xf32, #tpu.memory_space<vmem>>[vector<16xi32>], vector<16xf32>,
      %add3A_240 = arith.constant 4 : i32
      %add3A_241 = vector.broadcast %add3A_240 : i32 to vector<16xi32>
      %add3A_242 = arith.addi %add3A_234, %add3A_241 : vector<16xi32>
      %gather3A_243 = tpu.vector_load_idx %arg19[%add3A_242] : memref<3328xf32, #tpu.memory_space<vmem>>[vector<16xi32>], vector<16xf32>,
      %add3A_244 = arith.constant 5 : i32
      %add3A_245 = vector.broadcast %add3A_244 : i32 to vector<16xi32>
      %add3A_246 = arith.addi %add3A_234, %add3A_245 : vector<16xi32>
      %gather3A_247 = tpu.vector_load_idx %arg19[%add3A_246] : memref<3328xf32, #tpu.memory_space<vmem>>[vector<16xi32>], vector<16xf32>,
      %add3A_248 = arith.constant 6 : i32
      %add3A_249 = vector.broadcast %add3A_248 : i32 to vector<16xi32>
      %add3A_250 = arith.addi %add3A_234, %add3A_249 : vector<16xi32>
      %gather3A_251 = tpu.vector_load_idx %arg19[%add3A_250] : memref<3328xf32, #tpu.memory_space<vmem>>[vector<16xi32>], vector<16xf32>,
      %convert_element_type3A_252 = arith.fptosi %gather3A_235 : vector<16xf32> to vector<16xi32>
      %mul3A_253 = arith.constant 512 : i32
      %mul3A_254 = vector.broadcast %mul3A_253 : i32 to vector<16xi32>
      %mul3A_255 = arith.muli %convert_element_type3A_252, %mul3A_254 : vector<16xi32>
      %convert_element_type3A_256 = arith.fptosi %gather3A_239 : vector<16xf32> to vector<16xi32>
      %mul3A_257 = arith.constant 128 : i32
      %mul3A_258 = vector.broadcast %mul3A_257 : i32 to vector<16xi32>
      %mul3A_259 = arith.muli %convert_element_type3A_256, %mul3A_258 : vector<16xi32>
      %add3A_260 = arith.addi %mul3A_255, %mul3A_259 : vector<16xi32>
      %swap3A_261 = arith.constant 32 : index
      %swap3A_262 = tpu.vector_load %arg23[%swap3A_261] {strides = array<i32>} : memref<256xi32, #tpu.memory_space<vmem>>, vector<16xi32>,
      tpu.vector_store %arg23[%swap3A_261], %add3A_260 {strides = array<i32>} : memref<256xi32, #tpu.memory_space<vmem>>, vector<16xi32>,
      %add3A_263 = arith.addf %gather3A_243, %gather3A_247 : vector<16xf32>
      %swap3A_264 = arith.constant 32 : index
      %swap3A_265 = tpu.vector_load %arg24[%swap3A_264] {strides = array<i32>} : memref<256xf32, #tpu.memory_space<vmem>>, vector<16xf32>,
      tpu.vector_store %arg24[%swap3A_264], %add3A_263 {strides = array<i32>} : memref<256xf32, #tpu.memory_space<vmem>>, vector<16xf32>,
      %add3A_266 = arith.addf %gather3A_247, %gather3A_251 : vector<16xf32>
      %swap3A_267 = arith.constant 32 : index
      %swap3A_268 = tpu.vector_load %arg25[%swap3A_267] {strides = array<i32>} : memref<256xf32, #tpu.memory_space<vmem>>, vector<16xf32>,
      tpu.vector_store %arg25[%swap3A_267], %add3A_266 {strides = array<i32>} : memref<256xf32, #tpu.memory_space<vmem>>, vector<16xf32>,
      %mul3A_269 = arith.constant 16 : i32
      %mul3A_270 = vector.broadcast %mul3A_269 : i32 to vector<16xi32>
      %mul3A_271 = arith.muli %iota3A, %mul3A_270 : vector<16xi32>
      %add3A_272 = arith.constant 768 : i32
      %add3A_273 = vector.broadcast %add3A_272 : i32 to vector<16xi32>
      %add3A_274 = arith.addi %mul3A_271, %add3A_273 : vector<16xi32>
      %gather3A_275 = tpu.vector_load_idx %arg19[%add3A_274] : memref<3328xf32, #tpu.memory_space<vmem>>[vector<16xi32>], vector<16xf32>,
      %add3A_276 = arith.constant 1 : i32
      %add3A_277 = vector.broadcast %add3A_276 : i32 to vector<16xi32>
      %add3A_278 = arith.addi %add3A_274, %add3A_277 : vector<16xi32>
      %gather3A_279 = tpu.vector_load_idx %arg19[%add3A_278] : memref<3328xf32, #tpu.memory_space<vmem>>[vector<16xi32>], vector<16xf32>,
      %add3A_280 = arith.constant 4 : i32
      %add3A_281 = vector.broadcast %add3A_280 : i32 to vector<16xi32>
      %add3A_282 = arith.addi %add3A_274, %add3A_281 : vector<16xi32>
      %gather3A_283 = tpu.vector_load_idx %arg19[%add3A_282] : memref<3328xf32, #tpu.memory_space<vmem>>[vector<16xi32>], vector<16xf32>,
      %add3A_284 = arith.constant 5 : i32
      %add3A_285 = vector.broadcast %add3A_284 : i32 to vector<16xi32>
      %add3A_286 = arith.addi %add3A_274, %add3A_285 : vector<16xi32>
      %gather3A_287 = tpu.vector_load_idx %arg19[%add3A_286] : memref<3328xf32, #tpu.memory_space<vmem>>[vector<16xi32>], vector<16xf32>,
      %add3A_288 = arith.constant 6 : i32
      %add3A_289 = vector.broadcast %add3A_288 : i32 to vector<16xi32>
      %add3A_290 = arith.addi %add3A_274, %add3A_289 : vector<16xi32>
      %gather3A_291 = tpu.vector_load_idx %arg19[%add3A_290] : memref<3328xf32, #tpu.memory_space<vmem>>[vector<16xi32>], vector<16xf32>,
      %convert_element_type3A_292 = arith.fptosi %gather3A_275 : vector<16xf32> to vector<16xi32>
      %mul3A_293 = arith.constant 512 : i32
      %mul3A_294 = vector.broadcast %mul3A_293 : i32 to vector<16xi32>
      %mul3A_295 = arith.muli %convert_element_type3A_292, %mul3A_294 : vector<16xi32>
      %convert_element_type3A_296 = arith.fptosi %gather3A_279 : vector<16xf32> to vector<16xi32>
      %mul3A_297 = arith.constant 128 : i32
      %mul3A_298 = vector.broadcast %mul3A_297 : i32 to vector<16xi32>
      %mul3A_299 = arith.muli %convert_element_type3A_296, %mul3A_298 : vector<16xi32>
      %add3A_300 = arith.addi %mul3A_295, %mul3A_299 : vector<16xi32>
      %swap3A_301 = arith.constant 48 : index
      %swap3A_302 = tpu.vector_load %arg23[%swap3A_301] {strides = array<i32>} : memref<256xi32, #tpu.memory_space<vmem>>, vector<16xi32>,
      tpu.vector_store %arg23[%swap3A_301], %add3A_300 {strides = array<i32>} : memref<256xi32, #tpu.memory_space<vmem>>, vector<16xi32>,
      %add3A_303 = arith.addf %gather3A_283, %gather3A_287 : vector<16xf32>
      %swap3A_304 = arith.constant 48 : index
      %swap3A_305 = tpu.vector_load %arg24[%swap3A_304] {strides = array<i32>} : memref<256xf32, #tpu.memory_space<vmem>>, vector<16xf32>,
      tpu.vector_store %arg24[%swap3A_304], %add3A_303 {strides = array<i32>} : memref<256xf32, #tpu.memory_space<vmem>>, vector<16xf32>,
      %add3A_306 = arith.addf %gather3A_287, %gather3A_291 : vector<16xf32>
      %swap3A_307 = arith.constant 48 : index
      %swap3A_308 = tpu.vector_load %arg25[%swap3A_307] {strides = array<i32>} : memref<256xf32, #tpu.memory_space<vmem>>, vector<16xf32>,
      tpu.vector_store %arg25[%swap3A_307], %add3A_306 {strides = array<i32>} : memref<256xf32, #tpu.memory_space<vmem>>, vector<16xf32>,
      %mul3A_309 = arith.constant 16 : i32
      %mul3A_310 = vector.broadcast %mul3A_309 : i32 to vector<16xi32>
      %mul3A_311 = arith.muli %iota3A, %mul3A_310 : vector<16xi32>
      %add3A_312 = arith.constant 1024 : i32
      %add3A_313 = vector.broadcast %add3A_312 : i32 to vector<16xi32>
      %add3A_314 = arith.addi %mul3A_311, %add3A_313 : vector<16xi32>
      %gather3A_315 = tpu.vector_load_idx %arg19[%add3A_314] : memref<3328xf32, #tpu.memory_space<vmem>>[vector<16xi32>], vector<16xf32>,
      %add3A_316 = arith.constant 1 : i32
      %add3A_317 = vector.broadcast %add3A_316 : i32 to vector<16xi32>
      %add3A_318 = arith.addi %add3A_314, %add3A_317 : vector<16xi32>
      %gather3A_319 = tpu.vector_load_idx %arg19[%add3A_318] : memref<3328xf32, #tpu.memory_space<vmem>>[vector<16xi32>], vector<16xf32>,
      %add3A_320 = arith.constant 4 : i32
      %add3A_321 = vector.broadcast %add3A_320 : i32 to vector<16xi32>
      %add3A_322 = arith.addi %add3A_314, %add3A_321 : vector<16xi32>
      %gather3A_323 = tpu.vector_load_idx %arg19[%add3A_322] : memref<3328xf32, #tpu.memory_space<vmem>>[vector<16xi32>], vector<16xf32>,
      %add3A_324 = arith.constant 5 : i32
      %add3A_325 = vector.broadcast %add3A_324 : i32 to vector<16xi32>
      %add3A_326 = arith.addi %add3A_314, %add3A_325 : vector<16xi32>
      %gather3A_327 = tpu.vector_load_idx %arg19[%add3A_326] : memref<3328xf32, #tpu.memory_space<vmem>>[vector<16xi32>], vector<16xf32>,
      %add3A_328 = arith.constant 6 : i32
      %add3A_329 = vector.broadcast %add3A_328 : i32 to vector<16xi32>
      %add3A_330 = arith.addi %add3A_314, %add3A_329 : vector<16xi32>
      %gather3A_331 = tpu.vector_load_idx %arg19[%add3A_330] : memref<3328xf32, #tpu.memory_space<vmem>>[vector<16xi32>], vector<16xf32>,
      %convert_element_type3A_332 = arith.fptosi %gather3A_315 : vector<16xf32> to vector<16xi32>
      %mul3A_333 = arith.constant 512 : i32
      %mul3A_334 = vector.broadcast %mul3A_333 : i32 to vector<16xi32>
      %mul3A_335 = arith.muli %convert_element_type3A_332, %mul3A_334 : vector<16xi32>
      %convert_element_type3A_336 = arith.fptosi %gather3A_319 : vector<16xf32> to vector<16xi32>
      %mul3A_337 = arith.constant 128 : i32
      %mul3A_338 = vector.broadcast %mul3A_337 : i32 to vector<16xi32>
      %mul3A_339 = arith.muli %convert_element_type3A_336, %mul3A_338 : vector<16xi32>
      %add3A_340 = arith.addi %mul3A_335, %mul3A_339 : vector<16xi32>
      %swap3A_341 = arith.constant 64 : index
      %swap3A_342 = tpu.vector_load %arg23[%swap3A_341] {strides = array<i32>} : memref<256xi32, #tpu.memory_space<vmem>>, vector<16xi32>,
      tpu.vector_store %arg23[%swap3A_341], %add3A_340 {strides = array<i32>} : memref<256xi32, #tpu.memory_space<vmem>>, vector<16xi32>,
      %add3A_343 = arith.addf %gather3A_323, %gather3A_327 : vector<16xf32>
      %swap3A_344 = arith.constant 64 : index
      %swap3A_345 = tpu.vector_load %arg24[%swap3A_344] {strides = array<i32>} : memref<256xf32, #tpu.memory_space<vmem>>, vector<16xf32>,
      tpu.vector_store %arg24[%swap3A_344], %add3A_343 {strides = array<i32>} : memref<256xf32, #tpu.memory_space<vmem>>, vector<16xf32>,
      %add3A_346 = arith.addf %gather3A_327, %gather3A_331 : vector<16xf32>
      %swap3A_347 = arith.constant 64 : index
      %swap3A_348 = tpu.vector_load %arg25[%swap3A_347] {strides = array<i32>} : memref<256xf32, #tpu.memory_space<vmem>>, vector<16xf32>,
      tpu.vector_store %arg25[%swap3A_347], %add3A_346 {strides = array<i32>} : memref<256xf32, #tpu.memory_space<vmem>>, vector<16xf32>,
      %mul3A_349 = arith.constant 16 : i32
      %mul3A_350 = vector.broadcast %mul3A_349 : i32 to vector<16xi32>
      %mul3A_351 = arith.muli %iota3A, %mul3A_350 : vector<16xi32>
      %add3A_352 = arith.constant 1280 : i32
      %add3A_353 = vector.broadcast %add3A_352 : i32 to vector<16xi32>
      %add3A_354 = arith.addi %mul3A_351, %add3A_353 : vector<16xi32>
      %gather3A_355 = tpu.vector_load_idx %arg19[%add3A_354] : memref<3328xf32, #tpu.memory_space<vmem>>[vector<16xi32>], vector<16xf32>,
      %add3A_356 = arith.constant 1 : i32
      %add3A_357 = vector.broadcast %add3A_356 : i32 to vector<16xi32>
      %add3A_358 = arith.addi %add3A_354, %add3A_357 : vector<16xi32>
      %gather3A_359 = tpu.vector_load_idx %arg19[%add3A_358] : memref<3328xf32, #tpu.memory_space<vmem>>[vector<16xi32>], vector<16xf32>,
      %add3A_360 = arith.constant 4 : i32
      %add3A_361 = vector.broadcast %add3A_360 : i32 to vector<16xi32>
      %add3A_362 = arith.addi %add3A_354, %add3A_361 : vector<16xi32>
      %gather3A_363 = tpu.vector_load_idx %arg19[%add3A_362] : memref<3328xf32, #tpu.memory_space<vmem>>[vector<16xi32>], vector<16xf32>,
      %add3A_364 = arith.constant 5 : i32
      %add3A_365 = vector.broadcast %add3A_364 : i32 to vector<16xi32>
      %add3A_366 = arith.addi %add3A_354, %add3A_365 : vector<16xi32>
      %gather3A_367 = tpu.vector_load_idx %arg19[%add3A_366] : memref<3328xf32, #tpu.memory_space<vmem>>[vector<16xi32>], vector<16xf32>,
      %add3A_368 = arith.constant 6 : i32
      %add3A_369 = vector.broadcast %add3A_368 : i32 to vector<16xi32>
      %add3A_370 = arith.addi %add3A_354, %add3A_369 : vector<16xi32>
      %gather3A_371 = tpu.vector_load_idx %arg19[%add3A_370] : memref<3328xf32, #tpu.memory_space<vmem>>[vector<16xi32>], vector<16xf32>,
      %convert_element_type3A_372 = arith.fptosi %gather3A_355 : vector<16xf32> to vector<16xi32>
      %mul3A_373 = arith.constant 512 : i32
      %mul3A_374 = vector.broadcast %mul3A_373 : i32 to vector<16xi32>
      %mul3A_375 = arith.muli %convert_element_type3A_372, %mul3A_374 : vector<16xi32>
      %convert_element_type3A_376 = arith.fptosi %gather3A_359 : vector<16xf32> to vector<16xi32>
      %mul3A_377 = arith.constant 128 : i32
      %mul3A_378 = vector.broadcast %mul3A_377 : i32 to vector<16xi32>
      %mul3A_379 = arith.muli %convert_element_type3A_376, %mul3A_378 : vector<16xi32>
      %add3A_380 = arith.addi %mul3A_375, %mul3A_379 : vector<16xi32>
      %swap3A_381 = arith.constant 80 : index
      %swap3A_382 = tpu.vector_load %arg23[%swap3A_381] {strides = array<i32>} : memref<256xi32, #tpu.memory_space<vmem>>, vector<16xi32>,
      tpu.vector_store %arg23[%swap3A_381], %add3A_380 {strides = array<i32>} : memref<256xi32, #tpu.memory_space<vmem>>, vector<16xi32>,
      %add3A_383 = arith.addf %gather3A_363, %gather3A_367 : vector<16xf32>
      %swap3A_384 = arith.constant 80 : index
      %swap3A_385 = tpu.vector_load %arg24[%swap3A_384] {strides = array<i32>} : memref<256xf32, #tpu.memory_space<vmem>>, vector<16xf32>,
      tpu.vector_store %arg24[%swap3A_384], %add3A_383 {strides = array<i32>} : memref<256xf32, #tpu.memory_space<vmem>>, vector<16xf32>,
      %add3A_386 = arith.addf %gather3A_367, %gather3A_371 : vector<16xf32>
      %swap3A_387 = arith.constant 80 : index
      %swap3A_388 = tpu.vector_load %arg25[%swap3A_387] {strides = array<i32>} : memref<256xf32, #tpu.memory_space<vmem>>, vector<16xf32>,
      tpu.vector_store %arg25[%swap3A_387], %add3A_386 {strides = array<i32>} : memref<256xf32, #tpu.memory_space<vmem>>, vector<16xf32>,
      %mul3A_389 = arith.constant 16 : i32
      %mul3A_390 = vector.broadcast %mul3A_389 : i32 to vector<16xi32>
      %mul3A_391 = arith.muli %iota3A, %mul3A_390 : vector<16xi32>
      %add3A_392 = arith.constant 1536 : i32
      %add3A_393 = vector.broadcast %add3A_392 : i32 to vector<16xi32>
      %add3A_394 = arith.addi %mul3A_391, %add3A_393 : vector<16xi32>
      %gather3A_395 = tpu.vector_load_idx %arg19[%add3A_394] : memref<3328xf32, #tpu.memory_space<vmem>>[vector<16xi32>], vector<16xf32>,
      %add3A_396 = arith.constant 1 : i32
      %add3A_397 = vector.broadcast %add3A_396 : i32 to vector<16xi32>
      %add3A_398 = arith.addi %add3A_394, %add3A_397 : vector<16xi32>
      %gather3A_399 = tpu.vector_load_idx %arg19[%add3A_398] : memref<3328xf32, #tpu.memory_space<vmem>>[vector<16xi32>], vector<16xf32>,
      %add3A_400 = arith.constant 4 : i32
      %add3A_401 = vector.broadcast %add3A_400 : i32 to vector<16xi32>
      %add3A_402 = arith.addi %add3A_394, %add3A_401 : vector<16xi32>
      %gather3A_403 = tpu.vector_load_idx %arg19[%add3A_402] : memref<3328xf32, #tpu.memory_space<vmem>>[vector<16xi32>], vector<16xf32>,
      %add3A_404 = arith.constant 5 : i32
      %add3A_405 = vector.broadcast %add3A_404 : i32 to vector<16xi32>
      %add3A_406 = arith.addi %add3A_394, %add3A_405 : vector<16xi32>
      %gather3A_407 = tpu.vector_load_idx %arg19[%add3A_406] : memref<3328xf32, #tpu.memory_space<vmem>>[vector<16xi32>], vector<16xf32>,
      %add3A_408 = arith.constant 6 : i32
      %add3A_409 = vector.broadcast %add3A_408 : i32 to vector<16xi32>
      %add3A_410 = arith.addi %add3A_394, %add3A_409 : vector<16xi32>
      %gather3A_411 = tpu.vector_load_idx %arg19[%add3A_410] : memref<3328xf32, #tpu.memory_space<vmem>>[vector<16xi32>], vector<16xf32>,
      %convert_element_type3A_412 = arith.fptosi %gather3A_395 : vector<16xf32> to vector<16xi32>
      %mul3A_413 = arith.constant 512 : i32
      %mul3A_414 = vector.broadcast %mul3A_413 : i32 to vector<16xi32>
      %mul3A_415 = arith.muli %convert_element_type3A_412, %mul3A_414 : vector<16xi32>
      %convert_element_type3A_416 = arith.fptosi %gather3A_399 : vector<16xf32> to vector<16xi32>
      %mul3A_417 = arith.constant 128 : i32
      %mul3A_418 = vector.broadcast %mul3A_417 : i32 to vector<16xi32>
      %mul3A_419 = arith.muli %convert_element_type3A_416, %mul3A_418 : vector<16xi32>
      %add3A_420 = arith.addi %mul3A_415, %mul3A_419 : vector<16xi32>
      %swap3A_421 = arith.constant 96 : index
      %swap3A_422 = tpu.vector_load %arg23[%swap3A_421] {strides = array<i32>} : memref<256xi32, #tpu.memory_space<vmem>>, vector<16xi32>,
      tpu.vector_store %arg23[%swap3A_421], %add3A_420 {strides = array<i32>} : memref<256xi32, #tpu.memory_space<vmem>>, vector<16xi32>,
      %add3A_423 = arith.addf %gather3A_403, %gather3A_407 : vector<16xf32>
      %swap3A_424 = arith.constant 96 : index
      %swap3A_425 = tpu.vector_load %arg24[%swap3A_424] {strides = array<i32>} : memref<256xf32, #tpu.memory_space<vmem>>, vector<16xf32>,
      tpu.vector_store %arg24[%swap3A_424], %add3A_423 {strides = array<i32>} : memref<256xf32, #tpu.memory_space<vmem>>, vector<16xf32>,
      %add3A_426 = arith.addf %gather3A_407, %gather3A_411 : vector<16xf32>
      %swap3A_427 = arith.constant 96 : index
      %swap3A_428 = tpu.vector_load %arg25[%swap3A_427] {strides = array<i32>} : memref<256xf32, #tpu.memory_space<vmem>>, vector<16xf32>,
      tpu.vector_store %arg25[%swap3A_427], %add3A_426 {strides = array<i32>} : memref<256xf32, #tpu.memory_space<vmem>>, vector<16xf32>,
      %mul3A_429 = arith.constant 16 : i32
      %mul3A_430 = vector.broadcast %mul3A_429 : i32 to vector<16xi32>
      %mul3A_431 = arith.muli %iota3A, %mul3A_430 : vector<16xi32>
      %add3A_432 = arith.constant 1792 : i32
      %add3A_433 = vector.broadcast %add3A_432 : i32 to vector<16xi32>
      %add3A_434 = arith.addi %mul3A_431, %add3A_433 : vector<16xi32>
      %gather3A_435 = tpu.vector_load_idx %arg19[%add3A_434] : memref<3328xf32, #tpu.memory_space<vmem>>[vector<16xi32>], vector<16xf32>,
      %add3A_436 = arith.constant 1 : i32
      %add3A_437 = vector.broadcast %add3A_436 : i32 to vector<16xi32>
      %add3A_438 = arith.addi %add3A_434, %add3A_437 : vector<16xi32>
      %gather3A_439 = tpu.vector_load_idx %arg19[%add3A_438] : memref<3328xf32, #tpu.memory_space<vmem>>[vector<16xi32>], vector<16xf32>,
      %add3A_440 = arith.constant 4 : i32
      %add3A_441 = vector.broadcast %add3A_440 : i32 to vector<16xi32>
      %add3A_442 = arith.addi %add3A_434, %add3A_441 : vector<16xi32>
      %gather3A_443 = tpu.vector_load_idx %arg19[%add3A_442] : memref<3328xf32, #tpu.memory_space<vmem>>[vector<16xi32>], vector<16xf32>,
      %add3A_444 = arith.constant 5 : i32
      %add3A_445 = vector.broadcast %add3A_444 : i32 to vector<16xi32>
      %add3A_446 = arith.addi %add3A_434, %add3A_445 : vector<16xi32>
      %gather3A_447 = tpu.vector_load_idx %arg19[%add3A_446] : memref<3328xf32, #tpu.memory_space<vmem>>[vector<16xi32>], vector<16xf32>,
      %add3A_448 = arith.constant 6 : i32
      %add3A_449 = vector.broadcast %add3A_448 : i32 to vector<16xi32>
      %add3A_450 = arith.addi %add3A_434, %add3A_449 : vector<16xi32>
      %gather3A_451 = tpu.vector_load_idx %arg19[%add3A_450] : memref<3328xf32, #tpu.memory_space<vmem>>[vector<16xi32>], vector<16xf32>,
      %convert_element_type3A_452 = arith.fptosi %gather3A_435 : vector<16xf32> to vector<16xi32>
      %mul3A_453 = arith.constant 512 : i32
      %mul3A_454 = vector.broadcast %mul3A_453 : i32 to vector<16xi32>
      %mul3A_455 = arith.muli %convert_element_type3A_452, %mul3A_454 : vector<16xi32>
      %convert_element_type3A_456 = arith.fptosi %gather3A_439 : vector<16xf32> to vector<16xi32>
      %mul3A_457 = arith.constant 128 : i32
      %mul3A_458 = vector.broadcast %mul3A_457 : i32 to vector<16xi32>
      %mul3A_459 = arith.muli %convert_element_type3A_456, %mul3A_458 : vector<16xi32>
      %add3A_460 = arith.addi %mul3A_455, %mul3A_459 : vector<16xi32>
      %swap3A_461 = arith.constant 112 : index
      %swap3A_462 = tpu.vector_load %arg23[%swap3A_461] {strides = array<i32>} : memref<256xi32, #tpu.memory_space<vmem>>, vector<16xi32>,
      tpu.vector_store %arg23[%swap3A_461], %add3A_460 {strides = array<i32>} : memref<256xi32, #tpu.memory_space<vmem>>, vector<16xi32>,
      %add3A_463 = arith.addf %gather3A_443, %gather3A_447 : vector<16xf32>
      %swap3A_464 = arith.constant 112 : index
      %swap3A_465 = tpu.vector_load %arg24[%swap3A_464] {strides = array<i32>} : memref<256xf32, #tpu.memory_space<vmem>>, vector<16xf32>,
      tpu.vector_store %arg24[%swap3A_464], %add3A_463 {strides = array<i32>} : memref<256xf32, #tpu.memory_space<vmem>>, vector<16xf32>,
      %add3A_466 = arith.addf %gather3A_447, %gather3A_451 : vector<16xf32>
      %swap3A_467 = arith.constant 112 : index
      %swap3A_468 = tpu.vector_load %arg25[%swap3A_467] {strides = array<i32>} : memref<256xf32, #tpu.memory_space<vmem>>, vector<16xf32>,
      tpu.vector_store %arg25[%swap3A_467], %add3A_466 {strides = array<i32>} : memref<256xf32, #tpu.memory_space<vmem>>, vector<16xf32>,
      %mul3A_469 = arith.constant 16 : i32
      %mul3A_470 = vector.broadcast %mul3A_469 : i32 to vector<16xi32>
      %mul3A_471 = arith.muli %iota3A, %mul3A_470 : vector<16xi32>
      %add3A_472 = arith.constant 2048 : i32
      %add3A_473 = vector.broadcast %add3A_472 : i32 to vector<16xi32>
      %add3A_474 = arith.addi %mul3A_471, %add3A_473 : vector<16xi32>
      %gather3A_475 = tpu.vector_load_idx %arg19[%add3A_474] : memref<3328xf32, #tpu.memory_space<vmem>>[vector<16xi32>], vector<16xf32>,
      %add3A_476 = arith.constant 1 : i32
      %add3A_477 = vector.broadcast %add3A_476 : i32 to vector<16xi32>
      %add3A_478 = arith.addi %add3A_474, %add3A_477 : vector<16xi32>
      %gather3A_479 = tpu.vector_load_idx %arg19[%add3A_478] : memref<3328xf32, #tpu.memory_space<vmem>>[vector<16xi32>], vector<16xf32>,
      %add3A_480 = arith.constant 4 : i32
      %add3A_481 = vector.broadcast %add3A_480 : i32 to vector<16xi32>
      %add3A_482 = arith.addi %add3A_474, %add3A_481 : vector<16xi32>
      %gather3A_483 = tpu.vector_load_idx %arg19[%add3A_482] : memref<3328xf32, #tpu.memory_space<vmem>>[vector<16xi32>], vector<16xf32>,
      %add3A_484 = arith.constant 5 : i32
      %add3A_485 = vector.broadcast %add3A_484 : i32 to vector<16xi32>
      %add3A_486 = arith.addi %add3A_474, %add3A_485 : vector<16xi32>
      %gather3A_487 = tpu.vector_load_idx %arg19[%add3A_486] : memref<3328xf32, #tpu.memory_space<vmem>>[vector<16xi32>], vector<16xf32>,
      %add3A_488 = arith.constant 6 : i32
      %add3A_489 = vector.broadcast %add3A_488 : i32 to vector<16xi32>
      %add3A_490 = arith.addi %add3A_474, %add3A_489 : vector<16xi32>
      %gather3A_491 = tpu.vector_load_idx %arg19[%add3A_490] : memref<3328xf32, #tpu.memory_space<vmem>>[vector<16xi32>], vector<16xf32>,
      %convert_element_type3A_492 = arith.fptosi %gather3A_475 : vector<16xf32> to vector<16xi32>
      %mul3A_493 = arith.constant 512 : i32
      %mul3A_494 = vector.broadcast %mul3A_493 : i32 to vector<16xi32>
      %mul3A_495 = arith.muli %convert_element_type3A_492, %mul3A_494 : vector<16xi32>
      %convert_element_type3A_496 = arith.fptosi %gather3A_479 : vector<16xf32> to vector<16xi32>
      %mul3A_497 = arith.constant 128 : i32
      %mul3A_498 = vector.broadcast %mul3A_497 : i32 to vector<16xi32>
      %mul3A_499 = arith.muli %convert_element_type3A_496, %mul3A_498 : vector<16xi32>
      %add3A_500 = arith.addi %mul3A_495, %mul3A_499 : vector<16xi32>
      %swap3A_501 = arith.constant 128 : index
      %swap3A_502 = tpu.vector_load %arg23[%swap3A_501] {strides = array<i32>} : memref<256xi32, #tpu.memory_space<vmem>>, vector<16xi32>,
      tpu.vector_store %arg23[%swap3A_501], %add3A_500 {strides = array<i32>} : memref<256xi32, #tpu.memory_space<vmem>>, vector<16xi32>,
      %add3A_503 = arith.addf %gather3A_483, %gather3A_487 : vector<16xf32>
      %swap3A_504 = arith.constant 128 : index
      %swap3A_505 = tpu.vector_load %arg24[%swap3A_504] {strides = array<i32>} : memref<256xf32, #tpu.memory_space<vmem>>, vector<16xf32>,
      tpu.vector_store %arg24[%swap3A_504], %add3A_503 {strides = array<i32>} : memref<256xf32, #tpu.memory_space<vmem>>, vector<16xf32>,
      %add3A_506 = arith.addf %gather3A_487, %gather3A_491 : vector<16xf32>
      %swap3A_507 = arith.constant 128 : index
      %swap3A_508 = tpu.vector_load %arg25[%swap3A_507] {strides = array<i32>} : memref<256xf32, #tpu.memory_space<vmem>>, vector<16xf32>,
      tpu.vector_store %arg25[%swap3A_507], %add3A_506 {strides = array<i32>} : memref<256xf32, #tpu.memory_space<vmem>>, vector<16xf32>,
      %mul3A_509 = arith.constant 16 : i32
      %mul3A_510 = vector.broadcast %mul3A_509 : i32 to vector<16xi32>
      %mul3A_511 = arith.muli %iota3A, %mul3A_510 : vector<16xi32>
      %add3A_512 = arith.constant 2304 : i32
      %add3A_513 = vector.broadcast %add3A_512 : i32 to vector<16xi32>
      %add3A_514 = arith.addi %mul3A_511, %add3A_513 : vector<16xi32>
      %gather3A_515 = tpu.vector_load_idx %arg19[%add3A_514] : memref<3328xf32, #tpu.memory_space<vmem>>[vector<16xi32>], vector<16xf32>,
      %add3A_516 = arith.constant 1 : i32
      %add3A_517 = vector.broadcast %add3A_516 : i32 to vector<16xi32>
      %add3A_518 = arith.addi %add3A_514, %add3A_517 : vector<16xi32>
      %gather3A_519 = tpu.vector_load_idx %arg19[%add3A_518] : memref<3328xf32, #tpu.memory_space<vmem>>[vector<16xi32>], vector<16xf32>,
      %add3A_520 = arith.constant 4 : i32
      %add3A_521 = vector.broadcast %add3A_520 : i32 to vector<16xi32>
      %add3A_522 = arith.addi %add3A_514, %add3A_521 : vector<16xi32>
      %gather3A_523 = tpu.vector_load_idx %arg19[%add3A_522] : memref<3328xf32, #tpu.memory_space<vmem>>[vector<16xi32>], vector<16xf32>,
      %add3A_524 = arith.constant 5 : i32
      %add3A_525 = vector.broadcast %add3A_524 : i32 to vector<16xi32>
      %add3A_526 = arith.addi %add3A_514, %add3A_525 : vector<16xi32>
      %gather3A_527 = tpu.vector_load_idx %arg19[%add3A_526] : memref<3328xf32, #tpu.memory_space<vmem>>[vector<16xi32>], vector<16xf32>,
      %add3A_528 = arith.constant 6 : i32
      %add3A_529 = vector.broadcast %add3A_528 : i32 to vector<16xi32>
      %add3A_530 = arith.addi %add3A_514, %add3A_529 : vector<16xi32>
      %gather3A_531 = tpu.vector_load_idx %arg19[%add3A_530] : memref<3328xf32, #tpu.memory_space<vmem>>[vector<16xi32>], vector<16xf32>,
      %convert_element_type3A_532 = arith.fptosi %gather3A_515 : vector<16xf32> to vector<16xi32>
      %mul3A_533 = arith.constant 512 : i32
      %mul3A_534 = vector.broadcast %mul3A_533 : i32 to vector<16xi32>
      %mul3A_535 = arith.muli %convert_element_type3A_532, %mul3A_534 : vector<16xi32>
      %convert_element_type3A_536 = arith.fptosi %gather3A_519 : vector<16xf32> to vector<16xi32>
      %mul3A_537 = arith.constant 128 : i32
      %mul3A_538 = vector.broadcast %mul3A_537 : i32 to vector<16xi32>
      %mul3A_539 = arith.muli %convert_element_type3A_536, %mul3A_538 : vector<16xi32>
      %add3A_540 = arith.addi %mul3A_535, %mul3A_539 : vector<16xi32>
      %swap3A_541 = arith.constant 144 : index
      %swap3A_542 = tpu.vector_load %arg23[%swap3A_541] {strides = array<i32>} : memref<256xi32, #tpu.memory_space<vmem>>, vector<16xi32>,
      tpu.vector_store %arg23[%swap3A_541], %add3A_540 {strides = array<i32>} : memref<256xi32, #tpu.memory_space<vmem>>, vector<16xi32>,
      %add3A_543 = arith.addf %gather3A_523, %gather3A_527 : vector<16xf32>
      %swap3A_544 = arith.constant 144 : index
      %swap3A_545 = tpu.vector_load %arg24[%swap3A_544] {strides = array<i32>} : memref<256xf32, #tpu.memory_space<vmem>>, vector<16xf32>,
      tpu.vector_store %arg24[%swap3A_544], %add3A_543 {strides = array<i32>} : memref<256xf32, #tpu.memory_space<vmem>>, vector<16xf32>,
      %add3A_546 = arith.addf %gather3A_527, %gather3A_531 : vector<16xf32>
      %swap3A_547 = arith.constant 144 : index
      %swap3A_548 = tpu.vector_load %arg25[%swap3A_547] {strides = array<i32>} : memref<256xf32, #tpu.memory_space<vmem>>, vector<16xf32>,
      tpu.vector_store %arg25[%swap3A_547], %add3A_546 {strides = array<i32>} : memref<256xf32, #tpu.memory_space<vmem>>, vector<16xf32>,
      %mul3A_549 = arith.constant 16 : i32
      %mul3A_550 = vector.broadcast %mul3A_549 : i32 to vector<16xi32>
      %mul3A_551 = arith.muli %iota3A, %mul3A_550 : vector<16xi32>
      %add3A_552 = arith.constant 2560 : i32
      %add3A_553 = vector.broadcast %add3A_552 : i32 to vector<16xi32>
      %add3A_554 = arith.addi %mul3A_551, %add3A_553 : vector<16xi32>
      %gather3A_555 = tpu.vector_load_idx %arg19[%add3A_554] : memref<3328xf32, #tpu.memory_space<vmem>>[vector<16xi32>], vector<16xf32>,
      %add3A_556 = arith.constant 1 : i32
      %add3A_557 = vector.broadcast %add3A_556 : i32 to vector<16xi32>
      %add3A_558 = arith.addi %add3A_554, %add3A_557 : vector<16xi32>
      %gather3A_559 = tpu.vector_load_idx %arg19[%add3A_558] : memref<3328xf32, #tpu.memory_space<vmem>>[vector<16xi32>], vector<16xf32>,
      %add3A_560 = arith.constant 4 : i32
      %add3A_561 = vector.broadcast %add3A_560 : i32 to vector<16xi32>
      %add3A_562 = arith.addi %add3A_554, %add3A_561 : vector<16xi32>
      %gather3A_563 = tpu.vector_load_idx %arg19[%add3A_562] : memref<3328xf32, #tpu.memory_space<vmem>>[vector<16xi32>], vector<16xf32>,
      %add3A_564 = arith.constant 5 : i32
      %add3A_565 = vector.broadcast %add3A_564 : i32 to vector<16xi32>
      %add3A_566 = arith.addi %add3A_554, %add3A_565 : vector<16xi32>
      %gather3A_567 = tpu.vector_load_idx %arg19[%add3A_566] : memref<3328xf32, #tpu.memory_space<vmem>>[vector<16xi32>], vector<16xf32>,
      %add3A_568 = arith.constant 6 : i32
      %add3A_569 = vector.broadcast %add3A_568 : i32 to vector<16xi32>
      %add3A_570 = arith.addi %add3A_554, %add3A_569 : vector<16xi32>
      %gather3A_571 = tpu.vector_load_idx %arg19[%add3A_570] : memref<3328xf32, #tpu.memory_space<vmem>>[vector<16xi32>], vector<16xf32>,
      %convert_element_type3A_572 = arith.fptosi %gather3A_555 : vector<16xf32> to vector<16xi32>
      %mul3A_573 = arith.constant 512 : i32
      %mul3A_574 = vector.broadcast %mul3A_573 : i32 to vector<16xi32>
      %mul3A_575 = arith.muli %convert_element_type3A_572, %mul3A_574 : vector<16xi32>
      %convert_element_type3A_576 = arith.fptosi %gather3A_559 : vector<16xf32> to vector<16xi32>
      %mul3A_577 = arith.constant 128 : i32
      %mul3A_578 = vector.broadcast %mul3A_577 : i32 to vector<16xi32>
      %mul3A_579 = arith.muli %convert_element_type3A_576, %mul3A_578 : vector<16xi32>
      %add3A_580 = arith.addi %mul3A_575, %mul3A_579 : vector<16xi32>
      %swap3A_581 = arith.constant 160 : index
      %swap3A_582 = tpu.vector_load %arg23[%swap3A_581] {strides = array<i32>} : memref<256xi32, #tpu.memory_space<vmem>>, vector<16xi32>,
      tpu.vector_store %arg23[%swap3A_581], %add3A_580 {strides = array<i32>} : memref<256xi32, #tpu.memory_space<vmem>>, vector<16xi32>,
      %add3A_583 = arith.addf %gather3A_563, %gather3A_567 : vector<16xf32>
      %swap3A_584 = arith.constant 160 : index
      %swap3A_585 = tpu.vector_load %arg24[%swap3A_584] {strides = array<i32>} : memref<256xf32, #tpu.memory_space<vmem>>, vector<16xf32>,
      tpu.vector_store %arg24[%swap3A_584], %add3A_583 {strides = array<i32>} : memref<256xf32, #tpu.memory_space<vmem>>, vector<16xf32>,
      %add3A_586 = arith.addf %gather3A_567, %gather3A_571 : vector<16xf32>
      %swap3A_587 = arith.constant 160 : index
      %swap3A_588 = tpu.vector_load %arg25[%swap3A_587] {strides = array<i32>} : memref<256xf32, #tpu.memory_space<vmem>>, vector<16xf32>,
      tpu.vector_store %arg25[%swap3A_587], %add3A_586 {strides = array<i32>} : memref<256xf32, #tpu.memory_space<vmem>>, vector<16xf32>,
      %mul3A_589 = arith.constant 16 : i32
      %mul3A_590 = vector.broadcast %mul3A_589 : i32 to vector<16xi32>
      %mul3A_591 = arith.muli %iota3A, %mul3A_590 : vector<16xi32>
      %add3A_592 = arith.constant 2816 : i32
      %add3A_593 = vector.broadcast %add3A_592 : i32 to vector<16xi32>
      %add3A_594 = arith.addi %mul3A_591, %add3A_593 : vector<16xi32>
      %gather3A_595 = tpu.vector_load_idx %arg19[%add3A_594] : memref<3328xf32, #tpu.memory_space<vmem>>[vector<16xi32>], vector<16xf32>,
      %add3A_596 = arith.constant 1 : i32
      %add3A_597 = vector.broadcast %add3A_596 : i32 to vector<16xi32>
      %add3A_598 = arith.addi %add3A_594, %add3A_597 : vector<16xi32>
      %gather3A_599 = tpu.vector_load_idx %arg19[%add3A_598] : memref<3328xf32, #tpu.memory_space<vmem>>[vector<16xi32>], vector<16xf32>,
      %add3A_600 = arith.constant 4 : i32
      %add3A_601 = vector.broadcast %add3A_600 : i32 to vector<16xi32>
      %add3A_602 = arith.addi %add3A_594, %add3A_601 : vector<16xi32>
      %gather3A_603 = tpu.vector_load_idx %arg19[%add3A_602] : memref<3328xf32, #tpu.memory_space<vmem>>[vector<16xi32>], vector<16xf32>,
      %add3A_604 = arith.constant 5 : i32
      %add3A_605 = vector.broadcast %add3A_604 : i32 to vector<16xi32>
      %add3A_606 = arith.addi %add3A_594, %add3A_605 : vector<16xi32>
      %gather3A_607 = tpu.vector_load_idx %arg19[%add3A_606] : memref<3328xf32, #tpu.memory_space<vmem>>[vector<16xi32>], vector<16xf32>,
      %add3A_608 = arith.constant 6 : i32
      %add3A_609 = vector.broadcast %add3A_608 : i32 to vector<16xi32>
      %add3A_610 = arith.addi %add3A_594, %add3A_609 : vector<16xi32>
      %gather3A_611 = tpu.vector_load_idx %arg19[%add3A_610] : memref<3328xf32, #tpu.memory_space<vmem>>[vector<16xi32>], vector<16xf32>,
      %convert_element_type3A_612 = arith.fptosi %gather3A_595 : vector<16xf32> to vector<16xi32>
      %mul3A_613 = arith.constant 512 : i32
      %mul3A_614 = vector.broadcast %mul3A_613 : i32 to vector<16xi32>
      %mul3A_615 = arith.muli %convert_element_type3A_612, %mul3A_614 : vector<16xi32>
      %convert_element_type3A_616 = arith.fptosi %gather3A_599 : vector<16xf32> to vector<16xi32>
      %mul3A_617 = arith.constant 128 : i32
      %mul3A_618 = vector.broadcast %mul3A_617 : i32 to vector<16xi32>
      %mul3A_619 = arith.muli %convert_element_type3A_616, %mul3A_618 : vector<16xi32>
      %add3A_620 = arith.addi %mul3A_615, %mul3A_619 : vector<16xi32>
      %swap3A_621 = arith.constant 176 : index
      %swap3A_622 = tpu.vector_load %arg23[%swap3A_621] {strides = array<i32>} : memref<256xi32, #tpu.memory_space<vmem>>, vector<16xi32>,
      tpu.vector_store %arg23[%swap3A_621], %add3A_620 {strides = array<i32>} : memref<256xi32, #tpu.memory_space<vmem>>, vector<16xi32>,
      %add3A_623 = arith.addf %gather3A_603, %gather3A_607 : vector<16xf32>
      %swap3A_624 = arith.constant 176 : index
      %swap3A_625 = tpu.vector_load %arg24[%swap3A_624] {strides = array<i32>} : memref<256xf32, #tpu.memory_space<vmem>>, vector<16xf32>,
      tpu.vector_store %arg24[%swap3A_624], %add3A_623 {strides = array<i32>} : memref<256xf32, #tpu.memory_space<vmem>>, vector<16xf32>,
      %add3A_626 = arith.addf %gather3A_607, %gather3A_611 : vector<16xf32>
      %swap3A_627 = arith.constant 176 : index
      %swap3A_628 = tpu.vector_load %arg25[%swap3A_627] {strides = array<i32>} : memref<256xf32, #tpu.memory_space<vmem>>, vector<16xf32>,
      tpu.vector_store %arg25[%swap3A_627], %add3A_626 {strides = array<i32>} : memref<256xf32, #tpu.memory_space<vmem>>, vector<16xf32>,
      %mul3A_629 = arith.constant 16 : i32
      %mul3A_630 = vector.broadcast %mul3A_629 : i32 to vector<16xi32>
      %mul3A_631 = arith.muli %iota3A, %mul3A_630 : vector<16xi32>
      %add3A_632 = arith.constant 3072 : i32
      %add3A_633 = vector.broadcast %add3A_632 : i32 to vector<16xi32>
      %add3A_634 = arith.addi %mul3A_631, %add3A_633 : vector<16xi32>
      %gather3A_635 = tpu.vector_load_idx %arg19[%add3A_634] : memref<3328xf32, #tpu.memory_space<vmem>>[vector<16xi32>], vector<16xf32>,
      %add3A_636 = arith.constant 1 : i32
      %add3A_637 = vector.broadcast %add3A_636 : i32 to vector<16xi32>
      %add3A_638 = arith.addi %add3A_634, %add3A_637 : vector<16xi32>
      %gather3A_639 = tpu.vector_load_idx %arg19[%add3A_638] : memref<3328xf32, #tpu.memory_space<vmem>>[vector<16xi32>], vector<16xf32>,
      %add3A_640 = arith.constant 4 : i32
      %add3A_641 = vector.broadcast %add3A_640 : i32 to vector<16xi32>
      %add3A_642 = arith.addi %add3A_634, %add3A_641 : vector<16xi32>
      %gather3A_643 = tpu.vector_load_idx %arg19[%add3A_642] : memref<3328xf32, #tpu.memory_space<vmem>>[vector<16xi32>], vector<16xf32>,
      %add3A_644 = arith.constant 5 : i32
      %add3A_645 = vector.broadcast %add3A_644 : i32 to vector<16xi32>
      %add3A_646 = arith.addi %add3A_634, %add3A_645 : vector<16xi32>
      %gather3A_647 = tpu.vector_load_idx %arg19[%add3A_646] : memref<3328xf32, #tpu.memory_space<vmem>>[vector<16xi32>], vector<16xf32>,
      %add3A_648 = arith.constant 6 : i32
      %add3A_649 = vector.broadcast %add3A_648 : i32 to vector<16xi32>
      %add3A_650 = arith.addi %add3A_634, %add3A_649 : vector<16xi32>
      %gather3A_651 = tpu.vector_load_idx %arg19[%add3A_650] : memref<3328xf32, #tpu.memory_space<vmem>>[vector<16xi32>], vector<16xf32>,
      %convert_element_type3A_652 = arith.fptosi %gather3A_635 : vector<16xf32> to vector<16xi32>
      %mul3A_653 = arith.constant 512 : i32
      %mul3A_654 = vector.broadcast %mul3A_653 : i32 to vector<16xi32>
      %mul3A_655 = arith.muli %convert_element_type3A_652, %mul3A_654 : vector<16xi32>
      %convert_element_type3A_656 = arith.fptosi %gather3A_639 : vector<16xf32> to vector<16xi32>
      %mul3A_657 = arith.constant 128 : i32
      %mul3A_658 = vector.broadcast %mul3A_657 : i32 to vector<16xi32>
      %mul3A_659 = arith.muli %convert_element_type3A_656, %mul3A_658 : vector<16xi32>
      %add3A_660 = arith.addi %mul3A_655, %mul3A_659 : vector<16xi32>
      %swap3A_661 = arith.constant 192 : index
      %swap3A_662 = tpu.vector_load %arg23[%swap3A_661] {strides = array<i32>} : memref<256xi32, #tpu.memory_space<vmem>>, vector<16xi32>,
      tpu.vector_store %arg23[%swap3A_661], %add3A_660 {strides = array<i32>} : memref<256xi32, #tpu.memory_space<vmem>>, vector<16xi32>,
      %add3A_663 = arith.addf %gather3A_643, %gather3A_647 : vector<16xf32>
      %swap3A_664 = arith.constant 192 : index
      %swap3A_665 = tpu.vector_load %arg24[%swap3A_664] {strides = array<i32>} : memref<256xf32, #tpu.memory_space<vmem>>, vector<16xf32>,
      tpu.vector_store %arg24[%swap3A_664], %add3A_663 {strides = array<i32>} : memref<256xf32, #tpu.memory_space<vmem>>, vector<16xf32>,
      %add3A_666 = arith.addf %gather3A_647, %gather3A_651 : vector<16xf32>
      %swap3A_667 = arith.constant 192 : index
      %swap3A_668 = tpu.vector_load %arg25[%swap3A_667] {strides = array<i32>} : memref<256xf32, #tpu.memory_space<vmem>>, vector<16xf32>,
      tpu.vector_store %arg25[%swap3A_667], %add3A_666 {strides = array<i32>} : memref<256xf32, #tpu.memory_space<vmem>>, vector<16xf32>,
      %parallel_loop3A = arith.constant 0 : i32
      %parallel_loop3A_669 = arith.constant 200 : i32
      %parallel_loop3A_670 = arith.constant 1 : i32
      scf.for %parallel_loop3A_1252 = %parallel_loop3A to %parallel_loop3A_669 step %parallel_loop3A_670  : i32 {
        %parallel_loop3A_1253 = vector.broadcast %parallel_loop3A_1252 : i32 to vector<16xi32>
        %parallel_loop3A_1254 = tpu.vector_load_idx %arg23[%parallel_loop3A_1253] : memref<256xi32, #tpu.memory_space<vmem>>[vector<16xi32>], vector<16xi32>,
        %parallel_loop3A_1255 = tpu.vector_load_idx %arg24[%parallel_loop3A_1253] : memref<256xf32, #tpu.memory_space<vmem>>[vector<16xi32>], vector<16xf32>,
        %parallel_loop3A_1256 = tpu.vector_load_idx %arg25[%parallel_loop3A_1253] : memref<256xf32, #tpu.memory_space<vmem>>[vector<16xi32>], vector<16xf32>,
        %parallel_loop3A_1257 = arith.addi %parallel_loop3A_1254, %add3A_41 : vector<16xi32>
        %parallel_loop3A_1258 = tpu.vector_load_idx %arg17[%parallel_loop3A_1257] : memref<12288xf32, #tpu.memory_space<vmem>>[vector<16xi32>], vector<16xf32>,
        %parallel_loop3A_1259 = arith.index_cast %parallel_loop3A_1252 : i32 to index
        %parallel_loop3A_1260 = arith.constant 0 : index
        %parallel_loop3A_1261 = tpu.vector_load %arg18[%parallel_loop3A_1259, %parallel_loop3A_1260] {strides = array<i32>} : memref<200x128xf32, #tpu.memory_space<vmem>>, vector<16xf32>,
        %parallel_loop3A_1262 = arith.addf %parallel_loop3A_1258, %parallel_loop3A_1261 : vector<16xf32>
        %parallel_loop3A_1263 = arith.mulf %parallel_loop3A_1255, %get3A_8 : vector<16xf32>
        %parallel_loop3A_1264 = arith.addf %parallel_loop3A_1262, %parallel_loop3A_1263 : vector<16xf32>
        %parallel_loop3A_1265 = arith.mulf %parallel_loop3A_1256, %get3A_24 : vector<16xf32>
        %parallel_loop3A_1266 = arith.addf %parallel_loop3A_1264, %parallel_loop3A_1265 : vector<16xf32>
        %parallel_loop3A_1267 = arith.index_cast %parallel_loop3A_1252 : i32 to index
        %parallel_loop3A_1268 = arith.constant 0 : index
        %parallel_loop3A_1269 = tpu.vector_load %arg21[%parallel_loop3A_1267, %parallel_loop3A_1268] {strides = array<i32>} : memref<200x128xf32, #tpu.memory_space<vmem>>, vector<16xf32>,
        tpu.vector_store %arg21[%parallel_loop3A_1267, %parallel_loop3A_1268], %parallel_loop3A_1266 {strides = array<i32>} : memref<200x128xf32, #tpu.memory_space<vmem>>, vector<16xf32>,
        %parallel_loop3A_1270 = arith.addi %parallel_loop3A_1254, %add3A_44 : vector<16xi32>
        %parallel_loop3A_1271 = tpu.vector_load_idx %arg17[%parallel_loop3A_1270] : memref<12288xf32, #tpu.memory_space<vmem>>[vector<16xi32>], vector<16xf32>,
        %parallel_loop3A_1272 = arith.index_cast %parallel_loop3A_1252 : i32 to index
        %parallel_loop3A_1273 = arith.constant 16 : index
        %parallel_loop3A_1274 = tpu.vector_load %arg18[%parallel_loop3A_1272, %parallel_loop3A_1273] {strides = array<i32>} : memref<200x128xf32, #tpu.memory_space<vmem>>, vector<16xf32>,
        %parallel_loop3A_1275 = arith.addf %parallel_loop3A_1271, %parallel_loop3A_1274 : vector<16xf32>
        %parallel_loop3A_1276 = arith.mulf %parallel_loop3A_1255, %get3A_10 : vector<16xf32>
        %parallel_loop3A_1277 = arith.addf %parallel_loop3A_1275, %parallel_loop3A_1276 : vector<16xf32>
        %parallel_loop3A_1278 = arith.mulf %parallel_loop3A_1256, %get3A_26 : vector<16xf32>
        %parallel_loop3A_1279 = arith.addf %parallel_loop3A_1277, %parallel_loop3A_1278 : vector<16xf32>
        %parallel_loop3A_1280 = arith.index_cast %parallel_loop3A_1252 : i32 to index
        %parallel_loop3A_1281 = arith.constant 16 : index
        %parallel_loop3A_1282 = tpu.vector_load %arg21[%parallel_loop3A_1280, %parallel_loop3A_1281] {strides = array<i32>} : memref<200x128xf32, #tpu.memory_space<vmem>>, vector<16xf32>,
        tpu.vector_store %arg21[%parallel_loop3A_1280, %parallel_loop3A_1281], %parallel_loop3A_1279 {strides = array<i32>} : memref<200x128xf32, #tpu.memory_space<vmem>>, vector<16xf32>,
        %parallel_loop3A_1283 = arith.addi %parallel_loop3A_1254, %add3A_47 : vector<16xi32>
        %parallel_loop3A_1284 = tpu.vector_load_idx %arg17[%parallel_loop3A_1283] : memref<12288xf32, #tpu.memory_space<vmem>>[vector<16xi32>], vector<16xf32>,
        %parallel_loop3A_1285 = arith.index_cast %parallel_loop3A_1252 : i32 to index
        %parallel_loop3A_1286 = arith.constant 32 : index
        %parallel_loop3A_1287 = tpu.vector_load %arg18[%parallel_loop3A_1285, %parallel_loop3A_1286] {strides = array<i32>} : memref<200x128xf32, #tpu.memory_space<vmem>>, vector<16xf32>,
        %parallel_loop3A_1288 = arith.addf %parallel_loop3A_1284, %parallel_loop3A_1287 : vector<16xf32>
        %parallel_loop3A_1289 = arith.mulf %parallel_loop3A_1255, %get3A_12 : vector<16xf32>
        %parallel_loop3A_1290 = arith.addf %parallel_loop3A_1288, %parallel_loop3A_1289 : vector<16xf32>
        %parallel_loop3A_1291 = arith.mulf %parallel_loop3A_1256, %get3A_28 : vector<16xf32>
        %parallel_loop3A_1292 = arith.addf %parallel_loop3A_1290, %parallel_loop3A_1291 : vector<16xf32>
        %parallel_loop3A_1293 = arith.index_cast %parallel_loop3A_1252 : i32 to index
        %parallel_loop3A_1294 = arith.constant 32 : index
        %parallel_loop3A_1295 = tpu.vector_load %arg21[%parallel_loop3A_1293, %parallel_loop3A_1294] {strides = array<i32>} : memref<200x128xf32, #tpu.memory_space<vmem>>, vector<16xf32>,
        tpu.vector_store %arg21[%parallel_loop3A_1293, %parallel_loop3A_1294], %parallel_loop3A_1292 {strides = array<i32>} : memref<200x128xf32, #tpu.memory_space<vmem>>, vector<16xf32>,
        %parallel_loop3A_1296 = arith.addi %parallel_loop3A_1254, %add3A_50 : vector<16xi32>
        %parallel_loop3A_1297 = tpu.vector_load_idx %arg17[%parallel_loop3A_1296] : memref<12288xf32, #tpu.memory_space<vmem>>[vector<16xi32>], vector<16xf32>,
        %parallel_loop3A_1298 = arith.index_cast %parallel_loop3A_1252 : i32 to index
        %parallel_loop3A_1299 = arith.constant 48 : index
        %parallel_loop3A_1300 = tpu.vector_load %arg18[%parallel_loop3A_1298, %parallel_loop3A_1299] {strides = array<i32>} : memref<200x128xf32, #tpu.memory_space<vmem>>, vector<16xf32>,
        %parallel_loop3A_1301 = arith.addf %parallel_loop3A_1297, %parallel_loop3A_1300 : vector<16xf32>
        %parallel_loop3A_1302 = arith.mulf %parallel_loop3A_1255, %get3A_14 : vector<16xf32>
        %parallel_loop3A_1303 = arith.addf %parallel_loop3A_1301, %parallel_loop3A_1302 : vector<16xf32>
        %parallel_loop3A_1304 = arith.mulf %parallel_loop3A_1256, %get3A_30 : vector<16xf32>
        %parallel_loop3A_1305 = arith.addf %parallel_loop3A_1303, %parallel_loop3A_1304 : vector<16xf32>
        %parallel_loop3A_1306 = arith.index_cast %parallel_loop3A_1252 : i32 to index
        %parallel_loop3A_1307 = arith.constant 48 : index
        %parallel_loop3A_1308 = tpu.vector_load %arg21[%parallel_loop3A_1306, %parallel_loop3A_1307] {strides = array<i32>} : memref<200x128xf32, #tpu.memory_space<vmem>>, vector<16xf32>,
        tpu.vector_store %arg21[%parallel_loop3A_1306, %parallel_loop3A_1307], %parallel_loop3A_1305 {strides = array<i32>} : memref<200x128xf32, #tpu.memory_space<vmem>>, vector<16xf32>,
        %parallel_loop3A_1309 = arith.addi %parallel_loop3A_1254, %add3A_53 : vector<16xi32>
        %parallel_loop3A_1310 = tpu.vector_load_idx %arg17[%parallel_loop3A_1309] : memref<12288xf32, #tpu.memory_space<vmem>>[vector<16xi32>], vector<16xf32>,
        %parallel_loop3A_1311 = arith.index_cast %parallel_loop3A_1252 : i32 to index
        %parallel_loop3A_1312 = arith.constant 64 : index
        %parallel_loop3A_1313 = tpu.vector_load %arg18[%parallel_loop3A_1311, %parallel_loop3A_1312] {strides = array<i32>} : memref<200x128xf32, #tpu.memory_space<vmem>>, vector<16xf32>,
        %parallel_loop3A_1314 = arith.addf %parallel_loop3A_1310, %parallel_loop3A_1313 : vector<16xf32>
        %parallel_loop3A_1315 = arith.mulf %parallel_loop3A_1255, %get3A_16 : vector<16xf32>
        %parallel_loop3A_1316 = arith.addf %parallel_loop3A_1314, %parallel_loop3A_1315 : vector<16xf32>
        %parallel_loop3A_1317 = arith.mulf %parallel_loop3A_1256, %get3A_32 : vector<16xf32>
        %parallel_loop3A_1318 = arith.addf %parallel_loop3A_1316, %parallel_loop3A_1317 : vector<16xf32>
        %parallel_loop3A_1319 = arith.index_cast %parallel_loop3A_1252 : i32 to index
        %parallel_loop3A_1320 = arith.constant 64 : index
        %parallel_loop3A_1321 = tpu.vector_load %arg21[%parallel_loop3A_1319, %parallel_loop3A_1320] {strides = array<i32>} : memref<200x128xf32, #tpu.memory_space<vmem>>, vector<16xf32>,
        tpu.vector_store %arg21[%parallel_loop3A_1319, %parallel_loop3A_1320], %parallel_loop3A_1318 {strides = array<i32>} : memref<200x128xf32, #tpu.memory_space<vmem>>, vector<16xf32>,
        %parallel_loop3A_1322 = arith.addi %parallel_loop3A_1254, %add3A_56 : vector<16xi32>
        %parallel_loop3A_1323 = tpu.vector_load_idx %arg17[%parallel_loop3A_1322] : memref<12288xf32, #tpu.memory_space<vmem>>[vector<16xi32>], vector<16xf32>,
        %parallel_loop3A_1324 = arith.index_cast %parallel_loop3A_1252 : i32 to index
        %parallel_loop3A_1325 = arith.constant 80 : index
        %parallel_loop3A_1326 = tpu.vector_load %arg18[%parallel_loop3A_1324, %parallel_loop3A_1325] {strides = array<i32>} : memref<200x128xf32, #tpu.memory_space<vmem>>, vector<16xf32>,
        %parallel_loop3A_1327 = arith.addf %parallel_loop3A_1323, %parallel_loop3A_1326 : vector<16xf32>
        %parallel_loop3A_1328 = arith.mulf %parallel_loop3A_1255, %get3A_18 : vector<16xf32>
        %parallel_loop3A_1329 = arith.addf %parallel_loop3A_1327, %parallel_loop3A_1328 : vector<16xf32>
        %parallel_loop3A_1330 = arith.mulf %parallel_loop3A_1256, %get3A_34 : vector<16xf32>
        %parallel_loop3A_1331 = arith.addf %parallel_loop3A_1329, %parallel_loop3A_1330 : vector<16xf32>
        %parallel_loop3A_1332 = arith.index_cast %parallel_loop3A_1252 : i32 to index
        %parallel_loop3A_1333 = arith.constant 80 : index
        %parallel_loop3A_1334 = tpu.vector_load %arg21[%parallel_loop3A_1332, %parallel_loop3A_1333] {strides = array<i32>} : memref<200x128xf32, #tpu.memory_space<vmem>>, vector<16xf32>,
        tpu.vector_store %arg21[%parallel_loop3A_1332, %parallel_loop3A_1333], %parallel_loop3A_1331 {strides = array<i32>} : memref<200x128xf32, #tpu.memory_space<vmem>>, vector<16xf32>,
        %parallel_loop3A_1335 = arith.addi %parallel_loop3A_1254, %add3A_59 : vector<16xi32>
        %parallel_loop3A_1336 = tpu.vector_load_idx %arg17[%parallel_loop3A_1335] : memref<12288xf32, #tpu.memory_space<vmem>>[vector<16xi32>], vector<16xf32>,
        %parallel_loop3A_1337 = arith.index_cast %parallel_loop3A_1252 : i32 to index
        %parallel_loop3A_1338 = arith.constant 96 : index
        %parallel_loop3A_1339 = tpu.vector_load %arg18[%parallel_loop3A_1337, %parallel_loop3A_1338] {strides = array<i32>} : memref<200x128xf32, #tpu.memory_space<vmem>>, vector<16xf32>,
        %parallel_loop3A_1340 = arith.addf %parallel_loop3A_1336, %parallel_loop3A_1339 : vector<16xf32>
        %parallel_loop3A_1341 = arith.mulf %parallel_loop3A_1255, %get3A_20 : vector<16xf32>
        %parallel_loop3A_1342 = arith.addf %parallel_loop3A_1340, %parallel_loop3A_1341 : vector<16xf32>
        %parallel_loop3A_1343 = arith.mulf %parallel_loop3A_1256, %get3A_36 : vector<16xf32>
        %parallel_loop3A_1344 = arith.addf %parallel_loop3A_1342, %parallel_loop3A_1343 : vector<16xf32>
        %parallel_loop3A_1345 = arith.index_cast %parallel_loop3A_1252 : i32 to index
        %parallel_loop3A_1346 = arith.constant 96 : index
        %parallel_loop3A_1347 = tpu.vector_load %arg21[%parallel_loop3A_1345, %parallel_loop3A_1346] {strides = array<i32>} : memref<200x128xf32, #tpu.memory_space<vmem>>, vector<16xf32>,
        tpu.vector_store %arg21[%parallel_loop3A_1345, %parallel_loop3A_1346], %parallel_loop3A_1344 {strides = array<i32>} : memref<200x128xf32, #tpu.memory_space<vmem>>, vector<16xf32>,
        %parallel_loop3A_1348 = arith.addi %parallel_loop3A_1254, %add3A_62 : vector<16xi32>
        %parallel_loop3A_1349 = tpu.vector_load_idx %arg17[%parallel_loop3A_1348] : memref<12288xf32, #tpu.memory_space<vmem>>[vector<16xi32>], vector<16xf32>,
        %parallel_loop3A_1350 = arith.index_cast %parallel_loop3A_1252 : i32 to index
        %parallel_loop3A_1351 = arith.constant 112 : index
        %parallel_loop3A_1352 = tpu.vector_load %arg18[%parallel_loop3A_1350, %parallel_loop3A_1351] {strides = array<i32>} : memref<200x128xf32, #tpu.memory_space<vmem>>, vector<16xf32>,
        %parallel_loop3A_1353 = arith.addf %parallel_loop3A_1349, %parallel_loop3A_1352 : vector<16xf32>
        %parallel_loop3A_1354 = arith.mulf %parallel_loop3A_1255, %get3A_22 : vector<16xf32>
        %parallel_loop3A_1355 = arith.addf %parallel_loop3A_1353, %parallel_loop3A_1354 : vector<16xf32>
        %parallel_loop3A_1356 = arith.mulf %parallel_loop3A_1256, %get3A_38 : vector<16xf32>
        %parallel_loop3A_1357 = arith.addf %parallel_loop3A_1355, %parallel_loop3A_1356 : vector<16xf32>
        %parallel_loop3A_1358 = arith.index_cast %parallel_loop3A_1252 : i32 to index
        %parallel_loop3A_1359 = arith.constant 112 : index
        %parallel_loop3A_1360 = tpu.vector_load %arg21[%parallel_loop3A_1358, %parallel_loop3A_1359] {strides = array<i32>} : memref<200x128xf32, #tpu.memory_space<vmem>>, vector<16xf32>,
        tpu.vector_store %arg21[%parallel_loop3A_1358, %parallel_loop3A_1359], %parallel_loop3A_1357 {strides = array<i32>} : memref<200x128xf32, #tpu.memory_space<vmem>>, vector<16xf32>,
      } {sc.loop_unroll_factor = 4 : i64, sc.parallel_access}
      %dma_start3A_671 = arith.constant 0 : i32
      %dma_start3A_672 = arith.constant 0 : i32
      %dma_start3A_673 = arith.constant 0 : i32
      %dma_start3A_674 = tpu.memref_slice %arg10[%add3A_135, %dma_start3A_672, %dma_start3A_673] : memref<4096x200x128xf32, #tpu.memory_space<hbm>> -> memref<1x200x128xf32, #tpu.memory_space<hbm>>
      %dma_start3A_675 = tpu.memref_squeeze %dma_start3A_674 : memref<1x200x128xf32, #tpu.memory_space<hbm>> -> memref<200x128xf32, #tpu.memory_space<hbm>>
      %dma_start3A_676 = tpu.memref_slice %arg27[%dma_start3A_671] : memref<2x!tpu.dma_semaphore, #tpu.memory_space<semaphore_mem>> -> memref<1x!tpu.dma_semaphore, #tpu.memory_space<semaphore_mem>>
      %dma_start3A_677 = tpu.memref_squeeze %dma_start3A_676 : memref<1x!tpu.dma_semaphore, #tpu.memory_space<semaphore_mem>> -> memref<!tpu.dma_semaphore, #tpu.memory_space<semaphore_mem>>
      %dma_start3A_678 = arith.constant 0 : i32
      %dma_start3A_679 = arith.constant 0 : i32
      %dma_start3A_680 = tpu.memref_slice %arg10[%add3A_135, %dma_start3A_678, %dma_start3A_679] : memref<4096x200x128xf32, #tpu.memory_space<hbm>> -> memref<1x200x128xf32, #tpu.memory_space<hbm>>
      %dma_start3A_681 = tpu.memref_squeeze %dma_start3A_680 : memref<1x200x128xf32, #tpu.memory_space<hbm>> -> memref<200x128xf32, #tpu.memory_space<hbm>>
      tpu.enqueue_dma source(%arg21 : memref<200x128xf32, #tpu.memory_space<vmem>>) target(%dma_start3A_681 : memref<200x128xf32, #tpu.memory_space<hbm>>) target_semaphore(%dma_start3A_677 : memref<!tpu.dma_semaphore, #tpu.memory_space<semaphore_mem>>)
      %add3A_682 = arith.constant 2 : i32
      %add3A_683 = arith.addi %add3A_134, %add3A_682 : i32
      %lt3A = arith.constant 128 : i32
      %lt3A_684 = arith.cmpi slt, %add3A_683, %lt3A : i32
      %convert_element_type3A_685 = arith.extui %lt3A_684 : i1 to i32
      %cond3A_686 = arith.constant 0 : i32
      %cond3A_687 = arith.cmpi ne, %convert_element_type3A_685, %cond3A_686 : i32
      scf.if %cond3A_687 {
        %add3A_1252 = arith.constant 2 : i32
        %add3A_1253 = arith.addi %add3A_135, %add3A_1252 : i32
        %dma_start3A_1254 = arith.constant 0 : i32
        %dma_start3A_1255 = arith.constant 0 : i32
        %dma_start3A_1256 = tpu.memref_slice %arg19[%dma_start3A_1255] : memref<3328xf32, #tpu.memory_space<vmem>> -> memref<3200xf32, #tpu.memory_space<vmem>>
        %dma_start3A_1257 = arith.constant 0 : i32
        %dma_start3A_1258 = tpu.memref_slice %arg2[%add3A_1253, %dma_start3A_1257] : memref<4096x3200xf32, #tpu.memory_space<hbm>> -> memref<1x3200xf32, #tpu.memory_space<hbm>>
        %dma_start3A_1259 = tpu.memref_squeeze %dma_start3A_1258 : memref<1x3200xf32, #tpu.memory_space<hbm>> -> memref<3200xf32, #tpu.memory_space<hbm>>
        %dma_start3A_1260 = tpu.memref_slice %arg26[%dma_start3A_1254] : memref<2x!tpu.dma_semaphore, #tpu.memory_space<semaphore_mem>> -> memref<1x!tpu.dma_semaphore, #tpu.memory_space<semaphore_mem>>
        %dma_start3A_1261 = tpu.memref_squeeze %dma_start3A_1260 : memref<1x!tpu.dma_semaphore, #tpu.memory_space<semaphore_mem>> -> memref<!tpu.dma_semaphore, #tpu.memory_space<semaphore_mem>>
        %dma_start3A_1262 = arith.constant 0 : i32
        %dma_start3A_1263 = tpu.memref_slice %arg19[%dma_start3A_1262] : memref<3328xf32, #tpu.memory_space<vmem>> -> memref<3200xf32, #tpu.memory_space<vmem>>
        %dma_start3A_1264 = arith.constant 0 : i32
        %dma_start3A_1265 = tpu.memref_slice %arg2[%add3A_1253, %dma_start3A_1264] : memref<4096x3200xf32, #tpu.memory_space<hbm>> -> memref<1x3200xf32, #tpu.memory_space<hbm>>
        %dma_start3A_1266 = tpu.memref_squeeze %dma_start3A_1265 : memref<1x3200xf32, #tpu.memory_space<hbm>> -> memref<3200xf32, #tpu.memory_space<hbm>>
        tpu.enqueue_dma source(%dma_start3A_1266 : memref<3200xf32, #tpu.memory_space<hbm>>) target(%dma_start3A_1263 : memref<3200xf32, #tpu.memory_space<vmem>>) target_semaphore(%dma_start3A_1261 : memref<!tpu.dma_semaphore, #tpu.memory_space<semaphore_mem>>)
      } else {
      }
      %mul3A_688 = arith.constant 2 : i32
      %mul3A_689 = arith.muli %mul3A_688, %scan3A_130 : i32
      %add3A_690 = arith.constant 1 : i32
      %add3A_691 = arith.addi %mul3A_689, %add3A_690 : i32
      %add3A_692 = arith.addi %mul3A_2, %add3A_691 : i32
      %dma_wait3A_693 = arith.constant 1 : i32
      %dma_wait3A_694 = arith.constant 0 : i32
      %dma_wait3A_695 = tpu.memref_slice %arg20[%dma_wait3A_694] : memref<3328xf32, #tpu.memory_space<vmem>> -> memref<3200xf32, #tpu.memory_space<vmem>>
      %dma_wait3A_696 = arith.constant 0 : i32
      %dma_wait3A_697 = tpu.memref_slice %arg2[%add3A_692, %dma_wait3A_696] : memref<4096x3200xf32, #tpu.memory_space<hbm>> -> memref<1x3200xf32, #tpu.memory_space<hbm>>
      %dma_wait3A_698 = tpu.memref_squeeze %dma_wait3A_697 : memref<1x3200xf32, #tpu.memory_space<hbm>> -> memref<3200xf32, #tpu.memory_space<hbm>>
      %dma_wait3A_699 = tpu.memref_slice %arg26[%dma_wait3A_693] : memref<2x!tpu.dma_semaphore, #tpu.memory_space<semaphore_mem>> -> memref<1x!tpu.dma_semaphore, #tpu.memory_space<semaphore_mem>>
      %dma_wait3A_700 = tpu.memref_squeeze %dma_wait3A_699 : memref<1x!tpu.dma_semaphore, #tpu.memory_space<semaphore_mem>> -> memref<!tpu.dma_semaphore, #tpu.memory_space<semaphore_mem>>
      %dma_wait3A_701 = arith.constant 0 : i32
      %dma_wait3A_702 = tpu.memref_slice %arg20[%dma_wait3A_701] : memref<3328xf32, #tpu.memory_space<vmem>> -> memref<3200xf32, #tpu.memory_space<vmem>>
      %dma_wait3A_703 = arith.constant 0 : i32
      %dma_wait3A_704 = tpu.memref_slice %arg2[%add3A_692, %dma_wait3A_703] : memref<4096x3200xf32, #tpu.memory_space<hbm>> -> memref<1x3200xf32, #tpu.memory_space<hbm>>
      %dma_wait3A_705 = tpu.memref_squeeze %dma_wait3A_704 : memref<1x3200xf32, #tpu.memory_space<hbm>> -> memref<3200xf32, #tpu.memory_space<hbm>>
      tpu.wait_dma2 semaphore(%dma_wait3A_700 : memref<!tpu.dma_semaphore, #tpu.memory_space<semaphore_mem>>) src(%dma_wait3A_705 : memref<3200xf32, #tpu.memory_space<hbm>>) dst(%dma_wait3A_702 : memref<3200xf32, #tpu.memory_space<vmem>>)
      %ge3A_706 = arith.constant 2 : i32
      %ge3A_707 = arith.cmpi sge, %add3A_691, %ge3A_706 : i32
      %convert_element_type3A_708 = arith.extui %ge3A_707 : i1 to i32
      %cond3A_709 = arith.constant 0 : i32
      %cond3A_710 = arith.cmpi ne, %convert_element_type3A_708, %cond3A_709 : i32
      scf.if %cond3A_710 {
        %sub3A_1252 = arith.constant 2 : i32
        %sub3A_1253 = arith.subi %add3A_692, %sub3A_1252 : i32
        %dma_wait3A_1254 = arith.constant 1 : i32
        %dma_wait3A_1255 = arith.constant 0 : i32
        %dma_wait3A_1256 = arith.constant 0 : i32
        %dma_wait3A_1257 = tpu.memref_slice %arg10[%sub3A_1253, %dma_wait3A_1255, %dma_wait3A_1256] : memref<4096x200x128xf32, #tpu.memory_space<hbm>> -> memref<1x200x128xf32, #tpu.memory_space<hbm>>
        %dma_wait3A_1258 = tpu.memref_squeeze %dma_wait3A_1257 : memref<1x200x128xf32, #tpu.memory_space<hbm>> -> memref<200x128xf32, #tpu.memory_space<hbm>>
        %dma_wait3A_1259 = tpu.memref_slice %arg27[%dma_wait3A_1254] : memref<2x!tpu.dma_semaphore, #tpu.memory_space<semaphore_mem>> -> memref<1x!tpu.dma_semaphore, #tpu.memory_space<semaphore_mem>>
        %dma_wait3A_1260 = tpu.memref_squeeze %dma_wait3A_1259 : memref<1x!tpu.dma_semaphore, #tpu.memory_space<semaphore_mem>> -> memref<!tpu.dma_semaphore, #tpu.memory_space<semaphore_mem>>
        %dma_wait3A_1261 = arith.constant 0 : i32
        %dma_wait3A_1262 = arith.constant 0 : i32
        %dma_wait3A_1263 = tpu.memref_slice %arg10[%sub3A_1253, %dma_wait3A_1261, %dma_wait3A_1262] : memref<4096x200x128xf32, #tpu.memory_space<hbm>> -> memref<1x200x128xf32, #tpu.memory_space<hbm>>
        %dma_wait3A_1264 = tpu.memref_squeeze %dma_wait3A_1263 : memref<1x200x128xf32, #tpu.memory_space<hbm>> -> memref<200x128xf32, #tpu.memory_space<hbm>>
        tpu.wait_dma2 semaphore(%dma_wait3A_1260 : memref<!tpu.dma_semaphore, #tpu.memory_space<semaphore_mem>>) src(%arg22 : memref<200x128xf32, #tpu.memory_space<vmem>>) dst(%dma_wait3A_1264 : memref<200x128xf32, #tpu.memory_space<hbm>>)
      } else {
      }
      %mul3A_711 = arith.constant 16 : i32
      %mul3A_712 = vector.broadcast %mul3A_711 : i32 to vector<16xi32>
      %mul3A_713 = arith.muli %iota3A, %mul3A_712 : vector<16xi32>
      %add3A_714 = arith.constant 0 : i32
      %add3A_715 = vector.broadcast %add3A_714 : i32 to vector<16xi32>
      %add3A_716 = arith.addi %mul3A_713, %add3A_715 : vector<16xi32>
      %gather3A_717 = tpu.vector_load_idx %arg20[%add3A_716] : memref<3328xf32, #tpu.memory_space<vmem>>[vector<16xi32>], vector<16xf32>,
      %add3A_718 = arith.constant 1 : i32
      %add3A_719 = vector.broadcast %add3A_718 : i32 to vector<16xi32>
      %add3A_720 = arith.addi %add3A_716, %add3A_719 : vector<16xi32>
      %gather3A_721 = tpu.vector_load_idx %arg20[%add3A_720] : memref<3328xf32, #tpu.memory_space<vmem>>[vector<16xi32>], vector<16xf32>,
      %add3A_722 = arith.constant 4 : i32
      %add3A_723 = vector.broadcast %add3A_722 : i32 to vector<16xi32>
      %add3A_724 = arith.addi %add3A_716, %add3A_723 : vector<16xi32>
      %gather3A_725 = tpu.vector_load_idx %arg20[%add3A_724] : memref<3328xf32, #tpu.memory_space<vmem>>[vector<16xi32>], vector<16xf32>,
      %add3A_726 = arith.constant 5 : i32
      %add3A_727 = vector.broadcast %add3A_726 : i32 to vector<16xi32>
      %add3A_728 = arith.addi %add3A_716, %add3A_727 : vector<16xi32>
      %gather3A_729 = tpu.vector_load_idx %arg20[%add3A_728] : memref<3328xf32, #tpu.memory_space<vmem>>[vector<16xi32>], vector<16xf32>,
      %add3A_730 = arith.constant 6 : i32
      %add3A_731 = vector.broadcast %add3A_730 : i32 to vector<16xi32>
      %add3A_732 = arith.addi %add3A_716, %add3A_731 : vector<16xi32>
      %gather3A_733 = tpu.vector_load_idx %arg20[%add3A_732] : memref<3328xf32, #tpu.memory_space<vmem>>[vector<16xi32>], vector<16xf32>,
      %convert_element_type3A_734 = arith.fptosi %gather3A_717 : vector<16xf32> to vector<16xi32>
      %mul3A_735 = arith.constant 512 : i32
      %mul3A_736 = vector.broadcast %mul3A_735 : i32 to vector<16xi32>
      %mul3A_737 = arith.muli %convert_element_type3A_734, %mul3A_736 : vector<16xi32>
      %convert_element_type3A_738 = arith.fptosi %gather3A_721 : vector<16xf32> to vector<16xi32>
      %mul3A_739 = arith.constant 128 : i32
      %mul3A_740 = vector.broadcast %mul3A_739 : i32 to vector<16xi32>
      %mul3A_741 = arith.muli %convert_element_type3A_738, %mul3A_740 : vector<16xi32>
      %add3A_742 = arith.addi %mul3A_737, %mul3A_741 : vector<16xi32>
      %swap3A_743 = arith.constant 0 : index
      %swap3A_744 = tpu.vector_load %arg23[%swap3A_743] {strides = array<i32>} : memref<256xi32, #tpu.memory_space<vmem>>, vector<16xi32>,
      tpu.vector_store %arg23[%swap3A_743], %add3A_742 {strides = array<i32>} : memref<256xi32, #tpu.memory_space<vmem>>, vector<16xi32>,
      %add3A_745 = arith.addf %gather3A_725, %gather3A_729 : vector<16xf32>
      %swap3A_746 = arith.constant 0 : index
      %swap3A_747 = tpu.vector_load %arg24[%swap3A_746] {strides = array<i32>} : memref<256xf32, #tpu.memory_space<vmem>>, vector<16xf32>,
      tpu.vector_store %arg24[%swap3A_746], %add3A_745 {strides = array<i32>} : memref<256xf32, #tpu.memory_space<vmem>>, vector<16xf32>,
      %add3A_748 = arith.addf %gather3A_729, %gather3A_733 : vector<16xf32>
      %swap3A_749 = arith.constant 0 : index
      %swap3A_750 = tpu.vector_load %arg25[%swap3A_749] {strides = array<i32>} : memref<256xf32, #tpu.memory_space<vmem>>, vector<16xf32>,
      tpu.vector_store %arg25[%swap3A_749], %add3A_748 {strides = array<i32>} : memref<256xf32, #tpu.memory_space<vmem>>, vector<16xf32>,
      %mul3A_751 = arith.constant 16 : i32
      %mul3A_752 = vector.broadcast %mul3A_751 : i32 to vector<16xi32>
      %mul3A_753 = arith.muli %iota3A, %mul3A_752 : vector<16xi32>
      %add3A_754 = arith.constant 256 : i32
      %add3A_755 = vector.broadcast %add3A_754 : i32 to vector<16xi32>
      %add3A_756 = arith.addi %mul3A_753, %add3A_755 : vector<16xi32>
      %gather3A_757 = tpu.vector_load_idx %arg20[%add3A_756] : memref<3328xf32, #tpu.memory_space<vmem>>[vector<16xi32>], vector<16xf32>,
      %add3A_758 = arith.constant 1 : i32
      %add3A_759 = vector.broadcast %add3A_758 : i32 to vector<16xi32>
      %add3A_760 = arith.addi %add3A_756, %add3A_759 : vector<16xi32>
      %gather3A_761 = tpu.vector_load_idx %arg20[%add3A_760] : memref<3328xf32, #tpu.memory_space<vmem>>[vector<16xi32>], vector<16xf32>,
      %add3A_762 = arith.constant 4 : i32
      %add3A_763 = vector.broadcast %add3A_762 : i32 to vector<16xi32>
      %add3A_764 = arith.addi %add3A_756, %add3A_763 : vector<16xi32>
      %gather3A_765 = tpu.vector_load_idx %arg20[%add3A_764] : memref<3328xf32, #tpu.memory_space<vmem>>[vector<16xi32>], vector<16xf32>,
      %add3A_766 = arith.constant 5 : i32
      %add3A_767 = vector.broadcast %add3A_766 : i32 to vector<16xi32>
      %add3A_768 = arith.addi %add3A_756, %add3A_767 : vector<16xi32>
      %gather3A_769 = tpu.vector_load_idx %arg20[%add3A_768] : memref<3328xf32, #tpu.memory_space<vmem>>[vector<16xi32>], vector<16xf32>,
      %add3A_770 = arith.constant 6 : i32
      %add3A_771 = vector.broadcast %add3A_770 : i32 to vector<16xi32>
      %add3A_772 = arith.addi %add3A_756, %add3A_771 : vector<16xi32>
      %gather3A_773 = tpu.vector_load_idx %arg20[%add3A_772] : memref<3328xf32, #tpu.memory_space<vmem>>[vector<16xi32>], vector<16xf32>,
      %convert_element_type3A_774 = arith.fptosi %gather3A_757 : vector<16xf32> to vector<16xi32>
      %mul3A_775 = arith.constant 512 : i32
      %mul3A_776 = vector.broadcast %mul3A_775 : i32 to vector<16xi32>
      %mul3A_777 = arith.muli %convert_element_type3A_774, %mul3A_776 : vector<16xi32>
      %convert_element_type3A_778 = arith.fptosi %gather3A_761 : vector<16xf32> to vector<16xi32>
      %mul3A_779 = arith.constant 128 : i32
      %mul3A_780 = vector.broadcast %mul3A_779 : i32 to vector<16xi32>
      %mul3A_781 = arith.muli %convert_element_type3A_778, %mul3A_780 : vector<16xi32>
      %add3A_782 = arith.addi %mul3A_777, %mul3A_781 : vector<16xi32>
      %swap3A_783 = arith.constant 16 : index
      %swap3A_784 = tpu.vector_load %arg23[%swap3A_783] {strides = array<i32>} : memref<256xi32, #tpu.memory_space<vmem>>, vector<16xi32>,
      tpu.vector_store %arg23[%swap3A_783], %add3A_782 {strides = array<i32>} : memref<256xi32, #tpu.memory_space<vmem>>, vector<16xi32>,
      %add3A_785 = arith.addf %gather3A_765, %gather3A_769 : vector<16xf32>
      %swap3A_786 = arith.constant 16 : index
      %swap3A_787 = tpu.vector_load %arg24[%swap3A_786] {strides = array<i32>} : memref<256xf32, #tpu.memory_space<vmem>>, vector<16xf32>,
      tpu.vector_store %arg24[%swap3A_786], %add3A_785 {strides = array<i32>} : memref<256xf32, #tpu.memory_space<vmem>>, vector<16xf32>,
      %add3A_788 = arith.addf %gather3A_769, %gather3A_773 : vector<16xf32>
      %swap3A_789 = arith.constant 16 : index
      %swap3A_790 = tpu.vector_load %arg25[%swap3A_789] {strides = array<i32>} : memref<256xf32, #tpu.memory_space<vmem>>, vector<16xf32>,
      tpu.vector_store %arg25[%swap3A_789], %add3A_788 {strides = array<i32>} : memref<256xf32, #tpu.memory_space<vmem>>, vector<16xf32>,
      %mul3A_791 = arith.constant 16 : i32
      %mul3A_792 = vector.broadcast %mul3A_791 : i32 to vector<16xi32>
      %mul3A_793 = arith.muli %iota3A, %mul3A_792 : vector<16xi32>
      %add3A_794 = arith.constant 512 : i32
      %add3A_795 = vector.broadcast %add3A_794 : i32 to vector<16xi32>
      %add3A_796 = arith.addi %mul3A_793, %add3A_795 : vector<16xi32>
      %gather3A_797 = tpu.vector_load_idx %arg20[%add3A_796] : memref<3328xf32, #tpu.memory_space<vmem>>[vector<16xi32>], vector<16xf32>,
      %add3A_798 = arith.constant 1 : i32
      %add3A_799 = vector.broadcast %add3A_798 : i32 to vector<16xi32>
      %add3A_800 = arith.addi %add3A_796, %add3A_799 : vector<16xi32>
      %gather3A_801 = tpu.vector_load_idx %arg20[%add3A_800] : memref<3328xf32, #tpu.memory_space<vmem>>[vector<16xi32>], vector<16xf32>,
      %add3A_802 = arith.constant 4 : i32
      %add3A_803 = vector.broadcast %add3A_802 : i32 to vector<16xi32>
      %add3A_804 = arith.addi %add3A_796, %add3A_803 : vector<16xi32>
      %gather3A_805 = tpu.vector_load_idx %arg20[%add3A_804] : memref<3328xf32, #tpu.memory_space<vmem>>[vector<16xi32>], vector<16xf32>,
      %add3A_806 = arith.constant 5 : i32
      %add3A_807 = vector.broadcast %add3A_806 : i32 to vector<16xi32>
      %add3A_808 = arith.addi %add3A_796, %add3A_807 : vector<16xi32>
      %gather3A_809 = tpu.vector_load_idx %arg20[%add3A_808] : memref<3328xf32, #tpu.memory_space<vmem>>[vector<16xi32>], vector<16xf32>,
      %add3A_810 = arith.constant 6 : i32
      %add3A_811 = vector.broadcast %add3A_810 : i32 to vector<16xi32>
      %add3A_812 = arith.addi %add3A_796, %add3A_811 : vector<16xi32>
      %gather3A_813 = tpu.vector_load_idx %arg20[%add3A_812] : memref<3328xf32, #tpu.memory_space<vmem>>[vector<16xi32>], vector<16xf32>,
      %convert_element_type3A_814 = arith.fptosi %gather3A_797 : vector<16xf32> to vector<16xi32>
      %mul3A_815 = arith.constant 512 : i32
      %mul3A_816 = vector.broadcast %mul3A_815 : i32 to vector<16xi32>
      %mul3A_817 = arith.muli %convert_element_type3A_814, %mul3A_816 : vector<16xi32>
      %convert_element_type3A_818 = arith.fptosi %gather3A_801 : vector<16xf32> to vector<16xi32>
      %mul3A_819 = arith.constant 128 : i32
      %mul3A_820 = vector.broadcast %mul3A_819 : i32 to vector<16xi32>
      %mul3A_821 = arith.muli %convert_element_type3A_818, %mul3A_820 : vector<16xi32>
      %add3A_822 = arith.addi %mul3A_817, %mul3A_821 : vector<16xi32>
      %swap3A_823 = arith.constant 32 : index
      %swap3A_824 = tpu.vector_load %arg23[%swap3A_823] {strides = array<i32>} : memref<256xi32, #tpu.memory_space<vmem>>, vector<16xi32>,
      tpu.vector_store %arg23[%swap3A_823], %add3A_822 {strides = array<i32>} : memref<256xi32, #tpu.memory_space<vmem>>, vector<16xi32>,
      %add3A_825 = arith.addf %gather3A_805, %gather3A_809 : vector<16xf32>
      %swap3A_826 = arith.constant 32 : index
      %swap3A_827 = tpu.vector_load %arg24[%swap3A_826] {strides = array<i32>} : memref<256xf32, #tpu.memory_space<vmem>>, vector<16xf32>,
      tpu.vector_store %arg24[%swap3A_826], %add3A_825 {strides = array<i32>} : memref<256xf32, #tpu.memory_space<vmem>>, vector<16xf32>,
      %add3A_828 = arith.addf %gather3A_809, %gather3A_813 : vector<16xf32>
      %swap3A_829 = arith.constant 32 : index
      %swap3A_830 = tpu.vector_load %arg25[%swap3A_829] {strides = array<i32>} : memref<256xf32, #tpu.memory_space<vmem>>, vector<16xf32>,
      tpu.vector_store %arg25[%swap3A_829], %add3A_828 {strides = array<i32>} : memref<256xf32, #tpu.memory_space<vmem>>, vector<16xf32>,
      %mul3A_831 = arith.constant 16 : i32
      %mul3A_832 = vector.broadcast %mul3A_831 : i32 to vector<16xi32>
      %mul3A_833 = arith.muli %iota3A, %mul3A_832 : vector<16xi32>
      %add3A_834 = arith.constant 768 : i32
      %add3A_835 = vector.broadcast %add3A_834 : i32 to vector<16xi32>
      %add3A_836 = arith.addi %mul3A_833, %add3A_835 : vector<16xi32>
      %gather3A_837 = tpu.vector_load_idx %arg20[%add3A_836] : memref<3328xf32, #tpu.memory_space<vmem>>[vector<16xi32>], vector<16xf32>,
      %add3A_838 = arith.constant 1 : i32
      %add3A_839 = vector.broadcast %add3A_838 : i32 to vector<16xi32>
      %add3A_840 = arith.addi %add3A_836, %add3A_839 : vector<16xi32>
      %gather3A_841 = tpu.vector_load_idx %arg20[%add3A_840] : memref<3328xf32, #tpu.memory_space<vmem>>[vector<16xi32>], vector<16xf32>,
      %add3A_842 = arith.constant 4 : i32
      %add3A_843 = vector.broadcast %add3A_842 : i32 to vector<16xi32>
      %add3A_844 = arith.addi %add3A_836, %add3A_843 : vector<16xi32>
      %gather3A_845 = tpu.vector_load_idx %arg20[%add3A_844] : memref<3328xf32, #tpu.memory_space<vmem>>[vector<16xi32>], vector<16xf32>,
      %add3A_846 = arith.constant 5 : i32
      %add3A_847 = vector.broadcast %add3A_846 : i32 to vector<16xi32>
      %add3A_848 = arith.addi %add3A_836, %add3A_847 : vector<16xi32>
      %gather3A_849 = tpu.vector_load_idx %arg20[%add3A_848] : memref<3328xf32, #tpu.memory_space<vmem>>[vector<16xi32>], vector<16xf32>,
      %add3A_850 = arith.constant 6 : i32
      %add3A_851 = vector.broadcast %add3A_850 : i32 to vector<16xi32>
      %add3A_852 = arith.addi %add3A_836, %add3A_851 : vector<16xi32>
      %gather3A_853 = tpu.vector_load_idx %arg20[%add3A_852] : memref<3328xf32, #tpu.memory_space<vmem>>[vector<16xi32>], vector<16xf32>,
      %convert_element_type3A_854 = arith.fptosi %gather3A_837 : vector<16xf32> to vector<16xi32>
      %mul3A_855 = arith.constant 512 : i32
      %mul3A_856 = vector.broadcast %mul3A_855 : i32 to vector<16xi32>
      %mul3A_857 = arith.muli %convert_element_type3A_854, %mul3A_856 : vector<16xi32>
      %convert_element_type3A_858 = arith.fptosi %gather3A_841 : vector<16xf32> to vector<16xi32>
      %mul3A_859 = arith.constant 128 : i32
      %mul3A_860 = vector.broadcast %mul3A_859 : i32 to vector<16xi32>
      %mul3A_861 = arith.muli %convert_element_type3A_858, %mul3A_860 : vector<16xi32>
      %add3A_862 = arith.addi %mul3A_857, %mul3A_861 : vector<16xi32>
      %swap3A_863 = arith.constant 48 : index
      %swap3A_864 = tpu.vector_load %arg23[%swap3A_863] {strides = array<i32>} : memref<256xi32, #tpu.memory_space<vmem>>, vector<16xi32>,
      tpu.vector_store %arg23[%swap3A_863], %add3A_862 {strides = array<i32>} : memref<256xi32, #tpu.memory_space<vmem>>, vector<16xi32>,
      %add3A_865 = arith.addf %gather3A_845, %gather3A_849 : vector<16xf32>
      %swap3A_866 = arith.constant 48 : index
      %swap3A_867 = tpu.vector_load %arg24[%swap3A_866] {strides = array<i32>} : memref<256xf32, #tpu.memory_space<vmem>>, vector<16xf32>,
      tpu.vector_store %arg24[%swap3A_866], %add3A_865 {strides = array<i32>} : memref<256xf32, #tpu.memory_space<vmem>>, vector<16xf32>,
      %add3A_868 = arith.addf %gather3A_849, %gather3A_853 : vector<16xf32>
      %swap3A_869 = arith.constant 48 : index
      %swap3A_870 = tpu.vector_load %arg25[%swap3A_869] {strides = array<i32>} : memref<256xf32, #tpu.memory_space<vmem>>, vector<16xf32>,
      tpu.vector_store %arg25[%swap3A_869], %add3A_868 {strides = array<i32>} : memref<256xf32, #tpu.memory_space<vmem>>, vector<16xf32>,
      %mul3A_871 = arith.constant 16 : i32
      %mul3A_872 = vector.broadcast %mul3A_871 : i32 to vector<16xi32>
      %mul3A_873 = arith.muli %iota3A, %mul3A_872 : vector<16xi32>
      %add3A_874 = arith.constant 1024 : i32
      %add3A_875 = vector.broadcast %add3A_874 : i32 to vector<16xi32>
      %add3A_876 = arith.addi %mul3A_873, %add3A_875 : vector<16xi32>
      %gather3A_877 = tpu.vector_load_idx %arg20[%add3A_876] : memref<3328xf32, #tpu.memory_space<vmem>>[vector<16xi32>], vector<16xf32>,
      %add3A_878 = arith.constant 1 : i32
      %add3A_879 = vector.broadcast %add3A_878 : i32 to vector<16xi32>
      %add3A_880 = arith.addi %add3A_876, %add3A_879 : vector<16xi32>
      %gather3A_881 = tpu.vector_load_idx %arg20[%add3A_880] : memref<3328xf32, #tpu.memory_space<vmem>>[vector<16xi32>], vector<16xf32>,
      %add3A_882 = arith.constant 4 : i32
      %add3A_883 = vector.broadcast %add3A_882 : i32 to vector<16xi32>
      %add3A_884 = arith.addi %add3A_876, %add3A_883 : vector<16xi32>
      %gather3A_885 = tpu.vector_load_idx %arg20[%add3A_884] : memref<3328xf32, #tpu.memory_space<vmem>>[vector<16xi32>], vector<16xf32>,
      %add3A_886 = arith.constant 5 : i32
      %add3A_887 = vector.broadcast %add3A_886 : i32 to vector<16xi32>
      %add3A_888 = arith.addi %add3A_876, %add3A_887 : vector<16xi32>
      %gather3A_889 = tpu.vector_load_idx %arg20[%add3A_888] : memref<3328xf32, #tpu.memory_space<vmem>>[vector<16xi32>], vector<16xf32>,
      %add3A_890 = arith.constant 6 : i32
      %add3A_891 = vector.broadcast %add3A_890 : i32 to vector<16xi32>
      %add3A_892 = arith.addi %add3A_876, %add3A_891 : vector<16xi32>
      %gather3A_893 = tpu.vector_load_idx %arg20[%add3A_892] : memref<3328xf32, #tpu.memory_space<vmem>>[vector<16xi32>], vector<16xf32>,
      %convert_element_type3A_894 = arith.fptosi %gather3A_877 : vector<16xf32> to vector<16xi32>
      %mul3A_895 = arith.constant 512 : i32
      %mul3A_896 = vector.broadcast %mul3A_895 : i32 to vector<16xi32>
      %mul3A_897 = arith.muli %convert_element_type3A_894, %mul3A_896 : vector<16xi32>
      %convert_element_type3A_898 = arith.fptosi %gather3A_881 : vector<16xf32> to vector<16xi32>
      %mul3A_899 = arith.constant 128 : i32
      %mul3A_900 = vector.broadcast %mul3A_899 : i32 to vector<16xi32>
      %mul3A_901 = arith.muli %convert_element_type3A_898, %mul3A_900 : vector<16xi32>
      %add3A_902 = arith.addi %mul3A_897, %mul3A_901 : vector<16xi32>
      %swap3A_903 = arith.constant 64 : index
      %swap3A_904 = tpu.vector_load %arg23[%swap3A_903] {strides = array<i32>} : memref<256xi32, #tpu.memory_space<vmem>>, vector<16xi32>,
      tpu.vector_store %arg23[%swap3A_903], %add3A_902 {strides = array<i32>} : memref<256xi32, #tpu.memory_space<vmem>>, vector<16xi32>,
      %add3A_905 = arith.addf %gather3A_885, %gather3A_889 : vector<16xf32>
      %swap3A_906 = arith.constant 64 : index
      %swap3A_907 = tpu.vector_load %arg24[%swap3A_906] {strides = array<i32>} : memref<256xf32, #tpu.memory_space<vmem>>, vector<16xf32>,
      tpu.vector_store %arg24[%swap3A_906], %add3A_905 {strides = array<i32>} : memref<256xf32, #tpu.memory_space<vmem>>, vector<16xf32>,
      %add3A_908 = arith.addf %gather3A_889, %gather3A_893 : vector<16xf32>
      %swap3A_909 = arith.constant 64 : index
      %swap3A_910 = tpu.vector_load %arg25[%swap3A_909] {strides = array<i32>} : memref<256xf32, #tpu.memory_space<vmem>>, vector<16xf32>,
      tpu.vector_store %arg25[%swap3A_909], %add3A_908 {strides = array<i32>} : memref<256xf32, #tpu.memory_space<vmem>>, vector<16xf32>,
      %mul3A_911 = arith.constant 16 : i32
      %mul3A_912 = vector.broadcast %mul3A_911 : i32 to vector<16xi32>
      %mul3A_913 = arith.muli %iota3A, %mul3A_912 : vector<16xi32>
      %add3A_914 = arith.constant 1280 : i32
      %add3A_915 = vector.broadcast %add3A_914 : i32 to vector<16xi32>
      %add3A_916 = arith.addi %mul3A_913, %add3A_915 : vector<16xi32>
      %gather3A_917 = tpu.vector_load_idx %arg20[%add3A_916] : memref<3328xf32, #tpu.memory_space<vmem>>[vector<16xi32>], vector<16xf32>,
      %add3A_918 = arith.constant 1 : i32
      %add3A_919 = vector.broadcast %add3A_918 : i32 to vector<16xi32>
      %add3A_920 = arith.addi %add3A_916, %add3A_919 : vector<16xi32>
      %gather3A_921 = tpu.vector_load_idx %arg20[%add3A_920] : memref<3328xf32, #tpu.memory_space<vmem>>[vector<16xi32>], vector<16xf32>,
      %add3A_922 = arith.constant 4 : i32
      %add3A_923 = vector.broadcast %add3A_922 : i32 to vector<16xi32>
      %add3A_924 = arith.addi %add3A_916, %add3A_923 : vector<16xi32>
      %gather3A_925 = tpu.vector_load_idx %arg20[%add3A_924] : memref<3328xf32, #tpu.memory_space<vmem>>[vector<16xi32>], vector<16xf32>,
      %add3A_926 = arith.constant 5 : i32
      %add3A_927 = vector.broadcast %add3A_926 : i32 to vector<16xi32>
      %add3A_928 = arith.addi %add3A_916, %add3A_927 : vector<16xi32>
      %gather3A_929 = tpu.vector_load_idx %arg20[%add3A_928] : memref<3328xf32, #tpu.memory_space<vmem>>[vector<16xi32>], vector<16xf32>,
      %add3A_930 = arith.constant 6 : i32
      %add3A_931 = vector.broadcast %add3A_930 : i32 to vector<16xi32>
      %add3A_932 = arith.addi %add3A_916, %add3A_931 : vector<16xi32>
      %gather3A_933 = tpu.vector_load_idx %arg20[%add3A_932] : memref<3328xf32, #tpu.memory_space<vmem>>[vector<16xi32>], vector<16xf32>,
      %convert_element_type3A_934 = arith.fptosi %gather3A_917 : vector<16xf32> to vector<16xi32>
      %mul3A_935 = arith.constant 512 : i32
      %mul3A_936 = vector.broadcast %mul3A_935 : i32 to vector<16xi32>
      %mul3A_937 = arith.muli %convert_element_type3A_934, %mul3A_936 : vector<16xi32>
      %convert_element_type3A_938 = arith.fptosi %gather3A_921 : vector<16xf32> to vector<16xi32>
      %mul3A_939 = arith.constant 128 : i32
      %mul3A_940 = vector.broadcast %mul3A_939 : i32 to vector<16xi32>
      %mul3A_941 = arith.muli %convert_element_type3A_938, %mul3A_940 : vector<16xi32>
      %add3A_942 = arith.addi %mul3A_937, %mul3A_941 : vector<16xi32>
      %swap3A_943 = arith.constant 80 : index
      %swap3A_944 = tpu.vector_load %arg23[%swap3A_943] {strides = array<i32>} : memref<256xi32, #tpu.memory_space<vmem>>, vector<16xi32>,
      tpu.vector_store %arg23[%swap3A_943], %add3A_942 {strides = array<i32>} : memref<256xi32, #tpu.memory_space<vmem>>, vector<16xi32>,
      %add3A_945 = arith.addf %gather3A_925, %gather3A_929 : vector<16xf32>
      %swap3A_946 = arith.constant 80 : index
      %swap3A_947 = tpu.vector_load %arg24[%swap3A_946] {strides = array<i32>} : memref<256xf32, #tpu.memory_space<vmem>>, vector<16xf32>,
      tpu.vector_store %arg24[%swap3A_946], %add3A_945 {strides = array<i32>} : memref<256xf32, #tpu.memory_space<vmem>>, vector<16xf32>,
      %add3A_948 = arith.addf %gather3A_929, %gather3A_933 : vector<16xf32>
      %swap3A_949 = arith.constant 80 : index
      %swap3A_950 = tpu.vector_load %arg25[%swap3A_949] {strides = array<i32>} : memref<256xf32, #tpu.memory_space<vmem>>, vector<16xf32>,
      tpu.vector_store %arg25[%swap3A_949], %add3A_948 {strides = array<i32>} : memref<256xf32, #tpu.memory_space<vmem>>, vector<16xf32>,
      %mul3A_951 = arith.constant 16 : i32
      %mul3A_952 = vector.broadcast %mul3A_951 : i32 to vector<16xi32>
      %mul3A_953 = arith.muli %iota3A, %mul3A_952 : vector<16xi32>
      %add3A_954 = arith.constant 1536 : i32
      %add3A_955 = vector.broadcast %add3A_954 : i32 to vector<16xi32>
      %add3A_956 = arith.addi %mul3A_953, %add3A_955 : vector<16xi32>
      %gather3A_957 = tpu.vector_load_idx %arg20[%add3A_956] : memref<3328xf32, #tpu.memory_space<vmem>>[vector<16xi32>], vector<16xf32>,
      %add3A_958 = arith.constant 1 : i32
      %add3A_959 = vector.broadcast %add3A_958 : i32 to vector<16xi32>
      %add3A_960 = arith.addi %add3A_956, %add3A_959 : vector<16xi32>
      %gather3A_961 = tpu.vector_load_idx %arg20[%add3A_960] : memref<3328xf32, #tpu.memory_space<vmem>>[vector<16xi32>], vector<16xf32>,
      %add3A_962 = arith.constant 4 : i32
      %add3A_963 = vector.broadcast %add3A_962 : i32 to vector<16xi32>
      %add3A_964 = arith.addi %add3A_956, %add3A_963 : vector<16xi32>
      %gather3A_965 = tpu.vector_load_idx %arg20[%add3A_964] : memref<3328xf32, #tpu.memory_space<vmem>>[vector<16xi32>], vector<16xf32>,
      %add3A_966 = arith.constant 5 : i32
      %add3A_967 = vector.broadcast %add3A_966 : i32 to vector<16xi32>
      %add3A_968 = arith.addi %add3A_956, %add3A_967 : vector<16xi32>
      %gather3A_969 = tpu.vector_load_idx %arg20[%add3A_968] : memref<3328xf32, #tpu.memory_space<vmem>>[vector<16xi32>], vector<16xf32>,
      %add3A_970 = arith.constant 6 : i32
      %add3A_971 = vector.broadcast %add3A_970 : i32 to vector<16xi32>
      %add3A_972 = arith.addi %add3A_956, %add3A_971 : vector<16xi32>
      %gather3A_973 = tpu.vector_load_idx %arg20[%add3A_972] : memref<3328xf32, #tpu.memory_space<vmem>>[vector<16xi32>], vector<16xf32>,
      %convert_element_type3A_974 = arith.fptosi %gather3A_957 : vector<16xf32> to vector<16xi32>
      %mul3A_975 = arith.constant 512 : i32
      %mul3A_976 = vector.broadcast %mul3A_975 : i32 to vector<16xi32>
      %mul3A_977 = arith.muli %convert_element_type3A_974, %mul3A_976 : vector<16xi32>
      %convert_element_type3A_978 = arith.fptosi %gather3A_961 : vector<16xf32> to vector<16xi32>
      %mul3A_979 = arith.constant 128 : i32
      %mul3A_980 = vector.broadcast %mul3A_979 : i32 to vector<16xi32>
      %mul3A_981 = arith.muli %convert_element_type3A_978, %mul3A_980 : vector<16xi32>
      %add3A_982 = arith.addi %mul3A_977, %mul3A_981 : vector<16xi32>
      %swap3A_983 = arith.constant 96 : index
      %swap3A_984 = tpu.vector_load %arg23[%swap3A_983] {strides = array<i32>} : memref<256xi32, #tpu.memory_space<vmem>>, vector<16xi32>,
      tpu.vector_store %arg23[%swap3A_983], %add3A_982 {strides = array<i32>} : memref<256xi32, #tpu.memory_space<vmem>>, vector<16xi32>,
      %add3A_985 = arith.addf %gather3A_965, %gather3A_969 : vector<16xf32>
      %swap3A_986 = arith.constant 96 : index
      %swap3A_987 = tpu.vector_load %arg24[%swap3A_986] {strides = array<i32>} : memref<256xf32, #tpu.memory_space<vmem>>, vector<16xf32>,
      tpu.vector_store %arg24[%swap3A_986], %add3A_985 {strides = array<i32>} : memref<256xf32, #tpu.memory_space<vmem>>, vector<16xf32>,
      %add3A_988 = arith.addf %gather3A_969, %gather3A_973 : vector<16xf32>
      %swap3A_989 = arith.constant 96 : index
      %swap3A_990 = tpu.vector_load %arg25[%swap3A_989] {strides = array<i32>} : memref<256xf32, #tpu.memory_space<vmem>>, vector<16xf32>,
      tpu.vector_store %arg25[%swap3A_989], %add3A_988 {strides = array<i32>} : memref<256xf32, #tpu.memory_space<vmem>>, vector<16xf32>,
      %mul3A_991 = arith.constant 16 : i32
      %mul3A_992 = vector.broadcast %mul3A_991 : i32 to vector<16xi32>
      %mul3A_993 = arith.muli %iota3A, %mul3A_992 : vector<16xi32>
      %add3A_994 = arith.constant 1792 : i32
      %add3A_995 = vector.broadcast %add3A_994 : i32 to vector<16xi32>
      %add3A_996 = arith.addi %mul3A_993, %add3A_995 : vector<16xi32>
      %gather3A_997 = tpu.vector_load_idx %arg20[%add3A_996] : memref<3328xf32, #tpu.memory_space<vmem>>[vector<16xi32>], vector<16xf32>,
      %add3A_998 = arith.constant 1 : i32
      %add3A_999 = vector.broadcast %add3A_998 : i32 to vector<16xi32>
      %add3A_1000 = arith.addi %add3A_996, %add3A_999 : vector<16xi32>
      %gather3A_1001 = tpu.vector_load_idx %arg20[%add3A_1000] : memref<3328xf32, #tpu.memory_space<vmem>>[vector<16xi32>], vector<16xf32>,
      %add3A_1002 = arith.constant 4 : i32
      %add3A_1003 = vector.broadcast %add3A_1002 : i32 to vector<16xi32>
      %add3A_1004 = arith.addi %add3A_996, %add3A_1003 : vector<16xi32>
      %gather3A_1005 = tpu.vector_load_idx %arg20[%add3A_1004] : memref<3328xf32, #tpu.memory_space<vmem>>[vector<16xi32>], vector<16xf32>,
      %add3A_1006 = arith.constant 5 : i32
      %add3A_1007 = vector.broadcast %add3A_1006 : i32 to vector<16xi32>
      %add3A_1008 = arith.addi %add3A_996, %add3A_1007 : vector<16xi32>
      %gather3A_1009 = tpu.vector_load_idx %arg20[%add3A_1008] : memref<3328xf32, #tpu.memory_space<vmem>>[vector<16xi32>], vector<16xf32>,
      %add3A_1010 = arith.constant 6 : i32
      %add3A_1011 = vector.broadcast %add3A_1010 : i32 to vector<16xi32>
      %add3A_1012 = arith.addi %add3A_996, %add3A_1011 : vector<16xi32>
      %gather3A_1013 = tpu.vector_load_idx %arg20[%add3A_1012] : memref<3328xf32, #tpu.memory_space<vmem>>[vector<16xi32>], vector<16xf32>,
      %convert_element_type3A_1014 = arith.fptosi %gather3A_997 : vector<16xf32> to vector<16xi32>
      %mul3A_1015 = arith.constant 512 : i32
      %mul3A_1016 = vector.broadcast %mul3A_1015 : i32 to vector<16xi32>
      %mul3A_1017 = arith.muli %convert_element_type3A_1014, %mul3A_1016 : vector<16xi32>
      %convert_element_type3A_1018 = arith.fptosi %gather3A_1001 : vector<16xf32> to vector<16xi32>
      %mul3A_1019 = arith.constant 128 : i32
      %mul3A_1020 = vector.broadcast %mul3A_1019 : i32 to vector<16xi32>
      %mul3A_1021 = arith.muli %convert_element_type3A_1018, %mul3A_1020 : vector<16xi32>
      %add3A_1022 = arith.addi %mul3A_1017, %mul3A_1021 : vector<16xi32>
      %swap3A_1023 = arith.constant 112 : index
      %swap3A_1024 = tpu.vector_load %arg23[%swap3A_1023] {strides = array<i32>} : memref<256xi32, #tpu.memory_space<vmem>>, vector<16xi32>,
      tpu.vector_store %arg23[%swap3A_1023], %add3A_1022 {strides = array<i32>} : memref<256xi32, #tpu.memory_space<vmem>>, vector<16xi32>,
      %add3A_1025 = arith.addf %gather3A_1005, %gather3A_1009 : vector<16xf32>
      %swap3A_1026 = arith.constant 112 : index
      %swap3A_1027 = tpu.vector_load %arg24[%swap3A_1026] {strides = array<i32>} : memref<256xf32, #tpu.memory_space<vmem>>, vector<16xf32>,
      tpu.vector_store %arg24[%swap3A_1026], %add3A_1025 {strides = array<i32>} : memref<256xf32, #tpu.memory_space<vmem>>, vector<16xf32>,
      %add3A_1028 = arith.addf %gather3A_1009, %gather3A_1013 : vector<16xf32>
      %swap3A_1029 = arith.constant 112 : index
      %swap3A_1030 = tpu.vector_load %arg25[%swap3A_1029] {strides = array<i32>} : memref<256xf32, #tpu.memory_space<vmem>>, vector<16xf32>,
      tpu.vector_store %arg25[%swap3A_1029], %add3A_1028 {strides = array<i32>} : memref<256xf32, #tpu.memory_space<vmem>>, vector<16xf32>,
      %mul3A_1031 = arith.constant 16 : i32
      %mul3A_1032 = vector.broadcast %mul3A_1031 : i32 to vector<16xi32>
      %mul3A_1033 = arith.muli %iota3A, %mul3A_1032 : vector<16xi32>
      %add3A_1034 = arith.constant 2048 : i32
      %add3A_1035 = vector.broadcast %add3A_1034 : i32 to vector<16xi32>
      %add3A_1036 = arith.addi %mul3A_1033, %add3A_1035 : vector<16xi32>
      %gather3A_1037 = tpu.vector_load_idx %arg20[%add3A_1036] : memref<3328xf32, #tpu.memory_space<vmem>>[vector<16xi32>], vector<16xf32>,
      %add3A_1038 = arith.constant 1 : i32
      %add3A_1039 = vector.broadcast %add3A_1038 : i32 to vector<16xi32>
      %add3A_1040 = arith.addi %add3A_1036, %add3A_1039 : vector<16xi32>
      %gather3A_1041 = tpu.vector_load_idx %arg20[%add3A_1040] : memref<3328xf32, #tpu.memory_space<vmem>>[vector<16xi32>], vector<16xf32>,
      %add3A_1042 = arith.constant 4 : i32
      %add3A_1043 = vector.broadcast %add3A_1042 : i32 to vector<16xi32>
      %add3A_1044 = arith.addi %add3A_1036, %add3A_1043 : vector<16xi32>
      %gather3A_1045 = tpu.vector_load_idx %arg20[%add3A_1044] : memref<3328xf32, #tpu.memory_space<vmem>>[vector<16xi32>], vector<16xf32>,
      %add3A_1046 = arith.constant 5 : i32
      %add3A_1047 = vector.broadcast %add3A_1046 : i32 to vector<16xi32>
      %add3A_1048 = arith.addi %add3A_1036, %add3A_1047 : vector<16xi32>
      %gather3A_1049 = tpu.vector_load_idx %arg20[%add3A_1048] : memref<3328xf32, #tpu.memory_space<vmem>>[vector<16xi32>], vector<16xf32>,
      %add3A_1050 = arith.constant 6 : i32
      %add3A_1051 = vector.broadcast %add3A_1050 : i32 to vector<16xi32>
      %add3A_1052 = arith.addi %add3A_1036, %add3A_1051 : vector<16xi32>
      %gather3A_1053 = tpu.vector_load_idx %arg20[%add3A_1052] : memref<3328xf32, #tpu.memory_space<vmem>>[vector<16xi32>], vector<16xf32>,
      %convert_element_type3A_1054 = arith.fptosi %gather3A_1037 : vector<16xf32> to vector<16xi32>
      %mul3A_1055 = arith.constant 512 : i32
      %mul3A_1056 = vector.broadcast %mul3A_1055 : i32 to vector<16xi32>
      %mul3A_1057 = arith.muli %convert_element_type3A_1054, %mul3A_1056 : vector<16xi32>
      %convert_element_type3A_1058 = arith.fptosi %gather3A_1041 : vector<16xf32> to vector<16xi32>
      %mul3A_1059 = arith.constant 128 : i32
      %mul3A_1060 = vector.broadcast %mul3A_1059 : i32 to vector<16xi32>
      %mul3A_1061 = arith.muli %convert_element_type3A_1058, %mul3A_1060 : vector<16xi32>
      %add3A_1062 = arith.addi %mul3A_1057, %mul3A_1061 : vector<16xi32>
      %swap3A_1063 = arith.constant 128 : index
      %swap3A_1064 = tpu.vector_load %arg23[%swap3A_1063] {strides = array<i32>} : memref<256xi32, #tpu.memory_space<vmem>>, vector<16xi32>,
      tpu.vector_store %arg23[%swap3A_1063], %add3A_1062 {strides = array<i32>} : memref<256xi32, #tpu.memory_space<vmem>>, vector<16xi32>,
      %add3A_1065 = arith.addf %gather3A_1045, %gather3A_1049 : vector<16xf32>
      %swap3A_1066 = arith.constant 128 : index
      %swap3A_1067 = tpu.vector_load %arg24[%swap3A_1066] {strides = array<i32>} : memref<256xf32, #tpu.memory_space<vmem>>, vector<16xf32>,
      tpu.vector_store %arg24[%swap3A_1066], %add3A_1065 {strides = array<i32>} : memref<256xf32, #tpu.memory_space<vmem>>, vector<16xf32>,
      %add3A_1068 = arith.addf %gather3A_1049, %gather3A_1053 : vector<16xf32>
      %swap3A_1069 = arith.constant 128 : index
      %swap3A_1070 = tpu.vector_load %arg25[%swap3A_1069] {strides = array<i32>} : memref<256xf32, #tpu.memory_space<vmem>>, vector<16xf32>,
      tpu.vector_store %arg25[%swap3A_1069], %add3A_1068 {strides = array<i32>} : memref<256xf32, #tpu.memory_space<vmem>>, vector<16xf32>,
      %mul3A_1071 = arith.constant 16 : i32
      %mul3A_1072 = vector.broadcast %mul3A_1071 : i32 to vector<16xi32>
      %mul3A_1073 = arith.muli %iota3A, %mul3A_1072 : vector<16xi32>
      %add3A_1074 = arith.constant 2304 : i32
      %add3A_1075 = vector.broadcast %add3A_1074 : i32 to vector<16xi32>
      %add3A_1076 = arith.addi %mul3A_1073, %add3A_1075 : vector<16xi32>
      %gather3A_1077 = tpu.vector_load_idx %arg20[%add3A_1076] : memref<3328xf32, #tpu.memory_space<vmem>>[vector<16xi32>], vector<16xf32>,
      %add3A_1078 = arith.constant 1 : i32
      %add3A_1079 = vector.broadcast %add3A_1078 : i32 to vector<16xi32>
      %add3A_1080 = arith.addi %add3A_1076, %add3A_1079 : vector<16xi32>
      %gather3A_1081 = tpu.vector_load_idx %arg20[%add3A_1080] : memref<3328xf32, #tpu.memory_space<vmem>>[vector<16xi32>], vector<16xf32>,
      %add3A_1082 = arith.constant 4 : i32
      %add3A_1083 = vector.broadcast %add3A_1082 : i32 to vector<16xi32>
      %add3A_1084 = arith.addi %add3A_1076, %add3A_1083 : vector<16xi32>
      %gather3A_1085 = tpu.vector_load_idx %arg20[%add3A_1084] : memref<3328xf32, #tpu.memory_space<vmem>>[vector<16xi32>], vector<16xf32>,
      %add3A_1086 = arith.constant 5 : i32
      %add3A_1087 = vector.broadcast %add3A_1086 : i32 to vector<16xi32>
      %add3A_1088 = arith.addi %add3A_1076, %add3A_1087 : vector<16xi32>
      %gather3A_1089 = tpu.vector_load_idx %arg20[%add3A_1088] : memref<3328xf32, #tpu.memory_space<vmem>>[vector<16xi32>], vector<16xf32>,
      %add3A_1090 = arith.constant 6 : i32
      %add3A_1091 = vector.broadcast %add3A_1090 : i32 to vector<16xi32>
      %add3A_1092 = arith.addi %add3A_1076, %add3A_1091 : vector<16xi32>
      %gather3A_1093 = tpu.vector_load_idx %arg20[%add3A_1092] : memref<3328xf32, #tpu.memory_space<vmem>>[vector<16xi32>], vector<16xf32>,
      %convert_element_type3A_1094 = arith.fptosi %gather3A_1077 : vector<16xf32> to vector<16xi32>
      %mul3A_1095 = arith.constant 512 : i32
      %mul3A_1096 = vector.broadcast %mul3A_1095 : i32 to vector<16xi32>
      %mul3A_1097 = arith.muli %convert_element_type3A_1094, %mul3A_1096 : vector<16xi32>
      %convert_element_type3A_1098 = arith.fptosi %gather3A_1081 : vector<16xf32> to vector<16xi32>
      %mul3A_1099 = arith.constant 128 : i32
      %mul3A_1100 = vector.broadcast %mul3A_1099 : i32 to vector<16xi32>
      %mul3A_1101 = arith.muli %convert_element_type3A_1098, %mul3A_1100 : vector<16xi32>
      %add3A_1102 = arith.addi %mul3A_1097, %mul3A_1101 : vector<16xi32>
      %swap3A_1103 = arith.constant 144 : index
      %swap3A_1104 = tpu.vector_load %arg23[%swap3A_1103] {strides = array<i32>} : memref<256xi32, #tpu.memory_space<vmem>>, vector<16xi32>,
      tpu.vector_store %arg23[%swap3A_1103], %add3A_1102 {strides = array<i32>} : memref<256xi32, #tpu.memory_space<vmem>>, vector<16xi32>,
      %add3A_1105 = arith.addf %gather3A_1085, %gather3A_1089 : vector<16xf32>
      %swap3A_1106 = arith.constant 144 : index
      %swap3A_1107 = tpu.vector_load %arg24[%swap3A_1106] {strides = array<i32>} : memref<256xf32, #tpu.memory_space<vmem>>, vector<16xf32>,
      tpu.vector_store %arg24[%swap3A_1106], %add3A_1105 {strides = array<i32>} : memref<256xf32, #tpu.memory_space<vmem>>, vector<16xf32>,
      %add3A_1108 = arith.addf %gather3A_1089, %gather3A_1093 : vector<16xf32>
      %swap3A_1109 = arith.constant 144 : index
      %swap3A_1110 = tpu.vector_load %arg25[%swap3A_1109] {strides = array<i32>} : memref<256xf32, #tpu.memory_space<vmem>>, vector<16xf32>,
      tpu.vector_store %arg25[%swap3A_1109], %add3A_1108 {strides = array<i32>} : memref<256xf32, #tpu.memory_space<vmem>>, vector<16xf32>,
      %mul3A_1111 = arith.constant 16 : i32
      %mul3A_1112 = vector.broadcast %mul3A_1111 : i32 to vector<16xi32>
      %mul3A_1113 = arith.muli %iota3A, %mul3A_1112 : vector<16xi32>
      %add3A_1114 = arith.constant 2560 : i32
      %add3A_1115 = vector.broadcast %add3A_1114 : i32 to vector<16xi32>
      %add3A_1116 = arith.addi %mul3A_1113, %add3A_1115 : vector<16xi32>
      %gather3A_1117 = tpu.vector_load_idx %arg20[%add3A_1116] : memref<3328xf32, #tpu.memory_space<vmem>>[vector<16xi32>], vector<16xf32>,
      %add3A_1118 = arith.constant 1 : i32
      %add3A_1119 = vector.broadcast %add3A_1118 : i32 to vector<16xi32>
      %add3A_1120 = arith.addi %add3A_1116, %add3A_1119 : vector<16xi32>
      %gather3A_1121 = tpu.vector_load_idx %arg20[%add3A_1120] : memref<3328xf32, #tpu.memory_space<vmem>>[vector<16xi32>], vector<16xf32>,
      %add3A_1122 = arith.constant 4 : i32
      %add3A_1123 = vector.broadcast %add3A_1122 : i32 to vector<16xi32>
      %add3A_1124 = arith.addi %add3A_1116, %add3A_1123 : vector<16xi32>
      %gather3A_1125 = tpu.vector_load_idx %arg20[%add3A_1124] : memref<3328xf32, #tpu.memory_space<vmem>>[vector<16xi32>], vector<16xf32>,
      %add3A_1126 = arith.constant 5 : i32
      %add3A_1127 = vector.broadcast %add3A_1126 : i32 to vector<16xi32>
      %add3A_1128 = arith.addi %add3A_1116, %add3A_1127 : vector<16xi32>
      %gather3A_1129 = tpu.vector_load_idx %arg20[%add3A_1128] : memref<3328xf32, #tpu.memory_space<vmem>>[vector<16xi32>], vector<16xf32>,
      %add3A_1130 = arith.constant 6 : i32
      %add3A_1131 = vector.broadcast %add3A_1130 : i32 to vector<16xi32>
      %add3A_1132 = arith.addi %add3A_1116, %add3A_1131 : vector<16xi32>
      %gather3A_1133 = tpu.vector_load_idx %arg20[%add3A_1132] : memref<3328xf32, #tpu.memory_space<vmem>>[vector<16xi32>], vector<16xf32>,
      %convert_element_type3A_1134 = arith.fptosi %gather3A_1117 : vector<16xf32> to vector<16xi32>
      %mul3A_1135 = arith.constant 512 : i32
      %mul3A_1136 = vector.broadcast %mul3A_1135 : i32 to vector<16xi32>
      %mul3A_1137 = arith.muli %convert_element_type3A_1134, %mul3A_1136 : vector<16xi32>
      %convert_element_type3A_1138 = arith.fptosi %gather3A_1121 : vector<16xf32> to vector<16xi32>
      %mul3A_1139 = arith.constant 128 : i32
      %mul3A_1140 = vector.broadcast %mul3A_1139 : i32 to vector<16xi32>
      %mul3A_1141 = arith.muli %convert_element_type3A_1138, %mul3A_1140 : vector<16xi32>
      %add3A_1142 = arith.addi %mul3A_1137, %mul3A_1141 : vector<16xi32>
      %swap3A_1143 = arith.constant 160 : index
      %swap3A_1144 = tpu.vector_load %arg23[%swap3A_1143] {strides = array<i32>} : memref<256xi32, #tpu.memory_space<vmem>>, vector<16xi32>,
      tpu.vector_store %arg23[%swap3A_1143], %add3A_1142 {strides = array<i32>} : memref<256xi32, #tpu.memory_space<vmem>>, vector<16xi32>,
      %add3A_1145 = arith.addf %gather3A_1125, %gather3A_1129 : vector<16xf32>
      %swap3A_1146 = arith.constant 160 : index
      %swap3A_1147 = tpu.vector_load %arg24[%swap3A_1146] {strides = array<i32>} : memref<256xf32, #tpu.memory_space<vmem>>, vector<16xf32>,
      tpu.vector_store %arg24[%swap3A_1146], %add3A_1145 {strides = array<i32>} : memref<256xf32, #tpu.memory_space<vmem>>, vector<16xf32>,
      %add3A_1148 = arith.addf %gather3A_1129, %gather3A_1133 : vector<16xf32>
      %swap3A_1149 = arith.constant 160 : index
      %swap3A_1150 = tpu.vector_load %arg25[%swap3A_1149] {strides = array<i32>} : memref<256xf32, #tpu.memory_space<vmem>>, vector<16xf32>,
      tpu.vector_store %arg25[%swap3A_1149], %add3A_1148 {strides = array<i32>} : memref<256xf32, #tpu.memory_space<vmem>>, vector<16xf32>,
      %mul3A_1151 = arith.constant 16 : i32
      %mul3A_1152 = vector.broadcast %mul3A_1151 : i32 to vector<16xi32>
      %mul3A_1153 = arith.muli %iota3A, %mul3A_1152 : vector<16xi32>
      %add3A_1154 = arith.constant 2816 : i32
      %add3A_1155 = vector.broadcast %add3A_1154 : i32 to vector<16xi32>
      %add3A_1156 = arith.addi %mul3A_1153, %add3A_1155 : vector<16xi32>
      %gather3A_1157 = tpu.vector_load_idx %arg20[%add3A_1156] : memref<3328xf32, #tpu.memory_space<vmem>>[vector<16xi32>], vector<16xf32>,
      %add3A_1158 = arith.constant 1 : i32
      %add3A_1159 = vector.broadcast %add3A_1158 : i32 to vector<16xi32>
      %add3A_1160 = arith.addi %add3A_1156, %add3A_1159 : vector<16xi32>
      %gather3A_1161 = tpu.vector_load_idx %arg20[%add3A_1160] : memref<3328xf32, #tpu.memory_space<vmem>>[vector<16xi32>], vector<16xf32>,
      %add3A_1162 = arith.constant 4 : i32
      %add3A_1163 = vector.broadcast %add3A_1162 : i32 to vector<16xi32>
      %add3A_1164 = arith.addi %add3A_1156, %add3A_1163 : vector<16xi32>
      %gather3A_1165 = tpu.vector_load_idx %arg20[%add3A_1164] : memref<3328xf32, #tpu.memory_space<vmem>>[vector<16xi32>], vector<16xf32>,
      %add3A_1166 = arith.constant 5 : i32
      %add3A_1167 = vector.broadcast %add3A_1166 : i32 to vector<16xi32>
      %add3A_1168 = arith.addi %add3A_1156, %add3A_1167 : vector<16xi32>
      %gather3A_1169 = tpu.vector_load_idx %arg20[%add3A_1168] : memref<3328xf32, #tpu.memory_space<vmem>>[vector<16xi32>], vector<16xf32>,
      %add3A_1170 = arith.constant 6 : i32
      %add3A_1171 = vector.broadcast %add3A_1170 : i32 to vector<16xi32>
      %add3A_1172 = arith.addi %add3A_1156, %add3A_1171 : vector<16xi32>
      %gather3A_1173 = tpu.vector_load_idx %arg20[%add3A_1172] : memref<3328xf32, #tpu.memory_space<vmem>>[vector<16xi32>], vector<16xf32>,
      %convert_element_type3A_1174 = arith.fptosi %gather3A_1157 : vector<16xf32> to vector<16xi32>
      %mul3A_1175 = arith.constant 512 : i32
      %mul3A_1176 = vector.broadcast %mul3A_1175 : i32 to vector<16xi32>
      %mul3A_1177 = arith.muli %convert_element_type3A_1174, %mul3A_1176 : vector<16xi32>
      %convert_element_type3A_1178 = arith.fptosi %gather3A_1161 : vector<16xf32> to vector<16xi32>
      %mul3A_1179 = arith.constant 128 : i32
      %mul3A_1180 = vector.broadcast %mul3A_1179 : i32 to vector<16xi32>
      %mul3A_1181 = arith.muli %convert_element_type3A_1178, %mul3A_1180 : vector<16xi32>
      %add3A_1182 = arith.addi %mul3A_1177, %mul3A_1181 : vector<16xi32>
      %swap3A_1183 = arith.constant 176 : index
      %swap3A_1184 = tpu.vector_load %arg23[%swap3A_1183] {strides = array<i32>} : memref<256xi32, #tpu.memory_space<vmem>>, vector<16xi32>,
      tpu.vector_store %arg23[%swap3A_1183], %add3A_1182 {strides = array<i32>} : memref<256xi32, #tpu.memory_space<vmem>>, vector<16xi32>,
      %add3A_1185 = arith.addf %gather3A_1165, %gather3A_1169 : vector<16xf32>
      %swap3A_1186 = arith.constant 176 : index
      %swap3A_1187 = tpu.vector_load %arg24[%swap3A_1186] {strides = array<i32>} : memref<256xf32, #tpu.memory_space<vmem>>, vector<16xf32>,
      tpu.vector_store %arg24[%swap3A_1186], %add3A_1185 {strides = array<i32>} : memref<256xf32, #tpu.memory_space<vmem>>, vector<16xf32>,
      %add3A_1188 = arith.addf %gather3A_1169, %gather3A_1173 : vector<16xf32>
      %swap3A_1189 = arith.constant 176 : index
      %swap3A_1190 = tpu.vector_load %arg25[%swap3A_1189] {strides = array<i32>} : memref<256xf32, #tpu.memory_space<vmem>>, vector<16xf32>,
      tpu.vector_store %arg25[%swap3A_1189], %add3A_1188 {strides = array<i32>} : memref<256xf32, #tpu.memory_space<vmem>>, vector<16xf32>,
      %mul3A_1191 = arith.constant 16 : i32
      %mul3A_1192 = vector.broadcast %mul3A_1191 : i32 to vector<16xi32>
      %mul3A_1193 = arith.muli %iota3A, %mul3A_1192 : vector<16xi32>
      %add3A_1194 = arith.constant 3072 : i32
      %add3A_1195 = vector.broadcast %add3A_1194 : i32 to vector<16xi32>
      %add3A_1196 = arith.addi %mul3A_1193, %add3A_1195 : vector<16xi32>
      %gather3A_1197 = tpu.vector_load_idx %arg20[%add3A_1196] : memref<3328xf32, #tpu.memory_space<vmem>>[vector<16xi32>], vector<16xf32>,
      %add3A_1198 = arith.constant 1 : i32
      %add3A_1199 = vector.broadcast %add3A_1198 : i32 to vector<16xi32>
      %add3A_1200 = arith.addi %add3A_1196, %add3A_1199 : vector<16xi32>
      %gather3A_1201 = tpu.vector_load_idx %arg20[%add3A_1200] : memref<3328xf32, #tpu.memory_space<vmem>>[vector<16xi32>], vector<16xf32>,
      %add3A_1202 = arith.constant 4 : i32
      %add3A_1203 = vector.broadcast %add3A_1202 : i32 to vector<16xi32>
      %add3A_1204 = arith.addi %add3A_1196, %add3A_1203 : vector<16xi32>
      %gather3A_1205 = tpu.vector_load_idx %arg20[%add3A_1204] : memref<3328xf32, #tpu.memory_space<vmem>>[vector<16xi32>], vector<16xf32>,
      %add3A_1206 = arith.constant 5 : i32
      %add3A_1207 = vector.broadcast %add3A_1206 : i32 to vector<16xi32>
      %add3A_1208 = arith.addi %add3A_1196, %add3A_1207 : vector<16xi32>
      %gather3A_1209 = tpu.vector_load_idx %arg20[%add3A_1208] : memref<3328xf32, #tpu.memory_space<vmem>>[vector<16xi32>], vector<16xf32>,
      %add3A_1210 = arith.constant 6 : i32
      %add3A_1211 = vector.broadcast %add3A_1210 : i32 to vector<16xi32>
      %add3A_1212 = arith.addi %add3A_1196, %add3A_1211 : vector<16xi32>
      %gather3A_1213 = tpu.vector_load_idx %arg20[%add3A_1212] : memref<3328xf32, #tpu.memory_space<vmem>>[vector<16xi32>], vector<16xf32>,
      %convert_element_type3A_1214 = arith.fptosi %gather3A_1197 : vector<16xf32> to vector<16xi32>
      %mul3A_1215 = arith.constant 512 : i32
      %mul3A_1216 = vector.broadcast %mul3A_1215 : i32 to vector<16xi32>
      %mul3A_1217 = arith.muli %convert_element_type3A_1214, %mul3A_1216 : vector<16xi32>
      %convert_element_type3A_1218 = arith.fptosi %gather3A_1201 : vector<16xf32> to vector<16xi32>
      %mul3A_1219 = arith.constant 128 : i32
      %mul3A_1220 = vector.broadcast %mul3A_1219 : i32 to vector<16xi32>
      %mul3A_1221 = arith.muli %convert_element_type3A_1218, %mul3A_1220 : vector<16xi32>
      %add3A_1222 = arith.addi %mul3A_1217, %mul3A_1221 : vector<16xi32>
      %swap3A_1223 = arith.constant 192 : index
      %swap3A_1224 = tpu.vector_load %arg23[%swap3A_1223] {strides = array<i32>} : memref<256xi32, #tpu.memory_space<vmem>>, vector<16xi32>,
      tpu.vector_store %arg23[%swap3A_1223], %add3A_1222 {strides = array<i32>} : memref<256xi32, #tpu.memory_space<vmem>>, vector<16xi32>,
      %add3A_1225 = arith.addf %gather3A_1205, %gather3A_1209 : vector<16xf32>
      %swap3A_1226 = arith.constant 192 : index
      %swap3A_1227 = tpu.vector_load %arg24[%swap3A_1226] {strides = array<i32>} : memref<256xf32, #tpu.memory_space<vmem>>, vector<16xf32>,
      tpu.vector_store %arg24[%swap3A_1226], %add3A_1225 {strides = array<i32>} : memref<256xf32, #tpu.memory_space<vmem>>, vector<16xf32>,
      %add3A_1228 = arith.addf %gather3A_1209, %gather3A_1213 : vector<16xf32>
      %swap3A_1229 = arith.constant 192 : index
      %swap3A_1230 = tpu.vector_load %arg25[%swap3A_1229] {strides = array<i32>} : memref<256xf32, #tpu.memory_space<vmem>>, vector<16xf32>,
      tpu.vector_store %arg25[%swap3A_1229], %add3A_1228 {strides = array<i32>} : memref<256xf32, #tpu.memory_space<vmem>>, vector<16xf32>,
      %parallel_loop3A_1231 = arith.constant 0 : i32
      %parallel_loop3A_1232 = arith.constant 200 : i32
      %parallel_loop3A_1233 = arith.constant 1 : i32
      scf.for %parallel_loop3A_1252 = %parallel_loop3A_1231 to %parallel_loop3A_1232 step %parallel_loop3A_1233  : i32 {
        %parallel_loop3A_1253 = vector.broadcast %parallel_loop3A_1252 : i32 to vector<16xi32>
        %parallel_loop3A_1254 = tpu.vector_load_idx %arg23[%parallel_loop3A_1253] : memref<256xi32, #tpu.memory_space<vmem>>[vector<16xi32>], vector<16xi32>,
        %parallel_loop3A_1255 = tpu.vector_load_idx %arg24[%parallel_loop3A_1253] : memref<256xf32, #tpu.memory_space<vmem>>[vector<16xi32>], vector<16xf32>,
        %parallel_loop3A_1256 = tpu.vector_load_idx %arg25[%parallel_loop3A_1253] : memref<256xf32, #tpu.memory_space<vmem>>[vector<16xi32>], vector<16xf32>,
        %parallel_loop3A_1257 = arith.addi %parallel_loop3A_1254, %add3A_41 : vector<16xi32>
        %parallel_loop3A_1258 = tpu.vector_load_idx %arg17[%parallel_loop3A_1257] : memref<12288xf32, #tpu.memory_space<vmem>>[vector<16xi32>], vector<16xf32>,
        %parallel_loop3A_1259 = arith.index_cast %parallel_loop3A_1252 : i32 to index
        %parallel_loop3A_1260 = arith.constant 0 : index
        %parallel_loop3A_1261 = tpu.vector_load %arg18[%parallel_loop3A_1259, %parallel_loop3A_1260] {strides = array<i32>} : memref<200x128xf32, #tpu.memory_space<vmem>>, vector<16xf32>,
        %parallel_loop3A_1262 = arith.addf %parallel_loop3A_1258, %parallel_loop3A_1261 : vector<16xf32>
        %parallel_loop3A_1263 = arith.mulf %parallel_loop3A_1255, %get3A_8 : vector<16xf32>
        %parallel_loop3A_1264 = arith.addf %parallel_loop3A_1262, %parallel_loop3A_1263 : vector<16xf32>
        %parallel_loop3A_1265 = arith.mulf %parallel_loop3A_1256, %get3A_24 : vector<16xf32>
        %parallel_loop3A_1266 = arith.addf %parallel_loop3A_1264, %parallel_loop3A_1265 : vector<16xf32>
        %parallel_loop3A_1267 = arith.index_cast %parallel_loop3A_1252 : i32 to index
        %parallel_loop3A_1268 = arith.constant 0 : index
        %parallel_loop3A_1269 = tpu.vector_load %arg22[%parallel_loop3A_1267, %parallel_loop3A_1268] {strides = array<i32>} : memref<200x128xf32, #tpu.memory_space<vmem>>, vector<16xf32>,
        tpu.vector_store %arg22[%parallel_loop3A_1267, %parallel_loop3A_1268], %parallel_loop3A_1266 {strides = array<i32>} : memref<200x128xf32, #tpu.memory_space<vmem>>, vector<16xf32>,
        %parallel_loop3A_1270 = arith.addi %parallel_loop3A_1254, %add3A_44 : vector<16xi32>
        %parallel_loop3A_1271 = tpu.vector_load_idx %arg17[%parallel_loop3A_1270] : memref<12288xf32, #tpu.memory_space<vmem>>[vector<16xi32>], vector<16xf32>,
        %parallel_loop3A_1272 = arith.index_cast %parallel_loop3A_1252 : i32 to index
        %parallel_loop3A_1273 = arith.constant 16 : index
        %parallel_loop3A_1274 = tpu.vector_load %arg18[%parallel_loop3A_1272, %parallel_loop3A_1273] {strides = array<i32>} : memref<200x128xf32, #tpu.memory_space<vmem>>, vector<16xf32>,
        %parallel_loop3A_1275 = arith.addf %parallel_loop3A_1271, %parallel_loop3A_1274 : vector<16xf32>
        %parallel_loop3A_1276 = arith.mulf %parallel_loop3A_1255, %get3A_10 : vector<16xf32>
        %parallel_loop3A_1277 = arith.addf %parallel_loop3A_1275, %parallel_loop3A_1276 : vector<16xf32>
        %parallel_loop3A_1278 = arith.mulf %parallel_loop3A_1256, %get3A_26 : vector<16xf32>
        %parallel_loop3A_1279 = arith.addf %parallel_loop3A_1277, %parallel_loop3A_1278 : vector<16xf32>
        %parallel_loop3A_1280 = arith.index_cast %parallel_loop3A_1252 : i32 to index
        %parallel_loop3A_1281 = arith.constant 16 : index
        %parallel_loop3A_1282 = tpu.vector_load %arg22[%parallel_loop3A_1280, %parallel_loop3A_1281] {strides = array<i32>} : memref<200x128xf32, #tpu.memory_space<vmem>>, vector<16xf32>,
        tpu.vector_store %arg22[%parallel_loop3A_1280, %parallel_loop3A_1281], %parallel_loop3A_1279 {strides = array<i32>} : memref<200x128xf32, #tpu.memory_space<vmem>>, vector<16xf32>,
        %parallel_loop3A_1283 = arith.addi %parallel_loop3A_1254, %add3A_47 : vector<16xi32>
        %parallel_loop3A_1284 = tpu.vector_load_idx %arg17[%parallel_loop3A_1283] : memref<12288xf32, #tpu.memory_space<vmem>>[vector<16xi32>], vector<16xf32>,
        %parallel_loop3A_1285 = arith.index_cast %parallel_loop3A_1252 : i32 to index
        %parallel_loop3A_1286 = arith.constant 32 : index
        %parallel_loop3A_1287 = tpu.vector_load %arg18[%parallel_loop3A_1285, %parallel_loop3A_1286] {strides = array<i32>} : memref<200x128xf32, #tpu.memory_space<vmem>>, vector<16xf32>,
        %parallel_loop3A_1288 = arith.addf %parallel_loop3A_1284, %parallel_loop3A_1287 : vector<16xf32>
        %parallel_loop3A_1289 = arith.mulf %parallel_loop3A_1255, %get3A_12 : vector<16xf32>
        %parallel_loop3A_1290 = arith.addf %parallel_loop3A_1288, %parallel_loop3A_1289 : vector<16xf32>
        %parallel_loop3A_1291 = arith.mulf %parallel_loop3A_1256, %get3A_28 : vector<16xf32>
        %parallel_loop3A_1292 = arith.addf %parallel_loop3A_1290, %parallel_loop3A_1291 : vector<16xf32>
        %parallel_loop3A_1293 = arith.index_cast %parallel_loop3A_1252 : i32 to index
        %parallel_loop3A_1294 = arith.constant 32 : index
        %parallel_loop3A_1295 = tpu.vector_load %arg22[%parallel_loop3A_1293, %parallel_loop3A_1294] {strides = array<i32>} : memref<200x128xf32, #tpu.memory_space<vmem>>, vector<16xf32>,
        tpu.vector_store %arg22[%parallel_loop3A_1293, %parallel_loop3A_1294], %parallel_loop3A_1292 {strides = array<i32>} : memref<200x128xf32, #tpu.memory_space<vmem>>, vector<16xf32>,
        %parallel_loop3A_1296 = arith.addi %parallel_loop3A_1254, %add3A_50 : vector<16xi32>
        %parallel_loop3A_1297 = tpu.vector_load_idx %arg17[%parallel_loop3A_1296] : memref<12288xf32, #tpu.memory_space<vmem>>[vector<16xi32>], vector<16xf32>,
        %parallel_loop3A_1298 = arith.index_cast %parallel_loop3A_1252 : i32 to index
        %parallel_loop3A_1299 = arith.constant 48 : index
        %parallel_loop3A_1300 = tpu.vector_load %arg18[%parallel_loop3A_1298, %parallel_loop3A_1299] {strides = array<i32>} : memref<200x128xf32, #tpu.memory_space<vmem>>, vector<16xf32>,
        %parallel_loop3A_1301 = arith.addf %parallel_loop3A_1297, %parallel_loop3A_1300 : vector<16xf32>
        %parallel_loop3A_1302 = arith.mulf %parallel_loop3A_1255, %get3A_14 : vector<16xf32>
        %parallel_loop3A_1303 = arith.addf %parallel_loop3A_1301, %parallel_loop3A_1302 : vector<16xf32>
        %parallel_loop3A_1304 = arith.mulf %parallel_loop3A_1256, %get3A_30 : vector<16xf32>
        %parallel_loop3A_1305 = arith.addf %parallel_loop3A_1303, %parallel_loop3A_1304 : vector<16xf32>
        %parallel_loop3A_1306 = arith.index_cast %parallel_loop3A_1252 : i32 to index
        %parallel_loop3A_1307 = arith.constant 48 : index
        %parallel_loop3A_1308 = tpu.vector_load %arg22[%parallel_loop3A_1306, %parallel_loop3A_1307] {strides = array<i32>} : memref<200x128xf32, #tpu.memory_space<vmem>>, vector<16xf32>,
        tpu.vector_store %arg22[%parallel_loop3A_1306, %parallel_loop3A_1307], %parallel_loop3A_1305 {strides = array<i32>} : memref<200x128xf32, #tpu.memory_space<vmem>>, vector<16xf32>,
        %parallel_loop3A_1309 = arith.addi %parallel_loop3A_1254, %add3A_53 : vector<16xi32>
        %parallel_loop3A_1310 = tpu.vector_load_idx %arg17[%parallel_loop3A_1309] : memref<12288xf32, #tpu.memory_space<vmem>>[vector<16xi32>], vector<16xf32>,
        %parallel_loop3A_1311 = arith.index_cast %parallel_loop3A_1252 : i32 to index
        %parallel_loop3A_1312 = arith.constant 64 : index
        %parallel_loop3A_1313 = tpu.vector_load %arg18[%parallel_loop3A_1311, %parallel_loop3A_1312] {strides = array<i32>} : memref<200x128xf32, #tpu.memory_space<vmem>>, vector<16xf32>,
        %parallel_loop3A_1314 = arith.addf %parallel_loop3A_1310, %parallel_loop3A_1313 : vector<16xf32>
        %parallel_loop3A_1315 = arith.mulf %parallel_loop3A_1255, %get3A_16 : vector<16xf32>
        %parallel_loop3A_1316 = arith.addf %parallel_loop3A_1314, %parallel_loop3A_1315 : vector<16xf32>
        %parallel_loop3A_1317 = arith.mulf %parallel_loop3A_1256, %get3A_32 : vector<16xf32>
        %parallel_loop3A_1318 = arith.addf %parallel_loop3A_1316, %parallel_loop3A_1317 : vector<16xf32>
        %parallel_loop3A_1319 = arith.index_cast %parallel_loop3A_1252 : i32 to index
        %parallel_loop3A_1320 = arith.constant 64 : index
        %parallel_loop3A_1321 = tpu.vector_load %arg22[%parallel_loop3A_1319, %parallel_loop3A_1320] {strides = array<i32>} : memref<200x128xf32, #tpu.memory_space<vmem>>, vector<16xf32>,
        tpu.vector_store %arg22[%parallel_loop3A_1319, %parallel_loop3A_1320], %parallel_loop3A_1318 {strides = array<i32>} : memref<200x128xf32, #tpu.memory_space<vmem>>, vector<16xf32>,
        %parallel_loop3A_1322 = arith.addi %parallel_loop3A_1254, %add3A_56 : vector<16xi32>
        %parallel_loop3A_1323 = tpu.vector_load_idx %arg17[%parallel_loop3A_1322] : memref<12288xf32, #tpu.memory_space<vmem>>[vector<16xi32>], vector<16xf32>,
        %parallel_loop3A_1324 = arith.index_cast %parallel_loop3A_1252 : i32 to index
        %parallel_loop3A_1325 = arith.constant 80 : index
        %parallel_loop3A_1326 = tpu.vector_load %arg18[%parallel_loop3A_1324, %parallel_loop3A_1325] {strides = array<i32>} : memref<200x128xf32, #tpu.memory_space<vmem>>, vector<16xf32>,
        %parallel_loop3A_1327 = arith.addf %parallel_loop3A_1323, %parallel_loop3A_1326 : vector<16xf32>
        %parallel_loop3A_1328 = arith.mulf %parallel_loop3A_1255, %get3A_18 : vector<16xf32>
        %parallel_loop3A_1329 = arith.addf %parallel_loop3A_1327, %parallel_loop3A_1328 : vector<16xf32>
        %parallel_loop3A_1330 = arith.mulf %parallel_loop3A_1256, %get3A_34 : vector<16xf32>
        %parallel_loop3A_1331 = arith.addf %parallel_loop3A_1329, %parallel_loop3A_1330 : vector<16xf32>
        %parallel_loop3A_1332 = arith.index_cast %parallel_loop3A_1252 : i32 to index
        %parallel_loop3A_1333 = arith.constant 80 : index
        %parallel_loop3A_1334 = tpu.vector_load %arg22[%parallel_loop3A_1332, %parallel_loop3A_1333] {strides = array<i32>} : memref<200x128xf32, #tpu.memory_space<vmem>>, vector<16xf32>,
        tpu.vector_store %arg22[%parallel_loop3A_1332, %parallel_loop3A_1333], %parallel_loop3A_1331 {strides = array<i32>} : memref<200x128xf32, #tpu.memory_space<vmem>>, vector<16xf32>,
        %parallel_loop3A_1335 = arith.addi %parallel_loop3A_1254, %add3A_59 : vector<16xi32>
        %parallel_loop3A_1336 = tpu.vector_load_idx %arg17[%parallel_loop3A_1335] : memref<12288xf32, #tpu.memory_space<vmem>>[vector<16xi32>], vector<16xf32>,
        %parallel_loop3A_1337 = arith.index_cast %parallel_loop3A_1252 : i32 to index
        %parallel_loop3A_1338 = arith.constant 96 : index
        %parallel_loop3A_1339 = tpu.vector_load %arg18[%parallel_loop3A_1337, %parallel_loop3A_1338] {strides = array<i32>} : memref<200x128xf32, #tpu.memory_space<vmem>>, vector<16xf32>,
        %parallel_loop3A_1340 = arith.addf %parallel_loop3A_1336, %parallel_loop3A_1339 : vector<16xf32>
        %parallel_loop3A_1341 = arith.mulf %parallel_loop3A_1255, %get3A_20 : vector<16xf32>
        %parallel_loop3A_1342 = arith.addf %parallel_loop3A_1340, %parallel_loop3A_1341 : vector<16xf32>
        %parallel_loop3A_1343 = arith.mulf %parallel_loop3A_1256, %get3A_36 : vector<16xf32>
        %parallel_loop3A_1344 = arith.addf %parallel_loop3A_1342, %parallel_loop3A_1343 : vector<16xf32>
        %parallel_loop3A_1345 = arith.index_cast %parallel_loop3A_1252 : i32 to index
        %parallel_loop3A_1346 = arith.constant 96 : index
        %parallel_loop3A_1347 = tpu.vector_load %arg22[%parallel_loop3A_1345, %parallel_loop3A_1346] {strides = array<i32>} : memref<200x128xf32, #tpu.memory_space<vmem>>, vector<16xf32>,
        tpu.vector_store %arg22[%parallel_loop3A_1345, %parallel_loop3A_1346], %parallel_loop3A_1344 {strides = array<i32>} : memref<200x128xf32, #tpu.memory_space<vmem>>, vector<16xf32>,
        %parallel_loop3A_1348 = arith.addi %parallel_loop3A_1254, %add3A_62 : vector<16xi32>
        %parallel_loop3A_1349 = tpu.vector_load_idx %arg17[%parallel_loop3A_1348] : memref<12288xf32, #tpu.memory_space<vmem>>[vector<16xi32>], vector<16xf32>,
        %parallel_loop3A_1350 = arith.index_cast %parallel_loop3A_1252 : i32 to index
        %parallel_loop3A_1351 = arith.constant 112 : index
        %parallel_loop3A_1352 = tpu.vector_load %arg18[%parallel_loop3A_1350, %parallel_loop3A_1351] {strides = array<i32>} : memref<200x128xf32, #tpu.memory_space<vmem>>, vector<16xf32>,
        %parallel_loop3A_1353 = arith.addf %parallel_loop3A_1349, %parallel_loop3A_1352 : vector<16xf32>
        %parallel_loop3A_1354 = arith.mulf %parallel_loop3A_1255, %get3A_22 : vector<16xf32>
        %parallel_loop3A_1355 = arith.addf %parallel_loop3A_1353, %parallel_loop3A_1354 : vector<16xf32>
        %parallel_loop3A_1356 = arith.mulf %parallel_loop3A_1256, %get3A_38 : vector<16xf32>
        %parallel_loop3A_1357 = arith.addf %parallel_loop3A_1355, %parallel_loop3A_1356 : vector<16xf32>
        %parallel_loop3A_1358 = arith.index_cast %parallel_loop3A_1252 : i32 to index
        %parallel_loop3A_1359 = arith.constant 112 : index
        %parallel_loop3A_1360 = tpu.vector_load %arg22[%parallel_loop3A_1358, %parallel_loop3A_1359] {strides = array<i32>} : memref<200x128xf32, #tpu.memory_space<vmem>>, vector<16xf32>,
        tpu.vector_store %arg22[%parallel_loop3A_1358, %parallel_loop3A_1359], %parallel_loop3A_1357 {strides = array<i32>} : memref<200x128xf32, #tpu.memory_space<vmem>>, vector<16xf32>,
      } {sc.loop_unroll_factor = 4 : i64, sc.parallel_access}
      %dma_start3A_1234 = arith.constant 1 : i32
      %dma_start3A_1235 = arith.constant 0 : i32
      %dma_start3A_1236 = arith.constant 0 : i32
      %dma_start3A_1237 = tpu.memref_slice %arg10[%add3A_692, %dma_start3A_1235, %dma_start3A_1236] : memref<4096x200x128xf32, #tpu.memory_space<hbm>> -> memref<1x200x128xf32, #tpu.memory_space<hbm>>
      %dma_start3A_1238 = tpu.memref_squeeze %dma_start3A_1237 : memref<1x200x128xf32, #tpu.memory_space<hbm>> -> memref<200x128xf32, #tpu.memory_space<hbm>>
      %dma_start3A_1239 = tpu.memref_slice %arg27[%dma_start3A_1234] : memref<2x!tpu.dma_semaphore, #tpu.memory_space<semaphore_mem>> -> memref<1x!tpu.dma_semaphore, #tpu.memory_space<semaphore_mem>>
      %dma_start3A_1240 = tpu.memref_squeeze %dma_start3A_1239 : memref<1x!tpu.dma_semaphore, #tpu.memory_space<semaphore_mem>> -> memref<!tpu.dma_semaphore, #tpu.memory_space<semaphore_mem>>
      %dma_start3A_1241 = arith.constant 0 : i32
      %dma_start3A_1242 = arith.constant 0 : i32
      %dma_start3A_1243 = tpu.memref_slice %arg10[%add3A_692, %dma_start3A_1241, %dma_start3A_1242] : memref<4096x200x128xf32, #tpu.memory_space<hbm>> -> memref<1x200x128xf32, #tpu.memory_space<hbm>>
      %dma_start3A_1244 = tpu.memref_squeeze %dma_start3A_1243 : memref<1x200x128xf32, #tpu.memory_space<hbm>> -> memref<200x128xf32, #tpu.memory_space<hbm>>
      tpu.enqueue_dma source(%arg22 : memref<200x128xf32, #tpu.memory_space<vmem>>) target(%dma_start3A_1244 : memref<200x128xf32, #tpu.memory_space<hbm>>) target_semaphore(%dma_start3A_1240 : memref<!tpu.dma_semaphore, #tpu.memory_space<semaphore_mem>>)
      %add3A_1245 = arith.constant 2 : i32
      %add3A_1246 = arith.addi %add3A_691, %add3A_1245 : i32
      %lt3A_1247 = arith.constant 128 : i32
      %lt3A_1248 = arith.cmpi slt, %add3A_1246, %lt3A_1247 : i32
      %convert_element_type3A_1249 = arith.extui %lt3A_1248 : i1 to i32
      %cond3A_1250 = arith.constant 0 : i32
      %cond3A_1251 = arith.cmpi ne, %convert_element_type3A_1249, %cond3A_1250 : i32
      scf.if %cond3A_1251 {
        %add3A_1252 = arith.constant 2 : i32
        %add3A_1253 = arith.addi %add3A_692, %add3A_1252 : i32
        %dma_start3A_1254 = arith.constant 1 : i32
        %dma_start3A_1255 = arith.constant 0 : i32
        %dma_start3A_1256 = tpu.memref_slice %arg20[%dma_start3A_1255] : memref<3328xf32, #tpu.memory_space<vmem>> -> memref<3200xf32, #tpu.memory_space<vmem>>
        %dma_start3A_1257 = arith.constant 0 : i32
        %dma_start3A_1258 = tpu.memref_slice %arg2[%add3A_1253, %dma_start3A_1257] : memref<4096x3200xf32, #tpu.memory_space<hbm>> -> memref<1x3200xf32, #tpu.memory_space<hbm>>
        %dma_start3A_1259 = tpu.memref_squeeze %dma_start3A_1258 : memref<1x3200xf32, #tpu.memory_space<hbm>> -> memref<3200xf32, #tpu.memory_space<hbm>>
        %dma_start3A_1260 = tpu.memref_slice %arg26[%dma_start3A_1254] : memref<2x!tpu.dma_semaphore, #tpu.memory_space<semaphore_mem>> -> memref<1x!tpu.dma_semaphore, #tpu.memory_space<semaphore_mem>>
        %dma_start3A_1261 = tpu.memref_squeeze %dma_start3A_1260 : memref<1x!tpu.dma_semaphore, #tpu.memory_space<semaphore_mem>> -> memref<!tpu.dma_semaphore, #tpu.memory_space<semaphore_mem>>
        %dma_start3A_1262 = arith.constant 0 : i32
        %dma_start3A_1263 = tpu.memref_slice %arg20[%dma_start3A_1262] : memref<3328xf32, #tpu.memory_space<vmem>> -> memref<3200xf32, #tpu.memory_space<vmem>>
        %dma_start3A_1264 = arith.constant 0 : i32
        %dma_start3A_1265 = tpu.memref_slice %arg2[%add3A_1253, %dma_start3A_1264] : memref<4096x3200xf32, #tpu.memory_space<hbm>> -> memref<1x3200xf32, #tpu.memory_space<hbm>>
        %dma_start3A_1266 = tpu.memref_squeeze %dma_start3A_1265 : memref<1x3200xf32, #tpu.memory_space<hbm>> -> memref<3200xf32, #tpu.memory_space<hbm>>
        tpu.enqueue_dma source(%dma_start3A_1266 : memref<3200xf32, #tpu.memory_space<hbm>>) target(%dma_start3A_1263 : memref<3200xf32, #tpu.memory_space<vmem>>) target_semaphore(%dma_start3A_1261 : memref<!tpu.dma_semaphore, #tpu.memory_space<semaphore_mem>>)
      } else {
      }
    }
    %scan3A_97 = arith.constant 64 : i32
    %add3A_98 = arith.constant 128 : i32
    %add3A_99 = arith.addi %mul3A_2, %add3A_98 : i32
    %sub3A = arith.constant 2 : i32
    %sub3A_100 = arith.subi %add3A_99, %sub3A : i32
    %add3A_101 = arith.constant 0 : i32
    %add3A_102 = arith.addi %sub3A_100, %add3A_101 : i32
    %dma_wait3A = arith.constant 0 : i32
    %dma_wait3A_103 = arith.constant 0 : i32
    %dma_wait3A_104 = arith.constant 0 : i32
    %dma_wait3A_105 = tpu.memref_slice %arg10[%add3A_102, %dma_wait3A_103, %dma_wait3A_104] : memref<4096x200x128xf32, #tpu.memory_space<hbm>> -> memref<1x200x128xf32, #tpu.memory_space<hbm>>
    %dma_wait3A_106 = tpu.memref_squeeze %dma_wait3A_105 : memref<1x200x128xf32, #tpu.memory_space<hbm>> -> memref<200x128xf32, #tpu.memory_space<hbm>>
    %dma_wait3A_107 = tpu.memref_slice %arg27[%dma_wait3A] : memref<2x!tpu.dma_semaphore, #tpu.memory_space<semaphore_mem>> -> memref<1x!tpu.dma_semaphore, #tpu.memory_space<semaphore_mem>>
    %dma_wait3A_108 = tpu.memref_squeeze %dma_wait3A_107 : memref<1x!tpu.dma_semaphore, #tpu.memory_space<semaphore_mem>> -> memref<!tpu.dma_semaphore, #tpu.memory_space<semaphore_mem>>
    %dma_wait3A_109 = arith.constant 0 : i32
    %dma_wait3A_110 = arith.constant 0 : i32
    %dma_wait3A_111 = tpu.memref_slice %arg10[%add3A_102, %dma_wait3A_109, %dma_wait3A_110] : memref<4096x200x128xf32, #tpu.memory_space<hbm>> -> memref<1x200x128xf32, #tpu.memory_space<hbm>>
    %dma_wait3A_112 = tpu.memref_squeeze %dma_wait3A_111 : memref<1x200x128xf32, #tpu.memory_space<hbm>> -> memref<200x128xf32, #tpu.memory_space<hbm>>
    tpu.wait_dma2 semaphore(%dma_wait3A_108 : memref<!tpu.dma_semaphore, #tpu.memory_space<semaphore_mem>>) src(%arg21 : memref<200x128xf32, #tpu.memory_space<vmem>>) dst(%dma_wait3A_112 : memref<200x128xf32, #tpu.memory_space<hbm>>)
    %add3A_113 = arith.constant 128 : i32
    %add3A_114 = arith.addi %mul3A_2, %add3A_113 : i32
    %sub3A_115 = arith.constant 2 : i32
    %sub3A_116 = arith.subi %add3A_114, %sub3A_115 : i32
    %add3A_117 = arith.constant 1 : i32
    %add3A_118 = arith.addi %sub3A_116, %add3A_117 : i32
    %dma_wait3A_119 = arith.constant 1 : i32
    %dma_wait3A_120 = arith.constant 0 : i32
    %dma_wait3A_121 = arith.constant 0 : i32
    %dma_wait3A_122 = tpu.memref_slice %arg10[%add3A_118, %dma_wait3A_120, %dma_wait3A_121] : memref<4096x200x128xf32, #tpu.memory_space<hbm>> -> memref<1x200x128xf32, #tpu.memory_space<hbm>>
    %dma_wait3A_123 = tpu.memref_squeeze %dma_wait3A_122 : memref<1x200x128xf32, #tpu.memory_space<hbm>> -> memref<200x128xf32, #tpu.memory_space<hbm>>
    %dma_wait3A_124 = tpu.memref_slice %arg27[%dma_wait3A_119] : memref<2x!tpu.dma_semaphore, #tpu.memory_space<semaphore_mem>> -> memref<1x!tpu.dma_semaphore, #tpu.memory_space<semaphore_mem>>
    %dma_wait3A_125 = tpu.memref_squeeze %dma_wait3A_124 : memref<1x!tpu.dma_semaphore, #tpu.memory_space<semaphore_mem>> -> memref<!tpu.dma_semaphore, #tpu.memory_space<semaphore_mem>>
    %dma_wait3A_126 = arith.constant 0 : i32
    %dma_wait3A_127 = arith.constant 0 : i32
    %dma_wait3A_128 = tpu.memref_slice %arg10[%add3A_118, %dma_wait3A_126, %dma_wait3A_127] : memref<4096x200x128xf32, #tpu.memory_space<hbm>> -> memref<1x200x128xf32, #tpu.memory_space<hbm>>
    %dma_wait3A_129 = tpu.memref_squeeze %dma_wait3A_128 : memref<1x200x128xf32, #tpu.memory_space<hbm>> -> memref<200x128xf32, #tpu.memory_space<hbm>>
    tpu.wait_dma2 semaphore(%dma_wait3A_125 : memref<!tpu.dma_semaphore, #tpu.memory_space<semaphore_mem>>) src(%arg22 : memref<200x128xf32, #tpu.memory_space<vmem>>) dst(%dma_wait3A_129 : memref<200x128xf32, #tpu.memory_space<hbm>>)
    return
  }
}

</mosaic_0001>

<sc_bundles>
// kernel: kernel.3.cloned.1.call-start
scs
__scs_entry_jumppad:
0x0: {  	(pc) =	sbr.rel $0x88, $3  }
0x1: {  	(tag) =	ssettag $0x0;
	lr =	simm.s32 $0x1  }
0x2: {  	[smem:$0x3F9A] =	sst lr;
	_ =	strace $0xD0000000  }
0x3: {  	_ = 	snop  }
0x4: {  	_ = 	snop  }
0x5: {  	_ = 	snop  }
0x6: {  	_ = 	snop  }
0x7: {  	_ = 	snop  }
__scs_overlays_trampoline_lowered:
0x8: {  	[smem:$0x3FA9] =	sst s0  }
0x9: {  	[smem:$0x3FAA] =	sst s1  }
0xa: {  	[smem:$0x3FAB] =	sst s2  }
0xb: {  	[smem:$0x3FAC] =	sst s3  }
0xc: {  	[smem:$0x3FAD] =	sst s4  }
0xd: {  	[smem:$0x3FAE] =	sst s5  }
0xe: {  	[smem:$0x3FAF] =	sst s6  }
0xf: {  	[smem:$0x3FB0] =	sst s7  }
0x10: {  	[smem:$0x3FB1] =	sst s8  }
0x11: {  	[smem:$0x3FB2] =	sst s9;
	s0 =	simm.s32 @!p0 $0x0  }
0x12: {  	s1 =	sld [smem:$0x3F98];
	s0 =	simm.s32 @p0 $0x1  }
0x13: {  	[smem:$0x3FB3] =	sst s0;
	s0 =	simm.s32 @!p1 $0x0  }
0x14: {  	s2 =	sld [smem:$0x3F97];
	s0 =	simm.s32 @p1 $0x1  }
0x15: {  	[smem:$0x3FB4] =	sst s0;
	s0 =	simm.s32 @!p2 $0x0  }
0x16: {  	s3 =	sld [smem:$0x3FDB];
	s0 =	simm.s32 @p2 $0x1  }
0x17: {  	s4 =	simm.s32 $0x1BF5;
	[smem:$0x3FB6] =	sst s0  }
0x18: {  	s0 =	sld [smem:$0x3F99];
	_ =	swait.ge [sflag:s4], $0x0  }
0x19: {  	s7 =	sld [smem:$0x3F9A]  }
0x1a: {  	s8 =	sadd.s32 $0xFFFFE003, lr  }
0x1b: {  	s9 =	sadd.s32 $0xFFFFFEF7, lr;
	s5 =	simm.s32 $0xFFFFFFFF;
	p2 =	slt.u32 s8, $0xFFFFF086  }
0x1c: {  	p1 =	slt.u32 s9, $0xF7A;
	s5 =	simm.s32 @!p2 $0x0  }
0x1d: {  	s5 =	simm.s32 @p1 $0x1;
	p0 =	seq.s32 s7, s2  }
0x1e: {  	s7 =	smul.u32 @!p0 $0xF7A, s2;
	p2 =	seq.s32 @!p0 s5, $0x0  }
0x1f: {  	s9 =	smul.u32 $0xF7A, s1;
	s8 =	simm.s32 @!p0 $0x1BF5;
	p2 =	por !p2, p0  }
0x20: {  	[sflag:s8] =	ssyncset.s32 @!p0 $0xFFFFF086;
	s6 =	sadd.s32 @!p0 s3, s7;
	s7 =	simm.s32 @!p0 $0x108  }
0x21: {  	s3 =	sadd.s32 s3, s9;
	s6 =	sadd.s32 @!p0 $0x88, s6;
	s7 =	simm.s32 @p2 $0x1082  }
0x22: {  	[simem:s7], [sflag:s8] =	dma.local @!p0 [hbm:s6], $0xF7A  }
0x23: {  	s9 =	sor.u32 $0xD0000000, s2;
	s6 =	simm.s32 $0x108;
	_ =	swait.ge @!p0 [sflag:s8], $0x0  }
0x24: {  	s3 =	sadd.s32 $0x88, s3;
	s6 =	simm.s32 @!p1 $0x1082;
	[sflag:s4] =	ssyncset.s32 $0xFFFFF086  }
0x25: {  	[simem:s6], [sflag:s4] =	dma.local [hbm:s3], $0xF7A  }
0x26: {  	[smem:$0x3F9A] =	sst s1;
	(tag) =	ssettag s2;
	_ =	strace s9  }
0x27: {  	s1 =	sld [smem:$0x3FAA]  }
0x28: {  	s2 =	sld [smem:$0x3FAB]  }
0x29: {  	s4 =	sld [smem:$0x3FAD]  }
0x2a: {  	p0 =	seq.s32 s5, $0x0;
	s5 =	sld [smem:$0x3FAE]  }
0x2b: {  	s6 =	sld [smem:$0x3FAF]  }
0x2c: {  	s7 =	sld [smem:$0x3FB0]  }
0x2d: {  	s3 =	simm.s32 $0x108;
	s8 =	sld [smem:$0x3FB1]  }
0x2e: {  	s3 =	simm.s32 @!p0 $0x1082;
	s9 =	sld [smem:$0x3FB2]  }
0x2f: {  	lr =	sadd.s32 s0, s3;
	s0 =	sld [smem:$0x3FA9]  }
0x30: {  	s3 =	sld [smem:$0x3FAC]  }
0x31: {  	[smem:$0x3FB5] =	sst s10  }
0x32: {  	s10 =	sld [smem:$0x3FB3];
	_ =	sdelay $0x3  }
0x33: {  	p0 =	seq.s32 s10, $0x1;
	s10 =	sld [smem:$0x3FB5];
	_ =	sdelay $0x3  }
0x34: {  	[smem:$0x3FB5] =	sst s10  }
0x35: {  	s10 =	sld [smem:$0x3FB4];
	_ =	sdelay $0x3  }
0x36: {  	p1 =	seq.s32 s10, $0x1;
	s10 =	sld [smem:$0x3FB5];
	_ =	sdelay $0x3  }
0x37: {  	[smem:$0x3FB5] =	sst s10  }
0x38: {  	s10 =	sld [smem:$0x3FB6]  }
0x39: {  	_ = 	snop;
	(pc) =	sbr.ind lr, $3  }
0x3a: {  	_ = 	snop  }
0x3b: {  	_ = 	snop  }
0x3c: {  	p2 =	seq.s32 s10, $0x1;
	s10 =	sld [smem:$0x3FB5]  }
0x3d: {  	_ =	shalt  }
0x3e: {  	_ =	shalt  }
0x3f: {  	_ =	shalt  }
0x40: {  	_ =	shalt  }
0x41: {  	_ =	shalt  }
0x42: {  	_ =	shalt  }
0x43: {  	_ =	shalt  }
0x44: {  	_ =	shalt  }
0x45: {  	_ =	shalt  }
0x46: {  	_ =	shalt  }
0x47: {  	_ =	shalt  }
0x48: {  	_ =	shalt  }
0x49: {  	_ =	shalt  }
0x4a: {  	_ =	shalt  }
0x4b: {  	_ =	shalt  }
0x4c: {  	_ =	shalt  }
0x4d: {  	_ =	shalt  }
0x4e: {  	_ =	shalt  }
0x4f: {  	_ =	shalt  }
0x50: {  	_ =	shalt  }
0x51: {  	_ =	shalt  }
0x52: {  	_ =	shalt  }
0x53: {  	_ =	shalt  }
0x54: {  	_ =	shalt  }
0x55: {  	_ =	shalt  }
0x56: {  	_ =	shalt  }
0x57: {  	_ =	shalt  }
0x58: {  	_ =	shalt  }
0x59: {  	_ =	shalt  }
0x5a: {  	_ =	shalt  }
0x5b: {  	_ =	shalt  }
0x5c: {  	_ =	shalt  }
0x5d: {  	_ =	shalt  }
0x5e: {  	_ =	shalt  }
0x5f: {  	_ =	shalt  }
0x60: {  	_ =	shalt  }
0x61: {  	_ =	shalt  }
0x62: {  	_ =	shalt  }
0x63: {  	_ =	shalt  }
0x64: {  	_ =	shalt  }
0x65: {  	_ =	shalt  }
0x66: {  	_ =	shalt  }
0x67: {  	_ =	shalt  }
0x68: {  	_ =	shalt  }
0x69: {  	_ =	shalt  }
0x6a: {  	_ =	shalt  }
0x6b: {  	_ =	shalt  }
0x6c: {  	_ =	shalt  }
0x6d: {  	_ =	shalt  }
0x6e: {  	_ =	shalt  }
0x6f: {  	_ =	shalt  }
0x70: {  	_ =	shalt  }
0x71: {  	_ =	shalt  }
0x72: {  	_ =	shalt  }
0x73: {  	_ =	shalt  }
0x74: {  	_ =	shalt  }
0x75: {  	_ =	shalt  }
0x76: {  	_ =	shalt  }
0x77: {  	_ =	shalt  }
0x78: {  	_ =	shalt  }
0x79: {  	_ =	shalt  }
0x7a: {  	_ =	shalt  }
0x7b: {  	_ =	shalt  }
0x7c: {  	_ =	shalt  }
0x7d: {  	_ =	shalt  }
0x7e: {  	_ =	shalt  }
0x7f: {  	_ =	shalt  }
0x80: {  	_ =	shalt  }
0x81: {  	_ =	shalt  }
0x82: {  	_ =	shalt  }
0x83: {  	_ =	shalt  }
0x84: {  	_ =	shalt  }
0x85: {  	_ =	shalt  }
0x86: {  	_ =	shalt  }
0x87: {  	_ =	shalt  }
.Lfunc_end0:
.L_simem_size_0:
called_computation_lowered:
.L_overlay_start_0:
0x88: {  	s2 =	sld [smem:$0x3FD9]  }
0x89: {  	s3 =	sld [smem:$0x3FFE];
	_ =	sdelay $0x1  }
0x8a: {  	s1 =	srdreg.scid  }
0x8b: {  	s0 =	sand.u32 $0x1, s1  }
0x8c: {  	s17 =	sshll.u32 s0, $0xA;
	s2 =	sadd.s32 s3, s2  }
0x8d: {  	s2 =	sadd.s32 s2, s17  }
0x8e: {  	[smem:$0x3FC1] =	sst s2  }
0x8f: {  	_ = 	snop  }
0x90: {  	s2 =	sld [smem:$0x3FC8]  }
0x91: {  	s18 =	sld [smem:$0x3FC7]  }
0x92: {  	s4 =	sld [smem:$0x3FC6]  }
0x93: {  	s5 =	sld [smem:$0x3FC5]  }
0x94: {  	s6 =	sld [smem:$0x3FC4]  }
0x95: {  	s7 =	sld [smem:$0x3FC3]  }
0x96: {  	s8 =	sld [smem:$0x3FD0];
	(tm) =	ssettm $0x1  }
0x97: {  	s9 =	sld [smem:$0x3FFB];
	_ =	sdelay $0x3  }
0x98: {  	_ =	strace s9  }
0x99: {  	s9 =	sld [smem:$0x3FFC];
	_ =	sdelay $0x3  }
0x9a: {  	_ =	strace s9  }
0x9b: {  	s9 =	sld [smem:$0x3FFD];
	_ =	sdelay $0x3  }
0x9c: {  	_ =	strace s9  }
0x9d: {  	_ =	strace $0x8FFFFFFF  }
0x9e: {  	s19 =	sld [smem:$0x3FDB];
	_ =	sdelay $0x1  }
0x9f: {  	s10 =	simm.s32 $_scs_section_size  }
0xa0: {  	s11 =	simm.s32 $_size__tile_overlayer_lowered;
	s12 =	simm.s32 $_tile_overlayer_lowered  }
0xa1: {  	s22 =	simm.s32 $0x1BFF;
	s21 =	sshll.u32 s12, $0x1;
	s9 =	sadd.s32 s10, s19  }
0xa2: {  	s13 =	simm.s32 $0x0;
	s20 =	sshll.u32 s11, $0x1;
	s11 =	sadd.s32 s21, s9  }
0xa3: {  	[timem:s13], [sflag:s22] =	dma.local [hbm:s11], s20  }
0xa4: {  	_ =	swait.ge [sflag:s22], s20  }
0xa5: {  	s10 =	ssub.s32 $0x0, s20;
	[sflag:s22] =	ssyncset.done $0x0  }
0xa6: {  	[sflag:s22] =	ssyncadd.s32 s10;
	_ =	sdelay $0x1  }
0xa7: {  	s23 =	simm.s32 $0x1B8B  }
0xa8: {  	_ =	swait.ge [sflag:s23], $0x1  }
0xa9: {  	[sflag:s23] =	ssyncset.done $0x0  }
0xaa: {  	s25 =	simm.s32 $0x1B8E;
	s24 =	sld [smem:$0x3FFE];
	[sflag:s23] =	ssyncadd.s32 $0xFFFFFFFF  }
0xab: {  	s26 =	simm.s32 $execute0_lowered;
	[smem:$0x3FD2] =	sst s25  }
0xac: {  	s11 =	sshll.u32 s26, $0x1;
	_ =	strace $0x80000046;
	[dreg:$0x1] =	wrdreg $0xFFFFFFFF  }
0xad: {  	s28 =	simm.s32 $_size_execute0_lowered;
	s9 =	sadd.s32 s9, s11;
	[dreg:$0x0] =	wrdreg $0x0  }
0xae: {  	s11 =	sshll.u32 s28, $0x1;
	[dreg:$0x2] =	wrdreg s9  }
0xaf: {  	[dreg:$0x3] =	wrdreg s11  }
0xb0: {  	[dreg:$0x4] =	wrdreg $0xC0  }
0xb1: {  	_ =	task [dreg:s13], $0x5FFFF  }
0xb2: {  	[dreg:$0x1] =	wrdreg $0xFFFFFFFF  }
0xb3: {  	[dreg:$0x0] =	wrdreg $0x60  }
0xb4: {  	[dreg:$0x2] =	wrdreg s24  }
0xb5: {  	[dreg:$0x3] =	wrdreg s2  }
0xb6: {  	[dreg:$0x4] =	wrdreg s18  }
0xb7: {  	[dreg:$0x5] =	wrdreg s4  }
0xb8: {  	[dreg:$0x6] =	wrdreg s6  }
0xb9: {  	[dreg:$0x7] =	wrdreg s5  }
0xba: {  	[dreg:$0x8] =	wrdreg s7  }
0xbb: {  	[dreg:$0x9] =	wrdreg s8  }
0xbc: {  	[dreg:$0xa] =	wrdreg $0x9  }
0xbd: {  	_ =	task.clear_ibuf [dreg:s13], $0xBFFFF;
	_ =	strace $0x90000046  }
0xbe: {  	s29 =	simm.s32 $0x9;
	_ =	strace $0x80000048  }
0xbf: {  	_ =	swait.ge [sflag:s29], $0x1  }
0xc0: {  	[sflag:s29] =	ssyncadd.s32 $0xFFFFFFFF  }
0xc1: {  	_ =	strace $0x90000048  }
0xc2: {  	_ =	sfence  }
0xc3: {  	s30 =	sld [smem:$0x0];
	_ =	sdelay $0x2  }
0xc4: {  	s31 =	sshll.u32 s1, $0xD;
	s1 =	sshrl.u32 s1, $0x2  }
0xc5: {  	s3 =	sand.u32 $0x4000, s31;
	s1 =	sadd.s32 s1, s30  }
0xc6: {  	s0 =	sor.u32 s3, s0;
	s1 =	sshll.u32 s1, $0x11  }
0xc7: {  	s0 =	sor.u32 s1, s0  }
0xc8: {  	s0 =	sadd.s32 $0x8F2B, s0  }
0xc9: {  	[sflag:s0] =	ssyncadd.remote.s32 $0x1  }
0xca: {  	_ =	sfence.sel $0xFFFF  }
0xcb: {  	[dreg:$0x0] =	wrdreg $0xFFFFFFFF;
	(pc) =	sbr.abs _section_cstart, $3  }
0xcc: {  	[dreg:$0x1] =	wrdreg $0xFFFFFFFF  }
0xcd: {  	_ =	task.clear_ibuf [dreg:s13], $0x2FFFF;
	_ =	strace $0x9FFFFFFF  }
0xce: {  	(tm) =	ssettm $0x7FFFFFFF  }
0xcf: {  	_ =	shalt  }
tec
execute0_lowered:
.L_overlay_start_1:
0x0: {  	(tag) =	ssettag $0x1  }
0x1: {  	v0 =	vlaneseq.u32  }
0x2: {  	v7 =	vmul.u32 $0x10, v0;
	_ =	sdelay $0x1  }
0x3: {  	s0 =	rddreg [dreg:$0x0];
	s10 =	simm.s32 $0x0;
	v0 =	vor.u32 $0x106, v7  }
0x4: {  	[smem:$0x7FF] =	sst s10;
	v34 =	vor.u32 $0x200, v7;
	[tilespmem:$0x1FD80] =	vst v0  }
0x5: {  	s4 =	rddreg [dreg:$0x7];
	v35 =	vor.u32 $0x201, v7;
	_ =	strace $0x80000047;
	[tilespmem:$0x1FD90] =	vst v34  }
0x6: {  	v36 =	vor.u32 $0x204, v7;
	[tilespmem:$0x1FDA0] =	vst v35  }
0x7: {  	v37 =	vor.u32 $0x205, v7;
	[tilespmem:$0x1FDB0] =	vst v36  }
0x8: {  	v38 =	vor.u32 $0x206, v7;
	[tilespmem:$0x1FDC0] =	vst v37  }
0x9: {  	v39 =	vor.u32 $0x300, v7;
	[tilespmem:$0x1FDD0] =	vst v38  }
0xa: {  	v40 =	vor.u32 $0x301, v7;
	[tilespmem:$0x1FDE0] =	vst v39  }
0xb: {  	v41 =	vor.u32 $0x304, v7;
	[tilespmem:$0x1FDF0] =	vst v40  }
0xc: {  	v42 =	vor.u32 $0x305, v7;
	[tilespmem:$0x1FE00] =	vst v41  }
0xd: {  	v43 =	vor.u32 $0x306, v7;
	[tilespmem:$0x1FE10] =	vst v42  }
0xe: {  	v44 =	vor.u32 $0x400, v7;
	[tilespmem:$0x1FE20] =	vst v43  }
0xf: {  	v45 =	vor.u32 $0x401, v7;
	[tilespmem:$0x1FE30] =	vst v44  }
0x10: {  	v46 =	vor.u32 $0x404, v7;
	[tilespmem:$0x1FE40] =	vst v45  }
0x11: {  	v47 =	vor.u32 $0x405, v7;
	[tilespmem:$0x1FE50] =	vst v46  }
0x12: {  	v48 =	vor.u32 $0x406, v7;
	[tilespmem:$0x1FE60] =	vst v47  }
0x13: {  	v49 =	vor.u32 $0x500, v7;
	[tilespmem:$0x1FE70] =	vst v48  }
0x14: {  	v50 =	vor.u32 $0x501, v7;
	[tilespmem:$0x1FE80] =	vst v49  }
0x15: {  	v51 =	vor.u32 $0x504, v7;
	[tilespmem:$0x1FE90] =	vst v50  }
0x16: {  	v52 =	vor.u32 $0x505, v7;
	[tilespmem:$0x1FEA0] =	vst v51  }
0x17: {  	v53 =	vor.u32 $0x506, v7;
	[tilespmem:$0x1FEB0] =	vst v52  }
0x18: {  	v54 =	vor.u32 $0x600, v7;
	[tilespmem:$0x1FEC0] =	vst v53  }
0x19: {  	v55 =	vor.u32 $0x601, v7;
	[tilespmem:$0x1FED0] =	vst v54  }
0x1a: {  	v56 =	vor.u32 $0x604, v7;
	[tilespmem:$0x1FEE0] =	vst v55  }
0x1b: {  	v57 =	vor.u32 $0x605, v7;
	[tilespmem:$0x1FEF0] =	vst v56  }
0x1c: {  	v58 =	vor.u32 $0x606, v7;
	[tilespmem:$0x1FF00] =	vst v57  }
0x1d: {  	v59 =	vor.u32 $0x700, v7;
	[tilespmem:$0x1FF10] =	vst v58  }
0x1e: {  	v60 =	vor.u32 $0x701, v7;
	[tilespmem:$0x1FF20] =	vst v59  }
0x1f: {  	v61 =	vor.u32 $0x704, v7;
	[tilespmem:$0x1FF30] =	vst v60  }
0x20: {  	s1 =	srdreg.scid;
	s2 =	stileid.u32;
	s28 =	simm.s32 $0xB100;
	v62 =	vor.u32 $0x705, v7;
	[tilespmem:$0x1FF40] =	vst v61  }
0x21: {  	s29 =	simm.s32 $0x1;
	s30 =	simm.s32 $0x18600;
	s31 =	simm.s32 $0x18700;
	v63 =	vor.u32 $0x706, v7;
	[tilespmem:$0x1FF50] =	vst v62  }
0x22: {  	s7 =	simm.s32 $0x18800;
	s6 =	simm.s32 $0x0;
	s1 =	sand.u32 $0x1, s1;
	[tilespmem:$0x1FF60] =	vst v63  }
0x23: {  	s2 =	sshll.u32 s2, $0x8;
	s11 =	sadd.s32 $0x190600, s0;
	s3 =	sshll.u32 s1, $0x7;
	v6 =	vor.u32 $0x1, v7;
	[tilespmem:$0x1FF70] =	vst v7  }
0x24: {  	s0 =	sadd.s32 $0x600, s0;
	s16 =	sadd.s32 $0xC80, s4;
	s8 =	sor.u32 s3, s2;
	v13 =	vor.u32 $0x4, v7;
	[tilespmem:$0x1FF80] =	vst v6  }
0x25: {  	s4 =	simm.s32 $0x12200;
	s1 =	ssub.s32 $0x2, s1;
	v12 =	vor.u32 $0x5, v7;
	s2 =	sshrl.u32 s8, $0x3;
	[tilespmem:$0x1FF90] =	vst v13  }
0x26: {  	v14 =	vor.u32 $0x6, v7;
	s24 =	sshrl.u32 s1, $0x1;
	s3 =	simm.s32 $0x4;
	s2 =	smul.u32 $0xC80, s2;
	[tilespmem:$0x1FFA0] =	vst v12  }
.Ltmp0:
0x27: {  	v8 =	vor.u32 $0x100, v7;
	s25 =	ssub.s32 s1, s24;
	s24 =	simm.s32 $0x80;
	[tilespmem:$0x1FFB0] =	vst v14;
	(pc) =	sbr.rel .LBB2_1-.Ltmp0, $4  }
0x28: {  	v9 =	vor.u32 $0x101, v7;
	s1 =	simm.s32 $0x1000;
	[dreg:$0xa] =	wrdreg s0;
	s0 =	smax.u32 s25, $0x1;
	[tilespmem:$0x1FFC0] =	vst v8  }
0x29: {  	v10 =	vor.u32 $0x104, v7;
	s25 =	simm.s32 $0x400;
	[tilespmem:$0x1FFD0] =	vst v9;
	[dreg:$0xc] =	wrdreg s0;
	s2 =	sadd.s32 s11, s2  }
0x2a: {  	v11 =	vor.u32 $0x105, v7;
	[tilespmem:$0x1FFE0] =	vst v10;
	s0 =	simm.s32 $0xBE00;
	[dreg:$0x9] =	wrdreg s2;
	s26 =	sadd.s32 $0x10, s2  }
0x2b: {  	[tilespmem:$0x1FFF0] =	vst v11;
	s2 =	simm.s32 $0x2;
	[dreg:$0xb] =	wrdreg s26;
	s26 =	simm.s32 $0xA400  }
.LBB2_14:
0x2c: {  	s5 =	simm.s32 $0x3  }
0x2d: {  	_ =	swait.ge [sflag:s5], $0x6400  }
0x2e: {  	[sflag:s5] =	ssyncset.done $0x0  }
0x2f: {  	[sflag:s5] =	ssyncadd.s32 $0xFFFF9C00  }
0x30: {  	_ =	swait.ge [sflag:s3], $0x6400  }
0x31: {  	v7 =	vld [tilespmem:$0x1FF70]  }
0x32: {  	s6 =	rddreg [dreg:$0xd];
	v8 =	vld [tilespmem:$0x1FFC0]  }
0x33: {  	s23 =	rddreg [dreg:$0xc];
	v9 =	vld [tilespmem:$0x1FFD0];
	s6 =	sadd.s32 $0x1, s6  }
0x34: {  	v10 =	vld [tilespmem:$0x1FFE0];
	p0 =	sne.s32 s6, s23  }
.Ltmp1:
0x35: {  	v11 =	vld [tilespmem:$0x1FFF0];
	(pc) =	sbr.rel @!p0 .LBB2_15-.Ltmp1, $4  }
0x36: {  	v6 =	vld [tilespmem:$0x1FF80]  }
0x37: {  	v12 =	vld [tilespmem:$0x1FFA0]  }
0x38: {  	[sflag:s3] =	ssyncset.done $0x0;
	v13 =	vld [tilespmem:$0x1FF90]  }
0x39: {  	v14 =	vld [tilespmem:$0x1FFB0];
	[sflag:s3] =	ssyncadd.s32 $0xFFFF9C00  }
.LBB2_1:
0x3a: {  	[dreg:$0xd] =	wrdreg s6  }
0x3b: {  	s5 =	rddreg [dreg:$0x1];
	s6 =	simm.s32 $0x5  }
0x3c: {  	[tilespmem:s10], [sflag:$0x5] =	stream.linear.gather [hbm4b:s5+s10], $0xC00, $0x38;
	[tilespmem:$0x18900] =	vst v63  }
0x3d: {  	_ =	swait.ge [sflag:s6], $0xC00  }
0x3e: {  	[sflag:s6] =	ssyncset.done $0x0  }
0x3f: {  	[sflag:s6] =	ssyncadd.s32 $0xFFFFF400  }
0x40: {  	s9 =	simm.s32 $0xC00;
	s23 =	rddreg [dreg:$0x2]  }
0x41: {  	[tilespmem:s9], [sflag:$0x5] =	stream.linear.gather [hbm4b:s23+s10], $0x200, $0x38;
	[tilespmem:$0x18900] =	vst v63  }
0x42: {  	_ =	swait.ge [sflag:s6], $0x200  }
0x43: {  	[sflag:s6] =	ssyncset.done $0x0  }
0x44: {  	[sflag:s6] =	ssyncadd.s32 $0xFFFFFE00  }
0x45: {  	s13 =	simm.s32 $0xE00;
	s12 =	rddreg [dreg:$0x3]  }
0x46: {  	[tilespmem:s13], [sflag:$0x5] =	stream.linear.gather [hbm4b:s12+s10], $0x80, $0x38;
	[tilespmem:$0x18900] =	vst v63  }
0x47: {  	_ =	swait.ge [sflag:s6], $0x80  }
0x48: {  	[sflag:s6] =	ssyncset.done $0x0  }
0x49: {  	[sflag:s6] =	ssyncadd.s32 $0xFFFFFF80  }
0x4a: {  	s15 =	simm.s32 $0xE80;
	s14 =	rddreg [dreg:$0x4]  }
0x4b: {  	[tilespmem:s15], [sflag:$0x5] =	stream.linear.gather [hbm4b:s14+s10], $0x80, $0x38;
	[tilespmem:$0x18900] =	vst v63  }
0x4c: {  	_ =	swait.ge [sflag:s6], $0x80  }
0x4d: {  	[sflag:s6] =	ssyncset.done $0x0  }
0x4e: {  	[sflag:s6] =	ssyncadd.s32 $0xFFFFFF80  }
0x4f: {  	s18 =	simm.s32 $0xF00;
	s17 =	rddreg [dreg:$0x5]  }
0x50: {  	[tilespmem:s18], [sflag:$0x5] =	stream.linear.gather [hbm4b:s17+s10], $0x80, $0x38;
	[tilespmem:$0x18900] =	vst v63  }
0x51: {  	_ =	swait.ge [sflag:s6], $0x80  }
0x52: {  	[sflag:s6] =	ssyncset.done $0x0  }
0x53: {  	[sflag:s6] =	ssyncadd.s32 $0xFFFFFF80  }
0x54: {  	s20 =	simm.s32 $0xF80;
	s19 =	rddreg [dreg:$0x6]  }
0x55: {  	[tilespmem:s20], [sflag:$0x5] =	stream.linear.gather [hbm4b:s19+s10], $0x80, $0x38;
	[tilespmem:$0x18900] =	vst v63  }
0x56: {  	_ =	swait.ge [sflag:s6], $0x80  }
0x57: {  	[sflag:s6] =	ssyncset.done $0x0  }
0x58: {  	s22 =	simm.s32 $0x4000;
	s21 =	rddreg [dreg:$0xa];
	[sflag:s6] =	ssyncadd.s32 $0xFFFFFF80  }
0x59: {  	[tilespmem:s22], [sflag:$0x5] =	stream.linear.gather [hbm4b:s21+s10], $0x6400, $0x38;
	[tilespmem:$0x18900] =	vst v63  }
0x5a: {  	_ =	swait.ge [sflag:s6], $0x6400  }
0x5b: {  	[sflag:s6] =	ssyncset.done $0x0  }
0x5c: {  	[sflag:s6] =	ssyncadd.s32 $0xFFFF9C00  }
0x5d: {  	s23 =	simm.s32 $0x0;
	v2 =	vld [tilespmem:$0xF00]  }
0x5e: {  	s12 =	sand.u32 $0x1FFFFF80, s23;
	v3 =	vld [tilespmem:$0xF80]  }
0x5f: {  	s13 =	sand.u32 $0x180, s10;
	v4 =	vld [tilespmem:s12+$0x0]  }
0x60: {  	v5 =	vld [tilespmem:s13+$0xC00];
	_ =	sdelay $0x2  }
0x61: {  	v2 =	vadd.f32 v3, v2;
	_ =	sdelay $0x1  }
0x62: {  	v3 =	vadd.f32 v5, v4;
	v2 =	vadd.f32 v2, v2;
	_ =	sdelay $0x1  }
0x63: {  	v2 =	vadd.f32 v2, v3  }
0x64: {  	s14 =	simm.s32 $0x1040  }
0x65: {  	[tilespmem:s14+$0xFFFFFFC0] =	vst v2  }
0x66: {  	v2 =	vld [tilespmem:$0xF10]  }
0x67: {  	v3 =	vld [tilespmem:$0xF90]  }
0x68: {  	v4 =	vld [tilespmem:s12+$0x10]  }
0x69: {  	v5 =	vld [tilespmem:s13+$0xC10];
	_ =	sdelay $0x2  }
0x6a: {  	v2 =	vadd.f32 v3, v2;
	_ =	sdelay $0x1  }
0x6b: {  	v3 =	vadd.f32 v5, v4;
	v2 =	vadd.f32 v2, v2;
	_ =	sdelay $0x1  }
0x6c: {  	v2 =	vadd.f32 v2, v3;
	_ =	sdelay $0x1  }
0x6d: {  	[tilespmem:s14+$0xFFFFFFD0] =	vst v2  }
0x6e: {  	v2 =	vld [tilespmem:$0xF20]  }
0x6f: {  	v3 =	vld [tilespmem:$0xFA0]  }
0x70: {  	v4 =	vld [tilespmem:s13+$0xC20]  }
0x71: {  	v5 =	vld [tilespmem:s12+$0x20];
	_ =	sdelay $0x2  }
0x72: {  	v2 =	vadd.f32 v3, v2;
	_ =	sdelay $0x1  }
0x73: {  	v3 =	vadd.f32 v4, v5;
	v2 =	vadd.f32 v2, v2;
	_ =	sdelay $0x1  }
0x74: {  	v2 =	vadd.f32 v2, v3;
	_ =	sdelay $0x1  }
0x75: {  	[tilespmem:s14+$0xFFFFFFE0] =	vst v2  }
0x76: {  	v2 =	vld [tilespmem:$0xF30]  }
0x77: {  	v3 =	vld [tilespmem:$0xFB0]  }
0x78: {  	v4 =	vld [tilespmem:s13+$0xC30]  }
0x79: {  	v5 =	vld [tilespmem:s12+$0x30];
	_ =	sdelay $0x2  }
0x7a: {  	v2 =	vadd.f32 v3, v2;
	_ =	sdelay $0x1  }
0x7b: {  	v3 =	vadd.f32 v4, v5;
	v2 =	vadd.f32 v2, v2;
	_ =	sdelay $0x1  }
0x7c: {  	v2 =	vadd.f32 v2, v3;
	_ =	sdelay $0x1  }
0x7d: {  	[tilespmem:s14+$0xFFFFFFF0] =	vst v2  }
0x7e: {  	v2 =	vld [tilespmem:$0xF40]  }
0x7f: {  	v3 =	vld [tilespmem:$0xFC0]  }
0x80: {  	v4 =	vld [tilespmem:s13+$0xC40]  }
0x81: {  	v5 =	vld [tilespmem:s12+$0x40];
	_ =	sdelay $0x2  }
0x82: {  	v2 =	vadd.f32 v3, v2;
	_ =	sdelay $0x1  }
0x83: {  	v3 =	vadd.f32 v4, v5;
	v2 =	vadd.f32 v2, v2;
	_ =	sdelay $0x1  }
0x84: {  	v2 =	vadd.f32 v2, v3;
	_ =	sdelay $0x1  }
0x85: {  	[tilespmem:s14+$0x0] =	vst v2  }
0x86: {  	v2 =	vld [tilespmem:$0xF50]  }
0x87: {  	v3 =	vld [tilespmem:$0xFD0]  }
0x88: {  	s15 =	simm.s32 $0x1040;
	s18 =	simm.s32 $0x80;
	v4 =	vld [tilespmem:s12+$0x50]  }
.LBB2_2:
0x89: {  	p0 =	sne.s32 s18, $0x2F80  }
0x8a: {  	v5 =	vld [tilespmem:s13+$0xC50];
	s14 =	sadd.s32 $0x80, s14;
	s19 =	smov.u32 s18;
	s18 =	sadd.s32 $0x80, s18  }
0x8b: {  	_ =	sdelay $0x1  }
0x8c: {  	v2 =	vadd.f32 v3, v2;
	_ =	sdelay $0x1  }
0x8d: {  	v3 =	vadd.f32 v5, v4;
	v2 =	vadd.f32 v2, v2;
	_ =	sdelay $0x1  }
0x8e: {  	v2 =	vadd.f32 v2, v3;
	_ =	sdelay $0x1  }
0x8f: {  	[tilespmem:s15+$0x10] =	vst v2  }
0x90: {  	v2 =	vld [tilespmem:$0xF60]  }
0x91: {  	v3 =	vld [tilespmem:$0xFE0]  }
0x92: {  	v4 =	vld [tilespmem:s12+$0x60]  }
0x93: {  	v5 =	vld [tilespmem:s13+$0xC60];
	_ =	sdelay $0x2  }
0x94: {  	v2 =	vadd.f32 v3, v2;
	_ =	sdelay $0x1  }
0x95: {  	v3 =	vadd.f32 v5, v4;
	v2 =	vadd.f32 v2, v2;
	_ =	sdelay $0x1  }
0x96: {  	v2 =	vadd.f32 v2, v3;
	_ =	sdelay $0x1  }
0x97: {  	[tilespmem:s15+$0x20] =	vst v2  }
0x98: {  	v2 =	vld [tilespmem:$0xF70]  }
0x99: {  	v3 =	vld [tilespmem:$0xFF0]  }
0x9a: {  	v4 =	vld [tilespmem:s12+$0x70]  }
0x9b: {  	v5 =	vld [tilespmem:s13+$0xC70];
	_ =	sdelay $0x2  }
0x9c: {  	v2 =	vadd.f32 v3, v2;
	_ =	sdelay $0x1  }
0x9d: {  	v3 =	vadd.f32 v5, v4;
	v2 =	vadd.f32 v2, v2;
	_ =	sdelay $0x1  }
0x9e: {  	v2 =	vadd.f32 v2, v3;
	_ =	sdelay $0x1  }
0x9f: {  	[tilespmem:s15+$0x30] =	vst v2;
	s15 =	smov.u32 s14  }
0xa0: {  	s5 =	sshrl.u32 s19, $0x2;
	v2 =	vld [tilespmem:$0xF00]  }
0xa1: {  	s12 =	sand.u32 $0x1FFFFF80, s5;
	v3 =	vld [tilespmem:$0xF80]  }
0xa2: {  	s13 =	sand.u32 $0x180, s19;
	v4 =	vld [tilespmem:s12+$0x0]  }
0xa3: {  	v5 =	vld [tilespmem:s13+$0xC00];
	_ =	sdelay $0x2  }
0xa4: {  	v2 =	vadd.f32 v3, v2;
	_ =	sdelay $0x1  }
0xa5: {  	v3 =	vadd.f32 v5, v4;
	v2 =	vadd.f32 v2, v2;
	_ =	sdelay $0x1  }
0xa6: {  	v2 =	vadd.f32 v2, v3;
	_ =	sdelay $0x1  }
0xa7: {  	[tilespmem:s14+$0xFFFFFFC0] =	vst v2  }
0xa8: {  	v2 =	vld [tilespmem:$0xF10]  }
0xa9: {  	v3 =	vld [tilespmem:$0xF90]  }
0xaa: {  	v4 =	vld [tilespmem:s12+$0x10]  }
0xab: {  	v5 =	vld [tilespmem:s13+$0xC10];
	_ =	sdelay $0x2  }
0xac: {  	v2 =	vadd.f32 v3, v2;
	_ =	sdelay $0x1  }
0xad: {  	v3 =	vadd.f32 v5, v4;
	v2 =	vadd.f32 v2, v2;
	_ =	sdelay $0x1  }
0xae: {  	v2 =	vadd.f32 v2, v3;
	_ =	sdelay $0x1  }
0xaf: {  	[tilespmem:s14+$0xFFFFFFD0] =	vst v2  }
0xb0: {  	v2 =	vld [tilespmem:$0xF20]  }
0xb1: {  	v3 =	vld [tilespmem:$0xFA0]  }
0xb2: {  	v4 =	vld [tilespmem:s13+$0xC20]  }
0xb3: {  	v5 =	vld [tilespmem:s12+$0x20];
	_ =	sdelay $0x2  }
0xb4: {  	v2 =	vadd.f32 v3, v2;
	_ =	sdelay $0x1  }
0xb5: {  	v3 =	vadd.f32 v4, v5;
	v2 =	vadd.f32 v2, v2;
	_ =	sdelay $0x1  }
0xb6: {  	v2 =	vadd.f32 v2, v3;
	_ =	sdelay $0x1  }
0xb7: {  	[tilespmem:s14+$0xFFFFFFE0] =	vst v2  }
0xb8: {  	v2 =	vld [tilespmem:$0xF30]  }
0xb9: {  	v3 =	vld [tilespmem:$0xFB0]  }
0xba: {  	v4 =	vld [tilespmem:s13+$0xC30]  }
0xbb: {  	v5 =	vld [tilespmem:s12+$0x30];
	_ =	sdelay $0x2  }
0xbc: {  	v2 =	vadd.f32 v3, v2;
	_ =	sdelay $0x1  }
0xbd: {  	v3 =	vadd.f32 v4, v5;
	v2 =	vadd.f32 v2, v2;
	_ =	sdelay $0x1  }
0xbe: {  	v2 =	vadd.f32 v2, v3;
	_ =	sdelay $0x1  }
0xbf: {  	[tilespmem:s14+$0xFFFFFFF0] =	vst v2  }
0xc0: {  	v2 =	vld [tilespmem:$0xF40]  }
0xc1: {  	v3 =	vld [tilespmem:$0xFC0]  }
0xc2: {  	v4 =	vld [tilespmem:s13+$0xC40]  }
0xc3: {  	v5 =	vld [tilespmem:s12+$0x40];
	_ =	sdelay $0x2  }
0xc4: {  	v2 =	vadd.f32 v3, v2;
	_ =	sdelay $0x1  }
0xc5: {  	v3 =	vadd.f32 v4, v5;
	v2 =	vadd.f32 v2, v2;
	_ =	sdelay $0x1  }
0xc6: {  	v2 =	vadd.f32 v2, v3  }
.Ltmp2:
0xc7: {  	(pc) =	sbr.rel @p0 .LBB2_2-.Ltmp2, $4  }
0xc8: {  	[tilespmem:s14+$0x0] =	vst v2  }
0xc9: {  	v2 =	vld [tilespmem:$0xF50]  }
0xca: {  	v3 =	vld [tilespmem:$0xFD0]  }
0xcb: {  	v4 =	vld [tilespmem:s12+$0x50]  }
0xcc: {  	v5 =	vld [tilespmem:s13+$0xC50];
	_ =	sdelay $0x2  }
0xcd: {  	v2 =	vadd.f32 v3, v2;
	_ =	sdelay $0x1  }
0xce: {  	v3 =	vadd.f32 v5, v4;
	v2 =	vadd.f32 v2, v2;
	_ =	sdelay $0x1  }
0xcf: {  	v2 =	vadd.f32 v2, v3;
	_ =	sdelay $0x1  }
0xd0: {  	[tilespmem:s15+$0x10] =	vst v2  }
0xd1: {  	v2 =	vld [tilespmem:$0xF60]  }
0xd2: {  	v3 =	vld [tilespmem:$0xFE0]  }
0xd3: {  	v4 =	vld [tilespmem:s12+$0x60]  }
0xd4: {  	v5 =	vld [tilespmem:s13+$0xC60];
	_ =	sdelay $0x2  }
0xd5: {  	v2 =	vadd.f32 v3, v2;
	_ =	sdelay $0x1  }
0xd6: {  	v3 =	vadd.f32 v5, v4;
	v2 =	vadd.f32 v2, v2;
	_ =	sdelay $0x1  }
0xd7: {  	v2 =	vadd.f32 v2, v3;
	_ =	sdelay $0x1  }
0xd8: {  	[tilespmem:s15+$0x20] =	vst v2  }
0xd9: {  	v2 =	vld [tilespmem:$0xF70]  }
0xda: {  	v3 =	vld [tilespmem:$0xFF0]  }
0xdb: {  	v4 =	vld [tilespmem:s12+$0x70]  }
0xdc: {  	v5 =	vld [tilespmem:s13+$0xC70];
	_ =	sdelay $0x2  }
0xdd: {  	v2 =	vadd.f32 v3, v2;
	_ =	sdelay $0x1  }
0xde: {  	v3 =	vadd.f32 v5, v4;
	v2 =	vadd.f32 v2, v2;
	_ =	sdelay $0x1  }
0xdf: {  	v2 =	vadd.f32 v2, v3;
	_ =	sdelay $0x1  }
0xe0: {  	[tilespmem:s15+$0x30] =	vst v2  }
0xe1: {  	v1 =	vld [tilespmem:$0xE00]  }
0xe2: {  	v58 =	vld [tilespmem:$0xE10]  }
0xe3: {  	v59 =	vld [tilespmem:$0xE20]  }
0xe4: {  	v43 =	vld [tilespmem:$0xE30]  }
0xe5: {  	v27 =	vld [tilespmem:$0xE40]  }
0xe6: {  	v0 =	vld [tilespmem:$0xE50]  }
0xe7: {  	v42 =	vld [tilespmem:$0xE70]  }
0xe8: {  	v38 =	vld [tilespmem:$0xE80]  }
0xe9: {  	v55 =	vld [tilespmem:$0xE90]  }
0xea: {  	v44 =	vld [tilespmem:$0xEA0]  }
0xeb: {  	v45 =	vld [tilespmem:$0xEB0]  }
0xec: {  	v56 =	vld [tilespmem:$0xEC0]  }
0xed: {  	v57 =	vld [tilespmem:$0xED0]  }
0xee: {  	v49 =	vld [tilespmem:$0xEE0]  }
0xef: {  	s5 =	rddreg [dreg:$0x9];
	v46 =	vld [tilespmem:$0xEF0]  }
0xf0: {  	[tilespmem:$0x1FC90] =	vst v0;
	v0 =	vld [tilespmem:$0xE60];
	[tilespmem:s26], [sflag:$0x1] =	stream.strided.gather [hbm4b:s5+s24], $0xC80, s25, s24, $0x38  }
0xf1: {  	[tilespmem:$0x1FCB0] =	vst v1  }
0xf2: {  	[tilespmem:$0x1FCC0] =	vst v42  }
0xf3: {  	[tilespmem:$0x1FCD0] =	vst v38  }
0xf4: {  	[tilespmem:$0x1FCE0] =	vst v55  }
0xf5: {  	[tilespmem:$0x1FCF0] =	vst v44  }
0xf6: {  	[tilespmem:$0x1FD00] =	vst v45  }
0xf7: {  	[tilespmem:$0x1FD10] =	vst v57  }
0xf8: {  	[tilespmem:$0x1FD20] =	vst v49  }
0xf9: {  	[tilespmem:$0x1FD30] =	vst v46  }
0xfa: {  	[tilespmem:$0x1FD40] =	vst v27  }
0xfb: {  	[tilespmem:$0x1FD50] =	vst v43  }
0xfc: {  	[tilespmem:$0x1FD60] =	vst v58  }
0xfd: {  	s23 =	rddreg [dreg:$0xb];
	[tilespmem:$0x1FD70] =	vst v59  }
0xfe: {  	[tilespmem:s28], [sflag:$0x2] =	stream.strided.gather [hbm4b:s23+s24], $0xC80, s25, s24, $0x38;
	[tilespmem:$0x18900] =	vst v63  }
0xff: {  	s18 =	simm.s32 $0x0;
	s19 =	simm.s32 $0x0;
	[tilespmem:$0x1FCA0] =	vst v0  }
.LBB2_4:
0x100: {  	_ =	swait.ge [sflag:s29], $0xC80  }
0x101: {  	p0 =	seq.s32 s19, $0x0;
	[sflag:s29] =	ssyncset.done $0x0  }
0x102: {  	s5 =	simm.s32 @!p0 $0x3;
	[sflag:s29] =	ssyncadd.s32 $0xFFFFF380  }
0x103: {  	_ =	swait.ge @!p0 [sflag:s5], $0x6400  }
0x104: {  	[sflag:s5] =	ssyncset.done @!p0 $0x0  }
0x105: {  	[sflag:s5] =	ssyncadd.s32 @!p0 $0xFFFF9C00  }
0x106: {  	v2 =	vld.idx.msk [tilespmem:v7+s26+$0x0], $0xffff  }
0x107: {  	v3 =	vld.idx.msk [tilespmem:v6+s26+$0x0], $0xffff  }
0x108: {  	v4 =	vld.idx.msk [tilespmem:v13+s26+$0x0], $0xffff  }
0x109: {  	v5 =	vld.idx.msk [tilespmem:v12+s26+$0x0], $0xffff  }
0x10a: {  	v6 =	vld.idx.msk [tilespmem:v14+s26+$0x0], $0xffff;
	_ =	sdelay $0x2  }
0x10b: {  	v2 =	vtrunc.f32 v2;
	v3 =	vtrunc.f32 v3  }
0x10c: {  	v39 =	vadd.f32 v5, v4;
	v2 =	vcvt.f32.s32 v2;
	v3 =	vcvt.f32.s32 v3  }
0x10d: {  	v0 =	vld [tilespmem:$0x1FD80];
	v40 =	vadd.f32 v6, v5  }
0x10e: {  	[tilespmem:$0x18700] =	vst v39;
	v2 =	vshll.u32 v2, $0x9;
	v3 =	vshll.u32 v3, $0x7  }
0x10f: {  	[tilespmem:$0x18800] =	vst v40;
	v2 =	vadd.s32 v2, v3  }
0x110: {  	[tilespmem:$0x18600] =	vst v2  }
0x111: {  	v2 =	vld.idx.msk [tilespmem:v8+s26+$0x0], $0xffff  }
0x112: {  	v3 =	vld.idx.msk [tilespmem:v9+s26+$0x0], $0xffff  }
0x113: {  	v4 =	vld.idx.msk [tilespmem:v10+s26+$0x0], $0xffff  }
0x114: {  	v5 =	vld.idx.msk [tilespmem:v11+s26+$0x0], $0xffff  }
0x115: {  	v6 =	vld.idx.msk [tilespmem:v0+s26+$0x0], $0xffff  }
0x116: {  	v48 =	vld [tilespmem:$0x1FD90]  }
0x117: {  	v50 =	vld [tilespmem:$0x1FDA0]  }
0x118: {  	v51 =	vld [tilespmem:$0x1FDB0];
	v2 =	vtrunc.f32 v2;
	v3 =	vtrunc.f32 v3  }
0x119: {  	v52 =	vld [tilespmem:$0x1FDC0];
	v41 =	vadd.f32 v5, v4;
	v2 =	vcvt.f32.s32 v2;
	v3 =	vcvt.f32.s32 v3  }
0x11a: {  	v53 =	vld [tilespmem:$0x1FDD0];
	v47 =	vadd.f32 v6, v5  }
0x11b: {  	[tilespmem:$0x18710] =	vst v41;
	v2 =	vshll.u32 v2, $0x9;
	v3 =	vshll.u32 v3, $0x7  }
0x11c: {  	[tilespmem:$0x18810] =	vst v47;
	v2 =	vadd.s32 v2, v3  }
0x11d: {  	[tilespmem:$0x18610] =	vst v2  }
0x11e: {  	v2 =	vld.idx.msk [tilespmem:v48+s26+$0x0], $0xffff  }
0x11f: {  	v3 =	vld.idx.msk [tilespmem:v50+s26+$0x0], $0xffff  }
0x120: {  	v4 =	vld.idx.msk [tilespmem:v51+s26+$0x0], $0xffff  }
0x121: {  	v5 =	vld.idx.msk [tilespmem:v52+s26+$0x0], $0xffff  }
0x122: {  	v6 =	vld.idx.msk [tilespmem:v53+s26+$0x0], $0xffff  }
0x123: {  	v61 =	vld [tilespmem:$0x1FDE0]  }
0x124: {  	v62 =	vld [tilespmem:$0x1FDF0]  }
0x125: {  	v63 =	vld [tilespmem:$0x1FE00];
	v2 =	vtrunc.f32 v2;
	v3 =	vtrunc.f32 v3  }
0x126: {  	v32 =	vld [tilespmem:$0x1FE10];
	v54 =	vadd.f32 v5, v4;
	v2 =	vcvt.f32.s32 v2;
	v3 =	vcvt.f32.s32 v3  }
0x127: {  	v33 =	vld [tilespmem:$0x1FE20];
	v60 =	vadd.f32 v6, v5  }
0x128: {  	[tilespmem:$0x18720] =	vst v54;
	v2 =	vshll.u32 v2, $0x9;
	v3 =	vshll.u32 v3, $0x7  }
0x129: {  	[tilespmem:$0x18820] =	vst v60;
	v2 =	vadd.s32 v2, v3  }
0x12a: {  	[tilespmem:$0x18620] =	vst v2  }
0x12b: {  	v2 =	vld.idx.msk [tilespmem:v61+s26+$0x0], $0xffff  }
0x12c: {  	v3 =	vld.idx.msk [tilespmem:v62+s26+$0x0], $0xffff  }
0x12d: {  	v4 =	vld.idx.msk [tilespmem:v63+s26+$0x0], $0xffff  }
0x12e: {  	v5 =	vld.idx.msk [tilespmem:v32+s26+$0x0], $0xffff  }
0x12f: {  	v6 =	vld.idx.msk [tilespmem:v33+s26+$0x0], $0xffff  }
0x130: {  	v36 =	vld [tilespmem:$0x1FE30]  }
0x131: {  	v37 =	vld [tilespmem:$0x1FE40]  }
0x132: {  	v39 =	vld [tilespmem:$0x1FE50];
	v2 =	vtrunc.f32 v2;
	v3 =	vtrunc.f32 v3  }
0x133: {  	v40 =	vld [tilespmem:$0x1FE60];
	v34 =	vadd.f32 v5, v4;
	v2 =	vcvt.f32.s32 v2;
	v3 =	vcvt.f32.s32 v3  }
0x134: {  	v41 =	vld [tilespmem:$0x1FE70];
	v35 =	vadd.f32 v6, v5  }
0x135: {  	[tilespmem:$0x18730] =	vst v34;
	v2 =	vshll.u32 v2, $0x9;
	v3 =	vshll.u32 v3, $0x7  }
0x136: {  	[tilespmem:$0x18830] =	vst v35;
	v2 =	vadd.s32 v2, v3  }
0x137: {  	[tilespmem:$0x18630] =	vst v2  }
0x138: {  	v2 =	vld.idx.msk [tilespmem:v36+s26+$0x0], $0xffff  }
0x139: {  	v3 =	vld.idx.msk [tilespmem:v37+s26+$0x0], $0xffff  }
0x13a: {  	v4 =	vld.idx.msk [tilespmem:v39+s26+$0x0], $0xffff  }
0x13b: {  	v5 =	vld.idx.msk [tilespmem:v40+s26+$0x0], $0xffff  }
0x13c: {  	v6 =	vld.idx.msk [tilespmem:v41+s26+$0x0], $0xffff  }
0x13d: {  	v50 =	vld [tilespmem:$0x1FE80]  }
0x13e: {  	v51 =	vld [tilespmem:$0x1FE90]  }
0x13f: {  	v52 =	vld [tilespmem:$0x1FEA0];
	v2 =	vtrunc.f32 v2;
	v3 =	vtrunc.f32 v3  }
0x140: {  	v53 =	vld [tilespmem:$0x1FEB0];
	v47 =	vadd.f32 v5, v4;
	v2 =	vcvt.f32.s32 v2;
	v3 =	vcvt.f32.s32 v3  }
0x141: {  	v54 =	vld [tilespmem:$0x1FEC0];
	v48 =	vadd.f32 v6, v5  }
0x142: {  	[tilespmem:$0x18740] =	vst v47;
	v2 =	vshll.u32 v2, $0x9;
	v3 =	vshll.u32 v3, $0x7  }
0x143: {  	[tilespmem:$0x18840] =	vst v48;
	v2 =	vadd.s32 v2, v3  }
0x144: {  	[tilespmem:$0x18640] =	vst v2  }
0x145: {  	v2 =	vld.idx.msk [tilespmem:v50+s26+$0x0], $0xffff  }
0x146: {  	v3 =	vld.idx.msk [tilespmem:v51+s26+$0x0], $0xffff  }
0x147: {  	v4 =	vld.idx.msk [tilespmem:v52+s26+$0x0], $0xffff  }
0x148: {  	v5 =	vld.idx.msk [tilespmem:v53+s26+$0x0], $0xffff  }
0x149: {  	v6 =	vld.idx.msk [tilespmem:v54+s26+$0x0], $0xffff  }
0x14a: {  	v62 =	vld [tilespmem:$0x1FED0]  }
0x14b: {  	v63 =	vld [tilespmem:$0x1FEE0]  }
0x14c: {  	v32 =	vld [tilespmem:$0x1FEF0];
	v2 =	vtrunc.f32 v2;
	v3 =	vtrunc.f32 v3  }
0x14d: {  	v33 =	vld [tilespmem:$0x1FF00];
	v60 =	vadd.f32 v5, v4;
	v2 =	vcvt.f32.s32 v2;
	v3 =	vcvt.f32.s32 v3  }
0x14e: {  	v34 =	vld [tilespmem:$0x1FF10];
	v61 =	vadd.f32 v6, v5  }
0x14f: {  	[tilespmem:$0x18750] =	vst v60;
	v2 =	vshll.u32 v2, $0x9;
	v3 =	vshll.u32 v3, $0x7  }
0x150: {  	[tilespmem:$0x18850] =	vst v61;
	v2 =	vadd.s32 v2, v3  }
0x151: {  	[tilespmem:$0x18650] =	vst v2  }
0x152: {  	v2 =	vld.idx.msk [tilespmem:v62+s26+$0x0], $0xffff  }
0x153: {  	v3 =	vld.idx.msk [tilespmem:v63+s26+$0x0], $0xffff  }
0x154: {  	v4 =	vld.idx.msk [tilespmem:v32+s26+$0x0], $0xffff  }
0x155: {  	v5 =	vld.idx.msk [tilespmem:v33+s26+$0x0], $0xffff  }
0x156: {  	v6 =	vld.idx.msk [tilespmem:v34+s26+$0x0], $0xffff  }
0x157: {  	v37 =	vld [tilespmem:$0x1FF20]  }
0x158: {  	v39 =	vld [tilespmem:$0x1FF30]  }
0x159: {  	v40 =	vld [tilespmem:$0x1FF40];
	v2 =	vtrunc.f32 v2;
	v3 =	vtrunc.f32 v3  }
0x15a: {  	v41 =	vld [tilespmem:$0x1FF50];
	v35 =	vadd.f32 v5, v4;
	v2 =	vcvt.f32.s32 v2;
	v3 =	vcvt.f32.s32 v3  }
0x15b: {  	v47 =	vld [tilespmem:$0x1FF60];
	v36 =	vadd.f32 v6, v5  }
0x15c: {  	[tilespmem:$0x18760] =	vst v35;
	v2 =	vshll.u32 v2, $0x9;
	v3 =	vshll.u32 v3, $0x7  }
0x15d: {  	[tilespmem:$0x18860] =	vst v36;
	v2 =	vadd.s32 v2, v3  }
0x15e: {  	[tilespmem:$0x18660] =	vst v2  }
0x15f: {  	v2 =	vld.idx.msk [tilespmem:v37+s26+$0x0], $0xffff  }
0x160: {  	v3 =	vld.idx.msk [tilespmem:v39+s26+$0x0], $0xffff  }
0x161: {  	v4 =	vld.idx.msk [tilespmem:v40+s26+$0x0], $0xffff  }
0x162: {  	v5 =	vld.idx.msk [tilespmem:v41+s26+$0x0], $0xffff  }
0x163: {  	v6 =	vld.idx.msk [tilespmem:v47+s26+$0x0], $0xffff;
	_ =	sdelay $0x2  }
0x164: {  	v48 =	vor.u32 $0x800, v7;
	v2 =	vtrunc.f32 v2;
	v3 =	vtrunc.f32 v3  }
0x165: {  	v50 =	vadd.f32 v5, v4;
	v2 =	vcvt.f32.s32 v2;
	v3 =	vcvt.f32.s32 v3  }
0x166: {  	v4 =	vor.u32 $0x801, v7;
	v51 =	vadd.f32 v6, v5  }
0x167: {  	v5 =	vor.u32 $0x804, v7;
	[tilespmem:$0x18770] =	vst v50;
	v2 =	vshll.u32 v2, $0x9;
	v3 =	vshll.u32 v3, $0x7  }
0x168: {  	v52 =	vor.u32 $0x805, v7;
	[tilespmem:$0x18870] =	vst v51;
	v2 =	vadd.s32 v2, v3  }
0x169: {  	v6 =	vor.u32 $0x806, v7;
	[tilespmem:$0x18670] =	vst v2  }
0x16a: {  	v2 =	vld.idx.msk [tilespmem:v48+s26+$0x0], $0xffff  }
0x16b: {  	v3 =	vld.idx.msk [tilespmem:v4+s26+$0x0], $0xffff  }
0x16c: {  	[tilespmem:$0x1FAF0] =	vst v4;
	v4 =	vld.idx.msk [tilespmem:v5+s26+$0x0], $0xffff  }
0x16d: {  	[tilespmem:$0x1FB00] =	vst v5;
	v5 =	vld.idx.msk [tilespmem:v52+s26+$0x0], $0xffff  }
0x16e: {  	[tilespmem:$0x1FB20] =	vst v6;
	v6 =	vld.idx.msk [tilespmem:v6+s26+$0x0], $0xffff;
	_ =	sdelay $0x2  }
0x16f: {  	v53 =	vor.u32 $0x900, v7;
	v2 =	vtrunc.f32 v2;
	v3 =	vtrunc.f32 v3  }
0x170: {  	v54 =	vadd.f32 v5, v4;
	v2 =	vcvt.f32.s32 v2;
	v3 =	vcvt.f32.s32 v3  }
0x171: {  	v4 =	vor.u32 $0x901, v7;
	v60 =	vadd.f32 v6, v5  }
0x172: {  	v5 =	vor.u32 $0x904, v7;
	[tilespmem:$0x18780] =	vst v54;
	v2 =	vshll.u32 v2, $0x9;
	v3 =	vshll.u32 v3, $0x7  }
0x173: {  	v61 =	vor.u32 $0x905, v7;
	[tilespmem:$0x18880] =	vst v60;
	v2 =	vadd.s32 v2, v3  }
0x174: {  	v6 =	vor.u32 $0x906, v7;
	[tilespmem:$0x18680] =	vst v2  }
0x175: {  	v2 =	vld.idx.msk [tilespmem:v53+s26+$0x0], $0xffff  }
0x176: {  	v3 =	vld.idx.msk [tilespmem:v4+s26+$0x0], $0xffff  }
0x177: {  	[tilespmem:$0x1FB40] =	vst v4;
	v4 =	vld.idx.msk [tilespmem:v5+s26+$0x0], $0xffff  }
0x178: {  	[tilespmem:$0x1FB50] =	vst v5;
	v5 =	vld.idx.msk [tilespmem:v61+s26+$0x0], $0xffff  }
0x179: {  	[tilespmem:$0x1FB70] =	vst v6;
	v6 =	vld.idx.msk [tilespmem:v6+s26+$0x0], $0xffff;
	_ =	sdelay $0x2  }
0x17a: {  	v62 =	vor.u32 $0xA00, v7;
	v2 =	vtrunc.f32 v2;
	v3 =	vtrunc.f32 v3  }
0x17b: {  	v63 =	vadd.f32 v5, v4;
	v2 =	vcvt.f32.s32 v2;
	v3 =	vcvt.f32.s32 v3  }
0x17c: {  	v4 =	vor.u32 $0xA01, v7;
	v32 =	vadd.f32 v6, v5  }
0x17d: {  	v5 =	vor.u32 $0xA04, v7;
	[tilespmem:$0x18790] =	vst v63;
	v2 =	vshll.u32 v2, $0x9;
	v3 =	vshll.u32 v3, $0x7  }
0x17e: {  	v33 =	vor.u32 $0xA05, v7;
	[tilespmem:$0x18890] =	vst v32;
	v2 =	vadd.s32 v2, v3  }
0x17f: {  	v6 =	vor.u32 $0xA06, v7;
	[tilespmem:$0x18690] =	vst v2  }
0x180: {  	v2 =	vld.idx.msk [tilespmem:v62+s26+$0x0], $0xffff  }
0x181: {  	v3 =	vld.idx.msk [tilespmem:v4+s26+$0x0], $0xffff  }
0x182: {  	[tilespmem:$0x1FB90] =	vst v4;
	v4 =	vld.idx.msk [tilespmem:v5+s26+$0x0], $0xffff  }
0x183: {  	[tilespmem:$0x1FBA0] =	vst v5;
	v5 =	vld.idx.msk [tilespmem:v33+s26+$0x0], $0xffff  }
0x184: {  	[tilespmem:$0x1FBC0] =	vst v6;
	v6 =	vld.idx.msk [tilespmem:v6+s26+$0x0], $0xffff;
	_ =	sdelay $0x2  }
0x185: {  	v34 =	vor.u32 $0xB00, v7;
	v2 =	vtrunc.f32 v2;
	v3 =	vtrunc.f32 v3  }
0x186: {  	v35 =	vadd.f32 v5, v4;
	v2 =	vcvt.f32.s32 v2;
	v3 =	vcvt.f32.s32 v3  }
0x187: {  	v4 =	vor.u32 $0xB01, v7;
	v36 =	vadd.f32 v6, v5  }
0x188: {  	v5 =	vor.u32 $0xB04, v7;
	[tilespmem:$0x187A0] =	vst v35;
	v2 =	vshll.u32 v2, $0x9;
	v3 =	vshll.u32 v3, $0x7  }
0x189: {  	v37 =	vor.u32 $0xB05, v7;
	[tilespmem:$0x188A0] =	vst v36;
	v2 =	vadd.s32 v2, v3  }
0x18a: {  	v6 =	vor.u32 $0xB06, v7;
	[tilespmem:$0x186A0] =	vst v2  }
0x18b: {  	v2 =	vld.idx.msk [tilespmem:v34+s26+$0x0], $0xffff  }
0x18c: {  	v3 =	vld.idx.msk [tilespmem:v4+s26+$0x0], $0xffff  }
0x18d: {  	[tilespmem:$0x1FBE0] =	vst v4;
	v4 =	vld.idx.msk [tilespmem:v5+s26+$0x0], $0xffff  }
0x18e: {  	[tilespmem:$0x1FBF0] =	vst v5;
	v5 =	vld.idx.msk [tilespmem:v37+s26+$0x0], $0xffff  }
0x18f: {  	[tilespmem:$0x1FC10] =	vst v6;
	v6 =	vld.idx.msk [tilespmem:v6+s26+$0x0], $0xffff;
	_ =	sdelay $0x2  }
0x190: {  	[tilespmem:$0x1FAE0] =	vst v48;
	v39 =	vor.u32 $0xC00, v7;
	v2 =	vtrunc.f32 v2;
	v3 =	vtrunc.f32 v3  }
0x191: {  	[tilespmem:$0x1FB10] =	vst v52;
	v40 =	vadd.f32 v5, v4;
	v2 =	vcvt.f32.s32 v2;
	v3 =	vcvt.f32.s32 v3  }
0x192: {  	[tilespmem:$0x1FB30] =	vst v53;
	v4 =	vor.u32 $0xC01, v7;
	v41 =	vadd.f32 v6, v5  }
0x193: {  	v5 =	vor.u32 $0xC04, v7;
	[tilespmem:$0x187B0] =	vst v40;
	v2 =	vshll.u32 v2, $0x9;
	v3 =	vshll.u32 v3, $0x7  }
0x194: {  	v47 =	vor.u32 $0xC05, v7;
	[tilespmem:$0x188B0] =	vst v41;
	v2 =	vadd.s32 v2, v3  }
0x195: {  	v6 =	vor.u32 $0xC06, v7;
	[tilespmem:$0x186B0] =	vst v2  }
0x196: {  	[tilespmem:$0x1FB60] =	vst v61;
	v2 =	vld.idx.msk [tilespmem:v39+s26+$0x0], $0xffff  }
0x197: {  	[tilespmem:$0x1FB80] =	vst v62;
	v3 =	vld.idx.msk [tilespmem:v4+s26+$0x0], $0xffff  }
0x198: {  	[tilespmem:$0x1FC30] =	vst v4;
	v4 =	vld.idx.msk [tilespmem:v5+s26+$0x0], $0xffff  }
0x199: {  	s6 =	simm.s32 $0x1;
	[tilespmem:$0x1FC40] =	vst v5;
	v5 =	vld.idx.msk [tilespmem:v47+s26+$0x0], $0xffff  }
0x19a: {  	v7 =	vmov s6;
	[tilespmem:$0x1FC60] =	vst v6;
	v6 =	vld.idx.msk [tilespmem:v6+s26+$0x0], $0xffff  }
0x19b: {  	[tilespmem:$0x1FBB0] =	vst v33;
	v7 =	vand.u32 $0xFFFFFFFD, v7  }
0x19c: {  	[tilespmem:$0x1FBD0] =	vst v34;
	v7 =	vbroadcast v7, $0x0  }
0x19d: {  	[tilespmem:$0x1FC00] =	vst v37;
	v2 =	vtrunc.f32 v2;
	v3 =	vtrunc.f32 v3  }
0x19e: {  	s9 =	simm.s32 $0x2;
	[tilespmem:$0x1FC20] =	vst v39;
	v48 =	vadd.f32 v5, v4;
	v2 =	vcvt.f32.s32 v2;
	v3 =	vcvt.f32.s32 v3  }
0x19f: {  	v8 =	vmov s9;
	[tilespmem:$0x1FC50] =	vst v47;
	v50 =	vadd.f32 v6, v5  }
0x1a0: {  	v4 =	vand.u32 $0xFFFFFFFE, v8;
	[tilespmem:$0x187C0] =	vst v48;
	v2 =	vshll.u32 v2, $0x9;
	v3 =	vshll.u32 v3, $0x7  }
0x1a1: {  	v6 =	vbroadcast v4, $0x0;
	[tilespmem:$0x188C0] =	vst v50;
	v2 =	vadd.s32 v2, v3  }
0x1a2: {  	s12 =	simm.s32 $0x3;
	v51 =	vmov s18;
	[tilespmem:$0x186C0] =	vst v2  }
0x1a3: {  	v12 =	vmov s12;
	v52 =	vand.u32 $0xFFFFFFFC, v51;
	v4 =	vld.idx.msk [tilespmem:v7+s30+$0x0], $0xffff  }
0x1a4: {  	s22 =	simm.s32 $0x4100;
	v9 =	vbroadcast v52, $0x0  }
0x1a5: {  	v13 =	vld [tilespmem:s22+$0x0]  }
0x1a6: {  	v14 =	vld [tilespmem:s22+$0xFFFFFF80]  }
0x1a7: {  	v47 =	vlaneseq.u32;
	v10 =	vld.idx.msk [tilespmem:v6+s30+$0x0], $0xffff  }
0x1a8: {  	v40 =	vld.idx.msk [tilespmem:v12+s30+$0x0], $0xffff;
	v8 =	vadd.s32 v47, v4  }
0x1a9: {  	v2 =	vld.idx.msk [tilespmem:v7+s7+$0x0], $0xffff  }
0x1aa: {  	v11 =	vld.idx.msk [tilespmem:v9+s30+$0x0], $0xffff  }
0x1ab: {  	v3 =	vld.idx.msk [tilespmem:v7+s31+$0x0], $0xffff  }
0x1ac: {  	v5 =	vld.idx.msk [tilespmem:v9+s31+$0x0], $0xffff;
	v7 =	vadd.s32 v47, v10  }
0x1ad: {  	v16 =	vadd.s32 v47, v40;
	v15 =	vld.idx.msk [tilespmem:v8+s1+$0x0], $0xffff  }
0x1ae: {  	v19 =	vld [tilespmem:s22+$0xFFFFFF00]  }
0x1af: {  	v8 =	vld.idx.msk [tilespmem:v6+s31+$0x0], $0xffff  }
0x1b0: {  	v17 =	vadd.s32 v47, v11;
	v6 =	vld.idx.msk [tilespmem:v6+s7+$0x0], $0xffff  }
0x1b1: {  	v18 =	vld.idx.msk [tilespmem:v7+s1+$0x0], $0xffff  }
0x1b2: {  	v20 =	vmul.f32 v3, v1;
	v16 =	vld.idx.msk [tilespmem:v16+s1+$0x0], $0xffff;
	v14 =	vadd.f32 v14, v15  }
0x1b3: {  	v26 =	vor.u32 $0x10, v47;
	v7 =	vld.idx.msk [tilespmem:v12+s31+$0x0], $0xffff  }
0x1b4: {  	v21 =	vmul.f32 v2, v38;
	v15 =	vld [tilespmem:s22+$0x80];
	v14 =	vadd.f32 v14, v20;
	v20 =	vadd.s32 v26, v4  }
0x1b5: {  	v17 =	vld.idx.msk [tilespmem:v17+s1+$0x0], $0xffff  }
0x1b6: {  	v54 =	vld.idx.msk [tilespmem:v12+s7+$0x0], $0xffff;
	v22 =	vmul.f32 v8, v1;
	v13 =	vadd.f32 v13, v18;
	v14 =	vadd.f32 v14, v21  }
0x1b7: {  	s21 =	simm.s32 $0xBF00;
	v9 =	vld.idx.msk [tilespmem:v9+s7+$0x0], $0xffff  }
0x1b8: {  	v12 =	vmul.f32 v6, v38;
	v18 =	vadd.s32 v26, v10;
	v13 =	vadd.f32 v13, v22;
	[tilespmem:s21+$0xFFFFFF80] =	vst v14  }
0x1b9: {  	v15 =	vadd.f32 v15, v16;
	v16 =	vmul.f32 v7, v1;
	v14 =	vld.idx.msk [tilespmem:v20+s1+$0x0], $0xffff  }
0x1ba: {  	v17 =	vadd.f32 v19, v17;
	v12 =	vadd.f32 v13, v12;
	v20 =	vld [tilespmem:s22+$0xFFFFFF90]  }
0x1bb: {  	v13 =	vmul.f32 v5, v1;
	v15 =	vadd.f32 v15, v16;
	v16 =	vmul.f32 v54, v38  }
0x1bc: {  	v19 =	vadd.s32 v26, v40;
	[tilespmem:s21+$0x0] =	vst v12;
	v12 =	vmul.f32 v9, v38  }
0x1bd: {  	v13 =	vadd.f32 v17, v13;
	v17 =	vadd.s32 v26, v11;
	v18 =	vld.idx.msk [tilespmem:v18+s1+$0x0], $0xffff;
	v15 =	vadd.f32 v15, v16  }
0x1be: {  	v16 =	vld [tilespmem:s22+$0x10]  }
0x1bf: {  	v12 =	vadd.f32 v13, v12;
	[tilespmem:s21+$0x80] =	vst v15;
	v13 =	vadd.f32 v20, v14;
	v14 =	vmul.f32 v3, v58  }
0x1c0: {  	v15 =	vld [tilespmem:s22+$0x90]  }
0x1c1: {  	[tilespmem:s21+$0xFFFFFF00] =	vst v12;
	v12 =	vadd.f32 v13, v14;
	v13 =	vld.idx.msk [tilespmem:v19+s1+$0x0], $0xffff  }
0x1c2: {  	v50 =	vor.u32 $0x20, v47;
	v14 =	vld.idx.msk [tilespmem:v17+s1+$0x0], $0xffff;
	v17 =	vmul.f32 v2, v55  }
0x1c3: {  	v20 =	vmul.f32 v8, v58;
	v21 =	vld [tilespmem:s22+$0xFFFFFF10];
	v19 =	vadd.s32 v50, v4;
	v16 =	vadd.f32 v16, v18  }
0x1c4: {  	v12 =	vadd.f32 v12, v17  }
0x1c5: {  	v18 =	vmul.f32 v6, v55;
	v16 =	vadd.f32 v16, v20;
	v17 =	vadd.s32 v50, v10  }
0x1c6: {  	[tilespmem:s21+$0xFFFFFF90] =	vst v12;
	v12 =	vmul.f32 v7, v58;
	v13 =	vadd.f32 v15, v13  }
0x1c7: {  	v15 =	vadd.f32 v16, v18;
	v16 =	vmul.f32 v5, v58  }
0x1c8: {  	v18 =	vld.idx.msk [tilespmem:v19+s1+$0x0], $0xffff;
	v14 =	vadd.f32 v21, v14;
	v12 =	vadd.f32 v13, v12;
	v13 =	vmul.f32 v54, v55  }
0x1c9: {  	v19 =	vld [tilespmem:s22+$0xFFFFFFA0];
	[tilespmem:s21+$0x10] =	vst v15;
	v15 =	vadd.s32 v50, v40  }
0x1ca: {  	v20 =	vmul.f32 v9, v55;
	v14 =	vadd.f32 v14, v16;
	v17 =	vld.idx.msk [tilespmem:v17+s1+$0x0], $0xffff;
	v12 =	vadd.f32 v12, v13  }
0x1cb: {  	v16 =	vadd.s32 v50, v11;
	v13 =	vld [tilespmem:s22+$0x20]  }
0x1cc: {  	v14 =	vadd.f32 v14, v20;
	[tilespmem:s21+$0x90] =	vst v12  }
0x1cd: {  	v12 =	vld [tilespmem:s22+$0xA0]  }
0x1ce: {  	v20 =	vmul.f32 v3, v59;
	v18 =	vadd.f32 v19, v18;
	[tilespmem:s21+$0xFFFFFF10] =	vst v14;
	v15 =	vld.idx.msk [tilespmem:v15+s1+$0x0], $0xffff  }
0x1cf: {  	v51 =	vor.u32 $0x30, v47;
	v19 =	vmul.f32 v8, v59;
	v14 =	vld [tilespmem:s22+$0xFFFFFF20]  }
0x1d0: {  	v18 =	vadd.f32 v18, v20;
	v16 =	vld.idx.msk [tilespmem:v16+s1+$0x0], $0xffff;
	v13 =	vadd.f32 v13, v17;
	v17 =	vmul.f32 v2, v44  }
0x1d1: {  	v20 =	vadd.s32 v51, v4  }
0x1d2: {  	v13 =	vadd.f32 v13, v19;
	v19 =	vmul.f32 v6, v44;
	v17 =	vadd.f32 v18, v17  }
0x1d3: {  	v18 =	vadd.s32 v51, v10  }
0x1d4: {  	v12 =	vadd.f32 v12, v15;
	v13 =	vadd.f32 v13, v19;
	[tilespmem:s21+$0xFFFFFFA0] =	vst v17;
	v17 =	vmul.f32 v7, v59  }
0x1d5: {  	v15 =	vmul.f32 v54, v44;
	v14 =	vadd.f32 v14, v16;
	v16 =	vadd.s32 v51, v40  }
0x1d6: {  	s13 =	simm.s32 $0x6;
	v19 =	vld.idx.msk [tilespmem:v20+s1+$0x0], $0xffff;
	v20 =	vmul.f32 v5, v59;
	[tilespmem:s21+$0x20] =	vst v13;
	v12 =	vadd.f32 v12, v17  }
0x1d7: {  	v22 =	vmov s13;
	v21 =	vmul.f32 v9, v44;
	v13 =	vadd.s32 v51, v11;
	v17 =	vld [tilespmem:s22+$0x30]  }
0x1d8: {  	v18 =	vld.idx.msk [tilespmem:v18+s1+$0x0], $0xffff;
	v14 =	vadd.f32 v14, v20;
	v20 =	vand.u32 $0xFFFFFFFE, v22;
	v12 =	vadd.f32 v12, v15  }
0x1d9: {  	v15 =	vld [tilespmem:s22+$0xFFFFFFB0];
	v20 =	vbroadcast v20, $0x0  }
0x1da: {  	s14 =	simm.s32 $0x5;
	v14 =	vadd.f32 v14, v21;
	[tilespmem:s21+$0xA0] =	vst v12  }
0x1db: {  	v22 =	vmov s14;
	v16 =	vld.idx.msk [tilespmem:v16+s1+$0x0], $0xffff  }
0x1dc: {  	s15 =	simm.s32 $0x4;
	v21 =	vand.u32 $0xFFFFFFFD, v22;
	[tilespmem:s21+$0xFFFFFF20] =	vst v14;
	v22 =	vld [tilespmem:s22+$0xB0]  }
0x1dd: {  	v12 =	vbroadcast v21, $0x0;
	v21 =	vmov s15;
	v13 =	vld.idx.msk [tilespmem:v13+s1+$0x0], $0xffff  }
0x1de: {  	v14 =	vmul.f32 v8, v43;
	v17 =	vadd.f32 v17, v18;
	v15 =	vadd.f32 v15, v19;
	v19 =	vld [tilespmem:s22+$0xFFFFFF30]  }
0x1df: {  	v21 =	vand.u32 $0xFFFFFFFC, v21;
	v18 =	vmul.f32 v3, v43;
	v32 =	vld.idx.msk [tilespmem:v20+s30+$0x0], $0xffff  }
0x1e0: {  	v21 =	vbroadcast v21, $0x0;
	v14 =	vadd.f32 v17, v14;
	v17 =	vmul.f32 v6, v45;
	v30 =	vld.idx.msk [tilespmem:v20+s31+$0x0], $0xffff  }
0x1e1: {  	s13 =	simm.s32 $0x4300;
	v31 =	vld.idx.msk [tilespmem:v20+s7+$0x0], $0xffff  }
0x1e2: {  	v23 =	vmul.f32 v2, v45;
	v15 =	vadd.f32 v15, v18;
	v18 =	vld [tilespmem:s13+$0xFFFFFF80];
	v14 =	vadd.f32 v14, v17  }
0x1e3: {  	s17 =	simm.s32 $0x7;
	v61 =	vld.idx.msk [tilespmem:v12+s30+$0x0], $0xffff;
	v17 =	vmul.f32 v5, v43;
	v13 =	vadd.f32 v19, v13  }
0x1e4: {  	v48 =	vor.u32 $0x40, v47;
	v52 =	vld.idx.msk [tilespmem:v12+s7+$0x0], $0xffff;
	v15 =	vadd.f32 v15, v23;
	[tilespmem:s21+$0x30] =	vst v14;
	v14 =	vmov s17  }
0x1e5: {  	v28 =	vld.idx.msk [tilespmem:v12+s31+$0x0], $0xffff;
	v19 =	vadd.s32 v48, v11;
	v13 =	vadd.f32 v13, v17;
	v17 =	vmul.f32 v9, v45  }
0x1e6: {  	v16 =	vadd.f32 v22, v16;
	v22 =	vmul.f32 v7, v43;
	v60 =	vld.idx.msk [tilespmem:v21+s30+$0x0], $0xffff  }
0x1e7: {  	[tilespmem:s21+$0xFFFFFFB0] =	vst v15;
	v15 =	vld [tilespmem:s22+$0x40];
	v12 =	vadd.f32 v13, v17  }
0x1e8: {  	v23 =	vld [tilespmem:s22+$0xFFFFFFC0];
	v13 =	vadd.f32 v16, v22;
	v16 =	vmul.f32 v54, v45  }
0x1e9: {  	v34 =	vld.idx.msk [tilespmem:v14+s30+$0x0], $0xffff;
	[tilespmem:s21+$0xFFFFFF30] =	vst v12;
	v12 =	vadd.s32 v47, v61  }
0x1ea: {  	v13 =	vadd.f32 v13, v16;
	v16 =	vld.idx.msk [tilespmem:v19+s1+$0x0], $0xffff;
	v19 =	vadd.s32 v48, v10  }
0x1eb: {  	v17 =	vadd.s32 v48, v40;
	v35 =	vld.idx.msk [tilespmem:v14+s31+$0x0], $0xffff  }
0x1ec: {  	v22 =	vld [tilespmem:s22+$0xFFFFFF40]  }
0x1ed: {  	v37 =	vld.idx.msk [tilespmem:v14+s7+$0x0], $0xffff;
	[tilespmem:s21+$0xB0] =	vst v13;
	v13 =	vadd.s32 v48, v4  }
0x1ee: {  	v24 =	vadd.s32 v47, v34;
	v12 =	vld.idx.msk [tilespmem:v12+s1+$0x0], $0xffff  }
0x1ef: {  	v25 =	vadd.s32 v47, v32;
	v19 =	vld.idx.msk [tilespmem:v19+s1+$0x0], $0xffff  }
0x1f0: {  	v20 =	vadd.s32 v47, v60;
	v17 =	vld.idx.msk [tilespmem:v17+s1+$0x0], $0xffff  }
0x1f1: {  	v36 =	vld [tilespmem:s22+$0xC0];
	v16 =	vadd.f32 v22, v16;
	v22 =	vmul.f32 v5, v27  }
0x1f2: {  	v53 =	vor.u32 $0x50, v47;
	v63 =	vmul.f32 v8, v27;
	v13 =	vld.idx.msk [tilespmem:v13+s1+$0x0], $0xffff  }
0x1f3: {  	v16 =	vadd.f32 v16, v22;
	v22 =	vmul.f32 v28, v1;
	v12 =	vadd.f32 v18, v12;
	v18 =	vld.idx.msk [tilespmem:v24+s1+$0x0], $0xffff  }
0x1f4: {  	v24 =	vld.idx.msk [tilespmem:v25+s1+$0x0], $0xffff;
	v25 =	vadd.s32 v53, v11;
	v15 =	vadd.f32 v15, v19;
	v19 =	vmul.f32 v9, v56  }
0x1f5: {  	v33 =	vadd.s32 v26, v61;
	v14 =	vmul.f32 v52, v38;
	v20 =	vld.idx.msk [tilespmem:v20+s1+$0x0], $0xffff;
	v12 =	vadd.f32 v12, v22  }
0x1f6: {  	v17 =	vadd.f32 v36, v17;
	v22 =	vmul.f32 v7, v27;
	v16 =	vadd.f32 v16, v19;
	v19 =	vld [tilespmem:s13+$0xFFFFFF00]  }
0x1f7: {  	v39 =	vmul.f32 v6, v56;
	v12 =	vadd.f32 v12, v14;
	v14 =	vld [tilespmem:s13+$0x80]  }
0x1f8: {  	v15 =	vadd.f32 v15, v63;
	v17 =	vadd.f32 v17, v22;
	v22 =	vadd.s32 v53, v10;
	[tilespmem:s21+$0xFFFFFF40] =	vst v16;
	v16 =	vld [tilespmem:s13+$0x0]  }
0x1f9: {  	s23 =	simm.s32 $0xC100;
	v13 =	vadd.f32 v23, v13;
	v23 =	vld.idx.msk [tilespmem:v25+s1+$0x0], $0xffff  }
0x1fa: {  	v62 =	vmul.f32 v54, v56;
	v15 =	vadd.f32 v15, v39;
	[tilespmem:s23+$0xFFFFFF80] =	vst v12;
	v12 =	vld [tilespmem:s22+$0xFFFFFF50]  }
0x1fb: {  	v19 =	vadd.f32 v19, v20;
	v20 =	vld.idx.msk [tilespmem:v33+s1+$0x0], $0xffff  }
0x1fc: {  	v25 =	vmul.f32 v3, v27;
	v17 =	vadd.f32 v17, v62;
	[tilespmem:s21+$0x40] =	vst v15;
	v14 =	vadd.f32 v14, v18;
	v18 =	vld [tilespmem:s13+$0xFFFFFF90]  }
0x1fd: {  	v22 =	vld.idx.msk [tilespmem:v22+s1+$0x0], $0xffff;
	[tilespmem:$0x1FC70] =	vst v53  }
0x1fe: {  	v13 =	vadd.f32 v13, v25;
	v25 =	vmul.f32 v35, v1;
	[tilespmem:s21+$0xC0] =	vst v17  }
0x1ff: {  	v39 =	vadd.s32 v53, v40;
	v15 =	vmul.f32 v2, v56;
	v27 =	vld [tilespmem:$0x1FC90]  }
0x200: {  	v16 =	vadd.f32 v16, v24;
	v24 =	vmul.f32 v30, v1;
	v14 =	vadd.f32 v14, v25;
	v25 =	vld [tilespmem:s22+$0x50]  }
0x201: {  	v13 =	vadd.f32 v13, v15;
	v29 =	vld.idx.msk [tilespmem:v21+s31+$0x0], $0xffff;
	v12 =	vadd.f32 v12, v23;
	v23 =	vmul.f32 v37, v38  }
0x202: {  	v17 =	vmul.f32 v31, v38;
	v33 =	vld.idx.msk [tilespmem:v21+s7+$0x0], $0xffff;
	v16 =	vadd.f32 v16, v24;
	v24 =	vadd.s32 v26, v34  }
0x203: {  	v15 =	vadd.s32 v53, v4;
	v53 =	vor.u32 $0x60, v47;
	[tilespmem:s21+$0xFFFFFFC0] =	vst v13;
	v13 =	vadd.f32 v14, v23;
	v23 =	vld [tilespmem:s22+$0xD0]  }
0x204: {  	v18 =	vadd.f32 v18, v20;
	v14 =	vadd.f32 v16, v17;
	v16 =	vld.idx.msk [tilespmem:v39+s1+$0x0], $0xffff;
	v20 =	vmul.f32 v5, v27  }
0x205: {  	v21 =	vadd.s32 v26, v32;
	[tilespmem:s23+$0x80] =	vst v13;
	v13 =	vadd.s32 v53, v11;
	v17 =	vadd.f32 v25, v22  }
0x206: {  	v22 =	vmul.f32 v9, v57;
	v25 =	vmul.f32 v28, v58;
	v12 =	vadd.f32 v12, v20  }
0x207: {  	[tilespmem:s23+$0x0] =	vst v14;
	v41 =	vmul.f32 v7, v27;
	v14 =	vld.idx.msk [tilespmem:v24+s1+$0x0], $0xffff;
	v24 =	vmul.f32 v8, v27  }
0x208: {  	v20 =	vmul.f32 v29, v1;
	v18 =	vadd.f32 v18, v25;
	v12 =	vadd.f32 v12, v22  }
0x209: {  	v15 =	vld.idx.msk [tilespmem:v15+s1+$0x0], $0xffff;
	v17 =	vadd.f32 v17, v24;
	v24 =	vmul.f32 v52, v55;
	v16 =	vadd.f32 v23, v16  }
0x20a: {  	v23 =	vmul.f32 v6, v57;
	v19 =	vadd.f32 v19, v20;
	v20 =	vld.idx.msk [tilespmem:v21+s1+$0x0], $0xffff;
	[tilespmem:s21+$0xFFFFFF50] =	vst v12  }
0x20b: {  	v21 =	vld [tilespmem:s22+$0xFFFFFFD0];
	v22 =	vadd.s32 v26, v60;
	v18 =	vadd.f32 v18, v24;
	v12 =	vmul.f32 v33, v38;
	[tilespmem:$0x1FC80] =	vst v26  }
0x20c: {  	v17 =	vadd.f32 v17, v23;
	v16 =	vadd.f32 v16, v41;
	v23 =	vmul.f32 v54, v57;
	v25 =	vld [tilespmem:s13+$0x90]  }
0x20d: {  	v13 =	vld.idx.msk [tilespmem:v13+s1+$0x0], $0xffff;
	v12 =	vadd.f32 v19, v12;
	[tilespmem:s23+$0xFFFFFF90] =	vst v18  }
0x20e: {  	v16 =	vadd.f32 v16, v23;
	v19 =	vadd.s32 v50, v61;
	v24 =	vld [tilespmem:s13+$0x10];
	[tilespmem:s21+$0x50] =	vst v17  }
0x20f: {  	v43 =	vld [tilespmem:s22+$0xFFFFFF60];
	[tilespmem:s23+$0xFFFFFF00] =	vst v12  }
0x210: {  	[tilespmem:s21+$0xD0] =	vst v16;
	v12 =	vadd.f32 v21, v15;
	v21 =	vmul.f32 v3, v27;
	v22 =	vld.idx.msk [tilespmem:v22+s1+$0x0], $0xffff  }
0x211: {  	v23 =	vmul.f32 v35, v58;
	v15 =	vadd.s32 v53, v10;
	v27 =	vld [tilespmem:$0x1FCA0];
	v14 =	vadd.f32 v25, v14  }
0x212: {  	v18 =	vld [tilespmem:s13+$0xFFFFFF10];
	v12 =	vadd.f32 v12, v21;
	v21 =	vadd.s32 v53, v40;
	v25 =	vmul.f32 v2, v57  }
0x213: {  	v20 =	vadd.f32 v24, v20;
	v19 =	vld.idx.msk [tilespmem:v19+s1+$0x0], $0xffff;
	v14 =	vadd.f32 v14, v23;
	v23 =	vmul.f32 v30, v58  }
0x214: {  	v63 =	vadd.s32 v50, v32;
	v17 =	vadd.s32 v53, v4;
	v24 =	vld [tilespmem:s13+$0xFFFFFFA0];
	v12 =	vadd.f32 v12, v25  }
0x215: {  	v41 =	vmovc v58;
	v26 =	vld [tilespmem:s22+$0x60];
	v25 =	vadd.s32 v50, v34;
	v20 =	vadd.f32 v20, v23;
	v23 =	vmul.f32 v37, v55  }
0x216: {  	v16 =	vmul.f32 v31, v55;
	v13 =	vadd.f32 v43, v13;
	v15 =	vld.idx.msk [tilespmem:v15+s1+$0x0], $0xffff;
	v62 =	vmul.f32 v5, v27  }
0x217: {  	v18 =	vadd.f32 v18, v22;
	v22 =	vmul.f32 v9, v49;
	v21 =	vld.idx.msk [tilespmem:v21+s1+$0x0], $0xffff;
	v14 =	vadd.f32 v14, v23  }
0x218: {  	v9 =	vmul.f32 v9, v46;
	[tilespmem:s21+$0xFFFFFFD0] =	vst v12;
	v13 =	vadd.f32 v13, v62;
	v12 =	vadd.f32 v20, v16;
	v16 =	vld [tilespmem:s22+$0xE0]  }
0x219: {  	v43 =	vmov v59;
	v19 =	vadd.f32 v24, v19;
	v24 =	vmul.f32 v6, v49;
	[tilespmem:s23+$0x90] =	vst v14;
	v14 =	vld.idx.msk [tilespmem:v17+s1+$0x0], $0xffff  }
0x21a: {  	v20 =	vmul.f32 v28, v43;
	v17 =	vmul.f32 v29, v41;
	[tilespmem:s23+$0x10] =	vst v12;
	v12 =	vld.idx.msk [tilespmem:v25+s1+$0x0], $0xffff  }
0x21b: {  	v15 =	vadd.f32 v26, v15;
	v13 =	vadd.f32 v13, v22;
	v22 =	vmul.f32 v52, v44;
	v1 =	vld.idx.msk [tilespmem:v63+s1+$0x0], $0xffff  }
0x21c: {  	v19 =	vadd.f32 v19, v20;
	v20 =	vld [tilespmem:s13+$0xA0];
	v17 =	vadd.f32 v18, v17;
	v18 =	vmul.f32 v8, v27  }
0x21d: {  	v63 =	vor.u32 $0x70, v47;
	v23 =	vld [tilespmem:s13+$0x20];
	v16 =	vadd.f32 v16, v21;
	v21 =	vmul.f32 v33, v55  }
0x21e: {  	v26 =	vmul.f32 v7, v27;
	v11 =	vadd.s32 v63, v11;
	v15 =	vadd.f32 v15, v18;
	v18 =	vld [tilespmem:s22+$0xFFFFFFE0]  }
0x21f: {  	v25 =	vadd.s32 v50, v60;
	v19 =	vadd.f32 v19, v22;
	v17 =	vadd.f32 v17, v21  }
0x220: {  	[tilespmem:s21+$0xFFFFFF60] =	vst v13;
	v10 =	vadd.s32 v63, v10;
	v13 =	vadd.f32 v15, v24;
	v15 =	vadd.f32 v16, v26  }
0x221: {  	v12 =	vadd.f32 v20, v12;
	v16 =	vadd.s32 v51, v61;
	[tilespmem:s23+$0xFFFFFF10] =	vst v17;
	v17 =	vmul.f32 v35, v43  }
0x222: {  	v22 =	vld [tilespmem:s22+$0xFFFFFF70];
	[tilespmem:s23+$0xFFFFFFA0] =	vst v19;
	v19 =	vmul.f32 v54, v49;
	v21 =	vadd.s32 v63, v40;
	v1 =	vadd.f32 v23, v1  }
0x223: {  	v14 =	vadd.f32 v18, v14;
	v18 =	vld.idx.msk [tilespmem:v11+s1+$0x0], $0xffff;
	v11 =	vadd.f32 v12, v17;
	v12 =	vmul.f32 v3, v27  }
0x224: {  	v20 =	vmul.f32 v37, v44;
	[tilespmem:s21+$0x60] =	vst v13;
	v13 =	vmul.f32 v30, v43;
	v17 =	vld.idx.msk [tilespmem:v25+s1+$0x0], $0xffff  }
0x225: {  	v15 =	vadd.f32 v15, v19;
	v14 =	vadd.f32 v14, v12;
	v12 =	vld.idx.msk [tilespmem:v10+s1+$0x0], $0xffff;
	v10 =	vmul.f32 v2, v49  }
0x226: {  	v6 =	vmul.f32 v6, v46;
	v1 =	vadd.f32 v1, v13;
	v19 =	vadd.f32 v11, v20;
	v16 =	vld.idx.msk [tilespmem:v16+s1+$0x0], $0xffff  }
0x227: {  	[tilespmem:s21+$0xE0] =	vst v15;
	v11 =	vmul.f32 v31, v44;
	v20 =	vld [tilespmem:s13+$0xFFFFFF20];
	v23 =	vadd.f32 v14, v10;
	v14 =	vadd.s32 v63, v4  }
0x228: {  	v58 =	vmovc v28;
	v28 =	vmul.f32 v3, v42;
	v27 =	vmov v32;
	v32 =	vmul.f32 v8, v42;
	v8 =	vld [tilespmem:s22+$0xF0]  }
0x229: {  	v59 =	vmovc v33;
	v7 =	vmul.f32 v7, v42;
	v33 =	vmul.f32 v2, v46;
	v24 =	vadd.f32 v1, v11;
	v11 =	vld [tilespmem:s22+$0x70]  }
0x22a: {  	s20 =	sshll.u32 s19, $0x1;
	v25 =	vmul.f32 v29, v43;
	v10 =	vld.idx.msk [tilespmem:v21+s1+$0x0], $0xffff;
	v15 =	vadd.f32 v22, v18;
	v22 =	vadd.s32 v51, v27  }
0x22b: {  	s20 =	sor.u32 s8, s20;
	s5 =	simm.s32 $0x8;
	v13 =	vmul.f32 v5, v42;
	v21 =	vadd.s32 v51, v60;
	v18 =	vld [tilespmem:s13+$0xFFFFFFB0];
	[tilespmem:s21+$0xFFFFFFE0] =	vst v23;
	v23 =	vadd.s32 v51, v34  }
.LBB2_5:
0x22c: {  	v14 =	vld.idx.msk [tilespmem:v14+s1+$0x0], $0xffff  }
0x22d: {  	s15 =	sadd.s32 $0x2, s5;
	v0 =	vld [tilespmem:$0x1FD50];
	[tilespmem:s23+$0x20] =	vst v24;
	v13 =	vadd.f32 v15, v13  }
0x22e: {  	v41 =	vadd.s32 v48, v27;
	v24 =	vmov s15;
	v26 =	vld [tilespmem:s13+$0x30]  }
0x22f: {  	s12 =	sadd.s32 $0x1, s5;
	v22 =	vld.idx.msk [tilespmem:v22+s1+$0x0], $0xffff;
	v9 =	vadd.f32 v13, v9;
	v1 =	vadd.f32 v20, v17;
	v17 =	vmul.f32 v59, v44  }
0x230: {  	v5 =	vmovc v27;
	v27 =	vld [tilespmem:$0x1FCA0];
	v20 =	vmov s12;
	v11 =	vadd.f32 v11, v12;
	v8 =	vadd.f32 v8, v10  }
0x231: {  	[tilespmem:s23+$0xA0] =	vst v19;
	v13 =	vld [tilespmem:s22+$0xFFFFFFF0];
	v15 =	vand.u32 $0xFFFFFFFD, v20;
	v20 =	vand.u32 $0xFFFFFFFE, v24;
	v1 =	vadd.f32 v1, v25  }
0x232: {  	v16 =	vadd.f32 v18, v16;
	v12 =	vbroadcast v15, $0x0;
	v19 =	vbroadcast v20, $0x0;
	v15 =	vld.idx.msk [tilespmem:v23+s1+$0x0], $0xffff  }
0x233: {  	s22 =	smov.u32 s13;
	v3 =	vadd.f32 v11, v32;
	v23 =	vld [tilespmem:s13+$0xB0];
	s13 =	sadd.s32 $0x200, s13;
	v1 =	vadd.f32 v1, v17  }
0x234: {  	[tilespmem:s21+$0xFFFFFF70] =	vst v9;
	v9 =	vmul.f32 v58, v0;
	v43 =	vmul.f32 v30, v0;
	v18 =	vadd.f32 v26, v22;
	v22 =	vld [tilespmem:s13+$0xFFFFFF80]  }
0x235: {  	s6 =	smov.u32 s5;
	v11 =	vmul.f32 v54, v46;
	v7 =	vadd.f32 v8, v7;
	v3 =	vadd.f32 v3, v6;
	v17 =	vld [tilespmem:s13+$0x0];
	[tilespmem:s23+$0xFFFFFF20] =	vst v1  }
0x236: {  	v20 =	vmul.f32 v52, v45;
	v9 =	vadd.f32 v16, v9;
	v6 =	vmov s6;
	v10 =	vld.idx.msk [tilespmem:v21+s1+$0x0], $0xffff  }
0x237: {  	v7 =	vadd.f32 v7, v11;
	v11 =	vmul.f32 v31, v45;
	v6 =	vand.u32 $0xFFFFFFFC, v6;
	[tilespmem:s21+$0x70] =	vst v3;
	v44 =	vld [tilespmem:s22+$0xFFFFFF30]  }
0x238: {  	v1 =	vadd.f32 v18, v43;
	v21 =	vbroadcast v6, $0x0;
	v6 =	vadd.f32 v13, v14;
	v8 =	vld.idx.msk [tilespmem:v19+s30+$0x0], $0xffff  }
0x239: {  	[tilespmem:s21+$0xF0] =	vst v7;
	v7 =	vadd.f32 v9, v20;
	v13 =	vadd.f32 v23, v15;
	v15 =	vld.idx.msk [tilespmem:v12+s7+$0x0], $0xffff  }
0x23a: {  	v1 =	vadd.f32 v1, v11;
	v2 =	vadd.f32 v6, v28;
	v6 =	vld.idx.msk [tilespmem:v12+s30+$0x0], $0xffff  }
0x23b: {  	v26 =	vadd.s32 v48, v34;
	[tilespmem:s23+$0xFFFFFFB0] =	vst v7;
	v28 =	vmov v34;
	v34 =	vld [tilespmem:$0x1FD40]  }
0x23c: {  	v62 =	vmov v35;
	[tilespmem:s23+$0x30] =	vst v1;
	v23 =	vld [tilespmem:s22+$0xFFFFFFC0]  }
0x23d: {  	v14 =	vmul.f32 v62, v0;
	v1 =	vld [tilespmem:s22+$0x40]  }
0x23e: {  	v32 =	vmov v37;
	v25 =	vld.idx.msk [tilespmem:v19+s31+$0x0], $0xffff  }
0x23f: {  	v11 =	vmul.f32 v32, v45;
	v9 =	vadd.f32 v13, v14;
	v2 =	vadd.f32 v2, v33;
	v33 =	vmovc v31;
	v31 =	vld [tilespmem:$0x1FC90]  }
0x240: {  	v4 =	vmov v59;
	v13 =	vmul.f32 v30, v42;
	v41 =	vld.idx.msk [tilespmem:v41+s1+$0x0], $0xffff  }
0x241: {  	s17 =	sadd.s32 $0x3, s6;
	v7 =	vadd.f32 v9, v11;
	v9 =	vmul.f32 v4, v45;
	v45 =	vmul.f32 v58, v42;
	v42 =	vld [tilespmem:$0x1FCD0]  }
0x242: {  	v36 =	vmovc v58;
	v37 =	vmov s17;
	v54 =	vmul.f32 v52, v46;
	v46 =	vmul.f32 v58, v27;
	v58 =	vld [tilespmem:$0x1FC70]  }
0x243: {  	v3 =	vadd.f32 v44, v10;
	v10 =	vmul.f32 v29, v0;
	v24 =	vld.idx.msk [tilespmem:v21+s30+$0x0], $0xffff  }
0x244: {  	[tilespmem:s23+$0xB0] =	vst v7;
	v7 =	vld.idx.msk [tilespmem:v21+s31+$0x0], $0xffff  }
0x245: {  	[tilespmem:s21+$0xFFFFFFF0] =	vst v2;
	v2 =	vld [tilespmem:$0x1FCB0];
	v3 =	vadd.f32 v3, v10;
	v10 =	vadd.s32 v48, v60  }
0x246: {  	v16 =	vld.idx.msk [tilespmem:v12+s31+$0x0], $0xffff  }
0x247: {  	v43 =	vadd.s32 v48, v61;
	v12 =	vld.idx.msk [tilespmem:v37+s30+$0x0], $0xffff;
	v47 =	vadd.f32 v3, v9  }
0x248: {  	v26 =	vld.idx.msk [tilespmem:v26+s1+$0x0], $0xffff;
	v3 =	vlaneseq.u32  }
0x249: {  	v14 =	vmov v48;
	v48 =	vld [tilespmem:s22+$0xC0];
	v38 =	vadd.s32 v3, v6;
	[tilespmem:s23+$0xFFFFFF30] =	vst v47  }
0x24a: {  	v39 =	vld.idx.msk [tilespmem:v10+s1+$0x0], $0xffff  }
0x24b: {  	v55 =	vld [tilespmem:s22+$0xFFFFFF40]  }
0x24c: {  	v43 =	vld.idx.msk [tilespmem:v43+s1+$0x0], $0xffff  }
0x24d: {  	[tilespmem:$0x1FAB0] =	vst v46;
	v46 =	vmul.f32 v4, v56;
	v10 =	vmov v4;
	v4 =	vld.idx.msk [tilespmem:v21+s7+$0x0], $0xffff;
	v21 =	vadd.s32 v3, v12  }
0x24e: {  	[tilespmem:$0x1FAC0] =	vst v54;
	v54 =	vmul.f32 v30, v27;
	v38 =	vld.idx.msk [tilespmem:v38+s1+$0x0], $0xffff  }
0x24f: {  	v9 =	vld.idx.msk [tilespmem:v19+s7+$0x0], $0xffff;
	v19 =	vmul.f32 v33, v57  }
0x250: {  	[tilespmem:$0x1FA80] =	vst v54;
	v35 =	vld.idx.msk [tilespmem:v37+s31+$0x0], $0xffff;
	v57 =	vlaneseq.u32;
	v0 =	vadd.f32 v55, v39;
	v55 =	vmul.f32 v29, v34  }
0x251: {  	v37 =	vld.idx.msk [tilespmem:v37+s7+$0x0], $0xffff;
	v54 =	vadd.s32 v57, v8;
	v47 =	vmul.f32 v52, v49;
	v49 =	vadd.s32 v63, v60  }
0x252: {  	[tilespmem:$0x1FA90] =	vst v49;
	v49 =	vadd.s32 v3, v24;
	v21 =	vld.idx.msk [tilespmem:v21+s1+$0x0], $0xffff;
	v0 =	vadd.f32 v0, v55  }
0x253: {  	v40 =	vmovc v50;
	v18 =	vadd.s32 v53, v60;
	v59 =	vmul.f32 v16, v2;
	v55 =	vld [tilespmem:s13+$0x80];
	v22 =	vadd.f32 v22, v38  }
0x254: {  	[tilespmem:$0x1FAA0] =	vst v45;
	v45 =	vmul.f32 v15, v42;
	v50 =	vld [tilespmem:s13+$0xFFFFFF00];
	v23 =	vadd.f32 v23, v43;
	v0 =	vadd.f32 v0, v46  }
0x255: {  	s21 =	smov.u32 s23;
	v38 =	vmovc v63;
	v63 =	vmul.f32 v30, v34;
	v46 =	vadd.s32 v58, v60;
	v22 =	vadd.f32 v22, v59;
	v59 =	vld [tilespmem:$0x1FC80]  }
0x256: {  	[tilespmem:s21+$0xFFFFFF40] =	vst v0;
	v0 =	vadd.f32 v1, v41;
	v1 =	vadd.f32 v48, v26;
	v48 =	vld.idx.msk [tilespmem:v54+s1+$0x0], $0xffff  }
0x257: {  	v60 =	vmov v24;
	v26 =	vmul.f32 v62, v34;
	v34 =	vmul.f32 v36, v34;
	v24 =	vld.idx.msk [tilespmem:v49+s1+$0x0], $0xffff  }
0x258: {  	v22 =	vadd.f32 v22, v45;
	v21 =	vadd.f32 v55, v21;
	v55 =	vld [tilespmem:$0x1FCE0]  }
0x259: {  	v57 =	vmul.f32 v33, v56;
	v0 =	vadd.f32 v0, v63;
	v23 =	vadd.f32 v23, v34;
	v34 =	vld [tilespmem:$0x1FD60]  }
0x25a: {  	v20 =	vmul.f32 v30, v31;
	v44 =	vmul.f32 v25, v2;
	s23 =	sadd.s32 $0x200, s23;
	v46 =	vld.idx.msk [tilespmem:v46+s1+$0x0], $0xffff  }
0x25b: {  	v3 =	vmov v53;
	v53 =	vadd.s32 v58, v5;
	[tilespmem:s23+$0xFFFFFF80] =	vst v22;
	v22 =	vld [tilespmem:s22+$0xFFFFFF50];
	v0 =	vadd.f32 v0, v57  }
0x25c: {  	[tilespmem:$0x1FAD0] =	vst v47;
	v47 =	vadd.s32 v58, v61;
	v30 =	vmov v25;
	v25 =	vmul.f32 v7, v2;
	v57 =	vld [tilespmem:$0x1FD10]  }
0x25d: {  	v1 =	vadd.f32 v1, v26;
	v26 =	vmul.f32 v32, v56;
	v17 =	vadd.f32 v17, v48;
	[tilespmem:s21+$0x40] =	vst v0;
	v0 =	vld [tilespmem:s13+$0xFFFFFF90]  }
0x25e: {  	v41 =	vadd.s32 v59, v6;
	v24 =	vadd.f32 v50, v24;
	v50 =	vmul.f32 v35, v2;
	v2 =	vld [tilespmem:$0x1FD70]  }
0x25f: {  	v49 =	vadd.s32 v58, v28;
	v1 =	vadd.f32 v1, v26;
	v17 =	vadd.f32 v17, v44;
	v44 =	vld [tilespmem:$0x1FCF0]  }
0x260: {  	v39 =	vmovc v29;
	v29 =	vmov v52;
	v52 =	vmul.f32 v52, v56;
	v58 =	vadd.f32 v24, v25;
	v25 =	vld.idx.msk [tilespmem:v53+s1+$0x0], $0xffff  }
0x261: {  	[tilespmem:s21+$0xC0] =	vst v1;
	v21 =	vadd.f32 v21, v50;
	v50 =	vld [tilespmem:s22+$0x50]  }
0x262: {  	v23 =	vadd.f32 v23, v52;
	v22 =	vadd.f32 v22, v46;
	v46 =	vld [tilespmem:s22+$0xD0]  }
0x263: {  	v63 =	vmov v38;
	v38 =	vmul.f32 v4, v42;
	v24 =	vadd.s32 v59, v60;
	v41 =	vld.idx.msk [tilespmem:v41+s1+$0x0], $0xffff  }
0x264: {  	v11 =	vmov v61;
	v61 =	vmul.f32 v9, v42;
	v52 =	vmul.f32 v37, v42;
	[tilespmem:s21+$0xFFFFFFC0] =	vst v23;
	v23 =	vld.idx.msk [tilespmem:v49+s1+$0x0], $0xffff  }
0x265: {  	v45 =	vmul.f32 v39, v31;
	v53 =	vadd.s32 v59, v12;
	v49 =	vld [tilespmem:$0x1FD20];
	v1 =	vadd.f32 v58, v38  }
0x266: {  	v21 =	vadd.f32 v21, v52;
	v42 =	vld.idx.msk [tilespmem:v47+s1+$0x0], $0xffff  }
0x267: {  	v26 =	vmul.f32 v10, v57;
	v17 =	vadd.f32 v17, v61;
	v22 =	vadd.f32 v22, v45;
	v38 =	vld [tilespmem:s22+$0xFFFFFFD0];
	[tilespmem:s23+$0xFFFFFF00] =	vst v1  }
0x268: {  	[tilespmem:s23+$0x80] =	vst v21;
	v24 =	vld.idx.msk [tilespmem:v24+s1+$0x0], $0xffff  }
0x269: {  	[tilespmem:s23+$0x0] =	vst v17;
	v17 =	vadd.f32 v22, v26;
	v26 =	vld [tilespmem:s13+$0x90]  }
0x26a: {  	v58 =	vmul.f32 v16, v34;
	v45 =	vld.idx.msk [tilespmem:v53+s1+$0x0], $0xffff  }
0x26b: {  	v21 =	vadd.f32 v50, v25;
	v25 =	vld [tilespmem:s13+$0xFFFFFF10];
	v0 =	vadd.f32 v0, v41  }
0x26c: {  	v41 =	vadd.s32 v59, v8;
	[tilespmem:s21+$0xFFFFFF50] =	vst v17;
	v17 =	vadd.f32 v46, v23;
	v23 =	vld [tilespmem:s13+$0x10]  }
0x26d: {  	v22 =	vmul.f32 v15, v55;
	v46 =	vld [tilespmem:$0x1FD30];
	v0 =	vadd.f32 v0, v58  }
0x26e: {  	v54 =	vmul.f32 v62, v31;
	v20 =	vadd.f32 v21, v20;
	v58 =	vmov v16;
	v16 =	vld [tilespmem:s22+$0xFFFFFF60]  }
0x26f: {  	v21 =	vadd.s32 v40, v6;
	v0 =	vadd.f32 v0, v22;
	v26 =	vadd.f32 v26, v45;
	v45 =	vld [tilespmem:$0x1FD00]  }
0x270: {  	v24 =	vadd.f32 v25, v24;
	v25 =	vadd.f32 v38, v42;
	v42 =	vld [tilespmem:$0x1FCC0]  }
0x271: {  	v19 =	vadd.f32 v20, v19;
	v20 =	vadd.s32 v3, v5;
	v22 =	vld.idx.msk [tilespmem:v41+s1+$0x0], $0xffff  }
0x272: {  	v1 =	vmul.f32 v7, v34;
	v17 =	vadd.f32 v17, v54;
	v54 =	vmov v32;
	[tilespmem:s23+$0xFFFFFF90] =	vst v0;
	v0 =	vld.idx.msk [tilespmem:v18+s1+$0x0], $0xffff  }
0x273: {  	v61 =	vmul.f32 v54, v57;
	[tilespmem:s21+$0x50] =	vst v19;
	v19 =	vadd.s32 v3, v28;
	v18 =	vmul.f32 v36, v31;
	v36 =	vld [tilespmem:$0x1FA80]  }
0x274: {  	v43 =	vmul.f32 v30, v34;
	v21 =	vld.idx.msk [tilespmem:v21+s1+$0x0], $0xffff  }
0x275: {  	v52 =	vmovc v15;
	v17 =	vadd.f32 v17, v61;
	v1 =	vadd.f32 v24, v1;
	v24 =	vmul.f32 v35, v34;
	v15 =	vld [tilespmem:s13+$0xFFFFFFA0]  }
0x276: {  	v38 =	vmul.f32 v29, v57;
	v41 =	vadd.s32 v3, v11;
	v18 =	vadd.f32 v25, v18;
	v20 =	vld.idx.msk [tilespmem:v20+s1+$0x0], $0xffff  }
0x277: {  	[tilespmem:s21+$0xD0] =	vst v17;
	v22 =	vadd.f32 v23, v22;
	v23 =	vadd.f32 v26, v24;
	v24 =	vmul.f32 v37, v55;
	v26 =	vld [tilespmem:s22+$0x60]  }
0x278: {  	v48 =	vmul.f32 v9, v55;
	v0 =	vadd.f32 v16, v0;
	v16 =	vadd.f32 v18, v38;
	v18 =	vld.idx.msk [tilespmem:v19+s1+$0x0], $0xffff  }
0x279: {  	v61 =	vadd.s32 v40, v12;
	v19 =	vadd.f32 v22, v43;
	v23 =	vadd.f32 v23, v24;
	v24 =	vld [tilespmem:s22+$0xE0]  }
0x27a: {  	v34 =	vmul.f32 v58, v2;
	v17 =	vmul.f32 v39, v27;
	v15 =	vadd.f32 v15, v21;
	v21 =	vld [tilespmem:$0x1FCF0];
	[tilespmem:s21+$0xFFFFFFD0] =	vst v16  }
0x27b: {  	v47 =	vmul.f32 v4, v55;
	v22 =	vadd.s32 v40, v8;
	v16 =	vadd.f32 v19, v48;
	v19 =	vld.idx.msk [tilespmem:v41+s1+$0x0], $0xffff  }
0x27c: {  	v0 =	vadd.f32 v0, v17;
	v17 =	vmul.f32 v10, v49;
	[tilespmem:s23+$0x90] =	vst v23;
	v15 =	vadd.f32 v15, v34;
	v34 =	vld [tilespmem:$0x1FA90]  }
0x27d: {  	v1 =	vadd.f32 v1, v47;
	v23 =	vld [tilespmem:s13+$0xA0]  }
0x27e: {  	v50 =	vmovc v40;
	v0 =	vadd.f32 v0, v17;
	v17 =	vadd.f32 v26, v20;
	v26 =	vadd.s32 v40, v60;
	v40 =	vld [tilespmem:$0x1FAB0]  }
0x27f: {  	[tilespmem:s23+$0x10] =	vst v16;
	v16 =	vld.idx.msk [tilespmem:v61+s1+$0x0], $0xffff  }
0x280: {  	v25 =	vmul.f32 v33, v49;
	[tilespmem:s23+$0xFFFFFF10] =	vst v1;
	v22 =	vld.idx.msk [tilespmem:v22+s1+$0x0], $0xffff  }
0x281: {  	v48 =	vmov v14;
	v21 =	vmul.f32 v52, v21;
	[tilespmem:s21+$0xFFFFFF60] =	vst v0;
	v14 =	vadd.f32 v24, v18;
	v18 =	vld [tilespmem:s22+$0xFFFFFFE0]  }
0x282: {  	v47 =	vadd.s32 v51, v6;
	v0 =	vadd.f32 v17, v36;
	v17 =	vmul.f32 v62, v27;
	v20 =	vld [tilespmem:s13+$0xFFFFFF20]  }
0x283: {  	v38 =	vmul.f32 v54, v49;
	v24 =	vadd.s32 v63, v5;
	v27 =	vmovc v8;
	v8 =	vadd.f32 v15, v21;
	v15 =	vld [tilespmem:s13+$0x20]  }
0x284: {  	v32 =	vmovc v13;
	v0 =	vadd.f32 v0, v25;
	v13 =	vadd.f32 v14, v17;
	v25 =	vadd.s32 v63, v28;
	v28 =	vld [tilespmem:$0x1FAA0]  }
0x285: {  	v17 =	vld.idx.msk [tilespmem:v26+s1+$0x0], $0xffff;
	[tilespmem:s23+$0xFFFFFFA0] =	vst v8;
	v8 =	vmul.f32 v35, v2;
	v16 =	vadd.f32 v23, v16  }
0x286: {  	v36 =	vadd.f32 v13, v38;
	v38 =	vld [tilespmem:s22+$0xFFFFFF70]  }
0x287: {  	v8 =	vadd.f32 v16, v8;
	v16 =	vld.idx.msk [tilespmem:v47+s1+$0x0], $0xffff  }
0x288: {  	v29 =	vmov v7;
	v7 =	vmul.f32 v62, v42;
	v47 =	vld [tilespmem:$0x1FAD0]  }
0x289: {  	v61 =	vmov v6;
	v14 =	vadd.s32 v63, v11;
	[tilespmem:s21+$0x60] =	vst v0;
	v21 =	vld.idx.msk [tilespmem:v34+s1+$0x0], $0xffff;
	v6 =	vadd.f32 v18, v19  }
0x28a: {  	p1 =	slt.u32 s5, $0xC4;
	v53 =	vmovc v3;
	v26 =	vmul.f32 v37, v44;
	v23 =	vmul.f32 v30, v2;
	v34 =	vmov v12;
	v12 =	vld.idx.msk [tilespmem:v24+s1+$0x0], $0xffff  }
.Ltmp3:
0x28b: {  	v59 =	vmovc v4;
	v13 =	vmul.f32 v39, v42;
	v11 =	vld [tilespmem:s22+$0x70];
	v15 =	vadd.f32 v15, v22;
	v0 =	vadd.f32 v6, v40;
	(pc) =	sbr.rel @p1 .LBB2_5-.Ltmp3, $4  }
0x28c: {  	v31 =	vmovc v9;
	v18 =	vld [tilespmem:s13+$0xFFFFFFB0];
	v6 =	vmul.f32 v33, v46;
	v22 =	vadd.s32 v51, v27;
	v19 =	vadd.f32 v8, v26  }
0x28d: {  	[tilespmem:s21+$0xE0] =	vst v36;
	v33 =	vld [tilespmem:$0x1FAC0];
	v43 =	vadd.f32 v15, v23;
	v15 =	vmul.f32 v9, v44;
	v0 =	vadd.f32 v0, v47  }
0x28e: {  	s14 =	sadd.s32 $0x4, s5;
	v9 =	vmul.f32 v10, v46;
	v10 =	vld.idx.msk [tilespmem:v25+s1+$0x0], $0xffff;
	v25 =	vmul.f32 v29, v2;
	v23 =	vadd.s32 v51, v34  }
0x28f: {  	s5 =	smov.u32 s14;
	v8 =	vld [tilespmem:s22+$0xF0];
	v24 =	vadd.f32 v43, v15;
	v15 =	vadd.f32 v38, v21;
	v21 =	vadd.s32 v51, v60;
	[tilespmem:s21+$0xFFFFFFE0] =	vst v0  }
0x290: {  	v0 =	vadd.f32 v20, v17;
	_ =	sdelay $0x1  }
0x291: {  	v1 =	vmul.f32 v59, v44;
	v0 =	vadd.f32 v0, v25  }
0x292: {  	v47 =	vld [tilespmem:$0x1FC80]  }
0x293: {  	v26 =	vld [tilespmem:$0x1FD70];
	v0 =	vadd.f32 v0, v1  }
0x294: {  	v40 =	vld [tilespmem:$0x1FD60];
	[tilespmem:s23+$0xA0] =	vst v19  }
0x295: {  	v39 =	vld.idx.msk [tilespmem:v23+s1+$0x0], $0xffff;
	[tilespmem:s23+$0xFFFFFF20] =	vst v0  }
0x296: {  	v0 =	vld.idx.msk [tilespmem:v21+s1+$0x0], $0xffff  }
0x297: {  	[tilespmem:s23+$0x20] =	vst v24;
	v4 =	vld [tilespmem:s13+$0xFFFFFF30]  }
0x298: {  	v24 =	vld [tilespmem:$0x1FD50]  }
0x299: {  	v38 =	vld [tilespmem:s13+$0x30]  }
0x29a: {  	v5 =	vld.idx.msk [tilespmem:v22+s1+$0x0], $0xffff  }
0x29b: {  	v19 =	vld [tilespmem:s13+$0xB0];
	_ =	sdelay $0x1  }
0x29c: {  	v0 =	vadd.f32 v4, v0;
	v41 =	vmul.f32 v29, v24  }
0x29d: {  	v62 =	vmul.f32 v59, v45;
	v36 =	vadd.s32 v48, v60  }
0x29e: {  	v1 =	vadd.f32 v38, v5;
	v43 =	vmul.f32 v30, v24;
	v0 =	vadd.f32 v0, v41  }
0x29f: {  	v39 =	vadd.f32 v19, v39;
	v41 =	vmul.f32 v35, v24  }
0x2a0: {  	v38 =	vmul.f32 v31, v45;
	v1 =	vadd.f32 v1, v43;
	v0 =	vadd.f32 v0, v62  }
0x2a1: {  	v43 =	vmul.f32 v37, v45;
	v4 =	vadd.f32 v39, v41  }
0x2a2: {  	v16 =	vadd.f32 v18, v16;
	v1 =	vadd.f32 v1, v38;
	[tilespmem:s23+$0xFFFFFF30] =	vst v0;
	v0 =	vadd.s32 v48, v27  }
0x2a3: {  	v62 =	vadd.s32 v48, v34;
	v39 =	vadd.f32 v4, v43;
	v5 =	vld.idx.msk [tilespmem:v36+s1+$0x0], $0xffff;
	v36 =	vmul.f32 v58, v24  }
0x2a4: {  	[tilespmem:s23+$0x30] =	vst v1;
	v38 =	vld [tilespmem:s13+$0xFFFFFF40]  }
0x2a5: {  	v41 =	vmul.f32 v52, v45;
	v17 =	vld [tilespmem:s13+$0x40];
	[tilespmem:s23+$0xB0] =	vst v39;
	v16 =	vadd.f32 v16, v36  }
0x2a6: {  	v2 =	vld [tilespmem:$0x1FD40]  }
0x2a7: {  	v0 =	vld.idx.msk [tilespmem:v0+s1+$0x0], $0xffff;
	v4 =	vadd.f32 v16, v41  }
0x2a8: {  	v16 =	vld.idx.msk [tilespmem:v62+s1+$0x0], $0xffff  }
0x2a9: {  	v43 =	vadd.s32 v48, v61;
	v5 =	vadd.f32 v38, v5;
	v38 =	vld [tilespmem:s13+$0xC0];
	[tilespmem:s23+$0xFFFFFFB0] =	vst v4  }
0x2aa: {  	v3 =	vmov v60;
	v60 =	vld [tilespmem:$0x1FC70];
	_ =	sdelay $0x1  }
0x2ab: {  	v36 =	vmul.f32 v29, v2  }
0x2ac: {  	v39 =	vmul.f32 v59, v56  }
0x2ad: {  	v1 =	vld.idx.msk [tilespmem:v43+s1+$0x0], $0xffff;
	v43 =	vmul.f32 v30, v2;
	v5 =	vadd.f32 v5, v36;
	v0 =	vadd.f32 v17, v0  }
0x2ae: {  	v23 =	vmul.f32 v35, v2;
	v16 =	vadd.f32 v38, v16;
	v41 =	vadd.s32 v60, v3  }
0x2af: {  	v62 =	vmul.f32 v31, v56;
	v5 =	vadd.f32 v5, v39;
	v0 =	vadd.f32 v0, v43  }
0x2b0: {  	v4 =	vld [tilespmem:s13+$0xFFFFFFC0];
	v38 =	vmul.f32 v37, v56;
	v36 =	vadd.f32 v16, v23  }
0x2b1: {  	v17 =	vadd.s32 v60, v27;
	[tilespmem:s23+$0xFFFFFF40] =	vst v5;
	v0 =	vadd.f32 v0, v62  }
0x2b2: {  	v43 =	vld [tilespmem:s13+$0xFFFFFF50];
	v5 =	vadd.f32 v36, v38  }
0x2b3: {  	v62 =	vadd.s32 v60, v34;
	[tilespmem:s23+$0x40] =	vst v0;
	v18 =	vld.idx.msk [tilespmem:v41+s1+$0x0], $0xffff  }
0x2b4: {  	[tilespmem:s23+$0xC0] =	vst v5;
	v38 =	vld [tilespmem:s13+$0x50]  }
0x2b5: {  	v39 =	vmul.f32 v58, v2;
	v1 =	vadd.f32 v4, v1;
	v41 =	vmov v2;
	v2 =	vld [tilespmem:$0x1FC90]  }
0x2b6: {  	v4 =	vld.idx.msk [tilespmem:v17+s1+$0x0], $0xffff  }
0x2b7: {  	v23 =	vadd.s32 v60, v61;
	v36 =	vmul.f32 v52, v56;
	v1 =	vadd.f32 v1, v39;
	v16 =	vld [tilespmem:s13+$0xD0]  }
0x2b8: {  	v18 =	vadd.f32 v43, v18;
	v43 =	vld.idx.msk [tilespmem:v62+s1+$0x0], $0xffff  }
0x2b9: {  	v1 =	vadd.f32 v1, v36  }
0x2ba: {  	v39 =	vmul.f32 v29, v2  }
0x2bb: {  	[tilespmem:s23+$0xFFFFFFC0] =	vst v1;
	v62 =	vmul.f32 v59, v57;
	v36 =	vmul.f32 v30, v2  }
0x2bc: {  	v0 =	vld.idx.msk [tilespmem:v23+s1+$0x0], $0xffff;
	v4 =	vadd.f32 v38, v4;
	v17 =	vadd.f32 v18, v39;
	v18 =	vadd.s32 v53, v3  }
0x2bd: {  	v19 =	vadd.s32 v53, v27;
	v21 =	vld [tilespmem:s13+$0xFFFFFFD0];
	v39 =	vmul.f32 v35, v2;
	v16 =	vadd.f32 v16, v43  }
0x2be: {  	v38 =	vmul.f32 v31, v57;
	v4 =	vadd.f32 v4, v36;
	v1 =	vadd.f32 v17, v62  }
0x2bf: {  	v62 =	vmul.f32 v37, v57;
	v43 =	vadd.f32 v16, v39  }
0x2c0: {  	[tilespmem:s23+$0xFFFFFF50] =	vst v1;
	v1 =	vadd.f32 v4, v38  }
0x2c1: {  	v38 =	vadd.s32 v53, v34;
	v16 =	vld.idx.msk [tilespmem:v18+s1+$0x0], $0xffff;
	v43 =	vadd.f32 v43, v62  }
0x2c2: {  	v36 =	vmul.f32 v58, v2;
	v0 =	vadd.f32 v21, v0;
	v39 =	vld [tilespmem:s13+$0xFFFFFF60];
	[tilespmem:s23+$0x50] =	vst v1  }
0x2c3: {  	v22 =	vld.idx.msk [tilespmem:v19+s1+$0x0], $0xffff;
	[tilespmem:s23+$0xD0] =	vst v43  }
0x2c4: {  	v20 =	vadd.s32 v53, v61;
	v0 =	vadd.f32 v0, v36;
	v62 =	vmul.f32 v52, v57;
	v2 =	vld [tilespmem:$0x1FCA0]  }
0x2c5: {  	v23 =	vld [tilespmem:s13+$0x60]  }
0x2c6: {  	v0 =	vadd.f32 v0, v62;
	v1 =	vld.idx.msk [tilespmem:v38+s1+$0x0], $0xffff  }
0x2c7: {  	v38 =	vld [tilespmem:s13+$0xE0]  }
0x2c8: {  	[tilespmem:s23+$0xFFFFFFD0] =	vst v0  }
0x2c9: {  	v16 =	vadd.f32 v39, v16;
	v19 =	vld.idx.msk [tilespmem:v20+s1+$0x0], $0xffff;
	v36 =	vmul.f32 v29, v2  }
0x2ca: {  	v43 =	vmul.f32 v59, v49;
	v5 =	vadd.f32 v23, v22;
	v62 =	vld [tilespmem:s13+$0xFFFFFFE0]  }
0x2cb: {  	v20 =	vadd.s32 v63, v3;
	v39 =	vmul.f32 v30, v2;
	v4 =	vadd.f32 v16, v36  }
0x2cc: {  	v1 =	vadd.f32 v38, v1;
	v38 =	vmul.f32 v35, v2;
	v36 =	vmul.f32 v31, v49  }
0x2cd: {  	v0 =	vadd.f32 v5, v39;
	v5 =	vadd.s32 v63, v27;
	v4 =	vadd.f32 v4, v43  }
0x2ce: {  	v14 =	vld.idx.msk [tilespmem:v14+s1+$0x0], $0xffff;
	v18 =	vmul.f32 v58, v2;
	v1 =	vadd.f32 v1, v38  }
0x2cf: {  	v21 =	vld [tilespmem:s22+$0xFFFFFFF0];
	v39 =	vmul.f32 v37, v49;
	v0 =	vadd.f32 v0, v36;
	v43 =	vadd.f32 v62, v19;
	[tilespmem:s23+$0xFFFFFF60] =	vst v4  }
0x2d0: {  	v34 =	vadd.s32 v63, v34;
	v62 =	vmul.f32 v52, v49;
	v19 =	vld.idx.msk [tilespmem:v20+s1+$0x0], $0xffff  }
0x2d1: {  	v36 =	vadd.s32 v63, v61;
	v38 =	vadd.f32 v1, v39;
	[tilespmem:s23+$0x60] =	vst v0;
	v43 =	vadd.f32 v43, v18;
	v39 =	vld [tilespmem:s13+$0xFFFFFF70]  }
0x2d2: {  	v5 =	vld.idx.msk [tilespmem:v5+s1+$0x0], $0xffff  }
0x2d3: {  	[tilespmem:s23+$0xE0] =	vst v38;
	v61 =	vld [tilespmem:s13+$0x70];
	v4 =	vadd.f32 v43, v62  }
0x2d4: {  	v11 =	vadd.f32 v11, v12;
	v13 =	vadd.f32 v15, v13;
	v16 =	vld [tilespmem:s13+$0xF0]  }
0x2d5: {  	v8 =	vadd.f32 v8, v10;
	v18 =	vld.idx.msk [tilespmem:v34+s1+$0x0], $0xffff;
	v62 =	vadd.f32 v21, v14;
	[tilespmem:s23+$0xFFFFFFE0] =	vst v4  }
0x2d6: {  	v9 =	vadd.f32 v13, v9;
	v17 =	vadd.f32 v11, v32;
	v23 =	vld.idx.msk [tilespmem:v36+s1+$0x0], $0xffff  }
0x2d7: {  	v7 =	vadd.f32 v8, v7;
	v32 =	vmul.f32 v58, v42;
	v21 =	vadd.f32 v62, v28;
	v28 =	vld [tilespmem:s13+$0xFFFFFFF0]  }
0x2d8: {  	v3 =	vadd.f32 v17, v6;
	v35 =	vmul.f32 v35, v42;
	v20 =	vmul.f32 v54, v46  }
0x2d9: {  	v2 =	vadd.f32 v21, v33;
	v33 =	vmul.f32 v29, v42;
	v1 =	vadd.f32 v39, v19  }
0x2da: {  	v34 =	vmul.f32 v30, v42;
	v4 =	vadd.f32 v7, v20;
	v0 =	vadd.f32 v61, v5  }
0x2db: {  	[tilespmem:s21+$0xFFFFFF70] =	vst v9;
	v36 =	vmul.f32 v59, v46;
	v38 =	vadd.f32 v16, v18;
	v1 =	vadd.f32 v1, v33  }
0x2dc: {  	[tilespmem:s21+$0x70] =	vst v3;
	v39 =	vmul.f32 v31, v46;
	v0 =	vadd.f32 v0, v34;
	v6 =	vadd.f32 v28, v23  }
0x2dd: {  	v43 =	vmul.f32 v37, v46;
	[tilespmem:s21+$0xF0] =	vst v4;
	v54 =	vadd.f32 v38, v35;
	v1 =	vadd.f32 v1, v36  }
0x2de: {  	p1 =	sne.s32 s19, $0x3F;
	v58 =	vmul.f32 v52, v46;
	[tilespmem:s21+$0xFFFFFFF0] =	vst v2;
	v0 =	vadd.f32 v0, v39;
	v59 =	vadd.f32 v6, v32  }
.Ltmp4:
0x2df: {  	v61 =	vadd.f32 v54, v43;
	[tilespmem:s23+$0xFFFFFF70] =	vst v1;
	(pc) =	sbr.rel @p1 .LBB2_8-.Ltmp4, $4  }
0x2e0: {  	s21 =	smul.u32 $0xC80, s20;
	[tilespmem:s23+$0x70] =	vst v0;
	v62 =	vadd.f32 v59, v58  }
0x2e1: {  	s5 =	rddreg [dreg:$0x7];
	[tilespmem:s23+$0xF0] =	vst v61  }
0x2e2: {  	s5 =	sadd.s32 s5, s21;
	[tilespmem:s23+$0xFFFFFFF0] =	vst v62  }
0x2e3: {  	v61 =	vmov v24;
	[hbm4b:s5+s10] =	stream.linear.scatter [tilespmem:s0], [sflag:$0x3], $0x6400, $0x38;
	[tilespmem:$0x18900] =	vst v63  }
0x2e4: {  	_ =	swait.ge [sflag:s2], $0xC80  }
0x2e5: {  	v0 =	vld [tilespmem:$0x1FF70]  }
0x2e6: {  	v1 =	vld [tilespmem:$0x1FF80]  }
0x2e7: {  	v2 =	vld [tilespmem:$0x1FF90]  }
0x2e8: {  	v3 =	vld [tilespmem:$0x1FFA0]  }
0x2e9: {  	v4 =	vld [tilespmem:$0x1FFB0]  }
.Ltmp5:
0x2ea: {  	v5 =	vld [tilespmem:$0x1FFC0];
	(pc) =	sbr.rel .LBB2_9-.Ltmp5, $4  }
0x2eb: {  	v6 =	vld [tilespmem:$0x1FFD0]  }
0x2ec: {  	v7 =	vld [tilespmem:$0x1FFE0]  }
0x2ed: {  	[sflag:s2] =	ssyncset.done $0x0;
	v8 =	vld [tilespmem:$0x1FFF0]  }
0x2ee: {  	v58 =	vmov v40;
	v59 =	vmov v26;
	v43 =	vld [tilespmem:$0x1FCD0];
	[sflag:s2] =	ssyncadd.s32 $0xFFFFF380  }
.LBB2_8:
0x2ef: {  	s5 =	sadd.s32 $0x2, s20  }
0x2f0: {  	s6 =	sshrl.u32 s5, $0x3  }
0x2f1: {  	s5 =	sshll.u32 s5, $0x7;
	s6 =	smul.u32 $0x6400, s6  }
0x2f2: {  	s5 =	sand.u32 $0x300, s5  }
0x2f3: {  	s5 =	sor.u32 s5, s6  }
0x2f4: {  	s5 =	sshrl.u32 s5, $0x3  }
0x2f5: {  	s5 =	sadd.s32 s11, s5  }
0x2f6: {  	[tilespmem:s26], [sflag:$0x1] =	stream.strided.gather [hbm4b:s5+s24], $0xC80, s25, s24, $0x38;
	[tilespmem:$0x18900] =	vst v63  }
0x2f7: {  	_ =	swait.ge [sflag:s2], $0xC80  }
0x2f8: {  	v0 =	vld [tilespmem:$0x1FF70]  }
0x2f9: {  	v1 =	vld [tilespmem:$0x1FF80]  }
0x2fa: {  	v2 =	vld [tilespmem:$0x1FF90]  }
0x2fb: {  	v3 =	vld [tilespmem:$0x1FFA0]  }
0x2fc: {  	v4 =	vld [tilespmem:$0x1FFB0]  }
.Ltmp6:
0x2fd: {  	v5 =	vld [tilespmem:$0x1FFC0];
	(pc) =	sbr.rel @p0 .LBB2_10-.Ltmp6, $4  }
0x2fe: {  	v6 =	vld [tilespmem:$0x1FFD0]  }
0x2ff: {  	v7 =	vld [tilespmem:$0x1FFE0]  }
0x300: {  	[sflag:s2] =	ssyncset.done $0x0;
	v8 =	vld [tilespmem:$0x1FFF0]  }
0x301: {  	v58 =	vmov v40;
	v59 =	vmov v26;
	v43 =	vld [tilespmem:$0x1FCD0];
	[sflag:s2] =	ssyncadd.s32 $0xFFFFF380  }
.LBB2_9:
0x302: {  	_ =	swait.ge [sflag:s3], $0x6400  }
0x303: {  	[sflag:s3] =	ssyncset.done $0x0  }
0x304: {  	[sflag:s3] =	ssyncadd.s32 $0xFFFF9C00  }
.LBB2_10:
0x305: {  	_ =	sdelay $0x3  }
0x306: {  	v0 =	vld.idx.msk [tilespmem:v0+s28+$0x0], $0xffff  }
0x307: {  	v1 =	vld.idx.msk [tilespmem:v1+s28+$0x0], $0xffff;
	_ =	sdelay $0x2  }
0x308: {  	v2 =	vld.idx.msk [tilespmem:v2+s28+$0x0], $0xffff  }
0x309: {  	v3 =	vld.idx.msk [tilespmem:v3+s28+$0x0], $0xffff  }
0x30a: {  	v4 =	vld.idx.msk [tilespmem:v4+s28+$0x0], $0xffff;
	v0 =	vtrunc.f32 v0;
	v1 =	vtrunc.f32 v1  }
0x30b: {  	v0 =	vcvt.f32.s32 v0;
	v1 =	vcvt.f32.s32 v1;
	_ =	sdelay $0x1  }
0x30c: {  	v0 =	vshll.u32 v0, $0x9;
	v1 =	vshll.u32 v1, $0x7  }
0x30d: {  	v0 =	vadd.s32 v0, v1;
	v1 =	vadd.f32 v3, v2  }
0x30e: {  	[tilespmem:$0x18600] =	vst v0;
	v0 =	vadd.f32 v4, v3  }
0x30f: {  	v4 =	vld [tilespmem:$0x1FD80];
	[tilespmem:$0x18700] =	vst v1  }
0x310: {  	[tilespmem:$0x18800] =	vst v0  }
0x311: {  	v0 =	vld.idx.msk [tilespmem:v5+s28+$0x0], $0xffff  }
0x312: {  	v1 =	vld.idx.msk [tilespmem:v6+s28+$0x0], $0xffff;
	_ =	sdelay $0x2  }
0x313: {  	v2 =	vld.idx.msk [tilespmem:v7+s28+$0x0], $0xffff  }
0x314: {  	v3 =	vld.idx.msk [tilespmem:v8+s28+$0x0], $0xffff  }
0x315: {  	v4 =	vld.idx.msk [tilespmem:v4+s28+$0x0], $0xffff;
	v0 =	vtrunc.f32 v0;
	v1 =	vtrunc.f32 v1  }
0x316: {  	v0 =	vcvt.f32.s32 v0;
	v1 =	vcvt.f32.s32 v1;
	_ =	sdelay $0x1  }
0x317: {  	v0 =	vshll.u32 v0, $0x9;
	v1 =	vshll.u32 v1, $0x7  }
0x318: {  	v0 =	vadd.s32 v0, v1;
	v1 =	vadd.f32 v3, v2  }
0x319: {  	[tilespmem:$0x18610] =	vst v0;
	v0 =	vadd.f32 v4, v3  }
0x31a: {  	[tilespmem:$0x18710] =	vst v1;
	v1 =	vld [tilespmem:$0x1FDA0]  }
0x31b: {  	[tilespmem:$0x18810] =	vst v0;
	v0 =	vld [tilespmem:$0x1FD90];
	_ =	sdelay $0x2  }
0x31c: {  	v2 =	vld [tilespmem:$0x1FDB0]  }
0x31d: {  	v3 =	vld [tilespmem:$0x1FDC0]  }
0x31e: {  	v4 =	vld [tilespmem:$0x1FDD0];
	_ =	sdelay $0x1  }
0x31f: {  	v1 =	vld.idx.msk [tilespmem:v1+s28+$0x0], $0xffff  }
0x320: {  	v0 =	vld.idx.msk [tilespmem:v0+s28+$0x0], $0xffff;
	_ =	sdelay $0x2  }
0x321: {  	v2 =	vld.idx.msk [tilespmem:v2+s28+$0x0], $0xffff  }
0x322: {  	v3 =	vld.idx.msk [tilespmem:v3+s28+$0x0], $0xffff  }
0x323: {  	v4 =	vld.idx.msk [tilespmem:v4+s28+$0x0], $0xffff;
	v1 =	vtrunc.f32 v1;
	v0 =	vtrunc.f32 v0  }
0x324: {  	v1 =	vcvt.f32.s32 v1;
	v0 =	vcvt.f32.s32 v0;
	_ =	sdelay $0x1  }
0x325: {  	v1 =	vshll.u32 v1, $0x7;
	v0 =	vshll.u32 v0, $0x9  }
0x326: {  	v0 =	vadd.s32 v0, v1;
	v1 =	vadd.f32 v3, v2  }
0x327: {  	[tilespmem:$0x18620] =	vst v0;
	v0 =	vadd.f32 v4, v3  }
0x328: {  	[tilespmem:$0x18720] =	vst v1;
	v1 =	vld [tilespmem:$0x1FDF0]  }
0x329: {  	[tilespmem:$0x18820] =	vst v0;
	v0 =	vld [tilespmem:$0x1FDE0];
	_ =	sdelay $0x2  }
0x32a: {  	v2 =	vld [tilespmem:$0x1FE00]  }
0x32b: {  	v3 =	vld [tilespmem:$0x1FE10]  }
0x32c: {  	v4 =	vld [tilespmem:$0x1FE20];
	_ =	sdelay $0x1  }
0x32d: {  	v1 =	vld.idx.msk [tilespmem:v1+s28+$0x0], $0xffff  }
0x32e: {  	v0 =	vld.idx.msk [tilespmem:v0+s28+$0x0], $0xffff;
	_ =	sdelay $0x2  }
0x32f: {  	v2 =	vld.idx.msk [tilespmem:v2+s28+$0x0], $0xffff  }
0x330: {  	v3 =	vld.idx.msk [tilespmem:v3+s28+$0x0], $0xffff  }
0x331: {  	v4 =	vld.idx.msk [tilespmem:v4+s28+$0x0], $0xffff;
	v1 =	vtrunc.f32 v1;
	v0 =	vtrunc.f32 v0  }
0x332: {  	v1 =	vcvt.f32.s32 v1;
	v0 =	vcvt.f32.s32 v0;
	_ =	sdelay $0x1  }
0x333: {  	v1 =	vshll.u32 v1, $0x7;
	v0 =	vshll.u32 v0, $0x9  }
0x334: {  	v0 =	vadd.s32 v0, v1;
	v1 =	vadd.f32 v3, v2  }
0x335: {  	[tilespmem:$0x18630] =	vst v0;
	v0 =	vadd.f32 v4, v3  }
0x336: {  	[tilespmem:$0x18730] =	vst v1;
	v1 =	vld [tilespmem:$0x1FE40]  }
0x337: {  	[tilespmem:$0x18830] =	vst v0;
	v0 =	vld [tilespmem:$0x1FE30];
	_ =	sdelay $0x2  }
0x338: {  	v2 =	vld [tilespmem:$0x1FE50]  }
0x339: {  	v3 =	vld [tilespmem:$0x1FE60]  }
0x33a: {  	v4 =	vld [tilespmem:$0x1FE70];
	_ =	sdelay $0x1  }
0x33b: {  	v1 =	vld.idx.msk [tilespmem:v1+s28+$0x0], $0xffff  }
0x33c: {  	v0 =	vld.idx.msk [tilespmem:v0+s28+$0x0], $0xffff;
	_ =	sdelay $0x2  }
0x33d: {  	v2 =	vld.idx.msk [tilespmem:v2+s28+$0x0], $0xffff  }
0x33e: {  	v3 =	vld.idx.msk [tilespmem:v3+s28+$0x0], $0xffff  }
0x33f: {  	v4 =	vld.idx.msk [tilespmem:v4+s28+$0x0], $0xffff;
	v1 =	vtrunc.f32 v1;
	v0 =	vtrunc.f32 v0  }
0x340: {  	v1 =	vcvt.f32.s32 v1;
	v0 =	vcvt.f32.s32 v0;
	_ =	sdelay $0x1  }
0x341: {  	v1 =	vshll.u32 v1, $0x7;
	v0 =	vshll.u32 v0, $0x9  }
0x342: {  	v0 =	vadd.s32 v0, v1;
	v1 =	vadd.f32 v3, v2  }
0x343: {  	[tilespmem:$0x18640] =	vst v0;
	v0 =	vadd.f32 v4, v3  }
0x344: {  	[tilespmem:$0x18740] =	vst v1;
	v1 =	vld [tilespmem:$0x1FE90]  }
0x345: {  	[tilespmem:$0x18840] =	vst v0;
	v0 =	vld [tilespmem:$0x1FE80];
	_ =	sdelay $0x2  }
0x346: {  	v2 =	vld [tilespmem:$0x1FEA0]  }
0x347: {  	v3 =	vld [tilespmem:$0x1FEB0]  }
0x348: {  	v4 =	vld [tilespmem:$0x1FEC0];
	_ =	sdelay $0x1  }
0x349: {  	v1 =	vld.idx.msk [tilespmem:v1+s28+$0x0], $0xffff  }
0x34a: {  	v0 =	vld.idx.msk [tilespmem:v0+s28+$0x0], $0xffff;
	_ =	sdelay $0x2  }
0x34b: {  	v2 =	vld.idx.msk [tilespmem:v2+s28+$0x0], $0xffff  }
0x34c: {  	v3 =	vld.idx.msk [tilespmem:v3+s28+$0x0], $0xffff  }
0x34d: {  	v4 =	vld.idx.msk [tilespmem:v4+s28+$0x0], $0xffff;
	v1 =	vtrunc.f32 v1;
	v0 =	vtrunc.f32 v0  }
0x34e: {  	v1 =	vcvt.f32.s32 v1;
	v0 =	vcvt.f32.s32 v0;
	_ =	sdelay $0x1  }
0x34f: {  	v1 =	vshll.u32 v1, $0x7;
	v0 =	vshll.u32 v0, $0x9  }
0x350: {  	v0 =	vadd.s32 v0, v1;
	v1 =	vadd.f32 v3, v2  }
0x351: {  	[tilespmem:$0x18650] =	vst v0;
	v0 =	vadd.f32 v4, v3  }
0x352: {  	[tilespmem:$0x18750] =	vst v1;
	v1 =	vld [tilespmem:$0x1FEE0]  }
0x353: {  	[tilespmem:$0x18850] =	vst v0;
	v0 =	vld [tilespmem:$0x1FED0];
	_ =	sdelay $0x2  }
0x354: {  	v2 =	vld [tilespmem:$0x1FEF0]  }
0x355: {  	v3 =	vld [tilespmem:$0x1FF00]  }
0x356: {  	v4 =	vld [tilespmem:$0x1FF10];
	_ =	sdelay $0x1  }
0x357: {  	v1 =	vld.idx.msk [tilespmem:v1+s28+$0x0], $0xffff  }
0x358: {  	v0 =	vld.idx.msk [tilespmem:v0+s28+$0x0], $0xffff;
	_ =	sdelay $0x2  }
0x359: {  	v2 =	vld.idx.msk [tilespmem:v2+s28+$0x0], $0xffff  }
0x35a: {  	v3 =	vld.idx.msk [tilespmem:v3+s28+$0x0], $0xffff  }
0x35b: {  	v4 =	vld.idx.msk [tilespmem:v4+s28+$0x0], $0xffff;
	v1 =	vtrunc.f32 v1;
	v0 =	vtrunc.f32 v0  }
0x35c: {  	v1 =	vcvt.f32.s32 v1;
	v0 =	vcvt.f32.s32 v0;
	_ =	sdelay $0x1  }
0x35d: {  	v1 =	vshll.u32 v1, $0x7;
	v0 =	vshll.u32 v0, $0x9  }
0x35e: {  	v0 =	vadd.s32 v0, v1;
	v1 =	vadd.f32 v3, v2  }
0x35f: {  	[tilespmem:$0x18660] =	vst v0;
	v0 =	vadd.f32 v4, v3  }
0x360: {  	[tilespmem:$0x18760] =	vst v1;
	v1 =	vld [tilespmem:$0x1FF30]  }
0x361: {  	[tilespmem:$0x18860] =	vst v0;
	v0 =	vld [tilespmem:$0x1FF20];
	_ =	sdelay $0x2  }
0x362: {  	v2 =	vld [tilespmem:$0x1FF40]  }
0x363: {  	v3 =	vld [tilespmem:$0x1FF50]  }
0x364: {  	v4 =	vld [tilespmem:$0x1FF60];
	_ =	sdelay $0x1  }
0x365: {  	v1 =	vld.idx.msk [tilespmem:v1+s28+$0x0], $0xffff  }
0x366: {  	v0 =	vld.idx.msk [tilespmem:v0+s28+$0x0], $0xffff;
	_ =	sdelay $0x2  }
0x367: {  	v2 =	vld.idx.msk [tilespmem:v2+s28+$0x0], $0xffff  }
0x368: {  	v3 =	vld.idx.msk [tilespmem:v3+s28+$0x0], $0xffff  }
0x369: {  	v4 =	vld.idx.msk [tilespmem:v4+s28+$0x0], $0xffff;
	v1 =	vtrunc.f32 v1;
	v0 =	vtrunc.f32 v0  }
0x36a: {  	v1 =	vcvt.f32.s32 v1;
	v0 =	vcvt.f32.s32 v0;
	_ =	sdelay $0x1  }
0x36b: {  	v1 =	vshll.u32 v1, $0x7;
	v0 =	vshll.u32 v0, $0x9  }
0x36c: {  	v0 =	vadd.s32 v0, v1;
	v1 =	vadd.f32 v3, v2  }
0x36d: {  	[tilespmem:$0x18670] =	vst v0;
	v0 =	vadd.f32 v4, v3  }
0x36e: {  	[tilespmem:$0x18770] =	vst v1;
	v1 =	vld [tilespmem:$0x1FAF0]  }
0x36f: {  	[tilespmem:$0x18870] =	vst v0;
	v0 =	vld [tilespmem:$0x1FAE0];
	_ =	sdelay $0x2  }
0x370: {  	v2 =	vld [tilespmem:$0x1FB00]  }
0x371: {  	v3 =	vld [tilespmem:$0x1FB10]  }
0x372: {  	v4 =	vld [tilespmem:$0x1FB20];
	_ =	sdelay $0x1  }
0x373: {  	v1 =	vld.idx.msk [tilespmem:v1+s28+$0x0], $0xffff  }
0x374: {  	v0 =	vld.idx.msk [tilespmem:v0+s28+$0x0], $0xffff;
	_ =	sdelay $0x2  }
0x375: {  	v2 =	vld.idx.msk [tilespmem:v2+s28+$0x0], $0xffff  }
0x376: {  	v3 =	vld.idx.msk [tilespmem:v3+s28+$0x0], $0xffff  }
0x377: {  	v4 =	vld.idx.msk [tilespmem:v4+s28+$0x0], $0xffff;
	v1 =	vtrunc.f32 v1;
	v0 =	vtrunc.f32 v0  }
0x378: {  	v1 =	vcvt.f32.s32 v1;
	v0 =	vcvt.f32.s32 v0;
	_ =	sdelay $0x1  }
0x379: {  	v1 =	vshll.u32 v1, $0x7;
	v0 =	vshll.u32 v0, $0x9  }
0x37a: {  	v0 =	vadd.s32 v0, v1;
	v1 =	vadd.f32 v3, v2  }
0x37b: {  	[tilespmem:$0x18680] =	vst v0;
	v0 =	vadd.f32 v4, v3  }
0x37c: {  	[tilespmem:$0x18780] =	vst v1;
	v1 =	vld [tilespmem:$0x1FB40]  }
0x37d: {  	[tilespmem:$0x18880] =	vst v0;
	v0 =	vld [tilespmem:$0x1FB30];
	_ =	sdelay $0x2  }
0x37e: {  	v2 =	vld [tilespmem:$0x1FB50]  }
0x37f: {  	v3 =	vld [tilespmem:$0x1FB60]  }
0x380: {  	v4 =	vld [tilespmem:$0x1FB70];
	_ =	sdelay $0x1  }
0x381: {  	v1 =	vld.idx.msk [tilespmem:v1+s28+$0x0], $0xffff  }
0x382: {  	v0 =	vld.idx.msk [tilespmem:v0+s28+$0x0], $0xffff;
	_ =	sdelay $0x2  }
0x383: {  	v2 =	vld.idx.msk [tilespmem:v2+s28+$0x0], $0xffff  }
0x384: {  	v3 =	vld.idx.msk [tilespmem:v3+s28+$0x0], $0xffff  }
0x385: {  	v4 =	vld.idx.msk [tilespmem:v4+s28+$0x0], $0xffff;
	v1 =	vtrunc.f32 v1;
	v0 =	vtrunc.f32 v0  }
0x386: {  	v1 =	vcvt.f32.s32 v1;
	v0 =	vcvt.f32.s32 v0;
	_ =	sdelay $0x1  }
0x387: {  	v1 =	vshll.u32 v1, $0x7;
	v0 =	vshll.u32 v0, $0x9  }
0x388: {  	v0 =	vadd.s32 v0, v1;
	v1 =	vadd.f32 v3, v2  }
0x389: {  	[tilespmem:$0x18690] =	vst v0;
	v0 =	vadd.f32 v4, v3  }
0x38a: {  	[tilespmem:$0x18790] =	vst v1;
	v1 =	vld [tilespmem:$0x1FB90]  }
0x38b: {  	[tilespmem:$0x18890] =	vst v0;
	v0 =	vld [tilespmem:$0x1FB80];
	_ =	sdelay $0x2  }
0x38c: {  	v2 =	vld [tilespmem:$0x1FBA0]  }
0x38d: {  	v3 =	vld [tilespmem:$0x1FBB0]  }
0x38e: {  	v4 =	vld [tilespmem:$0x1FBC0];
	_ =	sdelay $0x1  }
0x38f: {  	v1 =	vld.idx.msk [tilespmem:v1+s28+$0x0], $0xffff  }
0x390: {  	v0 =	vld.idx.msk [tilespmem:v0+s28+$0x0], $0xffff;
	_ =	sdelay $0x2  }
0x391: {  	v2 =	vld.idx.msk [tilespmem:v2+s28+$0x0], $0xffff  }
0x392: {  	v3 =	vld.idx.msk [tilespmem:v3+s28+$0x0], $0xffff  }
0x393: {  	v4 =	vld.idx.msk [tilespmem:v4+s28+$0x0], $0xffff;
	v1 =	vtrunc.f32 v1;
	v0 =	vtrunc.f32 v0  }
0x394: {  	v1 =	vcvt.f32.s32 v1;
	v0 =	vcvt.f32.s32 v0;
	_ =	sdelay $0x1  }
0x395: {  	v1 =	vshll.u32 v1, $0x7;
	v0 =	vshll.u32 v0, $0x9  }
0x396: {  	v0 =	vadd.s32 v0, v1;
	v1 =	vadd.f32 v3, v2  }
0x397: {  	[tilespmem:$0x186A0] =	vst v0;
	v0 =	vadd.f32 v4, v3  }
0x398: {  	[tilespmem:$0x187A0] =	vst v1;
	v1 =	vld [tilespmem:$0x1FBE0]  }
0x399: {  	[tilespmem:$0x188A0] =	vst v0;
	v0 =	vld [tilespmem:$0x1FBD0];
	_ =	sdelay $0x2  }
0x39a: {  	v2 =	vld [tilespmem:$0x1FBF0]  }
0x39b: {  	v3 =	vld [tilespmem:$0x1FC00]  }
0x39c: {  	v4 =	vld [tilespmem:$0x1FC10];
	_ =	sdelay $0x1  }
0x39d: {  	v1 =	vld.idx.msk [tilespmem:v1+s28+$0x0], $0xffff  }
0x39e: {  	v0 =	vld.idx.msk [tilespmem:v0+s28+$0x0], $0xffff;
	_ =	sdelay $0x2  }
0x39f: {  	v2 =	vld.idx.msk [tilespmem:v2+s28+$0x0], $0xffff  }
0x3a0: {  	v3 =	vld.idx.msk [tilespmem:v3+s28+$0x0], $0xffff  }
0x3a1: {  	v4 =	vld.idx.msk [tilespmem:v4+s28+$0x0], $0xffff;
	v1 =	vtrunc.f32 v1;
	v0 =	vtrunc.f32 v0  }
0x3a2: {  	v1 =	vcvt.f32.s32 v1;
	v0 =	vcvt.f32.s32 v0;
	_ =	sdelay $0x1  }
0x3a3: {  	v1 =	vshll.u32 v1, $0x7;
	v0 =	vshll.u32 v0, $0x9  }
0x3a4: {  	v0 =	vadd.s32 v0, v1;
	v1 =	vadd.f32 v3, v2  }
0x3a5: {  	[tilespmem:$0x186B0] =	vst v0;
	v0 =	vadd.f32 v4, v3  }
0x3a6: {  	[tilespmem:$0x187B0] =	vst v1;
	v1 =	vld [tilespmem:$0x1FC30]  }
0x3a7: {  	[tilespmem:$0x188B0] =	vst v0;
	v0 =	vld [tilespmem:$0x1FC20];
	_ =	sdelay $0x2  }
0x3a8: {  	v2 =	vld [tilespmem:$0x1FC40]  }
0x3a9: {  	v3 =	vld [tilespmem:$0x1FC50]  }
0x3aa: {  	v4 =	vld [tilespmem:$0x1FC60];
	_ =	sdelay $0x1  }
0x3ab: {  	v1 =	vld.idx.msk [tilespmem:v1+s28+$0x0], $0xffff  }
0x3ac: {  	v0 =	vld.idx.msk [tilespmem:v0+s28+$0x0], $0xffff;
	_ =	sdelay $0x2  }
0x3ad: {  	v2 =	vld.idx.msk [tilespmem:v2+s28+$0x0], $0xffff  }
0x3ae: {  	s5 =	simm.s32 $0x1;
	v3 =	vld.idx.msk [tilespmem:v3+s28+$0x0], $0xffff  }
0x3af: {  	v5 =	vmov s5;
	v4 =	vld.idx.msk [tilespmem:v4+s28+$0x0], $0xffff;
	v1 =	vtrunc.f32 v1;
	v0 =	vtrunc.f32 v0  }
0x3b0: {  	s23 =	simm.s32 $0x2;
	v5 =	vand.u32 $0xFFFFFFFD, v5;
	v1 =	vcvt.f32.s32 v1;
	v0 =	vcvt.f32.s32 v0  }
0x3b1: {  	v6 =	vmov s23;
	v5 =	vbroadcast v5, $0x0  }
0x3b2: {  	v6 =	vand.u32 $0xFFFFFFFE, v6;
	v1 =	vshll.u32 v1, $0x7;
	v0 =	vshll.u32 v0, $0x9  }
0x3b3: {  	v6 =	vbroadcast v6, $0x0;
	v0 =	vadd.s32 v0, v1;
	v1 =	vadd.f32 v3, v2  }
0x3b4: {  	[tilespmem:$0x186C0] =	vst v0;
	v0 =	vadd.f32 v4, v3  }
0x3b5: {  	[tilespmem:$0x187C0] =	vst v1  }
0x3b6: {  	[tilespmem:$0x188C0] =	vst v0  }
0x3b7: {  	s6 =	simm.s32 $0x0;
	v24 =	vld.idx.msk [tilespmem:v5+s30+$0x0], $0xffff  }
0x3b8: {  	v0 =	vmov s6  }
0x3b9: {  	v0 =	vand.u32 $0xFFFFFFFC, v0;
	v22 =	vld.idx.msk [tilespmem:v6+s30+$0x0], $0xffff  }
0x3ba: {  	v0 =	vbroadcast v0, $0x0  }
0x3bb: {  	v52 =	vlaneseq.u32;
	v54 =	vld [tilespmem:$0x1FCB0];
	s23 =	simm.s32 $0x4100  }
0x3bc: {  	v1 =	vld [tilespmem:s23+$0x0];
	v3 =	vadd.s32 v52, v24  }
0x3bd: {  	v7 =	vld [tilespmem:s23+$0xFFFFFF80]  }
0x3be: {  	v21 =	vld.idx.msk [tilespmem:v6+s31+$0x0], $0xffff;
	v8 =	vadd.s32 v52, v22  }
0x3bf: {  	v2 =	vld.idx.msk [tilespmem:v5+s31+$0x0], $0xffff  }
0x3c0: {  	v23 =	vld.idx.msk [tilespmem:v0+s30+$0x0], $0xffff  }
0x3c1: {  	v9 =	vld.idx.msk [tilespmem:v3+s1+$0x0], $0xffff  }
0x3c2: {  	v4 =	vld.idx.msk [tilespmem:v5+s7+$0x0], $0xffff  }
0x3c3: {  	s9 =	simm.s32 $0x3;
	v5 =	vld.idx.msk [tilespmem:v8+s1+$0x0], $0xffff  }
0x3c4: {  	v10 =	vmov s9;
	v3 =	vld.idx.msk [tilespmem:v6+s7+$0x0], $0xffff;
	_ =	sdelay $0x1  }
0x3c5: {  	v6 =	vmul.f32 v2, v54;
	v11 =	vadd.s32 v52, v23;
	v7 =	vadd.f32 v7, v9  }
0x3c6: {  	v12 =	vmul.f32 v4, v43;
	v9 =	vmul.f32 v21, v54  }
0x3c7: {  	v13 =	vld [tilespmem:s23+$0xFFFFFF00];
	v1 =	vadd.f32 v1, v5;
	v6 =	vadd.f32 v7, v6;
	v7 =	vadd.s32 v47, v24  }
0x3c8: {  	v8 =	vld.idx.msk [tilespmem:v10+s30+$0x0], $0xffff;
	v14 =	vmul.f32 v3, v43  }
0x3c9: {  	v5 =	vld.idx.msk [tilespmem:v0+s31+$0x0], $0xffff;
	v1 =	vadd.f32 v1, v9;
	v9 =	vadd.s32 v47, v22;
	v12 =	vadd.f32 v6, v12  }
0x3ca: {  	s22 =	simm.s32 $0x12300;
	v11 =	vld.idx.msk [tilespmem:v11+s1+$0x0], $0xffff  }
0x3cb: {  	v6 =	vld.idx.msk [tilespmem:v0+s7+$0x0], $0xffff;
	v0 =	vadd.f32 v1, v14;
	[tilespmem:s22+$0xFFFFFF80] =	vst v12  }
0x3cc: {  	v1 =	vld.idx.msk [tilespmem:v7+s1+$0x0], $0xffff  }
0x3cd: {  	[tilespmem:s22+$0x0] =	vst v0;
	v7 =	vld [tilespmem:s23+$0xFFFFFF90]  }
0x3ce: {  	v0 =	vld.idx.msk [tilespmem:v9+s1+$0x0], $0xffff  }
0x3cf: {  	v12 =	vmul.f32 v5, v54;
	v9 =	vadd.s32 v52, v8;
	v11 =	vadd.f32 v13, v11;
	v13 =	vld [tilespmem:s23+$0x10];
	_ =	sdelay $0x1  }
0x3d0: {  	v14 =	vmul.f32 v6, v43;
	v11 =	vadd.f32 v11, v12;
	v12 =	vadd.s32 v47, v23  }
0x3d1: {  	v25 =	vld.idx.msk [tilespmem:v10+s31+$0x0], $0xffff;
	v15 =	vmul.f32 v2, v58;
	v1 =	vadd.f32 v7, v1  }
0x3d2: {  	v16 =	vld [tilespmem:s23+$0x80];
	v17 =	vmul.f32 v21, v58;
	v11 =	vadd.f32 v11, v14;
	v14 =	vmul.f32 v4, v55  }
0x3d3: {  	v9 =	vld.idx.msk [tilespmem:v9+s1+$0x0], $0xffff;
	v0 =	vadd.f32 v13, v0;
	v1 =	vadd.f32 v1, v15;
	v15 =	vadd.s32 v50, v24  }
0x3d4: {  	v7 =	vld.idx.msk [tilespmem:v10+s7+$0x0], $0xffff;
	v10 =	vmul.f32 v3, v55;
	[tilespmem:s22+$0xFFFFFF00] =	vst v11  }
0x3d5: {  	v11 =	vld.idx.msk [tilespmem:v12+s1+$0x0], $0xffff;
	v0 =	vadd.f32 v0, v17;
	v12 =	vadd.s32 v50, v22;
	v1 =	vadd.f32 v1, v14  }
0x3d6: {  	v13 =	vld [tilespmem:s23+$0xFFFFFF10]  }
0x3d7: {  	v0 =	vadd.f32 v0, v10;
	[tilespmem:s22+$0xFFFFFF90] =	vst v1  }
0x3d8: {  	v1 =	vadd.f32 v16, v9;
	v9 =	vmul.f32 v25, v54;
	v10 =	vld.idx.msk [tilespmem:v15+s1+$0x0], $0xffff  }
0x3d9: {  	[tilespmem:s22+$0x10] =	vst v0;
	v14 =	vld [tilespmem:s23+$0xFFFFFFA0]  }
0x3da: {  	v0 =	vmul.f32 v7, v43;
	v12 =	vld.idx.msk [tilespmem:v12+s1+$0x0], $0xffff;
	v1 =	vadd.f32 v1, v9  }
0x3db: {  	v15 =	vmul.f32 v5, v58;
	v11 =	vadd.f32 v13, v11;
	v13 =	vld [tilespmem:s23+$0x20];
	v9 =	vadd.s32 v47, v8  }
0x3dc: {  	v0 =	vadd.f32 v1, v0  }
0x3dd: {  	v11 =	vadd.f32 v11, v15;
	v1 =	vmul.f32 v6, v55  }
0x3de: {  	[tilespmem:s22+$0x80] =	vst v0;
	v0 =	vadd.s32 v50, v23  }
0x3df: {  	v15 =	vmul.f32 v2, v59;
	v10 =	vadd.f32 v14, v10;
	v1 =	vadd.f32 v11, v1  }
0x3e0: {  	v12 =	vadd.f32 v13, v12;
	v13 =	vmul.f32 v21, v59;
	v9 =	vld.idx.msk [tilespmem:v9+s1+$0x0], $0xffff  }
0x3e1: {  	v14 =	vmul.f32 v4, v44;
	v11 =	vld [tilespmem:s23+$0x90];
	v10 =	vadd.f32 v10, v15;
	v15 =	vadd.s32 v51, v24;
	[tilespmem:s22+$0xFFFFFF10] =	vst v1  }
0x3e2: {  	v16 =	vadd.s32 v51, v22;
	v12 =	vadd.f32 v12, v13;
	v13 =	vmul.f32 v3, v44;
	v1 =	vld [tilespmem:s23+$0xFFFFFF20]  }
0x3e3: {  	v10 =	vadd.f32 v10, v14;
	v0 =	vld.idx.msk [tilespmem:v0+s1+$0x0], $0xffff  }
0x3e4: {  	v12 =	vadd.f32 v12, v13  }
0x3e5: {  	[tilespmem:s22+$0xFFFFFFA0] =	vst v10  }
0x3e6: {  	v9 =	vadd.f32 v11, v9;
	v11 =	vmul.f32 v25, v58;
	[tilespmem:s22+$0x20] =	vst v12;
	v10 =	vld.idx.msk [tilespmem:v15+s1+$0x0], $0xffff  }
0x3e7: {  	v13 =	vadd.s32 v50, v8;
	v14 =	vmul.f32 v5, v59;
	v12 =	vld.idx.msk [tilespmem:v16+s1+$0x0], $0xffff  }
0x3e8: {  	s14 =	simm.s32 $0x7;
	v9 =	vadd.f32 v9, v11;
	v11 =	vmul.f32 v7, v55;
	v0 =	vadd.f32 v1, v0;
	v1 =	vld [tilespmem:s23+$0x30]  }
0x3e9: {  	v17 =	vmov s14;
	v15 =	vld [tilespmem:s23+$0xFFFFFFB0]  }
0x3ea: {  	v9 =	vadd.f32 v9, v11;
	v11 =	vmul.f32 v6, v44;
	v0 =	vadd.f32 v0, v14  }
0x3eb: {  	s13 =	simm.s32 $0x4300  }
0x3ec: {  	s12 =	simm.s32 $0x6;
	v26 =	vld [tilespmem:s13+$0x0];
	v14 =	vadd.s32 v51, v23;
	[tilespmem:s22+$0x90] =	vst v9;
	v0 =	vadd.f32 v0, v11  }
0x3ed: {  	v9 =	vmov s12;
	v11 =	vld.idx.msk [tilespmem:v13+s1+$0x0], $0xffff;
	v13 =	vmul.f32 v21, v61;
	v1 =	vadd.f32 v1, v12  }
0x3ee: {  	v28 =	vld [tilespmem:s13+$0xFFFFFF80];
	v10 =	vadd.f32 v15, v10;
	v9 =	vand.u32 $0xFFFFFFFE, v9;
	[tilespmem:s22+$0xFFFFFF20] =	vst v0;
	v0 =	vmul.f32 v2, v61  }
0x3ef: {  	v20 =	vld.idx.msk [tilespmem:v17+s30+$0x0], $0xffff;
	v15 =	vbroadcast v9, $0x0;
	v12 =	vmul.f32 v3, v45;
	v1 =	vadd.f32 v1, v13  }
0x3f0: {  	s15 =	simm.s32 $0x5;
	v16 =	vld [tilespmem:s23+$0xA0];
	v9 =	vmul.f32 v4, v45;
	v0 =	vadd.f32 v10, v0  }
0x3f1: {  	v13 =	vld.idx.msk [tilespmem:v14+s1+$0x0], $0xffff;
	v10 =	vadd.s32 v48, v24;
	v1 =	vadd.f32 v1, v12;
	v12 =	vmov s15  }
0x3f2: {  	v14 =	vld [tilespmem:s23+$0xFFFFFF30];
	v0 =	vadd.f32 v0, v9;
	v9 =	vand.u32 $0xFFFFFFFD, v12  }
0x3f3: {  	s17 =	simm.s32 $0x4;
	[tilespmem:s22+$0x30] =	vst v1;
	v19 =	vbroadcast v9, $0x0;
	v9 =	vld.idx.msk [tilespmem:v17+s31+$0x0], $0xffff  }
0x3f4: {  	v12 =	vmov s17;
	v1 =	vadd.s32 v48, v22;
	v29 =	vld [tilespmem:s23+$0x40]  }
0x3f5: {  	[tilespmem:s22+$0xFFFFFFB0] =	vst v0;
	v0 =	vand.u32 $0xFFFFFFFC, v12;
	v12 =	vadd.f32 v16, v11;
	v11 =	vld.idx.msk [tilespmem:v15+s30+$0x0], $0xffff  }
0x3f6: {  	v16 =	vmul.f32 v25, v59;
	v30 =	vld.idx.msk [tilespmem:v10+s1+$0x0], $0xffff  }
0x3f7: {  	v13 =	vadd.f32 v14, v13;
	v10 =	vld.idx.msk [tilespmem:v15+s31+$0x0], $0xffff  }
0x3f8: {  	v14 =	vmul.f32 v5, v61;
	v38 =	vld [tilespmem:s23+$0xFFFFFFC0];
	v12 =	vadd.f32 v12, v16;
	v16 =	vmul.f32 v7, v44  }
0x3f9: {  	v34 =	vadd.s32 v48, v23;
	v31 =	vadd.s32 v51, v8;
	v1 =	vld.idx.msk [tilespmem:v1+s1+$0x0], $0xffff  }
0x3fa: {  	v32 =	vmul.f32 v6, v45;
	v14 =	vadd.f32 v13, v14;
	v33 =	vadd.f32 v12, v16;
	v18 =	vld.idx.msk [tilespmem:v19+s7+$0x0], $0xffff  }
0x3fb: {  	v0 =	vbroadcast v0, $0x0;
	v13 =	vld.idx.msk [tilespmem:v19+s30+$0x0], $0xffff  }
0x3fc: {  	v14 =	vadd.f32 v14, v32;
	v16 =	vld.idx.msk [tilespmem:v19+s31+$0x0], $0xffff;
	[tilespmem:s22+$0xA0] =	vst v33  }
0x3fd: {  	v40 =	vld [tilespmem:s23+$0xB0]  }
0x3fe: {  	[tilespmem:s22+$0xFFFFFF30] =	vst v14;
	v14 =	vld.idx.msk [tilespmem:v31+s1+$0x0], $0xffff  }
0x3ff: {  	v31 =	vld.idx.msk [tilespmem:v34+s1+$0x0], $0xffff  }
0x400: {  	v35 =	vadd.s32 v52, v11;
	v34 =	vld [tilespmem:s23+$0xFFFFFF40]  }
0x401: {  	v12 =	vld.idx.msk [tilespmem:v0+s30+$0x0], $0xffff  }
0x402: {  	v19 =	vld.idx.msk [tilespmem:v15+s7+$0x0], $0xffff;
	v33 =	vadd.s32 v52, v13  }
0x403: {  	v62 =	vmov v41;
	v36 =	vmul.f32 v21, v41;
	v37 =	vmul.f32 v25, v61;
	v15 =	vld.idx.msk [tilespmem:v17+s7+$0x0], $0xffff  }
0x404: {  	v39 =	vadd.s32 v52, v20;
	v32 =	vadd.s32 v48, v8;
	v17 =	vld.idx.msk [tilespmem:v0+s31+$0x0], $0xffff;
	v14 =	vadd.f32 v40, v14  }
0x405: {  	v30 =	vadd.f32 v38, v30;
	v35 =	vld.idx.msk [tilespmem:v35+s1+$0x0], $0xffff;
	v31 =	vadd.f32 v34, v31;
	v34 =	vmul.f32 v5, v41  }
0x406: {  	v40 =	vmul.f32 v7, v45;
	v41 =	vadd.s32 v52, v12;
	v37 =	vadd.f32 v14, v37;
	v14 =	vld.idx.msk [tilespmem:v0+s7+$0x0], $0xffff  }
0x407: {  	v52 =	vmul.f32 v2, v62;
	v0 =	vmul.f32 v6, v56;
	v31 =	vadd.f32 v31, v34;
	v33 =	vld.idx.msk [tilespmem:v33+s1+$0x0], $0xffff  }
0x408: {  	v1 =	vadd.f32 v29, v1;
	v34 =	vadd.f32 v37, v40  }
0x409: {  	v39 =	vld.idx.msk [tilespmem:v39+s1+$0x0], $0xffff;
	v30 =	vadd.f32 v30, v52;
	v0 =	vadd.f32 v31, v0;
	v31 =	vmul.f32 v4, v56  }
0x40a: {  	v27 =	vld [tilespmem:s13+$0xFFFFFF00];
	v29 =	vmul.f32 v16, v54;
	v1 =	vadd.f32 v1, v36;
	v26 =	vadd.f32 v26, v35;
	[tilespmem:s22+$0xB0] =	vst v34  }
0x40b: {  	v40 =	vadd.s32 v60, v23;
	v30 =	vadd.f32 v30, v31;
	v31 =	vmul.f32 v10, v54;
	v32 =	vld.idx.msk [tilespmem:v32+s1+$0x0], $0xffff  }
0x40c: {  	v34 =	vmul.f32 v3, v56;
	[tilespmem:s22+$0xFFFFFF40] =	vst v0;
	v0 =	vld [tilespmem:s23+$0xC0];
	v28 =	vadd.f32 v28, v33;
	v33 =	vadd.s32 v60, v24  }
0x40d: {  	v38 =	vld.idx.msk [tilespmem:v41+s1+$0x0], $0xffff;
	[tilespmem:s22+$0xFFFFFFC0] =	vst v30;
	v30 =	vmul.f32 v19, v43;
	v26 =	vadd.f32 v26, v31  }
0x40e: {  	v52 =	vmul.f32 v18, v43;
	v37 =	vld [tilespmem:s13+$0x80];
	v1 =	vadd.f32 v1, v34;
	v28 =	vadd.f32 v28, v29  }
0x40f: {  	v36 =	vld [tilespmem:s23+$0xFFFFFF50];
	v29 =	vadd.s32 v47, v13;
	v26 =	vadd.f32 v26, v30  }
0x410: {  	s14 =	simm.s32 $0x12500;
	v35 =	vld.idx.msk [tilespmem:v40+s1+$0x0], $0xffff;
	[tilespmem:s22+$0x40] =	vst v1;
	v28 =	vadd.f32 v28, v52  }
0x411: {  	v52 =	vmul.f32 v25, v62;
	v0 =	vadd.f32 v0, v32;
	[tilespmem:s14+$0x0] =	vst v26;
	v31 =	vld.idx.msk [tilespmem:v33+s1+$0x0], $0xffff  }
0x412: {  	v34 =	vadd.s32 v60, v22;
	v40 =	vmul.f32 v17, v54;
	v27 =	vadd.f32 v27, v38;
	[tilespmem:s14+$0xFFFFFF80] =	vst v28;
	v28 =	vld [tilespmem:s23+$0xFFFFFFD0]  }
0x413: {  	v41 =	vadd.s32 v47, v11;
	v0 =	vadd.f32 v0, v52;
	v52 =	vld [tilespmem:$0x1FC90]  }
0x414: {  	v32 =	vmul.f32 v14, v43;
	v27 =	vadd.f32 v27, v40;
	v29 =	vld.idx.msk [tilespmem:v29+s1+$0x0], $0xffff  }
0x415: {  	v1 =	vadd.f32 v37, v39;
	v37 =	vmul.f32 v7, v56;
	v33 =	vld [tilespmem:s13+$0xFFFFFF90]  }
0x416: {  	v27 =	vadd.f32 v27, v32  }
0x417: {  	v38 =	vadd.s32 v60, v8;
	v60 =	vadd.s32 v47, v12;
	v34 =	vld.idx.msk [tilespmem:v34+s1+$0x0], $0xffff;
	v0 =	vadd.f32 v0, v37  }
0x418: {  	v39 =	vld.idx.msk [tilespmem:v41+s1+$0x0], $0xffff;
	v35 =	vadd.f32 v36, v35;
	[tilespmem:s14+$0xFFFFFF00] =	vst v27;
	v62 =	vmul.f32 v5, v52  }
0x419: {  	[tilespmem:s22+$0xC0] =	vst v0;
	v0 =	vmul.f32 v16, v58;
	v28 =	vadd.f32 v28, v31;
	v26 =	vmul.f32 v2, v52  }
0x41a: {  	v37 =	vld [tilespmem:s13+$0xFFFFFF10];
	v29 =	vadd.f32 v33, v29;
	v35 =	vadd.f32 v35, v62;
	v62 =	vmul.f32 v6, v57  }
0x41b: {  	v54 =	vmul.f32 v9, v54;
	v30 =	vmul.f32 v4, v57;
	v31 =	vld [tilespmem:s13+$0x10];
	v26 =	vadd.f32 v28, v26  }
0x41c: {  	v41 =	vmul.f32 v18, v55;
	v28 =	vld [tilespmem:s23+$0x50];
	v0 =	vadd.f32 v29, v0;
	v35 =	vadd.f32 v35, v62  }
0x41d: {  	v27 =	vadd.s32 v50, v13;
	v32 =	vld [tilespmem:s23+$0xD0];
	v26 =	vadd.f32 v26, v30  }
0x41e: {  	v1 =	vadd.f32 v1, v54;
	v29 =	vld.idx.msk [tilespmem:v38+s1+$0x0], $0xffff;
	v0 =	vadd.f32 v0, v41;
	[tilespmem:s22+$0xFFFFFF50] =	vst v35  }
0x41f: {  	v54 =	vmul.f32 v10, v58;
	v38 =	vld.idx.msk [tilespmem:v60+s1+$0x0], $0xffff;
	v30 =	vadd.s32 v53, v23;
	[tilespmem:s22+$0xFFFFFFD0] =	vst v26  }
0x420: {  	v36 =	vmul.f32 v15, v43;
	v26 =	vadd.s32 v53, v24;
	[tilespmem:s14+$0xFFFFFF90] =	vst v0;
	v0 =	vadd.f32 v31, v39;
	v33 =	vld [tilespmem:s23+$0xFFFFFF60]  }
0x421: {  	v60 =	vmul.f32 v21, v52;
	v31 =	vadd.s32 v47, v20;
	v39 =	vld [tilespmem:s23+$0xFFFFFFE0];
	v28 =	vadd.f32 v28, v34  }
0x422: {  	v1 =	vadd.f32 v1, v36;
	v62 =	vmul.f32 v19, v55;
	v27 =	vld.idx.msk [tilespmem:v27+s1+$0x0], $0xffff;
	v0 =	vadd.f32 v0, v54  }
0x423: {  	v40 =	vadd.s32 v53, v22;
	v36 =	vld [tilespmem:s13+$0xFFFFFFA0];
	v54 =	vmul.f32 v3, v57;
	v28 =	vadd.f32 v28, v60  }
0x424: {  	[tilespmem:s14+$0x80] =	vst v1;
	v29 =	vadd.f32 v32, v29;
	v30 =	vld.idx.msk [tilespmem:v30+s1+$0x0], $0xffff;
	v0 =	vadd.f32 v0, v62  }
0x425: {  	v41 =	vadd.f32 v37, v38;
	v60 =	vmul.f32 v25, v52;
	v1 =	vadd.f32 v28, v54;
	v26 =	vld.idx.msk [tilespmem:v26+s1+$0x0], $0xffff  }
0x426: {  	v52 =	vmul.f32 v17, v58;
	v28 =	vadd.s32 v50, v11;
	v31 =	vld.idx.msk [tilespmem:v31+s1+$0x0], $0xffff;
	[tilespmem:s14+$0x10] =	vst v0  }
0x427: {  	v62 =	vmul.f32 v7, v57;
	v29 =	vadd.f32 v29, v60;
	[tilespmem:s22+$0x50] =	vst v1;
	v1 =	vld [tilespmem:s13+$0x90]  }
0x428: {  	v34 =	vadd.f32 v41, v52;
	v27 =	vadd.f32 v36, v27;
	v0 =	vmul.f32 v16, v59;
	v52 =	vld [tilespmem:s13+$0x20]  }
0x429: {  	v35 =	vadd.s32 v53, v8;
	v29 =	vadd.f32 v29, v62;
	v62 =	vld [tilespmem:$0x1FCA0]  }
0x42a: {  	v54 =	vmul.f32 v14, v55;
	v36 =	vld.idx.msk [tilespmem:v40+s1+$0x0], $0xffff;
	v0 =	vadd.f32 v27, v0;
	v27 =	vmul.f32 v18, v44  }
0x42b: {  	v23 =	vadd.s32 v63, v23;
	v24 =	vadd.s32 v63, v24;
	v28 =	vld.idx.msk [tilespmem:v28+s1+$0x0], $0xffff  }
0x42c: {  	v60 =	vmul.f32 v9, v58;
	v32 =	vadd.f32 v34, v54;
	v0 =	vadd.f32 v0, v27;
	v27 =	vld [tilespmem:s23+$0x60]  }
0x42d: {  	v30 =	vadd.f32 v33, v30;
	v1 =	vadd.f32 v1, v31;
	v31 =	vadd.s32 v51, v13  }
0x42e: {  	v40 =	vadd.s32 v50, v12;
	[tilespmem:s22+$0xD0] =	vst v29;
	v26 =	vadd.f32 v39, v26;
	v54 =	vmul.f32 v2, v62  }
0x42f: {  	v29 =	vmul.f32 v4, v49;
	v35 =	vld.idx.msk [tilespmem:v35+s1+$0x0], $0xffff;
	v41 =	vmul.f32 v5, v62;
	v1 =	vadd.f32 v1, v60  }
0x430: {  	[tilespmem:s14+$0xFFFFFF10] =	vst v32;
	v60 =	vmul.f32 v21, v62;
	v26 =	vadd.f32 v26, v54;
	v28 =	vadd.f32 v52, v28;
	v52 =	vld [tilespmem:s23+$0xE0]  }
0x431: {  	[tilespmem:s14+$0xFFFFFFA0] =	vst v0;
	v0 =	vld [tilespmem:s13+$0xFFFFFF20];
	v30 =	vadd.f32 v30, v41;
	v41 =	vmul.f32 v15, v55;
	v27 =	vadd.f32 v27, v36  }
0x432: {  	v54 =	vadd.s32 v50, v20;
	v26 =	vadd.f32 v26, v29;
	v29 =	vmul.f32 v10, v59;
	v36 =	vld.idx.msk [tilespmem:v31+s1+$0x0], $0xffff  }
0x433: {  	v1 =	vadd.f32 v1, v41;
	v31 =	vld.idx.msk [tilespmem:v40+s1+$0x0], $0xffff;
	v40 =	vadd.s32 v51, v11;
	v27 =	vadd.f32 v27, v60  }
0x434: {  	v41 =	vmul.f32 v25, v62;
	v28 =	vadd.f32 v28, v29;
	v29 =	vmul.f32 v6, v49;
	[tilespmem:s22+$0xFFFFFFE0] =	vst v26  }
0x435: {  	[tilespmem:s14+$0x90] =	vst v1;
	v1 =	vmul.f32 v19, v44;
	v32 =	vadd.f32 v52, v35;
	v24 =	vld.idx.msk [tilespmem:v24+s1+$0x0], $0xffff  }
0x436: {  	v60 =	vmul.f32 v7, v49;
	v52 =	vmul.f32 v3, v49;
	v26 =	vadd.f32 v30, v29;
	v29 =	vld [tilespmem:s13+$0xFFFFFFB0]  }
0x437: {  	v1 =	vadd.f32 v28, v1;
	v30 =	vld.idx.msk [tilespmem:v54+s1+$0x0], $0xffff;
	v54 =	vadd.s32 v63, v22;
	v28 =	vadd.f32 v32, v41  }
0x438: {  	v33 =	vadd.s32 v51, v12;
	v22 =	vadd.f32 v27, v52;
	v0 =	vadd.f32 v0, v31;
	[tilespmem:s22+$0xFFFFFF60] =	vst v26;
	v26 =	vld [tilespmem:s23+$0xFFFFFFF0]  }
0x439: {  	[tilespmem:s14+$0x20] =	vst v1;
	v1 =	vmul.f32 v17, v59;
	v27 =	vld.idx.msk [tilespmem:v23+s1+$0x0], $0xffff;
	v34 =	vadd.f32 v28, v60  }
0x43a: {  	v23 =	vmul.f32 v25, v42;
	v31 =	vld.idx.msk [tilespmem:v40+s1+$0x0], $0xffff;
	[tilespmem:s22+$0x60] =	vst v22;
	v25 =	vmul.f32 v21, v42  }
0x43b: {  	v32 =	vld [tilespmem:s13+$0x30];
	v60 =	vmovc v56;
	v56 =	vmovc v55;
	v55 =	vmov v43;
	v28 =	vadd.f32 v0, v1;
	v22 =	vadd.f32 v29, v36  }
0x43c: {  	s12 =	simm.s32 $0x8;
	s15 =	simm.s32 $0x4500;
	[tilespmem:s22+$0xE0] =	vst v34;
	v34 =	vmul.f32 v14, v44;
	v21 =	vld.idx.msk [tilespmem:v54+s1+$0x0], $0xffff;
	v54 =	vmovc v48;
	v48 =	vmov v51;
	v51 =	vmov v47  }
.LBB2_11:
0x43d: {  	v36 =	vadd.s32 v63, v8  }
0x43e: {  	v8 =	vmov v20;
	v20 =	vadd.f32 v28, v34  }
0x43f: {  	v35 =	vld [tilespmem:s23+$0x70]  }
0x440: {  	s6 =	sadd.s32 $0x1, s12;
	s9 =	smov.u32 s12;
	v28 =	vld [tilespmem:s15+$0xFFFFFF00];
	[tilespmem:s14+$0xFFFFFF20] =	vst v20  }
0x441: {  	s9 =	sadd.s32 $0x2, s9;
	v1 =	vmul.f32 v4, v46;
	v4 =	vmovc v18;
	v18 =	vmov s6;
	v20 =	vadd.f32 v32, v31;
	v32 =	vld [tilespmem:s23+$0xFFFFFF70]  }
0x442: {  	v47 =	vmov s9;
	v31 =	vmul.f32 v16, v61;
	v18 =	vand.u32 $0xFFFFFFFD, v18;
	v36 =	vld.idx.msk [tilespmem:v36+s1+$0x0], $0xffff  }
0x443: {  	s17 =	sadd.s32 $0x3, s12;
	v38 =	vbroadcast v18, $0x0;
	v18 =	vand.u32 $0xFFFFFFFE, v47;
	v47 =	vld [tilespmem:s23+$0xF0]  }
0x444: {  	v41 =	vmul.f32 v2, v42;
	v2 =	vmovc v16;
	v39 =	vmov s17;
	v16 =	vadd.f32 v22, v31;
	v22 =	vld [tilespmem:$0x1FCC0]  }
0x445: {  	v37 =	vmul.f32 v10, v61;
	v34 =	vbroadcast v18, $0x0;
	v18 =	vld.idx.msk [tilespmem:v33+s1+$0x0], $0xffff  }
0x446: {  	v33 =	vmul.f32 v3, v46;
	v3 =	vmov v19;
	v19 =	vld [tilespmem:s13+$0xFFFFFF30]  }
0x447: {  	v29 =	vld [tilespmem:s15+$0x0];
	v21 =	vadd.f32 v35, v21;
	v20 =	vadd.f32 v20, v37;
	v52 =	vmul.f32 v3, v45  }
0x448: {  	v42 =	vadd.s32 v54, v13;
	v24 =	vadd.f32 v26, v24;
	v40 =	vmul.f32 v4, v45;
	v31 =	vld [tilespmem:s15+$0xFFFFFF80]  }
0x449: {  	v35 =	vadd.f32 v21, v25;
	v20 =	vadd.f32 v20, v52;
	v52 =	vmul.f32 v5, v22;
	v22 =	vld.idx.msk [tilespmem:v39+s31+$0x0], $0xffff  }
0x44a: {  	v43 =	vmul.f32 v7, v46;
	v7 =	vmovc v15;
	s23 =	smov.u32 s13;
	v15 =	vadd.f32 v16, v40;
	v25 =	vadd.f32 v47, v36;
	v47 =	vld [tilespmem:$0x1FCB0]  }
0x44b: {  	v16 =	vadd.s32 v54, v11;
	v27 =	vadd.f32 v32, v27;
	[tilespmem:s14+$0x30] =	vst v20;
	v20 =	vld [tilespmem:s23+$0xA0];
	v18 =	vadd.f32 v19, v18  }
0x44c: {  	v5 =	vmovc v17;
	v19 =	vmul.f32 v17, v61;
	v17 =	vadd.f32 v24, v41;
	v24 =	vmul.f32 v6, v46;
	v46 =	vld [tilespmem:$0x1FD40]  }
0x44d: {  	[tilespmem:s14+$0xFFFFFFB0] =	vst v15;
	v26 =	vld [tilespmem:s23+$0x40]  }
0x44e: {  	v0 =	vmov s12;
	v15 =	vadd.f32 v27, v52;
	v27 =	vld.idx.msk [tilespmem:v42+s1+$0x0], $0xffff  }
0x44f: {  	v0 =	vand.u32 $0xFFFFFFFC, v0;
	v21 =	vld.idx.msk [tilespmem:v34+s31+$0x0], $0xffff;
	v1 =	vadd.f32 v17, v1  }
0x450: {  	v0 =	vbroadcast v0, $0x0;
	v42 =	vadd.f32 v35, v33;
	v52 =	vld [tilespmem:$0x1FC70]  }
0x451: {  	v18 =	vadd.f32 v18, v19;
	v19 =	vmul.f32 v14, v45;
	v17 =	vld.idx.msk [tilespmem:v16+s1+$0x0], $0xffff;
	[tilespmem:s22+$0xFFFFFFF0] =	vst v1  }
0x452: {  	v1 =	vadd.f32 v25, v23;
	v23 =	vld.idx.msk [tilespmem:v34+s30+$0x0], $0xffff;
	v16 =	vadd.f32 v20, v30;
	v30 =	vmul.f32 v9, v59  }
0x453: {  	v15 =	vadd.f32 v15, v24;
	v19 =	vadd.f32 v18, v19;
	v20 =	vld.idx.msk [tilespmem:v39+s30+$0x0], $0xffff  }
0x454: {  	v6 =	vmov v14;
	[tilespmem:s22+$0x70] =	vst v42;
	v18 =	vld.idx.msk [tilespmem:v38+s7+$0x0], $0xffff;
	v14 =	vadd.f32 v16, v30;
	v16 =	vmul.f32 v7, v44  }
0x455: {  	v24 =	vld.idx.msk [tilespmem:v38+s30+$0x0], $0xffff;
	[tilespmem:s22+$0xFFFFFF70] =	vst v15;
	v1 =	vadd.f32 v1, v43;
	v30 =	vadd.s32 v48, v8  }
0x456: {  	v25 =	vld.idx.msk [tilespmem:v0+s30+$0x0], $0xffff;
	[tilespmem:s14+$0xFFFFFF30] =	vst v19;
	v14 =	vadd.f32 v14, v16  }
0x457: {  	v15 =	vadd.s32 v54, v12;
	v19 =	vld.idx.msk [tilespmem:v34+s7+$0x0], $0xffff;
	[tilespmem:s22+$0xF0] =	vst v1  }
0x458: {  	v33 =	vld [tilespmem:s23+$0xFFFFFF40];
	[tilespmem:s14+$0xA0] =	vst v14  }
0x459: {  	v1 =	vadd.f32 v26, v17;
	v17 =	vmul.f32 v10, v46;
	v14 =	vld [tilespmem:s23+$0xB0]  }
0x45a: {  	v44 =	vlaneseq.u32;
	v26 =	vld.idx.msk [tilespmem:v30+s1+$0x0], $0xffff  }
0x45b: {  	v16 =	vld.idx.msk [tilespmem:v38+s31+$0x0], $0xffff;
	v1 =	vadd.f32 v1, v17;
	v17 =	vmul.f32 v3, v60;
	v30 =	vadd.s32 v44, v24  }
0x45c: {  	v32 =	vld.idx.msk [tilespmem:v15+s1+$0x0], $0xffff  }
0x45d: {  	v35 =	vadd.s32 v44, v23;
	v1 =	vadd.f32 v1, v17;
	v15 =	vld.idx.msk [tilespmem:v39+s7+$0x0], $0xffff  }
0x45e: {  	v42 =	vadd.s32 v44, v20;
	v17 =	vld.idx.msk [tilespmem:v0+s31+$0x0], $0xffff  }
0x45f: {  	v37 =	vmul.f32 v9, v61;
	v39 =	vld [tilespmem:s23+$0xFFFFFFC0];
	[tilespmem:s14+$0x40] =	vst v1;
	v1 =	vadd.s32 v52, v11;
	v26 =	vadd.f32 v14, v26  }
0x460: {  	v40 =	vadd.s32 v54, v8;
	v43 =	vmul.f32 v7, v45;
	v30 =	vld.idx.msk [tilespmem:v30+s1+$0x0], $0xffff  }
0x461: {  	v14 =	vld.idx.msk [tilespmem:v0+s7+$0x0], $0xffff;
	v0 =	vadd.f32 v33, v32;
	v32 =	vmul.f32 v5, v46;
	v26 =	vadd.f32 v26, v37  }
0x462: {  	v44 =	vadd.s32 v44, v25;
	v35 =	vld.idx.msk [tilespmem:v35+s1+$0x0], $0xffff  }
0x463: {  	v42 =	vld.idx.msk [tilespmem:v42+s1+$0x0], $0xffff;
	v33 =	vmul.f32 v6, v60;
	v0 =	vadd.f32 v0, v32;
	v26 =	vadd.f32 v26, v43  }
0x464: {  	s22 =	smov.u32 s14;
	v27 =	vadd.f32 v39, v27;
	v1 =	vld.idx.msk [tilespmem:v1+s1+$0x0], $0xffff  }
0x465: {  	v39 =	vmul.f32 v2, v46;
	v32 =	vld [tilespmem:s15+$0x80];
	v43 =	vadd.s32 v52, v12;
	v0 =	vadd.f32 v0, v33;
	[tilespmem:s22+$0xB0] =	vst v26  }
0x466: {  	v34 =	vmul.f32 v16, v47;
	v26 =	vadd.f32 v31, v30;
	v31 =	vld.idx.msk [tilespmem:v40+s1+$0x0], $0xffff  }
0x467: {  	v37 =	vmul.f32 v4, v60;
	v27 =	vadd.f32 v27, v39;
	v30 =	vadd.s32 v52, v13;
	[tilespmem:s22+$0xFFFFFF40] =	vst v0;
	v0 =	vld [tilespmem:s23+$0xC0]  }
0x468: {  	v38 =	vmul.f32 v18, v55;
	v39 =	vld.idx.msk [tilespmem:v44+s1+$0x0], $0xffff;
	v26 =	vadd.f32 v26, v34  }
0x469: {  	v27 =	vadd.f32 v27, v37;
	v40 =	vadd.s32 v52, v8;
	v52 =	vld [tilespmem:$0x1FC90];
	v34 =	vadd.s32 v51, v24  }
0x46a: {  	v36 =	vmul.f32 v21, v47;
	v29 =	vadd.f32 v29, v35;
	v35 =	vld.idx.msk [tilespmem:v43+s1+$0x0], $0xffff;
	v26 =	vadd.f32 v26, v38  }
0x46b: {  	v41 =	vmul.f32 v19, v55;
	s14 =	sadd.s32 $0x200, s14;
	v45 =	vmul.f32 v17, v47;
	[tilespmem:s22+$0xFFFFFFC0] =	vst v27;
	v38 =	vld [tilespmem:s23+$0xFFFFFF50]  }
0x46c: {  	v29 =	vadd.f32 v29, v36;
	v36 =	vadd.s32 v51, v23;
	v30 =	vld.idx.msk [tilespmem:v30+s1+$0x0], $0xffff;
	[tilespmem:s14+$0xFFFFFF80] =	vst v26  }
0x46d: {  	v43 =	vmul.f32 v9, v46;
	v26 =	vadd.f32 v32, v42;
	v0 =	vadd.f32 v0, v31;
	v42 =	vld [tilespmem:s23+$0xFFFFFFD0]  }
0x46e: {  	v33 =	vmul.f32 v14, v55;
	v29 =	vadd.f32 v29, v41;
	v32 =	vmul.f32 v22, v47;
	v31 =	vld.idx.msk [tilespmem:v34+s1+$0x0], $0xffff  }
0x46f: {  	v44 =	vmul.f32 v7, v60;
	v41 =	vmul.f32 v15, v55;
	v46 =	vld [tilespmem:s15+$0xFFFFFF90];
	v0 =	vadd.f32 v0, v43  }
0x470: {  	[tilespmem:s14+$0x0] =	vst v29;
	v27 =	vmul.f32 v2, v52;
	v28 =	vadd.f32 v28, v39;
	v26 =	vadd.f32 v26, v32  }
0x471: {  	v32 =	vadd.f32 v38, v35;
	v35 =	vld.idx.msk [tilespmem:v36+s1+$0x0], $0xffff;
	v36 =	vmul.f32 v5, v52;
	v0 =	vadd.f32 v0, v44  }
0x472: {  	v34 =	vmul.f32 v16, v58;
	v28 =	vadd.f32 v28, v45;
	v26 =	vadd.f32 v26, v41  }
0x473: {  	v44 =	vadd.s32 v51, v25;
	v32 =	vadd.f32 v32, v36;
	v30 =	vadd.f32 v42, v30;
	[tilespmem:s22+$0xC0] =	vst v0  }
0x474: {  	v45 =	vmul.f32 v6, v57;
	v41 =	vld [tilespmem:s15+$0x10];
	v0 =	vadd.f32 v28, v33;
	v28 =	vadd.f32 v46, v31;
	[tilespmem:s14+$0x80] =	vst v26  }
0x475: {  	v37 =	vmul.f32 v4, v57;
	v26 =	vld [tilespmem:s23+$0xD0];
	v27 =	vadd.f32 v30, v27  }
0x476: {  	v31 =	vmul.f32 v18, v56;
	v32 =	vadd.f32 v32, v45;
	v30 =	vld [tilespmem:s23+$0x50];
	[tilespmem:s14+$0xFFFFFF00] =	vst v0;
	v0 =	vadd.f32 v28, v34  }
0x477: {  	v28 =	vadd.s32 v50, v24;
	v34 =	vld.idx.msk [tilespmem:v40+s1+$0x0], $0xffff;
	v27 =	vadd.f32 v27, v37  }
0x478: {  	v36 =	vld.idx.msk [tilespmem:v44+s1+$0x0], $0xffff;
	[tilespmem:s22+$0xFFFFFF50] =	vst v32;
	v0 =	vadd.f32 v0, v31  }
0x479: {  	v31 =	vadd.s32 v53, v12;
	v37 =	vld [tilespmem:s23+$0xFFFFFF60];
	[tilespmem:s22+$0xFFFFFFD0] =	vst v27  }
0x47a: {  	v29 =	vmul.f32 v21, v58;
	v40 =	vld [tilespmem:s15+$0xFFFFFF10];
	v27 =	vadd.s32 v53, v13;
	[tilespmem:s14+$0xFFFFFF90] =	vst v0;
	v0 =	vadd.f32 v41, v35  }
0x47b: {  	v46 =	vmul.f32 v10, v52;
	v35 =	vadd.s32 v51, v20;
	v41 =	vld [tilespmem:s23+$0xFFFFFFE0];
	v1 =	vadd.f32 v30, v1  }
0x47c: {  	v47 =	vmul.f32 v19, v56;
	v39 =	vmul.f32 v17, v58;
	v28 =	vld.idx.msk [tilespmem:v28+s1+$0x0], $0xffff;
	v0 =	vadd.f32 v0, v29  }
0x47d: {  	v42 =	vadd.s32 v63, v12;
	v12 =	vmovc v25;
	v45 =	vld [tilespmem:s15+$0xFFFFFFA0];
	v29 =	vmul.f32 v3, v57;
	v1 =	vadd.f32 v1, v46  }
0x47e: {  	v25 =	vadd.s32 v50, v23;
	v26 =	vadd.f32 v26, v34;
	v31 =	vld.idx.msk [tilespmem:v31+s1+$0x0], $0xffff;
	v0 =	vadd.f32 v0, v47  }
0x47f: {  	v52 =	vmul.f32 v9, v52;
	v27 =	vld.idx.msk [tilespmem:v27+s1+$0x0], $0xffff;
	v1 =	vadd.f32 v1, v29;
	v29 =	vadd.f32 v40, v36  }
0x480: {  	v43 =	vadd.s32 v53, v11;
	v46 =	vadd.s32 v63, v13;
	v13 =	vmov v24;
	v35 =	vld.idx.msk [tilespmem:v35+s1+$0x0], $0xffff  }
0x481: {  	v47 =	vadd.f32 v26, v52;
	v26 =	vmul.f32 v7, v57;
	[tilespmem:s14+$0x10] =	vst v0;
	v24 =	vadd.f32 v29, v39;
	v29 =	vld [tilespmem:$0x1FCF0]  }
0x482: {  	v52 =	vmul.f32 v16, v59;
	v36 =	vld [tilespmem:s15+$0x90];
	v28 =	vadd.f32 v45, v28;
	[tilespmem:s22+$0x50] =	vst v1  }
0x483: {  	v26 =	vadd.f32 v47, v26;
	v1 =	vadd.s32 v53, v8;
	v25 =	vld.idx.msk [tilespmem:v25+s1+$0x0], $0xffff  }
0x484: {  	v33 =	vmul.f32 v14, v56;
	v28 =	vadd.f32 v28, v52;
	v52 =	vld [tilespmem:s15+$0x20]  }
0x485: {  	v38 =	vmul.f32 v10, v62;
	v0 =	vld.idx.msk [tilespmem:v43+s1+$0x0], $0xffff;
	[tilespmem:s22+$0xD0] =	vst v26;
	v26 =	vadd.s32 v50, v12  }
0x486: {  	v40 =	vmul.f32 v2, v62;
	v24 =	vadd.f32 v24, v33;
	v33 =	vld [tilespmem:s23+$0x60];
	v29 =	vmul.f32 v18, v29  }
0x487: {  	v45 =	vld [tilespmem:$0x1FD00];
	v47 =	vadd.s32 v48, v13;
	v27 =	vadd.f32 v41, v27;
	v41 =	vmul.f32 v22, v58  }
0x488: {  	[tilespmem:s14+$0xFFFFFF10] =	vst v24;
	v1 =	vld.idx.msk [tilespmem:v1+s1+$0x0], $0xffff;
	v28 =	vadd.f32 v28, v29;
	v29 =	vadd.f32 v36, v35  }
0x489: {  	v39 =	vmul.f32 v5, v62;
	v31 =	vadd.f32 v37, v31;
	v37 =	vld [tilespmem:s15+$0xFFFFFF20];
	v25 =	vadd.f32 v52, v25  }
0x48a: {  	v52 =	vld.idx.msk [tilespmem:v26+s1+$0x0], $0xffff;
	[tilespmem:s14+$0xFFFFFFA0] =	vst v28;
	v28 =	vadd.f32 v29, v41;
	v29 =	vmul.f32 v15, v56  }
0x48b: {  	v24 =	vadd.f32 v31, v39;
	v31 =	vmul.f32 v6, v49;
	v36 =	vld [tilespmem:s23+$0xE0];
	v0 =	vadd.f32 v33, v0  }
0x48c: {  	v30 =	vmul.f32 v4, v49;
	v27 =	vadd.f32 v27, v40;
	v26 =	vadd.f32 v28, v29;
	v29 =	vld [tilespmem:$0x1FCF0]  }
0x48d: {  	v44 =	vmul.f32 v3, v49;
	v31 =	vadd.f32 v24, v31;
	v0 =	vadd.f32 v0, v38;
	v34 =	vld.idx.msk [tilespmem:v47+s1+$0x0], $0xffff  }
0x48e: {  	v27 =	vadd.f32 v27, v30;
	v28 =	vld [tilespmem:s15+$0xFFFFFFB0]  }
0x48f: {  	[tilespmem:s22+$0xFFFFFF60] =	vst v31;
	v47 =	vmul.f32 v21, v59;
	v0 =	vadd.f32 v0, v44;
	v44 =	vld [tilespmem:$0x1FCF0]  }
0x490: {  	v35 =	vadd.s32 v50, v20;
	[tilespmem:s22+$0xFFFFFFE0] =	vst v27;
	v27 =	vld.idx.msk [tilespmem:v42+s1+$0x0], $0xffff  }
0x491: {  	v41 =	vadd.s32 v48, v23;
	v42 =	vld [tilespmem:$0x1FCC0];
	v25 =	vadd.f32 v25, v47;
	v29 =	vmul.f32 v19, v29  }
0x492: {  	v32 =	vmul.f32 v9, v62;
	v24 =	vld.idx.msk [tilespmem:v46+s1+$0x0], $0xffff;
	v1 =	vadd.f32 v36, v1  }
0x493: {  	p0 =	slt.u32 s12, $0xC4;
	v46 =	vld [tilespmem:$0x1FD30];
	v25 =	vadd.f32 v25, v29;
	v29 =	vadd.s32 v63, v11  }
.Ltmp7:
0x494: {  	[tilespmem:s14+$0x90] =	vst v26;
	v26 =	vld [tilespmem:s23+$0xFFFFFFF0];
	v1 =	vadd.f32 v1, v32;
	v32 =	vmul.f32 v7, v49;
	(pc) =	sbr.rel @p0 .LBB2_11-.Ltmp7, $4  }
0x495: {  	v52 =	vadd.f32 v37, v52;
	v47 =	vmul.f32 v17, v59;
	v30 =	vld.idx.msk [tilespmem:v35+s1+$0x0], $0xffff;
	[tilespmem:s14+$0x20] =	vst v25  }
0x496: {  	v33 =	vadd.s32 v48, v12;
	v11 =	vmov v23;
	v31 =	vld.idx.msk [tilespmem:v41+s1+$0x0], $0xffff;
	[tilespmem:s22+$0x60] =	vst v0;
	v0 =	vadd.f32 v1, v32  }
0x497: {  	s5 =	sadd.s32 $0x4, s12;
	v23 =	vmul.f32 v9, v42;
	v9 =	vmovc v22;
	v22 =	vadd.f32 v28, v34;
	v28 =	vadd.f32 v52, v47;
	v32 =	vld [tilespmem:s15+$0x30]  }
0x498: {  	s12 =	smov.u32 s5;
	s13 =	smov.u32 s15;
	v34 =	vmul.f32 v14, v44;
	v25 =	vmul.f32 v10, v42;
	v10 =	vmov v21;
	s15 =	sadd.s32 $0x200, s15;
	v21 =	vld.idx.msk [tilespmem:v29+s1+$0x0], $0xffff;
	[tilespmem:s22+$0xE0] =	vst v0  }
0x499: {  	_ = 	snop  }
0x49a: {  	v1 =	vld [tilespmem:s13+$0xA0];
	v0 =	vadd.f32 v28, v34;
	_ =	sdelay $0x1  }
0x49b: {  	[tilespmem:s14+$0xFFFFFF20] =	vst v0  }
0x49c: {  	v0 =	vld.idx.msk [tilespmem:v33+s1+$0x0], $0xffff  }
0x49d: {  	v43 =	vld [tilespmem:s13+$0xFFFFFF30]  }
0x49e: {  	v29 =	vmul.f32 v9, v59;
	v1 =	vadd.f32 v1, v30;
	_ =	sdelay $0x1  }
0x49f: {  	v47 =	vmul.f32 v15, v44;
	v1 =	vadd.f32 v1, v29  }
0x4a0: {  	v48 =	vadd.s32 v48, v20;
	v39 =	vmul.f32 v10, v61;
	v31 =	vadd.f32 v32, v31  }
0x4a1: {  	v50 =	vmul.f32 v17, v61;
	v0 =	vadd.f32 v43, v0;
	v1 =	vadd.f32 v1, v47  }
0x4a2: {  	v55 =	vmul.f32 v16, v61;
	v43 =	vadd.f32 v31, v39;
	v47 =	vmul.f32 v19, v45  }
0x4a3: {  	v51 =	vmul.f32 v14, v45;
	v52 =	vadd.s32 v54, v12;
	v0 =	vadd.f32 v0, v50;
	[tilespmem:s14+$0xA0] =	vst v1  }
0x4a4: {  	v37 =	vmul.f32 v18, v45;
	v1 =	vadd.f32 v22, v55;
	v29 =	vadd.f32 v43, v47;
	v56 =	vld [tilespmem:s13+$0xB0]  }
0x4a5: {  	v36 =	vld.idx.msk [tilespmem:v48+s1+$0x0], $0xffff;
	v0 =	vadd.f32 v0, v51  }
0x4a6: {  	v38 =	vadd.s32 v54, v13;
	v40 =	vadd.f32 v1, v37;
	[tilespmem:s14+$0x30] =	vst v29  }
0x4a7: {  	[tilespmem:s14+$0xFFFFFF30] =	vst v0  }
0x4a8: {  	[tilespmem:s14+$0xFFFFFFB0] =	vst v40;
	v40 =	vld [tilespmem:s13+$0x40]  }
0x4a9: {  	v50 =	vadd.s32 v54, v11;
	v41 =	vld.idx.msk [tilespmem:v52+s1+$0x0], $0xffff  }
0x4aa: {  	v51 =	vmul.f32 v9, v61;
	v48 =	vld [tilespmem:s13+$0xFFFFFF40];
	v28 =	vadd.f32 v56, v36  }
0x4ab: {  	v22 =	vld.idx.msk [tilespmem:v38+s1+$0x0], $0xffff  }
0x4ac: {  	v37 =	vld [tilespmem:$0x1FD40];
	v56 =	vmul.f32 v15, v45;
	v0 =	vadd.f32 v28, v51  }
0x4ad: {  	v52 =	vld [tilespmem:s13+$0xFFFFFFC0]  }
0x4ae: {  	v43 =	vld.idx.msk [tilespmem:v50+s1+$0x0], $0xffff;
	v0 =	vadd.f32 v0, v56  }
0x4af: {  	v55 =	vadd.s32 v54, v20  }
0x4b0: {  	[tilespmem:s14+$0xB0] =	vst v0  }
0x4b1: {  	v1 =	vadd.f32 v48, v41;
	v41 =	vmul.f32 v17, v37;
	v35 =	vld [tilespmem:$0x1FC70]  }
0x4b2: {  	v47 =	vmul.f32 v14, v60;
	v22 =	vadd.f32 v52, v22;
	v50 =	vmul.f32 v16, v37  }
0x4b3: {  	v28 =	vadd.f32 v40, v43;
	v56 =	vmul.f32 v10, v37;
	v1 =	vadd.f32 v1, v41  }
0x4b4: {  	v52 =	vmul.f32 v18, v60;
	v22 =	vadd.f32 v22, v50;
	v51 =	vld.idx.msk [tilespmem:v55+s1+$0x0], $0xffff  }
0x4b5: {  	v39 =	vmul.f32 v19, v60;
	v38 =	vadd.f32 v28, v56;
	v54 =	vld [tilespmem:s13+$0xC0];
	v1 =	vadd.f32 v1, v47  }
0x4b6: {  	v36 =	vadd.f32 v22, v52;
	v48 =	vadd.s32 v35, v12  }
0x4b7: {  	v22 =	vadd.f32 v38, v39;
	[tilespmem:s14+$0xFFFFFF40] =	vst v1;
	v55 =	vadd.s32 v35, v13  }
0x4b8: {  	[tilespmem:s14+$0xFFFFFFC0] =	vst v36;
	v41 =	vld [tilespmem:s13+$0xFFFFFF50]  }
0x4b9: {  	[tilespmem:s14+$0x40] =	vst v22;
	v50 =	vld [tilespmem:s13+$0xFFFFFFD0];
	v40 =	vadd.s32 v35, v11  }
0x4ba: {  	v43 =	vmul.f32 v9, v37;
	v34 =	vld [tilespmem:$0x1FC90];
	v30 =	vadd.f32 v54, v51  }
0x4bb: {  	v0 =	vld.idx.msk [tilespmem:v48+s1+$0x0], $0xffff  }
0x4bc: {  	v1 =	vadd.f32 v30, v43;
	v47 =	vld.idx.msk [tilespmem:v55+s1+$0x0], $0xffff;
	v48 =	vmul.f32 v15, v60  }
0x4bd: {  	v51 =	vadd.s32 v35, v20  }
0x4be: {  	v52 =	vld.idx.msk [tilespmem:v40+s1+$0x0], $0xffff;
	v1 =	vadd.f32 v1, v48  }
0x4bf: {  	v55 =	vld [tilespmem:s13+$0x50]  }
0x4c0: {  	v54 =	vmul.f32 v17, v34;
	[tilespmem:s14+$0xC0] =	vst v1;
	v0 =	vadd.f32 v41, v0  }
0x4c1: {  	v56 =	vmul.f32 v16, v34;
	v36 =	vadd.f32 v50, v47;
	v39 =	vld [tilespmem:s13+$0xD0]  }
0x4c2: {  	v38 =	vmul.f32 v14, v57;
	v22 =	vld.idx.msk [tilespmem:v51+s1+$0x0], $0xffff;
	v0 =	vadd.f32 v0, v54  }
0x4c3: {  	v43 =	vmul.f32 v10, v34;
	v40 =	vmul.f32 v18, v57;
	v1 =	vadd.f32 v36, v56  }
0x4c4: {  	v41 =	vadd.s32 v53, v13;
	v30 =	vadd.f32 v55, v52;
	v0 =	vadd.f32 v0, v38  }
0x4c5: {  	v47 =	vadd.s32 v53, v12;
	v1 =	vadd.f32 v1, v40  }
0x4c6: {  	v48 =	vadd.s32 v53, v11;
	v50 =	vmul.f32 v19, v57;
	v30 =	vadd.f32 v30, v43;
	[tilespmem:s14+$0xFFFFFF50] =	vst v0  }
0x4c7: {  	v54 =	vmul.f32 v9, v34;
	v52 =	vadd.f32 v39, v22;
	[tilespmem:s14+$0xFFFFFFD0] =	vst v1;
	v51 =	vld [tilespmem:s13+$0xFFFFFF60]  }
0x4c8: {  	v30 =	vadd.f32 v30, v50;
	v55 =	vld [tilespmem:s13+$0xFFFFFFE0]  }
0x4c9: {  	v56 =	vmul.f32 v15, v57;
	v57 =	vadd.s32 v53, v20;
	v28 =	vld.idx.msk [tilespmem:v41+s1+$0x0], $0xffff;
	v1 =	vadd.f32 v52, v54  }
0x4ca: {  	[tilespmem:s14+$0x50] =	vst v30;
	v31 =	vld.idx.msk [tilespmem:v47+s1+$0x0], $0xffff  }
0x4cb: {  	v0 =	vld.idx.msk [tilespmem:v48+s1+$0x0], $0xffff;
	v1 =	vadd.f32 v1, v56  }
0x4cc: {  	v36 =	vld [tilespmem:s13+$0x60]  }
0x4cd: {  	[tilespmem:s14+$0xD0] =	vst v1  }
0x4ce: {  	v38 =	vadd.s32 v63, v8;
	v39 =	vmul.f32 v16, v62;
	v28 =	vadd.f32 v55, v28;
	v40 =	vld.idx.msk [tilespmem:v57+s1+$0x0], $0xffff  }
0x4cf: {  	v43 =	vadd.s32 v63, v13;
	v41 =	vmul.f32 v18, v49;
	v47 =	vld [tilespmem:s13+$0xE0]  }
0x4d0: {  	v48 =	vmul.f32 v17, v62;
	v31 =	vadd.f32 v51, v31;
	v8 =	vadd.f32 v28, v39  }
0x4d1: {  	v53 =	vld [tilespmem:s23+$0xFFFFFF70];
	v52 =	vadd.s32 v63, v12;
	v51 =	vmul.f32 v10, v62;
	v0 =	vadd.f32 v36, v0  }
0x4d2: {  	v50 =	vld [tilespmem:s23+$0x70];
	v54 =	vmul.f32 v14, v49;
	v31 =	vadd.f32 v31, v48;
	v8 =	vadd.f32 v8, v41  }
0x4d3: {  	v56 =	vadd.s32 v63, v11;
	v1 =	vld.idx.msk [tilespmem:v38+s1+$0x0], $0xffff;
	v55 =	vmul.f32 v19, v49;
	v0 =	vadd.f32 v0, v51  }
0x4d4: {  	v57 =	vld [tilespmem:s23+$0xF0];
	v62 =	vmul.f32 v9, v62;
	v31 =	vadd.f32 v31, v54;
	v32 =	vadd.f32 v47, v40;
	[tilespmem:s14+$0xFFFFFFE0] =	vst v8  }
0x4d5: {  	v0 =	vadd.f32 v0, v55;
	v13 =	vld.idx.msk [tilespmem:v43+s1+$0x0], $0xffff  }
0x4d6: {  	v35 =	vmul.f32 v15, v49;
	v36 =	vadd.s32 v63, v20;
	[tilespmem:s14+$0xFFFFFF60] =	vst v31;
	v34 =	vld [tilespmem:s13+$0xFFFFFFF0];
	v8 =	vadd.f32 v32, v62  }
0x4d7: {  	v4 =	vmul.f32 v4, v46;
	[tilespmem:s14+$0x60] =	vst v0;
	v12 =	vld.idx.msk [tilespmem:v52+s1+$0x0], $0xffff  }
0x4d8: {  	v3 =	vmul.f32 v3, v46;
	v39 =	vadd.f32 v50, v21;
	v11 =	vld.idx.msk [tilespmem:v56+s1+$0x0], $0xffff;
	v8 =	vadd.f32 v8, v35  }
0x4d9: {  	v24 =	vadd.f32 v26, v24;
	v5 =	vmul.f32 v5, v42;
	v38 =	vmul.f32 v2, v42;
	v41 =	vld [tilespmem:s13+$0x70]  }
0x4da: {  	v7 =	vmul.f32 v7, v46;
	v2 =	vadd.f32 v39, v25;
	v40 =	vadd.f32 v53, v27;
	v43 =	vld [tilespmem:s13+$0xFFFFFF70];
	[tilespmem:s14+$0xE0] =	vst v8  }
0x4db: {  	v6 =	vmul.f32 v6, v46;
	v1 =	vadd.f32 v57, v1;
	v0 =	vadd.f32 v24, v38;
	v20 =	vld.idx.msk [tilespmem:v36+s1+$0x0], $0xffff  }
0x4dc: {  	v49 =	vmul.f32 v9, v42;
	v2 =	vadd.f32 v2, v3;
	v5 =	vadd.f32 v40, v5;
	v47 =	vld [tilespmem:s13+$0xF0]  }
0x4dd: {  	v50 =	vmul.f32 v16, v42;
	v1 =	vadd.f32 v1, v23;
	v0 =	vadd.f32 v0, v4  }
0x4de: {  	v55 =	vmul.f32 v17, v42;
	v48 =	vadd.f32 v5, v6;
	v51 =	vadd.f32 v34, v13  }
0x4df: {  	v52 =	vmul.f32 v10, v42;
	v1 =	vadd.f32 v1, v7;
	v11 =	vadd.f32 v41, v11  }
0x4e0: {  	v53 =	vmul.f32 v18, v46;
	[tilespmem:s22+$0x70] =	vst v2;
	v54 =	vadd.f32 v43, v12;
	v6 =	vadd.f32 v51, v50  }
0x4e1: {  	v56 =	vmul.f32 v19, v46;
	[tilespmem:s22+$0xFFFFFFF0] =	vst v0;
	v57 =	vadd.f32 v11, v52;
	v3 =	vadd.f32 v47, v20  }
0x4e2: {  	v62 =	vmul.f32 v14, v46;
	[tilespmem:s22+$0xFFFFFF70] =	vst v48;
	v0 =	vadd.f32 v54, v55;
	v6 =	vadd.f32 v6, v53  }
0x4e3: {  	p0 =	seq.s32 s19, $0x3F;
	v63 =	vmul.f32 v15, v46;
	[tilespmem:s22+$0xF0] =	vst v1;
	v2 =	vadd.f32 v57, v56;
	v3 =	vadd.f32 v3, v49  }
.Ltmp8:
0x4e4: {  	v0 =	vadd.f32 v0, v62;
	[tilespmem:s14+$0xFFFFFFF0] =	vst v6;
	(pc) =	sbr.rel @p0 .LBB2_14-.Ltmp8, $4  }
0x4e5: {  	[tilespmem:s14+$0x70] =	vst v2;
	v1 =	vadd.f32 v3, v63  }
0x4e6: {  	[tilespmem:s14+$0xFFFFFF70] =	vst v0  }
0x4e7: {  	s5 =	sadd.s32 s16, s21;
	[tilespmem:s14+$0xF0] =	vst v1  }
0x4e8: {  	[hbm4b:s5+s10] =	stream.linear.scatter [tilespmem:s4], [sflag:$0x4], $0x6400, $0x38;
	[tilespmem:$0x18900] =	vst v63  }
0x4e9: {  	v1 =	vld [tilespmem:$0x1FCB0]  }
0x4ea: {  	v38 =	vld [tilespmem:$0x1FCD0]  }
0x4eb: {  	v55 =	vld [tilespmem:$0x1FCE0]  }
0x4ec: {  	v57 =	vld [tilespmem:$0x1FD10]  }
0x4ed: {  	v49 =	vld [tilespmem:$0x1FD20]  }
0x4ee: {  	v7 =	vld [tilespmem:$0x1FF70]  }
0x4ef: {  	s5 =	sadd.s32 $0x3, s20;
	v8 =	vld [tilespmem:$0x1FFC0]  }
0x4f0: {  	v9 =	vld [tilespmem:$0x1FFD0];
	s6 =	sshrl.u32 s5, $0x3  }
0x4f1: {  	v10 =	vld [tilespmem:$0x1FFE0];
	s5 =	sshll.u32 s5, $0x7;
	s6 =	smul.u32 $0x6400, s6  }
.Ltmp9:
0x4f2: {  	v11 =	vld [tilespmem:$0x1FFF0];
	s5 =	sand.u32 $0x380, s5;
	(pc) =	sbr.rel .LBB2_4-.Ltmp9, $4  }
0x4f3: {  	v6 =	vld [tilespmem:$0x1FF80];
	s5 =	sor.u32 s5, s6  }
0x4f4: {  	v12 =	vld [tilespmem:$0x1FFA0];
	s5 =	sshrl.u32 s5, $0x3  }
0x4f5: {  	s19 =	sadd.s32 $0x1, s19;
	v13 =	vld [tilespmem:$0x1FF90];
	s5 =	sadd.s32 s11, s5  }
0x4f6: {  	v43 =	vmov v61;
	v56 =	vmov v60;
	v27 =	vmov v37;
	v14 =	vld [tilespmem:$0x1FFB0];
	[tilespmem:s28], [sflag:$0x2] =	stream.strided.gather [hbm4b:s5+s24], $0xC80, s25, s24, $0x38  }
.LBB2_15:
0x4f7: {  	_ =	sfence.sel $0x180000  }
0x4f8: {  	[bflag:$0x0] =	sbarrier.arrive $0xFFFF  }
0x4f9: {  	_ =	strace $0x90000047  }
0x4fa: {  	s0 =	stileid.u32;
	[bflag:$0x2] =	sbarrier.arrive $0xFFFF  }
0x4fb: {  	p0 =	sne.s32 s0, $0x0;
	s0 =	rddreg [dreg:$0x8]  }
0x4fc: {  	s0 =	sadd.s32 @!p0 $0x100000, s0  }
0x4fd: {  	[sflag:s0] =	ssyncadd.tile.s32 @!p0 $0x1;
	_ =	shalt  }
.Lfunc_end2:
_tile_overlayer_lowered:
.L_overlay_start_2:
0x4fe: {  	(tag) =	ssettag $0x2  }
0x4ff: {  	s0 =	rddreg [dreg:$0x0];
	s2 =	stileid.u32  }
0x500: {  	s1 =	rddreg [dreg:$0x1];
	p0 =	sne.s32 s2, $0x0  }
0x501: {  	s3 =	rddreg [dreg:$0x2];
	[bflag:$0x3] =	sbarrier.arrive $0xFFFF;
	s2 =	simm.s32 @!p0 $0x1C05  }
0x502: {  	[timem:s3], [sflag:s2] =	dma.local @!p0 [hbm:s0], s1  }
0x503: {  	s0 =	simm.s32 @!p0 $0x5  }
0x504: {  	_ =	swait.ge @!p0 [sflag:s0], s1  }
0x505: {  	s1 =	ssub.s32 @!p0 $0x0, s1;
	[sflag:s0] =	ssyncset.done @!p0 $0x0  }
0x506: {  	[sflag:s0] =	ssyncadd.s32 @!p0 s1  }
0x507: {  	[bflag:$0x3] =	sbarrier.arrive $0xFFFF  }
0x508: {  	_ =	shalt  }

</sc_bundles>
